<compile_context>
chip_gen: v7x
topology: tpu7x:2x2x1
jax: 0.10.2.dev20260603
libtpu: 0.0.44.dev20260713+nightly
codegen_flags: <defaults>
</compile_context>

<pallas_src>
import functools

import jax
import jax.numpy as jnp
from jax import lax
from jax.experimental import pallas as pl
from jax.experimental.pallas import tpu as pltpu
from jax.experimental.pallas import tpu_sc as plsc

_E = 64
_K = 8
_T = 16384
_L = 16
_NC = 2
_NS = 16
_NW = _NC * _NS
_TPW = _T // _NW
_G = _TPW // _L
_S = 8
_SW = _E // _S
_TB = _TPW // 128

_MESH = plsc.VectorSubcoreMesh(core_axis_name="c", subcore_axis_name="s")


def _splat_i32(x):
    return jnp.full((_L,), x, dtype=jnp.int32)


def _argmax_tree(vals, idxs):
    vals = list(vals)
    idxs = list(idxs)
    while len(vals) > 1:
        nv, ni = [], []
        for i in range(0, len(vals), 2):
            gt = vals[i + 1] > vals[i]
            nv.append(jnp.maximum(vals[i], vals[i + 1]))
            ni.append(jnp.where(gt, idxs[i + 1], idxs[i]))
        vals, idxs = nv, ni
    return vals[0], idxs[0]


@functools.partial(
    pl.kernel,
    out_type=(
        jax.ShapeDtypeStruct((_T * _K,), jnp.int32),
        jax.ShapeDtypeStruct((_T * _K,), jnp.float32),
    ),
    mesh=_MESH,
    scratch_types=[
        pltpu.VMEM((_TPW * _E,), jnp.float32),
        pltpu.VMEM((_TPW * _K,), jnp.int32),
        pltpu.VMEM((_TPW * _K,), jnp.float32),
        pltpu.SemaphoreType.DMA,
        pltpu.SemaphoreType.DMA,
        pltpu.SemaphoreType.DMA,
        pltpu.SemaphoreType.DMA,
        pltpu.SemaphoreType.DMA,
    ],
    compiler_params=pltpu.CompilerParams(needs_layout_passes=False),
)
def _select_topk_sc(logits_hbm, ids_hbm, w_hbm, lv, idv, wv,
                    sem0, sem1, sem2, sem3, osem):
    wid = lax.axis_index("s") * _NC + lax.axis_index("c")
    sems = [sem0, sem1, sem2, sem3]

    copies = []
    for eb in range(_S):
        src = logits_hbm.at[pl.ds((eb * (_T // 128) + wid * _TB) * 1024,
                                  _TB * 1024)]
        dst = lv.at[pl.ds(eb * _TB * 1024, _TB * 1024)]
        copies.append(pltpu.async_copy(src, dst, sems[eb % 4]))
    for c in copies:
        c.wait()

    lane = lax.iota(jnp.int32, _L)
    neg_inf = jnp.full((_L,), -jnp.inf, dtype=jnp.float32)

    _P = 2

    def pair_body(p, carry):
        st = []
        for gg in range(_P):
            g = p * _P + gg
            gbase = ((g >> 3) * 1024) + ((g * _L) & 127)
            st.append({"gbase": gbase, "gv": gbase + lane})

        for s in st:
            gbase = s["gbase"]
            segmax, segarg = [], []
            for si in range(_S):
                elems = [lv[pl.ds(si * 4096 + k * 128 + gbase, _L)]
                         for k in range(_SW)]
                cols = [_splat_i32(si * _SW + k) for k in range(_SW)]
                m, bi = _argmax_tree(elems, cols)
                segmax.append(m)
                segarg.append(bi)
            s["segmax"], s["segarg"] = segmax, segarg
            s["exps"] = []

        for r in range(_K):
            for s in st:
                gm, ga = _argmax_tree(s["segmax"], s["segarg"])
                idv[pl.ds(s["gbase"] + r * 128, _L)] = ga
                if r == 0:
                    s["v0"] = gm
                    s["exps"].append(jnp.full((_L,), 1.0, jnp.float32))
                else:
                    s["exps"].append(jnp.exp(gm - s["v0"]))
                s["ga"] = ga
            if r == _K - 1:
                break
            for s in st:
                ga = s["ga"]
                eb = ga & _splat_i32(-_SW)
                sv = (eb << 9) + s["gv"]
                plsc.store_scatter(lv, [sv + ((ga & _splat_i32(7)) << 7)],
                                   neg_inf)
                elems = [plsc.load_gather(lv, [sv + _splat_i32(k * 128)])
                         for k in range(_SW)]
                cols = [eb + _splat_i32(k) for k in range(_SW)]
                nm, nb = _argmax_tree(elems, cols)
                for si in range(_S):
                    hit = eb == _splat_i32(si * _SW)
                    s["segmax"][si] = jnp.where(hit, nm, s["segmax"][si])
                    s["segarg"][si] = jnp.where(hit, nb, s["segarg"][si])

        for s in st:
            exps = s["exps"]
            tot = exps[0]
            for r in range(1, _K):
                tot = tot + exps[r]
            inv = jnp.float32(1.0) / tot
            for r in range(_K):
                wv[pl.ds(s["gbase"] + r * 128, _L)] = exps[r] * inv
        return carry

    lax.fori_loop(0, _G // _P, pair_body, 0)

    oid = pltpu.async_copy(idv, ids_hbm.at[pl.ds(wid * _TB * 1024,
                                                 _TB * 1024)], osem)
    ow = pltpu.async_copy(wv, w_hbm.at[pl.ds(wid * _TB * 1024,
                                             _TB * 1024)], osem)
    oid.wait()
    ow.wait()


def kernel(router_logits_fp32, topk_ids, topk_weights):
    x4 = jnp.transpose(router_logits_fp32).reshape(_S, _SW, _T // 128, 128)
    xf = jnp.transpose(x4, (0, 2, 1, 3)).reshape(-1)
    ids_f, w_f = _select_topk_sc(xf)
    ids = jnp.transpose(
        jnp.transpose(ids_f.reshape(_T // 128, _K, 128), (1, 0, 2))
        .reshape(_K, _T))
    w = jnp.transpose(
        jnp.transpose(w_f.reshape(_T // 128, _K, 128), (1, 0, 2))
        .reshape(_K, _T))
    return ids, w

# --- scband reference (transcript-rebuilt; emitter-appended) ---
"""Pipeline reference for scband-select-topk-45655502356783 (READ-ONLY COPY).

The authoritative reference and input builder live on the scoring server;
editing this copy changes nothing except your own understanding.
"""

import jax, jax.numpy as jnp
import numpy as np

NUM_EXPERTS = 64
TOP_K = 8
NUM_TOKENS = 16384

def setup_inputs(seed: int = 0) -> dict:
    key = jax.random.key(seed)
    k1 = jax.random.fold_in(key, 1)
    router_logits_fp32 = jax.random.normal(k1, (NUM_TOKENS, NUM_EXPERTS), dtype=jnp.float32)
    topk_ids = jnp.zeros((NUM_TOKENS, TOP_K), dtype=jnp.int32)
    topk_weights = jnp.zeros((NUM_TOKENS, TOP_K), dtype=jnp.float32)
    return {
        "router_logits_fp32": router_logits_fp32,
        "topk_ids": topk_ids,
        "topk_weights": topk_weights,
    }

def reference(router_logits_fp32, topk_ids, topk_weights):
    # SelectTopkOp semantics: softmax over router logits (fp32), select top-k
    # experts per token, renormalize selected weights to sum to 1, and write
    # results into the preallocated topk_ids / topk_weights buffers
    # (fake_balance_expert=False, no log2phy remap: phy ids == logical ids).
    probs = jax.nn.softmax(router_logits_fp32.astype(jnp.float32), axis=-1)
    w, ids = jax.lax.top_k(probs, TOP_K)
    w = w / jnp.sum(w, axis=-1, keepdims=True)
    topk_weights_out = topk_weights.at[...].set(w.astype(topk_weights.dtype))
    topk_ids_out = topk_ids.at[...].set(ids.astype(jnp.int32))
    return topk_ids_out, topk_weights_out

if __name__ == "__main__":
    import jax
    _d = setup_inputs()
    print(jax.jit(kernel)(*tuple(_d.values())))

</pallas_src>

<mosaic_0001>
#map = affine_map<(d0, d1) -> (0)>
module attributes {stable_mosaic.version = 14 : i64} {
  func.func @_select_topk_sc(%arg0: i32, %arg1: i32, %arg2: memref<1048576xf32, #tpu.memory_space<hbm>>, %arg3: memref<131072xi32, #tpu.memory_space<hbm>>, %arg4: memref<131072xf32, #tpu.memory_space<hbm>>, %arg5: memref<32768xf32, #tpu.memory_space<vmem>>, %arg6: memref<4096xi32, #tpu.memory_space<vmem>>, %arg7: memref<4096xf32, #tpu.memory_space<vmem>>, %arg8: memref<!tpu.dma_semaphore, #tpu.memory_space<semaphore_mem>>, %arg9: memref<!tpu.dma_semaphore, #tpu.memory_space<semaphore_mem>>, %arg10: memref<!tpu.dma_semaphore, #tpu.memory_space<semaphore_mem>>, %arg11: memref<!tpu.dma_semaphore, #tpu.memory_space<semaphore_mem>>, %arg12: memref<!tpu.dma_semaphore, #tpu.memory_space<semaphore_mem>>) attributes {dimension_semantics = [#tpu.dimension_semantics<core_parallel>, #tpu.dimension_semantics<subcore_parallel>], iteration_bounds = array<i64: 2, 16>, scalar_prefetch = 0 : i64, scratch_operands = 8 : i64, tpu.core_type = #tpu.core_type<sc_vector_subcore>, window_params = [{transform_indices = #map}, {transform_indices = #map}, {transform_indices = #map}]} {
    %mul3A = arith.constant 2 : i32
    %mul3A_0 = arith.muli %arg1, %mul3A : i32
    %add3A = arith.addi %mul3A_0, %arg0 : i32
    %mul3A_1 = arith.constant 4 : i32
    %mul3A_2 = arith.muli %add3A, %mul3A_1 : i32
    %add3A_3 = arith.constant 0 : i32
    %add3A_4 = arith.addi %add3A_3, %mul3A_2 : i32
    %mul3A_5 = arith.constant 1024 : i32
    %mul3A_6 = arith.muli %add3A_4, %mul3A_5 : i32
    %dma_start3A = arith.constant 0 : i32
    %dma_start3A_7 = tpu.memref_slice %arg5[%dma_start3A] : memref<32768xf32, #tpu.memory_space<vmem>> -> memref<4096xf32, #tpu.memory_space<vmem>>
    %dma_start3A_8 = tpu.memref_slice %arg2[%mul3A_6] : memref<1048576xf32, #tpu.memory_space<hbm>> -> memref<4096xf32, #tpu.memory_space<hbm>>
    %dma_start3A_9 = arith.constant 0 : i32
    %dma_start3A_10 = tpu.memref_slice %arg5[%dma_start3A_9] : memref<32768xf32, #tpu.memory_space<vmem>> -> memref<4096xf32, #tpu.memory_space<vmem>>
    %dma_start3A_11 = tpu.memref_slice %arg2[%mul3A_6] : memref<1048576xf32, #tpu.memory_space<hbm>> -> memref<4096xf32, #tpu.memory_space<hbm>>
    tpu.enqueue_dma source(%dma_start3A_11 : memref<4096xf32, #tpu.memory_space<hbm>>) target(%dma_start3A_10 : memref<4096xf32, #tpu.memory_space<vmem>>) target_semaphore(%arg8 : memref<!tpu.dma_semaphore, #tpu.memory_space<semaphore_mem>>)
    %mul3A_12 = arith.constant 4 : i32
    %mul3A_13 = arith.muli %add3A, %mul3A_12 : i32
    %add3A_14 = arith.constant 128 : i32
    %add3A_15 = arith.addi %add3A_14, %mul3A_13 : i32
    %mul3A_16 = arith.constant 1024 : i32
    %mul3A_17 = arith.muli %add3A_15, %mul3A_16 : i32
    %dma_start3A_18 = arith.constant 4096 : i32
    %dma_start3A_19 = tpu.memref_slice %arg5[%dma_start3A_18] : memref<32768xf32, #tpu.memory_space<vmem>> -> memref<4096xf32, #tpu.memory_space<vmem>>
    %dma_start3A_20 = tpu.memref_slice %arg2[%mul3A_17] : memref<1048576xf32, #tpu.memory_space<hbm>> -> memref<4096xf32, #tpu.memory_space<hbm>>
    %dma_start3A_21 = arith.constant 4096 : i32
    %dma_start3A_22 = tpu.memref_slice %arg5[%dma_start3A_21] : memref<32768xf32, #tpu.memory_space<vmem>> -> memref<4096xf32, #tpu.memory_space<vmem>>
    %dma_start3A_23 = tpu.memref_slice %arg2[%mul3A_17] : memref<1048576xf32, #tpu.memory_space<hbm>> -> memref<4096xf32, #tpu.memory_space<hbm>>
    tpu.enqueue_dma source(%dma_start3A_23 : memref<4096xf32, #tpu.memory_space<hbm>>) target(%dma_start3A_22 : memref<4096xf32, #tpu.memory_space<vmem>>) target_semaphore(%arg9 : memref<!tpu.dma_semaphore, #tpu.memory_space<semaphore_mem>>)
    %mul3A_24 = arith.constant 4 : i32
    %mul3A_25 = arith.muli %add3A, %mul3A_24 : i32
    %add3A_26 = arith.constant 256 : i32
    %add3A_27 = arith.addi %add3A_26, %mul3A_25 : i32
    %mul3A_28 = arith.constant 1024 : i32
    %mul3A_29 = arith.muli %add3A_27, %mul3A_28 : i32
    %dma_start3A_30 = arith.constant 8192 : i32
    %dma_start3A_31 = tpu.memref_slice %arg5[%dma_start3A_30] : memref<32768xf32, #tpu.memory_space<vmem>> -> memref<4096xf32, #tpu.memory_space<vmem>>
    %dma_start3A_32 = tpu.memref_slice %arg2[%mul3A_29] : memref<1048576xf32, #tpu.memory_space<hbm>> -> memref<4096xf32, #tpu.memory_space<hbm>>
    %dma_start3A_33 = arith.constant 8192 : i32
    %dma_start3A_34 = tpu.memref_slice %arg5[%dma_start3A_33] : memref<32768xf32, #tpu.memory_space<vmem>> -> memref<4096xf32, #tpu.memory_space<vmem>>
    %dma_start3A_35 = tpu.memref_slice %arg2[%mul3A_29] : memref<1048576xf32, #tpu.memory_space<hbm>> -> memref<4096xf32, #tpu.memory_space<hbm>>
    tpu.enqueue_dma source(%dma_start3A_35 : memref<4096xf32, #tpu.memory_space<hbm>>) target(%dma_start3A_34 : memref<4096xf32, #tpu.memory_space<vmem>>) target_semaphore(%arg10 : memref<!tpu.dma_semaphore, #tpu.memory_space<semaphore_mem>>)
    %mul3A_36 = arith.constant 4 : i32
    %mul3A_37 = arith.muli %add3A, %mul3A_36 : i32
    %add3A_38 = arith.constant 384 : i32
    %add3A_39 = arith.addi %add3A_38, %mul3A_37 : i32
    %mul3A_40 = arith.constant 1024 : i32
    %mul3A_41 = arith.muli %add3A_39, %mul3A_40 : i32
    %dma_start3A_42 = arith.constant 12288 : i32
    %dma_start3A_43 = tpu.memref_slice %arg5[%dma_start3A_42] : memref<32768xf32, #tpu.memory_space<vmem>> -> memref<4096xf32, #tpu.memory_space<vmem>>
    %dma_start3A_44 = tpu.memref_slice %arg2[%mul3A_41] : memref<1048576xf32, #tpu.memory_space<hbm>> -> memref<4096xf32, #tpu.memory_space<hbm>>
    %dma_start3A_45 = arith.constant 12288 : i32
    %dma_start3A_46 = tpu.memref_slice %arg5[%dma_start3A_45] : memref<32768xf32, #tpu.memory_space<vmem>> -> memref<4096xf32, #tpu.memory_space<vmem>>
    %dma_start3A_47 = tpu.memref_slice %arg2[%mul3A_41] : memref<1048576xf32, #tpu.memory_space<hbm>> -> memref<4096xf32, #tpu.memory_space<hbm>>
    tpu.enqueue_dma source(%dma_start3A_47 : memref<4096xf32, #tpu.memory_space<hbm>>) target(%dma_start3A_46 : memref<4096xf32, #tpu.memory_space<vmem>>) target_semaphore(%arg11 : memref<!tpu.dma_semaphore, #tpu.memory_space<semaphore_mem>>)
    %mul3A_48 = arith.constant 4 : i32
    %mul3A_49 = arith.muli %add3A, %mul3A_48 : i32
    %add3A_50 = arith.constant 512 : i32
    %add3A_51 = arith.addi %add3A_50, %mul3A_49 : i32
    %mul3A_52 = arith.constant 1024 : i32
    %mul3A_53 = arith.muli %add3A_51, %mul3A_52 : i32
    %dma_start3A_54 = arith.constant 16384 : i32
    %dma_start3A_55 = tpu.memref_slice %arg5[%dma_start3A_54] : memref<32768xf32, #tpu.memory_space<vmem>> -> memref<4096xf32, #tpu.memory_space<vmem>>
    %dma_start3A_56 = tpu.memref_slice %arg2[%mul3A_53] : memref<1048576xf32, #tpu.memory_space<hbm>> -> memref<4096xf32, #tpu.memory_space<hbm>>
    %dma_start3A_57 = arith.constant 16384 : i32
    %dma_start3A_58 = tpu.memref_slice %arg5[%dma_start3A_57] : memref<32768xf32, #tpu.memory_space<vmem>> -> memref<4096xf32, #tpu.memory_space<vmem>>
    %dma_start3A_59 = tpu.memref_slice %arg2[%mul3A_53] : memref<1048576xf32, #tpu.memory_space<hbm>> -> memref<4096xf32, #tpu.memory_space<hbm>>
    tpu.enqueue_dma source(%dma_start3A_59 : memref<4096xf32, #tpu.memory_space<hbm>>) target(%dma_start3A_58 : memref<4096xf32, #tpu.memory_space<vmem>>) target_semaphore(%arg8 : memref<!tpu.dma_semaphore, #tpu.memory_space<semaphore_mem>>)
    %mul3A_60 = arith.constant 4 : i32
    %mul3A_61 = arith.muli %add3A, %mul3A_60 : i32
    %add3A_62 = arith.constant 640 : i32
    %add3A_63 = arith.addi %add3A_62, %mul3A_61 : i32
    %mul3A_64 = arith.constant 1024 : i32
    %mul3A_65 = arith.muli %add3A_63, %mul3A_64 : i32
    %dma_start3A_66 = arith.constant 20480 : i32
    %dma_start3A_67 = tpu.memref_slice %arg5[%dma_start3A_66] : memref<32768xf32, #tpu.memory_space<vmem>> -> memref<4096xf32, #tpu.memory_space<vmem>>
    %dma_start3A_68 = tpu.memref_slice %arg2[%mul3A_65] : memref<1048576xf32, #tpu.memory_space<hbm>> -> memref<4096xf32, #tpu.memory_space<hbm>>
    %dma_start3A_69 = arith.constant 20480 : i32
    %dma_start3A_70 = tpu.memref_slice %arg5[%dma_start3A_69] : memref<32768xf32, #tpu.memory_space<vmem>> -> memref<4096xf32, #tpu.memory_space<vmem>>
    %dma_start3A_71 = tpu.memref_slice %arg2[%mul3A_65] : memref<1048576xf32, #tpu.memory_space<hbm>> -> memref<4096xf32, #tpu.memory_space<hbm>>
    tpu.enqueue_dma source(%dma_start3A_71 : memref<4096xf32, #tpu.memory_space<hbm>>) target(%dma_start3A_70 : memref<4096xf32, #tpu.memory_space<vmem>>) target_semaphore(%arg9 : memref<!tpu.dma_semaphore, #tpu.memory_space<semaphore_mem>>)
    %mul3A_72 = arith.constant 4 : i32
    %mul3A_73 = arith.muli %add3A, %mul3A_72 : i32
    %add3A_74 = arith.constant 768 : i32
    %add3A_75 = arith.addi %add3A_74, %mul3A_73 : i32
    %mul3A_76 = arith.constant 1024 : i32
    %mul3A_77 = arith.muli %add3A_75, %mul3A_76 : i32
    %dma_start3A_78 = arith.constant 24576 : i32
    %dma_start3A_79 = tpu.memref_slice %arg5[%dma_start3A_78] : memref<32768xf32, #tpu.memory_space<vmem>> -> memref<4096xf32, #tpu.memory_space<vmem>>
    %dma_start3A_80 = tpu.memref_slice %arg2[%mul3A_77] : memref<1048576xf32, #tpu.memory_space<hbm>> -> memref<4096xf32, #tpu.memory_space<hbm>>
    %dma_start3A_81 = arith.constant 24576 : i32
    %dma_start3A_82 = tpu.memref_slice %arg5[%dma_start3A_81] : memref<32768xf32, #tpu.memory_space<vmem>> -> memref<4096xf32, #tpu.memory_space<vmem>>
    %dma_start3A_83 = tpu.memref_slice %arg2[%mul3A_77] : memref<1048576xf32, #tpu.memory_space<hbm>> -> memref<4096xf32, #tpu.memory_space<hbm>>
    tpu.enqueue_dma source(%dma_start3A_83 : memref<4096xf32, #tpu.memory_space<hbm>>) target(%dma_start3A_82 : memref<4096xf32, #tpu.memory_space<vmem>>) target_semaphore(%arg10 : memref<!tpu.dma_semaphore, #tpu.memory_space<semaphore_mem>>)
    %mul3A_84 = arith.constant 4 : i32
    %mul3A_85 = arith.muli %add3A, %mul3A_84 : i32
    %add3A_86 = arith.constant 896 : i32
    %add3A_87 = arith.addi %add3A_86, %mul3A_85 : i32
    %mul3A_88 = arith.constant 1024 : i32
    %mul3A_89 = arith.muli %add3A_87, %mul3A_88 : i32
    %dma_start3A_90 = arith.constant 28672 : i32
    %dma_start3A_91 = tpu.memref_slice %arg5[%dma_start3A_90] : memref<32768xf32, #tpu.memory_space<vmem>> -> memref<4096xf32, #tpu.memory_space<vmem>>
    %dma_start3A_92 = tpu.memref_slice %arg2[%mul3A_89] : memref<1048576xf32, #tpu.memory_space<hbm>> -> memref<4096xf32, #tpu.memory_space<hbm>>
    %dma_start3A_93 = arith.constant 28672 : i32
    %dma_start3A_94 = tpu.memref_slice %arg5[%dma_start3A_93] : memref<32768xf32, #tpu.memory_space<vmem>> -> memref<4096xf32, #tpu.memory_space<vmem>>
    %dma_start3A_95 = tpu.memref_slice %arg2[%mul3A_89] : memref<1048576xf32, #tpu.memory_space<hbm>> -> memref<4096xf32, #tpu.memory_space<hbm>>
    tpu.enqueue_dma source(%dma_start3A_95 : memref<4096xf32, #tpu.memory_space<hbm>>) target(%dma_start3A_94 : memref<4096xf32, #tpu.memory_space<vmem>>) target_semaphore(%arg11 : memref<!tpu.dma_semaphore, #tpu.memory_space<semaphore_mem>>)
    %dma_wait3A = arith.constant 0 : i32
    %dma_wait3A_96 = tpu.memref_slice %arg5[%dma_wait3A] : memref<32768xf32, #tpu.memory_space<vmem>> -> memref<4096xf32, #tpu.memory_space<vmem>>
    %dma_wait3A_97 = tpu.memref_slice %arg2[%mul3A_6] : memref<1048576xf32, #tpu.memory_space<hbm>> -> memref<4096xf32, #tpu.memory_space<hbm>>
    %dma_wait3A_98 = arith.constant 0 : i32
    %dma_wait3A_99 = tpu.memref_slice %arg5[%dma_wait3A_98] : memref<32768xf32, #tpu.memory_space<vmem>> -> memref<4096xf32, #tpu.memory_space<vmem>>
    %dma_wait3A_100 = tpu.memref_slice %arg2[%mul3A_6] : memref<1048576xf32, #tpu.memory_space<hbm>> -> memref<4096xf32, #tpu.memory_space<hbm>>
    tpu.wait_dma2 semaphore(%arg8 : memref<!tpu.dma_semaphore, #tpu.memory_space<semaphore_mem>>) src(%dma_wait3A_100 : memref<4096xf32, #tpu.memory_space<hbm>>) dst(%dma_wait3A_99 : memref<4096xf32, #tpu.memory_space<vmem>>)
    %dma_wait3A_101 = arith.constant 4096 : i32
    %dma_wait3A_102 = tpu.memref_slice %arg5[%dma_wait3A_101] : memref<32768xf32, #tpu.memory_space<vmem>> -> memref<4096xf32, #tpu.memory_space<vmem>>
    %dma_wait3A_103 = tpu.memref_slice %arg2[%mul3A_17] : memref<1048576xf32, #tpu.memory_space<hbm>> -> memref<4096xf32, #tpu.memory_space<hbm>>
    %dma_wait3A_104 = arith.constant 4096 : i32
    %dma_wait3A_105 = tpu.memref_slice %arg5[%dma_wait3A_104] : memref<32768xf32, #tpu.memory_space<vmem>> -> memref<4096xf32, #tpu.memory_space<vmem>>
    %dma_wait3A_106 = tpu.memref_slice %arg2[%mul3A_17] : memref<1048576xf32, #tpu.memory_space<hbm>> -> memref<4096xf32, #tpu.memory_space<hbm>>
    tpu.wait_dma2 semaphore(%arg9 : memref<!tpu.dma_semaphore, #tpu.memory_space<semaphore_mem>>) src(%dma_wait3A_106 : memref<4096xf32, #tpu.memory_space<hbm>>) dst(%dma_wait3A_105 : memref<4096xf32, #tpu.memory_space<vmem>>)
    %dma_wait3A_107 = arith.constant 8192 : i32
    %dma_wait3A_108 = tpu.memref_slice %arg5[%dma_wait3A_107] : memref<32768xf32, #tpu.memory_space<vmem>> -> memref<4096xf32, #tpu.memory_space<vmem>>
    %dma_wait3A_109 = tpu.memref_slice %arg2[%mul3A_29] : memref<1048576xf32, #tpu.memory_space<hbm>> -> memref<4096xf32, #tpu.memory_space<hbm>>
    %dma_wait3A_110 = arith.constant 8192 : i32
    %dma_wait3A_111 = tpu.memref_slice %arg5[%dma_wait3A_110] : memref<32768xf32, #tpu.memory_space<vmem>> -> memref<4096xf32, #tpu.memory_space<vmem>>
    %dma_wait3A_112 = tpu.memref_slice %arg2[%mul3A_29] : memref<1048576xf32, #tpu.memory_space<hbm>> -> memref<4096xf32, #tpu.memory_space<hbm>>
    tpu.wait_dma2 semaphore(%arg10 : memref<!tpu.dma_semaphore, #tpu.memory_space<semaphore_mem>>) src(%dma_wait3A_112 : memref<4096xf32, #tpu.memory_space<hbm>>) dst(%dma_wait3A_111 : memref<4096xf32, #tpu.memory_space<vmem>>)
    %dma_wait3A_113 = arith.constant 12288 : i32
    %dma_wait3A_114 = tpu.memref_slice %arg5[%dma_wait3A_113] : memref<32768xf32, #tpu.memory_space<vmem>> -> memref<4096xf32, #tpu.memory_space<vmem>>
    %dma_wait3A_115 = tpu.memref_slice %arg2[%mul3A_41] : memref<1048576xf32, #tpu.memory_space<hbm>> -> memref<4096xf32, #tpu.memory_space<hbm>>
    %dma_wait3A_116 = arith.constant 12288 : i32
    %dma_wait3A_117 = tpu.memref_slice %arg5[%dma_wait3A_116] : memref<32768xf32, #tpu.memory_space<vmem>> -> memref<4096xf32, #tpu.memory_space<vmem>>
    %dma_wait3A_118 = tpu.memref_slice %arg2[%mul3A_41] : memref<1048576xf32, #tpu.memory_space<hbm>> -> memref<4096xf32, #tpu.memory_space<hbm>>
    tpu.wait_dma2 semaphore(%arg11 : memref<!tpu.dma_semaphore, #tpu.memory_space<semaphore_mem>>) src(%dma_wait3A_118 : memref<4096xf32, #tpu.memory_space<hbm>>) dst(%dma_wait3A_117 : memref<4096xf32, #tpu.memory_space<vmem>>)
    %dma_wait3A_119 = arith.constant 16384 : i32
    %dma_wait3A_120 = tpu.memref_slice %arg5[%dma_wait3A_119] : memref<32768xf32, #tpu.memory_space<vmem>> -> memref<4096xf32, #tpu.memory_space<vmem>>
    %dma_wait3A_121 = tpu.memref_slice %arg2[%mul3A_53] : memref<1048576xf32, #tpu.memory_space<hbm>> -> memref<4096xf32, #tpu.memory_space<hbm>>
    %dma_wait3A_122 = arith.constant 16384 : i32
    %dma_wait3A_123 = tpu.memref_slice %arg5[%dma_wait3A_122] : memref<32768xf32, #tpu.memory_space<vmem>> -> memref<4096xf32, #tpu.memory_space<vmem>>
    %dma_wait3A_124 = tpu.memref_slice %arg2[%mul3A_53] : memref<1048576xf32, #tpu.memory_space<hbm>> -> memref<4096xf32, #tpu.memory_space<hbm>>
    tpu.wait_dma2 semaphore(%arg8 : memref<!tpu.dma_semaphore, #tpu.memory_space<semaphore_mem>>) src(%dma_wait3A_124 : memref<4096xf32, #tpu.memory_space<hbm>>) dst(%dma_wait3A_123 : memref<4096xf32, #tpu.memory_space<vmem>>)
    %dma_wait3A_125 = arith.constant 20480 : i32
    %dma_wait3A_126 = tpu.memref_slice %arg5[%dma_wait3A_125] : memref<32768xf32, #tpu.memory_space<vmem>> -> memref<4096xf32, #tpu.memory_space<vmem>>
    %dma_wait3A_127 = tpu.memref_slice %arg2[%mul3A_65] : memref<1048576xf32, #tpu.memory_space<hbm>> -> memref<4096xf32, #tpu.memory_space<hbm>>
    %dma_wait3A_128 = arith.constant 20480 : i32
    %dma_wait3A_129 = tpu.memref_slice %arg5[%dma_wait3A_128] : memref<32768xf32, #tpu.memory_space<vmem>> -> memref<4096xf32, #tpu.memory_space<vmem>>
    %dma_wait3A_130 = tpu.memref_slice %arg2[%mul3A_65] : memref<1048576xf32, #tpu.memory_space<hbm>> -> memref<4096xf32, #tpu.memory_space<hbm>>
    tpu.wait_dma2 semaphore(%arg9 : memref<!tpu.dma_semaphore, #tpu.memory_space<semaphore_mem>>) src(%dma_wait3A_130 : memref<4096xf32, #tpu.memory_space<hbm>>) dst(%dma_wait3A_129 : memref<4096xf32, #tpu.memory_space<vmem>>)
    %dma_wait3A_131 = arith.constant 24576 : i32
    %dma_wait3A_132 = tpu.memref_slice %arg5[%dma_wait3A_131] : memref<32768xf32, #tpu.memory_space<vmem>> -> memref<4096xf32, #tpu.memory_space<vmem>>
    %dma_wait3A_133 = tpu.memref_slice %arg2[%mul3A_77] : memref<1048576xf32, #tpu.memory_space<hbm>> -> memref<4096xf32, #tpu.memory_space<hbm>>
    %dma_wait3A_134 = arith.constant 24576 : i32
    %dma_wait3A_135 = tpu.memref_slice %arg5[%dma_wait3A_134] : memref<32768xf32, #tpu.memory_space<vmem>> -> memref<4096xf32, #tpu.memory_space<vmem>>
    %dma_wait3A_136 = tpu.memref_slice %arg2[%mul3A_77] : memref<1048576xf32, #tpu.memory_space<hbm>> -> memref<4096xf32, #tpu.memory_space<hbm>>
    tpu.wait_dma2 semaphore(%arg10 : memref<!tpu.dma_semaphore, #tpu.memory_space<semaphore_mem>>) src(%dma_wait3A_136 : memref<4096xf32, #tpu.memory_space<hbm>>) dst(%dma_wait3A_135 : memref<4096xf32, #tpu.memory_space<vmem>>)
    %dma_wait3A_137 = arith.constant 28672 : i32
    %dma_wait3A_138 = tpu.memref_slice %arg5[%dma_wait3A_137] : memref<32768xf32, #tpu.memory_space<vmem>> -> memref<4096xf32, #tpu.memory_space<vmem>>
    %dma_wait3A_139 = tpu.memref_slice %arg2[%mul3A_89] : memref<1048576xf32, #tpu.memory_space<hbm>> -> memref<4096xf32, #tpu.memory_space<hbm>>
    %dma_wait3A_140 = arith.constant 28672 : i32
    %dma_wait3A_141 = tpu.memref_slice %arg5[%dma_wait3A_140] : memref<32768xf32, #tpu.memory_space<vmem>> -> memref<4096xf32, #tpu.memory_space<vmem>>
    %dma_wait3A_142 = tpu.memref_slice %arg2[%mul3A_89] : memref<1048576xf32, #tpu.memory_space<hbm>> -> memref<4096xf32, #tpu.memory_space<hbm>>
    tpu.wait_dma2 semaphore(%arg11 : memref<!tpu.dma_semaphore, #tpu.memory_space<semaphore_mem>>) src(%dma_wait3A_142 : memref<4096xf32, #tpu.memory_space<hbm>>) dst(%dma_wait3A_141 : memref<4096xf32, #tpu.memory_space<vmem>>)
    %iota3A = tpu.iota {dimensions = array<i32: 0>} : vector<16xi32>
    %broadcast_in_dim3A = arith.constant 0xFF800000 : f32
    %broadcast_in_dim3A_143 = vector.broadcast %broadcast_in_dim3A : f32 to vector<16xf32>
    %scan3A = arith.constant 0 : i32
    %scan3A_144 = arith.constant 0 : i32
    %scan3A_145 = arith.constant 16 : i32
    %scan3A_146 = arith.addi %scan3A_144, %scan3A_145 : i32
    %scan3A_147 = arith.constant 1 : i32
    scf.for %scan3A_165 = %scan3A_144 to %scan3A_146 step %scan3A_147  : i32 {
      %mul3A_166 = arith.constant 2 : i32
      %mul3A_167 = arith.muli %scan3A_165, %mul3A_166 : i32
      %add3A_168 = arith.constant 0 : i32
      %add3A_169 = arith.addi %mul3A_167, %add3A_168 : i32
      %shift_right_arithmetic3A = arith.constant 3 : i32
      %shift_right_arithmetic3A_170 = arith.shrsi %add3A_169, %shift_right_arithmetic3A : i32
      %mul3A_171 = arith.constant 1024 : i32
      %mul3A_172 = arith.muli %shift_right_arithmetic3A_170, %mul3A_171 : i32
      %mul3A_173 = arith.constant 16 : i32
      %mul3A_174 = arith.muli %add3A_169, %mul3A_173 : i32
      %and3A = arith.constant 127 : i32
      %and3A_175 = arith.andi %mul3A_174, %and3A : i32
      %add3A_176 = arith.addi %mul3A_172, %and3A_175 : i32
      %add3A_177 = vector.broadcast %add3A_176 : i32 to vector<16xi32>
      %add3A_178 = arith.addi %add3A_177, %iota3A : vector<16xi32>
      %mul3A_179 = arith.constant 2 : i32
      %mul3A_180 = arith.muli %scan3A_165, %mul3A_179 : i32
      %add3A_181 = arith.constant 1 : i32
      %add3A_182 = arith.addi %mul3A_180, %add3A_181 : i32
      %shift_right_arithmetic3A_183 = arith.constant 3 : i32
      %shift_right_arithmetic3A_184 = arith.shrsi %add3A_182, %shift_right_arithmetic3A_183 : i32
      %mul3A_185 = arith.constant 1024 : i32
      %mul3A_186 = arith.muli %shift_right_arithmetic3A_184, %mul3A_185 : i32
      %mul3A_187 = arith.constant 16 : i32
      %mul3A_188 = arith.muli %add3A_182, %mul3A_187 : i32
      %and3A_189 = arith.constant 127 : i32
      %and3A_190 = arith.andi %mul3A_188, %and3A_189 : i32
      %add3A_191 = arith.addi %mul3A_186, %and3A_190 : i32
      %add3A_192 = vector.broadcast %add3A_191 : i32 to vector<16xi32>
      %add3A_193 = arith.addi %add3A_192, %iota3A : vector<16xi32>
      %add3A_194 = arith.constant 0 : i32
      %add3A_195 = arith.addi %add3A_194, %add3A_176 : i32
      %get3A = arith.index_cast %add3A_195 : i32 to index
      %get3A_196 = tpu.vector_load %arg5[%get3A] {strides = array<i32>} : memref<32768xf32, #tpu.memory_space<vmem>>, vector<16xf32>,
      %add3A_197 = arith.constant 128 : i32
      %add3A_198 = arith.addi %add3A_197, %add3A_176 : i32
      %get3A_199 = arith.index_cast %add3A_198 : i32 to index
      %get3A_200 = tpu.vector_load %arg5[%get3A_199] {strides = array<i32>} : memref<32768xf32, #tpu.memory_space<vmem>>, vector<16xf32>,
      %add3A_201 = arith.constant 256 : i32
      %add3A_202 = arith.addi %add3A_201, %add3A_176 : i32
      %get3A_203 = arith.index_cast %add3A_202 : i32 to index
      %get3A_204 = tpu.vector_load %arg5[%get3A_203] {strides = array<i32>} : memref<32768xf32, #tpu.memory_space<vmem>>, vector<16xf32>,
      %add3A_205 = arith.constant 384 : i32
      %add3A_206 = arith.addi %add3A_205, %add3A_176 : i32
      %get3A_207 = arith.index_cast %add3A_206 : i32 to index
      %get3A_208 = tpu.vector_load %arg5[%get3A_207] {strides = array<i32>} : memref<32768xf32, #tpu.memory_space<vmem>>, vector<16xf32>,
      %add3A_209 = arith.constant 512 : i32
      %add3A_210 = arith.addi %add3A_209, %add3A_176 : i32
      %get3A_211 = arith.index_cast %add3A_210 : i32 to index
      %get3A_212 = tpu.vector_load %arg5[%get3A_211] {strides = array<i32>} : memref<32768xf32, #tpu.memory_space<vmem>>, vector<16xf32>,
      %add3A_213 = arith.constant 640 : i32
      %add3A_214 = arith.addi %add3A_213, %add3A_176 : i32
      %get3A_215 = arith.index_cast %add3A_214 : i32 to index
      %get3A_216 = tpu.vector_load %arg5[%get3A_215] {strides = array<i32>} : memref<32768xf32, #tpu.memory_space<vmem>>, vector<16xf32>,
      %add3A_217 = arith.constant 768 : i32
      %add3A_218 = arith.addi %add3A_217, %add3A_176 : i32
      %get3A_219 = arith.index_cast %add3A_218 : i32 to index
      %get3A_220 = tpu.vector_load %arg5[%get3A_219] {strides = array<i32>} : memref<32768xf32, #tpu.memory_space<vmem>>, vector<16xf32>,
      %add3A_221 = arith.constant 896 : i32
      %add3A_222 = arith.addi %add3A_221, %add3A_176 : i32
      %get3A_223 = arith.index_cast %add3A_222 : i32 to index
      %get3A_224 = tpu.vector_load %arg5[%get3A_223] {strides = array<i32>} : memref<32768xf32, #tpu.memory_space<vmem>>, vector<16xf32>,
      %broadcast_in_dim3A_225 = arith.constant 0 : i32
      %broadcast_in_dim3A_226 = vector.broadcast %broadcast_in_dim3A_225 : i32 to vector<16xi32>
      %broadcast_in_dim3A_227 = arith.constant 1 : i32
      %broadcast_in_dim3A_228 = vector.broadcast %broadcast_in_dim3A_227 : i32 to vector<16xi32>
      %broadcast_in_dim3A_229 = arith.constant 2 : i32
      %broadcast_in_dim3A_230 = vector.broadcast %broadcast_in_dim3A_229 : i32 to vector<16xi32>
      %broadcast_in_dim3A_231 = arith.constant 3 : i32
      %broadcast_in_dim3A_232 = vector.broadcast %broadcast_in_dim3A_231 : i32 to vector<16xi32>
      %broadcast_in_dim3A_233 = arith.constant 4 : i32
      %broadcast_in_dim3A_234 = vector.broadcast %broadcast_in_dim3A_233 : i32 to vector<16xi32>
      %broadcast_in_dim3A_235 = arith.constant 5 : i32
      %broadcast_in_dim3A_236 = vector.broadcast %broadcast_in_dim3A_235 : i32 to vector<16xi32>
      %broadcast_in_dim3A_237 = arith.constant 6 : i32
      %broadcast_in_dim3A_238 = vector.broadcast %broadcast_in_dim3A_237 : i32 to vector<16xi32>
      %broadcast_in_dim3A_239 = arith.constant 7 : i32
      %broadcast_in_dim3A_240 = vector.broadcast %broadcast_in_dim3A_239 : i32 to vector<16xi32>
      %gt3A = arith.cmpf ogt, %get3A_200, %get3A_196 : vector<16xf32>
      %max3A = arith.maximumf %get3A_196, %get3A_200 : vector<16xf32>
      %select_n3A = arith.select %gt3A, %broadcast_in_dim3A_228, %broadcast_in_dim3A_226 : vector<16xi1>, vector<16xi32>
      %gt3A_241 = arith.cmpf ogt, %get3A_208, %get3A_204 : vector<16xf32>
      %max3A_242 = arith.maximumf %get3A_204, %get3A_208 : vector<16xf32>
      %select_n3A_243 = arith.select %gt3A_241, %broadcast_in_dim3A_232, %broadcast_in_dim3A_230 : vector<16xi1>, vector<16xi32>
      %gt3A_244 = arith.cmpf ogt, %get3A_216, %get3A_212 : vector<16xf32>
      %max3A_245 = arith.maximumf %get3A_212, %get3A_216 : vector<16xf32>
      %select_n3A_246 = arith.select %gt3A_244, %broadcast_in_dim3A_236, %broadcast_in_dim3A_234 : vector<16xi1>, vector<16xi32>
      %gt3A_247 = arith.cmpf ogt, %get3A_224, %get3A_220 : vector<16xf32>
      %max3A_248 = arith.maximumf %get3A_220, %get3A_224 : vector<16xf32>
      %select_n3A_249 = arith.select %gt3A_247, %broadcast_in_dim3A_240, %broadcast_in_dim3A_238 : vector<16xi1>, vector<16xi32>
      %gt3A_250 = arith.cmpf ogt, %max3A_242, %max3A : vector<16xf32>
      %max3A_251 = arith.maximumf %max3A, %max3A_242 : vector<16xf32>
      %select_n3A_252 = arith.select %gt3A_250, %select_n3A_243, %select_n3A : vector<16xi1>, vector<16xi32>
      %gt3A_253 = arith.cmpf ogt, %max3A_248, %max3A_245 : vector<16xf32>
      %max3A_254 = arith.maximumf %max3A_245, %max3A_248 : vector<16xf32>
      %select_n3A_255 = arith.select %gt3A_253, %select_n3A_249, %select_n3A_246 : vector<16xi1>, vector<16xi32>
      %gt3A_256 = arith.cmpf ogt, %max3A_254, %max3A_251 : vector<16xf32>
      %max3A_257 = arith.maximumf %max3A_251, %max3A_254 : vector<16xf32>
      %select_n3A_258 = arith.select %gt3A_256, %select_n3A_255, %select_n3A_252 : vector<16xi1>, vector<16xi32>
      %add3A_259 = arith.constant 4096 : i32
      %add3A_260 = arith.addi %add3A_259, %add3A_176 : i32
      %get3A_261 = arith.index_cast %add3A_260 : i32 to index
      %get3A_262 = tpu.vector_load %arg5[%get3A_261] {strides = array<i32>} : memref<32768xf32, #tpu.memory_space<vmem>>, vector<16xf32>,
      %add3A_263 = arith.constant 4224 : i32
      %add3A_264 = arith.addi %add3A_263, %add3A_176 : i32
      %get3A_265 = arith.index_cast %add3A_264 : i32 to index
      %get3A_266 = tpu.vector_load %arg5[%get3A_265] {strides = array<i32>} : memref<32768xf32, #tpu.memory_space<vmem>>, vector<16xf32>,
      %add3A_267 = arith.constant 4352 : i32
      %add3A_268 = arith.addi %add3A_267, %add3A_176 : i32
      %get3A_269 = arith.index_cast %add3A_268 : i32 to index
      %get3A_270 = tpu.vector_load %arg5[%get3A_269] {strides = array<i32>} : memref<32768xf32, #tpu.memory_space<vmem>>, vector<16xf32>,
      %add3A_271 = arith.constant 4480 : i32
      %add3A_272 = arith.addi %add3A_271, %add3A_176 : i32
      %get3A_273 = arith.index_cast %add3A_272 : i32 to index
      %get3A_274 = tpu.vector_load %arg5[%get3A_273] {strides = array<i32>} : memref<32768xf32, #tpu.memory_space<vmem>>, vector<16xf32>,
      %add3A_275 = arith.constant 4608 : i32
      %add3A_276 = arith.addi %add3A_275, %add3A_176 : i32
      %get3A_277 = arith.index_cast %add3A_276 : i32 to index
      %get3A_278 = tpu.vector_load %arg5[%get3A_277] {strides = array<i32>} : memref<32768xf32, #tpu.memory_space<vmem>>, vector<16xf32>,
      %add3A_279 = arith.constant 4736 : i32
      %add3A_280 = arith.addi %add3A_279, %add3A_176 : i32
      %get3A_281 = arith.index_cast %add3A_280 : i32 to index
      %get3A_282 = tpu.vector_load %arg5[%get3A_281] {strides = array<i32>} : memref<32768xf32, #tpu.memory_space<vmem>>, vector<16xf32>,
      %add3A_283 = arith.constant 4864 : i32
      %add3A_284 = arith.addi %add3A_283, %add3A_176 : i32
      %get3A_285 = arith.index_cast %add3A_284 : i32 to index
      %get3A_286 = tpu.vector_load %arg5[%get3A_285] {strides = array<i32>} : memref<32768xf32, #tpu.memory_space<vmem>>, vector<16xf32>,
      %add3A_287 = arith.constant 4992 : i32
      %add3A_288 = arith.addi %add3A_287, %add3A_176 : i32
      %get3A_289 = arith.index_cast %add3A_288 : i32 to index
      %get3A_290 = tpu.vector_load %arg5[%get3A_289] {strides = array<i32>} : memref<32768xf32, #tpu.memory_space<vmem>>, vector<16xf32>,
      %broadcast_in_dim3A_291 = arith.constant 8 : i32
      %broadcast_in_dim3A_292 = vector.broadcast %broadcast_in_dim3A_291 : i32 to vector<16xi32>
      %broadcast_in_dim3A_293 = arith.constant 9 : i32
      %broadcast_in_dim3A_294 = vector.broadcast %broadcast_in_dim3A_293 : i32 to vector<16xi32>
      %broadcast_in_dim3A_295 = arith.constant 10 : i32
      %broadcast_in_dim3A_296 = vector.broadcast %broadcast_in_dim3A_295 : i32 to vector<16xi32>
      %broadcast_in_dim3A_297 = arith.constant 11 : i32
      %broadcast_in_dim3A_298 = vector.broadcast %broadcast_in_dim3A_297 : i32 to vector<16xi32>
      %broadcast_in_dim3A_299 = arith.constant 12 : i32
      %broadcast_in_dim3A_300 = vector.broadcast %broadcast_in_dim3A_299 : i32 to vector<16xi32>
      %broadcast_in_dim3A_301 = arith.constant 13 : i32
      %broadcast_in_dim3A_302 = vector.broadcast %broadcast_in_dim3A_301 : i32 to vector<16xi32>
      %broadcast_in_dim3A_303 = arith.constant 14 : i32
      %broadcast_in_dim3A_304 = vector.broadcast %broadcast_in_dim3A_303 : i32 to vector<16xi32>
      %broadcast_in_dim3A_305 = arith.constant 15 : i32
      %broadcast_in_dim3A_306 = vector.broadcast %broadcast_in_dim3A_305 : i32 to vector<16xi32>
      %gt3A_307 = arith.cmpf ogt, %get3A_266, %get3A_262 : vector<16xf32>
      %max3A_308 = arith.maximumf %get3A_262, %get3A_266 : vector<16xf32>
      %select_n3A_309 = arith.select %gt3A_307, %broadcast_in_dim3A_294, %broadcast_in_dim3A_292 : vector<16xi1>, vector<16xi32>
      %gt3A_310 = arith.cmpf ogt, %get3A_274, %get3A_270 : vector<16xf32>
      %max3A_311 = arith.maximumf %get3A_270, %get3A_274 : vector<16xf32>
      %select_n3A_312 = arith.select %gt3A_310, %broadcast_in_dim3A_298, %broadcast_in_dim3A_296 : vector<16xi1>, vector<16xi32>
      %gt3A_313 = arith.cmpf ogt, %get3A_282, %get3A_278 : vector<16xf32>
      %max3A_314 = arith.maximumf %get3A_278, %get3A_282 : vector<16xf32>
      %select_n3A_315 = arith.select %gt3A_313, %broadcast_in_dim3A_302, %broadcast_in_dim3A_300 : vector<16xi1>, vector<16xi32>
      %gt3A_316 = arith.cmpf ogt, %get3A_290, %get3A_286 : vector<16xf32>
      %max3A_317 = arith.maximumf %get3A_286, %get3A_290 : vector<16xf32>
      %select_n3A_318 = arith.select %gt3A_316, %broadcast_in_dim3A_306, %broadcast_in_dim3A_304 : vector<16xi1>, vector<16xi32>
      %gt3A_319 = arith.cmpf ogt, %max3A_311, %max3A_308 : vector<16xf32>
      %max3A_320 = arith.maximumf %max3A_308, %max3A_311 : vector<16xf32>
      %select_n3A_321 = arith.select %gt3A_319, %select_n3A_312, %select_n3A_309 : vector<16xi1>, vector<16xi32>
      %gt3A_322 = arith.cmpf ogt, %max3A_317, %max3A_314 : vector<16xf32>
      %max3A_323 = arith.maximumf %max3A_314, %max3A_317 : vector<16xf32>
      %select_n3A_324 = arith.select %gt3A_322, %select_n3A_318, %select_n3A_315 : vector<16xi1>, vector<16xi32>
      %gt3A_325 = arith.cmpf ogt, %max3A_323, %max3A_320 : vector<16xf32>
      %max3A_326 = arith.maximumf %max3A_320, %max3A_323 : vector<16xf32>
      %select_n3A_327 = arith.select %gt3A_325, %select_n3A_324, %select_n3A_321 : vector<16xi1>, vector<16xi32>
      %add3A_328 = arith.constant 8192 : i32
      %add3A_329 = arith.addi %add3A_328, %add3A_176 : i32
      %get3A_330 = arith.index_cast %add3A_329 : i32 to index
      %get3A_331 = tpu.vector_load %arg5[%get3A_330] {strides = array<i32>} : memref<32768xf32, #tpu.memory_space<vmem>>, vector<16xf32>,
      %add3A_332 = arith.constant 8320 : i32
      %add3A_333 = arith.addi %add3A_332, %add3A_176 : i32
      %get3A_334 = arith.index_cast %add3A_333 : i32 to index
      %get3A_335 = tpu.vector_load %arg5[%get3A_334] {strides = array<i32>} : memref<32768xf32, #tpu.memory_space<vmem>>, vector<16xf32>,
      %add3A_336 = arith.constant 8448 : i32
      %add3A_337 = arith.addi %add3A_336, %add3A_176 : i32
      %get3A_338 = arith.index_cast %add3A_337 : i32 to index
      %get3A_339 = tpu.vector_load %arg5[%get3A_338] {strides = array<i32>} : memref<32768xf32, #tpu.memory_space<vmem>>, vector<16xf32>,
      %add3A_340 = arith.constant 8576 : i32
      %add3A_341 = arith.addi %add3A_340, %add3A_176 : i32
      %get3A_342 = arith.index_cast %add3A_341 : i32 to index
      %get3A_343 = tpu.vector_load %arg5[%get3A_342] {strides = array<i32>} : memref<32768xf32, #tpu.memory_space<vmem>>, vector<16xf32>,
      %add3A_344 = arith.constant 8704 : i32
      %add3A_345 = arith.addi %add3A_344, %add3A_176 : i32
      %get3A_346 = arith.index_cast %add3A_345 : i32 to index
      %get3A_347 = tpu.vector_load %arg5[%get3A_346] {strides = array<i32>} : memref<32768xf32, #tpu.memory_space<vmem>>, vector<16xf32>,
      %add3A_348 = arith.constant 8832 : i32
      %add3A_349 = arith.addi %add3A_348, %add3A_176 : i32
      %get3A_350 = arith.index_cast %add3A_349 : i32 to index
      %get3A_351 = tpu.vector_load %arg5[%get3A_350] {strides = array<i32>} : memref<32768xf32, #tpu.memory_space<vmem>>, vector<16xf32>,
      %add3A_352 = arith.constant 8960 : i32
      %add3A_353 = arith.addi %add3A_352, %add3A_176 : i32
      %get3A_354 = arith.index_cast %add3A_353 : i32 to index
      %get3A_355 = tpu.vector_load %arg5[%get3A_354] {strides = array<i32>} : memref<32768xf32, #tpu.memory_space<vmem>>, vector<16xf32>,
      %add3A_356 = arith.constant 9088 : i32
      %add3A_357 = arith.addi %add3A_356, %add3A_176 : i32
      %get3A_358 = arith.index_cast %add3A_357 : i32 to index
      %get3A_359 = tpu.vector_load %arg5[%get3A_358] {strides = array<i32>} : memref<32768xf32, #tpu.memory_space<vmem>>, vector<16xf32>,
      %broadcast_in_dim3A_360 = arith.constant 16 : i32
      %broadcast_in_dim3A_361 = vector.broadcast %broadcast_in_dim3A_360 : i32 to vector<16xi32>
      %broadcast_in_dim3A_362 = arith.constant 17 : i32
      %broadcast_in_dim3A_363 = vector.broadcast %broadcast_in_dim3A_362 : i32 to vector<16xi32>
      %broadcast_in_dim3A_364 = arith.constant 18 : i32
      %broadcast_in_dim3A_365 = vector.broadcast %broadcast_in_dim3A_364 : i32 to vector<16xi32>
      %broadcast_in_dim3A_366 = arith.constant 19 : i32
      %broadcast_in_dim3A_367 = vector.broadcast %broadcast_in_dim3A_366 : i32 to vector<16xi32>
      %broadcast_in_dim3A_368 = arith.constant 20 : i32
      %broadcast_in_dim3A_369 = vector.broadcast %broadcast_in_dim3A_368 : i32 to vector<16xi32>
      %broadcast_in_dim3A_370 = arith.constant 21 : i32
      %broadcast_in_dim3A_371 = vector.broadcast %broadcast_in_dim3A_370 : i32 to vector<16xi32>
      %broadcast_in_dim3A_372 = arith.constant 22 : i32
      %broadcast_in_dim3A_373 = vector.broadcast %broadcast_in_dim3A_372 : i32 to vector<16xi32>
      %broadcast_in_dim3A_374 = arith.constant 23 : i32
      %broadcast_in_dim3A_375 = vector.broadcast %broadcast_in_dim3A_374 : i32 to vector<16xi32>
      %gt3A_376 = arith.cmpf ogt, %get3A_335, %get3A_331 : vector<16xf32>
      %max3A_377 = arith.maximumf %get3A_331, %get3A_335 : vector<16xf32>
      %select_n3A_378 = arith.select %gt3A_376, %broadcast_in_dim3A_363, %broadcast_in_dim3A_361 : vector<16xi1>, vector<16xi32>
      %gt3A_379 = arith.cmpf ogt, %get3A_343, %get3A_339 : vector<16xf32>
      %max3A_380 = arith.maximumf %get3A_339, %get3A_343 : vector<16xf32>
      %select_n3A_381 = arith.select %gt3A_379, %broadcast_in_dim3A_367, %broadcast_in_dim3A_365 : vector<16xi1>, vector<16xi32>
      %gt3A_382 = arith.cmpf ogt, %get3A_351, %get3A_347 : vector<16xf32>
      %max3A_383 = arith.maximumf %get3A_347, %get3A_351 : vector<16xf32>
      %select_n3A_384 = arith.select %gt3A_382, %broadcast_in_dim3A_371, %broadcast_in_dim3A_369 : vector<16xi1>, vector<16xi32>
      %gt3A_385 = arith.cmpf ogt, %get3A_359, %get3A_355 : vector<16xf32>
      %max3A_386 = arith.maximumf %get3A_355, %get3A_359 : vector<16xf32>
      %select_n3A_387 = arith.select %gt3A_385, %broadcast_in_dim3A_375, %broadcast_in_dim3A_373 : vector<16xi1>, vector<16xi32>
      %gt3A_388 = arith.cmpf ogt, %max3A_380, %max3A_377 : vector<16xf32>
      %max3A_389 = arith.maximumf %max3A_377, %max3A_380 : vector<16xf32>
      %select_n3A_390 = arith.select %gt3A_388, %select_n3A_381, %select_n3A_378 : vector<16xi1>, vector<16xi32>
      %gt3A_391 = arith.cmpf ogt, %max3A_386, %max3A_383 : vector<16xf32>
      %max3A_392 = arith.maximumf %max3A_383, %max3A_386 : vector<16xf32>
      %select_n3A_393 = arith.select %gt3A_391, %select_n3A_387, %select_n3A_384 : vector<16xi1>, vector<16xi32>
      %gt3A_394 = arith.cmpf ogt, %max3A_392, %max3A_389 : vector<16xf32>
      %max3A_395 = arith.maximumf %max3A_389, %max3A_392 : vector<16xf32>
      %select_n3A_396 = arith.select %gt3A_394, %select_n3A_393, %select_n3A_390 : vector<16xi1>, vector<16xi32>
      %add3A_397 = arith.constant 12288 : i32
      %add3A_398 = arith.addi %add3A_397, %add3A_176 : i32
      %get3A_399 = arith.index_cast %add3A_398 : i32 to index
      %get3A_400 = tpu.vector_load %arg5[%get3A_399] {strides = array<i32>} : memref<32768xf32, #tpu.memory_space<vmem>>, vector<16xf32>,
      %add3A_401 = arith.constant 12416 : i32
      %add3A_402 = arith.addi %add3A_401, %add3A_176 : i32
      %get3A_403 = arith.index_cast %add3A_402 : i32 to index
      %get3A_404 = tpu.vector_load %arg5[%get3A_403] {strides = array<i32>} : memref<32768xf32, #tpu.memory_space<vmem>>, vector<16xf32>,
      %add3A_405 = arith.constant 12544 : i32
      %add3A_406 = arith.addi %add3A_405, %add3A_176 : i32
      %get3A_407 = arith.index_cast %add3A_406 : i32 to index
      %get3A_408 = tpu.vector_load %arg5[%get3A_407] {strides = array<i32>} : memref<32768xf32, #tpu.memory_space<vmem>>, vector<16xf32>,
      %add3A_409 = arith.constant 12672 : i32
      %add3A_410 = arith.addi %add3A_409, %add3A_176 : i32
      %get3A_411 = arith.index_cast %add3A_410 : i32 to index
      %get3A_412 = tpu.vector_load %arg5[%get3A_411] {strides = array<i32>} : memref<32768xf32, #tpu.memory_space<vmem>>, vector<16xf32>,
      %add3A_413 = arith.constant 12800 : i32
      %add3A_414 = arith.addi %add3A_413, %add3A_176 : i32
      %get3A_415 = arith.index_cast %add3A_414 : i32 to index
      %get3A_416 = tpu.vector_load %arg5[%get3A_415] {strides = array<i32>} : memref<32768xf32, #tpu.memory_space<vmem>>, vector<16xf32>,
      %add3A_417 = arith.constant 12928 : i32
      %add3A_418 = arith.addi %add3A_417, %add3A_176 : i32
      %get3A_419 = arith.index_cast %add3A_418 : i32 to index
      %get3A_420 = tpu.vector_load %arg5[%get3A_419] {strides = array<i32>} : memref<32768xf32, #tpu.memory_space<vmem>>, vector<16xf32>,
      %add3A_421 = arith.constant 13056 : i32
      %add3A_422 = arith.addi %add3A_421, %add3A_176 : i32
      %get3A_423 = arith.index_cast %add3A_422 : i32 to index
      %get3A_424 = tpu.vector_load %arg5[%get3A_423] {strides = array<i32>} : memref<32768xf32, #tpu.memory_space<vmem>>, vector<16xf32>,
      %add3A_425 = arith.constant 13184 : i32
      %add3A_426 = arith.addi %add3A_425, %add3A_176 : i32
      %get3A_427 = arith.index_cast %add3A_426 : i32 to index
      %get3A_428 = tpu.vector_load %arg5[%get3A_427] {strides = array<i32>} : memref<32768xf32, #tpu.memory_space<vmem>>, vector<16xf32>,
      %broadcast_in_dim3A_429 = arith.constant 24 : i32
      %broadcast_in_dim3A_430 = vector.broadcast %broadcast_in_dim3A_429 : i32 to vector<16xi32>
      %broadcast_in_dim3A_431 = arith.constant 25 : i32
      %broadcast_in_dim3A_432 = vector.broadcast %broadcast_in_dim3A_431 : i32 to vector<16xi32>
      %broadcast_in_dim3A_433 = arith.constant 26 : i32
      %broadcast_in_dim3A_434 = vector.broadcast %broadcast_in_dim3A_433 : i32 to vector<16xi32>
      %broadcast_in_dim3A_435 = arith.constant 27 : i32
      %broadcast_in_dim3A_436 = vector.broadcast %broadcast_in_dim3A_435 : i32 to vector<16xi32>
      %broadcast_in_dim3A_437 = arith.constant 28 : i32
      %broadcast_in_dim3A_438 = vector.broadcast %broadcast_in_dim3A_437 : i32 to vector<16xi32>
      %broadcast_in_dim3A_439 = arith.constant 29 : i32
      %broadcast_in_dim3A_440 = vector.broadcast %broadcast_in_dim3A_439 : i32 to vector<16xi32>
      %broadcast_in_dim3A_441 = arith.constant 30 : i32
      %broadcast_in_dim3A_442 = vector.broadcast %broadcast_in_dim3A_441 : i32 to vector<16xi32>
      %broadcast_in_dim3A_443 = arith.constant 31 : i32
      %broadcast_in_dim3A_444 = vector.broadcast %broadcast_in_dim3A_443 : i32 to vector<16xi32>
      %gt3A_445 = arith.cmpf ogt, %get3A_404, %get3A_400 : vector<16xf32>
      %max3A_446 = arith.maximumf %get3A_400, %get3A_404 : vector<16xf32>
      %select_n3A_447 = arith.select %gt3A_445, %broadcast_in_dim3A_432, %broadcast_in_dim3A_430 : vector<16xi1>, vector<16xi32>
      %gt3A_448 = arith.cmpf ogt, %get3A_412, %get3A_408 : vector<16xf32>
      %max3A_449 = arith.maximumf %get3A_408, %get3A_412 : vector<16xf32>
      %select_n3A_450 = arith.select %gt3A_448, %broadcast_in_dim3A_436, %broadcast_in_dim3A_434 : vector<16xi1>, vector<16xi32>
      %gt3A_451 = arith.cmpf ogt, %get3A_420, %get3A_416 : vector<16xf32>
      %max3A_452 = arith.maximumf %get3A_416, %get3A_420 : vector<16xf32>
      %select_n3A_453 = arith.select %gt3A_451, %broadcast_in_dim3A_440, %broadcast_in_dim3A_438 : vector<16xi1>, vector<16xi32>
      %gt3A_454 = arith.cmpf ogt, %get3A_428, %get3A_424 : vector<16xf32>
      %max3A_455 = arith.maximumf %get3A_424, %get3A_428 : vector<16xf32>
      %select_n3A_456 = arith.select %gt3A_454, %broadcast_in_dim3A_444, %broadcast_in_dim3A_442 : vector<16xi1>, vector<16xi32>
      %gt3A_457 = arith.cmpf ogt, %max3A_449, %max3A_446 : vector<16xf32>
      %max3A_458 = arith.maximumf %max3A_446, %max3A_449 : vector<16xf32>
      %select_n3A_459 = arith.select %gt3A_457, %select_n3A_450, %select_n3A_447 : vector<16xi1>, vector<16xi32>
      %gt3A_460 = arith.cmpf ogt, %max3A_455, %max3A_452 : vector<16xf32>
      %max3A_461 = arith.maximumf %max3A_452, %max3A_455 : vector<16xf32>
      %select_n3A_462 = arith.select %gt3A_460, %select_n3A_456, %select_n3A_453 : vector<16xi1>, vector<16xi32>
      %gt3A_463 = arith.cmpf ogt, %max3A_461, %max3A_458 : vector<16xf32>
      %max3A_464 = arith.maximumf %max3A_458, %max3A_461 : vector<16xf32>
      %select_n3A_465 = arith.select %gt3A_463, %select_n3A_462, %select_n3A_459 : vector<16xi1>, vector<16xi32>
      %add3A_466 = arith.constant 16384 : i32
      %add3A_467 = arith.addi %add3A_466, %add3A_176 : i32
      %get3A_468 = arith.index_cast %add3A_467 : i32 to index
      %get3A_469 = tpu.vector_load %arg5[%get3A_468] {strides = array<i32>} : memref<32768xf32, #tpu.memory_space<vmem>>, vector<16xf32>,
      %add3A_470 = arith.constant 16512 : i32
      %add3A_471 = arith.addi %add3A_470, %add3A_176 : i32
      %get3A_472 = arith.index_cast %add3A_471 : i32 to index
      %get3A_473 = tpu.vector_load %arg5[%get3A_472] {strides = array<i32>} : memref<32768xf32, #tpu.memory_space<vmem>>, vector<16xf32>,
      %add3A_474 = arith.constant 16640 : i32
      %add3A_475 = arith.addi %add3A_474, %add3A_176 : i32
      %get3A_476 = arith.index_cast %add3A_475 : i32 to index
      %get3A_477 = tpu.vector_load %arg5[%get3A_476] {strides = array<i32>} : memref<32768xf32, #tpu.memory_space<vmem>>, vector<16xf32>,
      %add3A_478 = arith.constant 16768 : i32
      %add3A_479 = arith.addi %add3A_478, %add3A_176 : i32
      %get3A_480 = arith.index_cast %add3A_479 : i32 to index
      %get3A_481 = tpu.vector_load %arg5[%get3A_480] {strides = array<i32>} : memref<32768xf32, #tpu.memory_space<vmem>>, vector<16xf32>,
      %add3A_482 = arith.constant 16896 : i32
      %add3A_483 = arith.addi %add3A_482, %add3A_176 : i32
      %get3A_484 = arith.index_cast %add3A_483 : i32 to index
      %get3A_485 = tpu.vector_load %arg5[%get3A_484] {strides = array<i32>} : memref<32768xf32, #tpu.memory_space<vmem>>, vector<16xf32>,
      %add3A_486 = arith.constant 17024 : i32
      %add3A_487 = arith.addi %add3A_486, %add3A_176 : i32
      %get3A_488 = arith.index_cast %add3A_487 : i32 to index
      %get3A_489 = tpu.vector_load %arg5[%get3A_488] {strides = array<i32>} : memref<32768xf32, #tpu.memory_space<vmem>>, vector<16xf32>,
      %add3A_490 = arith.constant 17152 : i32
      %add3A_491 = arith.addi %add3A_490, %add3A_176 : i32
      %get3A_492 = arith.index_cast %add3A_491 : i32 to index
      %get3A_493 = tpu.vector_load %arg5[%get3A_492] {strides = array<i32>} : memref<32768xf32, #tpu.memory_space<vmem>>, vector<16xf32>,
      %add3A_494 = arith.constant 17280 : i32
      %add3A_495 = arith.addi %add3A_494, %add3A_176 : i32
      %get3A_496 = arith.index_cast %add3A_495 : i32 to index
      %get3A_497 = tpu.vector_load %arg5[%get3A_496] {strides = array<i32>} : memref<32768xf32, #tpu.memory_space<vmem>>, vector<16xf32>,
      %broadcast_in_dim3A_498 = arith.constant 32 : i32
      %broadcast_in_dim3A_499 = vector.broadcast %broadcast_in_dim3A_498 : i32 to vector<16xi32>
      %broadcast_in_dim3A_500 = arith.constant 33 : i32
      %broadcast_in_dim3A_501 = vector.broadcast %broadcast_in_dim3A_500 : i32 to vector<16xi32>
      %broadcast_in_dim3A_502 = arith.constant 34 : i32
      %broadcast_in_dim3A_503 = vector.broadcast %broadcast_in_dim3A_502 : i32 to vector<16xi32>
      %broadcast_in_dim3A_504 = arith.constant 35 : i32
      %broadcast_in_dim3A_505 = vector.broadcast %broadcast_in_dim3A_504 : i32 to vector<16xi32>
      %broadcast_in_dim3A_506 = arith.constant 36 : i32
      %broadcast_in_dim3A_507 = vector.broadcast %broadcast_in_dim3A_506 : i32 to vector<16xi32>
      %broadcast_in_dim3A_508 = arith.constant 37 : i32
      %broadcast_in_dim3A_509 = vector.broadcast %broadcast_in_dim3A_508 : i32 to vector<16xi32>
      %broadcast_in_dim3A_510 = arith.constant 38 : i32
      %broadcast_in_dim3A_511 = vector.broadcast %broadcast_in_dim3A_510 : i32 to vector<16xi32>
      %broadcast_in_dim3A_512 = arith.constant 39 : i32
      %broadcast_in_dim3A_513 = vector.broadcast %broadcast_in_dim3A_512 : i32 to vector<16xi32>
      %gt3A_514 = arith.cmpf ogt, %get3A_473, %get3A_469 : vector<16xf32>
      %max3A_515 = arith.maximumf %get3A_469, %get3A_473 : vector<16xf32>
      %select_n3A_516 = arith.select %gt3A_514, %broadcast_in_dim3A_501, %broadcast_in_dim3A_499 : vector<16xi1>, vector<16xi32>
      %gt3A_517 = arith.cmpf ogt, %get3A_481, %get3A_477 : vector<16xf32>
      %max3A_518 = arith.maximumf %get3A_477, %get3A_481 : vector<16xf32>
      %select_n3A_519 = arith.select %gt3A_517, %broadcast_in_dim3A_505, %broadcast_in_dim3A_503 : vector<16xi1>, vector<16xi32>
      %gt3A_520 = arith.cmpf ogt, %get3A_489, %get3A_485 : vector<16xf32>
      %max3A_521 = arith.maximumf %get3A_485, %get3A_489 : vector<16xf32>
      %select_n3A_522 = arith.select %gt3A_520, %broadcast_in_dim3A_509, %broadcast_in_dim3A_507 : vector<16xi1>, vector<16xi32>
      %gt3A_523 = arith.cmpf ogt, %get3A_497, %get3A_493 : vector<16xf32>
      %max3A_524 = arith.maximumf %get3A_493, %get3A_497 : vector<16xf32>
      %select_n3A_525 = arith.select %gt3A_523, %broadcast_in_dim3A_513, %broadcast_in_dim3A_511 : vector<16xi1>, vector<16xi32>
      %gt3A_526 = arith.cmpf ogt, %max3A_518, %max3A_515 : vector<16xf32>
      %max3A_527 = arith.maximumf %max3A_515, %max3A_518 : vector<16xf32>
      %select_n3A_528 = arith.select %gt3A_526, %select_n3A_519, %select_n3A_516 : vector<16xi1>, vector<16xi32>
      %gt3A_529 = arith.cmpf ogt, %max3A_524, %max3A_521 : vector<16xf32>
      %max3A_530 = arith.maximumf %max3A_521, %max3A_524 : vector<16xf32>
      %select_n3A_531 = arith.select %gt3A_529, %select_n3A_525, %select_n3A_522 : vector<16xi1>, vector<16xi32>
      %gt3A_532 = arith.cmpf ogt, %max3A_530, %max3A_527 : vector<16xf32>
      %max3A_533 = arith.maximumf %max3A_527, %max3A_530 : vector<16xf32>
      %select_n3A_534 = arith.select %gt3A_532, %select_n3A_531, %select_n3A_528 : vector<16xi1>, vector<16xi32>
      %add3A_535 = arith.constant 20480 : i32
      %add3A_536 = arith.addi %add3A_535, %add3A_176 : i32
      %get3A_537 = arith.index_cast %add3A_536 : i32 to index
      %get3A_538 = tpu.vector_load %arg5[%get3A_537] {strides = array<i32>} : memref<32768xf32, #tpu.memory_space<vmem>>, vector<16xf32>,
      %add3A_539 = arith.constant 20608 : i32
      %add3A_540 = arith.addi %add3A_539, %add3A_176 : i32
      %get3A_541 = arith.index_cast %add3A_540 : i32 to index
      %get3A_542 = tpu.vector_load %arg5[%get3A_541] {strides = array<i32>} : memref<32768xf32, #tpu.memory_space<vmem>>, vector<16xf32>,
      %add3A_543 = arith.constant 20736 : i32
      %add3A_544 = arith.addi %add3A_543, %add3A_176 : i32
      %get3A_545 = arith.index_cast %add3A_544 : i32 to index
      %get3A_546 = tpu.vector_load %arg5[%get3A_545] {strides = array<i32>} : memref<32768xf32, #tpu.memory_space<vmem>>, vector<16xf32>,
      %add3A_547 = arith.constant 20864 : i32
      %add3A_548 = arith.addi %add3A_547, %add3A_176 : i32
      %get3A_549 = arith.index_cast %add3A_548 : i32 to index
      %get3A_550 = tpu.vector_load %arg5[%get3A_549] {strides = array<i32>} : memref<32768xf32, #tpu.memory_space<vmem>>, vector<16xf32>,
      %add3A_551 = arith.constant 20992 : i32
      %add3A_552 = arith.addi %add3A_551, %add3A_176 : i32
      %get3A_553 = arith.index_cast %add3A_552 : i32 to index
      %get3A_554 = tpu.vector_load %arg5[%get3A_553] {strides = array<i32>} : memref<32768xf32, #tpu.memory_space<vmem>>, vector<16xf32>,
      %add3A_555 = arith.constant 21120 : i32
      %add3A_556 = arith.addi %add3A_555, %add3A_176 : i32
      %get3A_557 = arith.index_cast %add3A_556 : i32 to index
      %get3A_558 = tpu.vector_load %arg5[%get3A_557] {strides = array<i32>} : memref<32768xf32, #tpu.memory_space<vmem>>, vector<16xf32>,
      %add3A_559 = arith.constant 21248 : i32
      %add3A_560 = arith.addi %add3A_559, %add3A_176 : i32
      %get3A_561 = arith.index_cast %add3A_560 : i32 to index
      %get3A_562 = tpu.vector_load %arg5[%get3A_561] {strides = array<i32>} : memref<32768xf32, #tpu.memory_space<vmem>>, vector<16xf32>,
      %add3A_563 = arith.constant 21376 : i32
      %add3A_564 = arith.addi %add3A_563, %add3A_176 : i32
      %get3A_565 = arith.index_cast %add3A_564 : i32 to index
      %get3A_566 = tpu.vector_load %arg5[%get3A_565] {strides = array<i32>} : memref<32768xf32, #tpu.memory_space<vmem>>, vector<16xf32>,
      %broadcast_in_dim3A_567 = arith.constant 40 : i32
      %broadcast_in_dim3A_568 = vector.broadcast %broadcast_in_dim3A_567 : i32 to vector<16xi32>
      %broadcast_in_dim3A_569 = arith.constant 41 : i32
      %broadcast_in_dim3A_570 = vector.broadcast %broadcast_in_dim3A_569 : i32 to vector<16xi32>
      %broadcast_in_dim3A_571 = arith.constant 42 : i32
      %broadcast_in_dim3A_572 = vector.broadcast %broadcast_in_dim3A_571 : i32 to vector<16xi32>
      %broadcast_in_dim3A_573 = arith.constant 43 : i32
      %broadcast_in_dim3A_574 = vector.broadcast %broadcast_in_dim3A_573 : i32 to vector<16xi32>
      %broadcast_in_dim3A_575 = arith.constant 44 : i32
      %broadcast_in_dim3A_576 = vector.broadcast %broadcast_in_dim3A_575 : i32 to vector<16xi32>
      %broadcast_in_dim3A_577 = arith.constant 45 : i32
      %broadcast_in_dim3A_578 = vector.broadcast %broadcast_in_dim3A_577 : i32 to vector<16xi32>
      %broadcast_in_dim3A_579 = arith.constant 46 : i32
      %broadcast_in_dim3A_580 = vector.broadcast %broadcast_in_dim3A_579 : i32 to vector<16xi32>
      %broadcast_in_dim3A_581 = arith.constant 47 : i32
      %broadcast_in_dim3A_582 = vector.broadcast %broadcast_in_dim3A_581 : i32 to vector<16xi32>
      %gt3A_583 = arith.cmpf ogt, %get3A_542, %get3A_538 : vector<16xf32>
      %max3A_584 = arith.maximumf %get3A_538, %get3A_542 : vector<16xf32>
      %select_n3A_585 = arith.select %gt3A_583, %broadcast_in_dim3A_570, %broadcast_in_dim3A_568 : vector<16xi1>, vector<16xi32>
      %gt3A_586 = arith.cmpf ogt, %get3A_550, %get3A_546 : vector<16xf32>
      %max3A_587 = arith.maximumf %get3A_546, %get3A_550 : vector<16xf32>
      %select_n3A_588 = arith.select %gt3A_586, %broadcast_in_dim3A_574, %broadcast_in_dim3A_572 : vector<16xi1>, vector<16xi32>
      %gt3A_589 = arith.cmpf ogt, %get3A_558, %get3A_554 : vector<16xf32>
      %max3A_590 = arith.maximumf %get3A_554, %get3A_558 : vector<16xf32>
      %select_n3A_591 = arith.select %gt3A_589, %broadcast_in_dim3A_578, %broadcast_in_dim3A_576 : vector<16xi1>, vector<16xi32>
      %gt3A_592 = arith.cmpf ogt, %get3A_566, %get3A_562 : vector<16xf32>
      %max3A_593 = arith.maximumf %get3A_562, %get3A_566 : vector<16xf32>
      %select_n3A_594 = arith.select %gt3A_592, %broadcast_in_dim3A_582, %broadcast_in_dim3A_580 : vector<16xi1>, vector<16xi32>
      %gt3A_595 = arith.cmpf ogt, %max3A_587, %max3A_584 : vector<16xf32>
      %max3A_596 = arith.maximumf %max3A_584, %max3A_587 : vector<16xf32>
      %select_n3A_597 = arith.select %gt3A_595, %select_n3A_588, %select_n3A_585 : vector<16xi1>, vector<16xi32>
      %gt3A_598 = arith.cmpf ogt, %max3A_593, %max3A_590 : vector<16xf32>
      %max3A_599 = arith.maximumf %max3A_590, %max3A_593 : vector<16xf32>
      %select_n3A_600 = arith.select %gt3A_598, %select_n3A_594, %select_n3A_591 : vector<16xi1>, vector<16xi32>
      %gt3A_601 = arith.cmpf ogt, %max3A_599, %max3A_596 : vector<16xf32>
      %max3A_602 = arith.maximumf %max3A_596, %max3A_599 : vector<16xf32>
      %select_n3A_603 = arith.select %gt3A_601, %select_n3A_600, %select_n3A_597 : vector<16xi1>, vector<16xi32>
      %add3A_604 = arith.constant 24576 : i32
      %add3A_605 = arith.addi %add3A_604, %add3A_176 : i32
      %get3A_606 = arith.index_cast %add3A_605 : i32 to index
      %get3A_607 = tpu.vector_load %arg5[%get3A_606] {strides = array<i32>} : memref<32768xf32, #tpu.memory_space<vmem>>, vector<16xf32>,
      %add3A_608 = arith.constant 24704 : i32
      %add3A_609 = arith.addi %add3A_608, %add3A_176 : i32
      %get3A_610 = arith.index_cast %add3A_609 : i32 to index
      %get3A_611 = tpu.vector_load %arg5[%get3A_610] {strides = array<i32>} : memref<32768xf32, #tpu.memory_space<vmem>>, vector<16xf32>,
      %add3A_612 = arith.constant 24832 : i32
      %add3A_613 = arith.addi %add3A_612, %add3A_176 : i32
      %get3A_614 = arith.index_cast %add3A_613 : i32 to index
      %get3A_615 = tpu.vector_load %arg5[%get3A_614] {strides = array<i32>} : memref<32768xf32, #tpu.memory_space<vmem>>, vector<16xf32>,
      %add3A_616 = arith.constant 24960 : i32
      %add3A_617 = arith.addi %add3A_616, %add3A_176 : i32
      %get3A_618 = arith.index_cast %add3A_617 : i32 to index
      %get3A_619 = tpu.vector_load %arg5[%get3A_618] {strides = array<i32>} : memref<32768xf32, #tpu.memory_space<vmem>>, vector<16xf32>,
      %add3A_620 = arith.constant 25088 : i32
      %add3A_621 = arith.addi %add3A_620, %add3A_176 : i32
      %get3A_622 = arith.index_cast %add3A_621 : i32 to index
      %get3A_623 = tpu.vector_load %arg5[%get3A_622] {strides = array<i32>} : memref<32768xf32, #tpu.memory_space<vmem>>, vector<16xf32>,
      %add3A_624 = arith.constant 25216 : i32
      %add3A_625 = arith.addi %add3A_624, %add3A_176 : i32
      %get3A_626 = arith.index_cast %add3A_625 : i32 to index
      %get3A_627 = tpu.vector_load %arg5[%get3A_626] {strides = array<i32>} : memref<32768xf32, #tpu.memory_space<vmem>>, vector<16xf32>,
      %add3A_628 = arith.constant 25344 : i32
      %add3A_629 = arith.addi %add3A_628, %add3A_176 : i32
      %get3A_630 = arith.index_cast %add3A_629 : i32 to index
      %get3A_631 = tpu.vector_load %arg5[%get3A_630] {strides = array<i32>} : memref<32768xf32, #tpu.memory_space<vmem>>, vector<16xf32>,
      %add3A_632 = arith.constant 25472 : i32
      %add3A_633 = arith.addi %add3A_632, %add3A_176 : i32
      %get3A_634 = arith.index_cast %add3A_633 : i32 to index
      %get3A_635 = tpu.vector_load %arg5[%get3A_634] {strides = array<i32>} : memref<32768xf32, #tpu.memory_space<vmem>>, vector<16xf32>,
      %broadcast_in_dim3A_636 = arith.constant 48 : i32
      %broadcast_in_dim3A_637 = vector.broadcast %broadcast_in_dim3A_636 : i32 to vector<16xi32>
      %broadcast_in_dim3A_638 = arith.constant 49 : i32
      %broadcast_in_dim3A_639 = vector.broadcast %broadcast_in_dim3A_638 : i32 to vector<16xi32>
      %broadcast_in_dim3A_640 = arith.constant 50 : i32
      %broadcast_in_dim3A_641 = vector.broadcast %broadcast_in_dim3A_640 : i32 to vector<16xi32>
      %broadcast_in_dim3A_642 = arith.constant 51 : i32
      %broadcast_in_dim3A_643 = vector.broadcast %broadcast_in_dim3A_642 : i32 to vector<16xi32>
      %broadcast_in_dim3A_644 = arith.constant 52 : i32
      %broadcast_in_dim3A_645 = vector.broadcast %broadcast_in_dim3A_644 : i32 to vector<16xi32>
      %broadcast_in_dim3A_646 = arith.constant 53 : i32
      %broadcast_in_dim3A_647 = vector.broadcast %broadcast_in_dim3A_646 : i32 to vector<16xi32>
      %broadcast_in_dim3A_648 = arith.constant 54 : i32
      %broadcast_in_dim3A_649 = vector.broadcast %broadcast_in_dim3A_648 : i32 to vector<16xi32>
      %broadcast_in_dim3A_650 = arith.constant 55 : i32
      %broadcast_in_dim3A_651 = vector.broadcast %broadcast_in_dim3A_650 : i32 to vector<16xi32>
      %gt3A_652 = arith.cmpf ogt, %get3A_611, %get3A_607 : vector<16xf32>
      %max3A_653 = arith.maximumf %get3A_607, %get3A_611 : vector<16xf32>
      %select_n3A_654 = arith.select %gt3A_652, %broadcast_in_dim3A_639, %broadcast_in_dim3A_637 : vector<16xi1>, vector<16xi32>
      %gt3A_655 = arith.cmpf ogt, %get3A_619, %get3A_615 : vector<16xf32>
      %max3A_656 = arith.maximumf %get3A_615, %get3A_619 : vector<16xf32>
      %select_n3A_657 = arith.select %gt3A_655, %broadcast_in_dim3A_643, %broadcast_in_dim3A_641 : vector<16xi1>, vector<16xi32>
      %gt3A_658 = arith.cmpf ogt, %get3A_627, %get3A_623 : vector<16xf32>
      %max3A_659 = arith.maximumf %get3A_623, %get3A_627 : vector<16xf32>
      %select_n3A_660 = arith.select %gt3A_658, %broadcast_in_dim3A_647, %broadcast_in_dim3A_645 : vector<16xi1>, vector<16xi32>
      %gt3A_661 = arith.cmpf ogt, %get3A_635, %get3A_631 : vector<16xf32>
      %max3A_662 = arith.maximumf %get3A_631, %get3A_635 : vector<16xf32>
      %select_n3A_663 = arith.select %gt3A_661, %broadcast_in_dim3A_651, %broadcast_in_dim3A_649 : vector<16xi1>, vector<16xi32>
      %gt3A_664 = arith.cmpf ogt, %max3A_656, %max3A_653 : vector<16xf32>
      %max3A_665 = arith.maximumf %max3A_653, %max3A_656 : vector<16xf32>
      %select_n3A_666 = arith.select %gt3A_664, %select_n3A_657, %select_n3A_654 : vector<16xi1>, vector<16xi32>
      %gt3A_667 = arith.cmpf ogt, %max3A_662, %max3A_659 : vector<16xf32>
      %max3A_668 = arith.maximumf %max3A_659, %max3A_662 : vector<16xf32>
      %select_n3A_669 = arith.select %gt3A_667, %select_n3A_663, %select_n3A_660 : vector<16xi1>, vector<16xi32>
      %gt3A_670 = arith.cmpf ogt, %max3A_668, %max3A_665 : vector<16xf32>
      %max3A_671 = arith.maximumf %max3A_665, %max3A_668 : vector<16xf32>
      %select_n3A_672 = arith.select %gt3A_670, %select_n3A_669, %select_n3A_666 : vector<16xi1>, vector<16xi32>
      %add3A_673 = arith.constant 28672 : i32
      %add3A_674 = arith.addi %add3A_673, %add3A_176 : i32
      %get3A_675 = arith.index_cast %add3A_674 : i32 to index
      %get3A_676 = tpu.vector_load %arg5[%get3A_675] {strides = array<i32>} : memref<32768xf32, #tpu.memory_space<vmem>>, vector<16xf32>,
      %add3A_677 = arith.constant 28800 : i32
      %add3A_678 = arith.addi %add3A_677, %add3A_176 : i32
      %get3A_679 = arith.index_cast %add3A_678 : i32 to index
      %get3A_680 = tpu.vector_load %arg5[%get3A_679] {strides = array<i32>} : memref<32768xf32, #tpu.memory_space<vmem>>, vector<16xf32>,
      %add3A_681 = arith.constant 28928 : i32
      %add3A_682 = arith.addi %add3A_681, %add3A_176 : i32
      %get3A_683 = arith.index_cast %add3A_682 : i32 to index
      %get3A_684 = tpu.vector_load %arg5[%get3A_683] {strides = array<i32>} : memref<32768xf32, #tpu.memory_space<vmem>>, vector<16xf32>,
      %add3A_685 = arith.constant 29056 : i32
      %add3A_686 = arith.addi %add3A_685, %add3A_176 : i32
      %get3A_687 = arith.index_cast %add3A_686 : i32 to index
      %get3A_688 = tpu.vector_load %arg5[%get3A_687] {strides = array<i32>} : memref<32768xf32, #tpu.memory_space<vmem>>, vector<16xf32>,
      %add3A_689 = arith.constant 29184 : i32
      %add3A_690 = arith.addi %add3A_689, %add3A_176 : i32
      %get3A_691 = arith.index_cast %add3A_690 : i32 to index
      %get3A_692 = tpu.vector_load %arg5[%get3A_691] {strides = array<i32>} : memref<32768xf32, #tpu.memory_space<vmem>>, vector<16xf32>,
      %add3A_693 = arith.constant 29312 : i32
      %add3A_694 = arith.addi %add3A_693, %add3A_176 : i32
      %get3A_695 = arith.index_cast %add3A_694 : i32 to index
      %get3A_696 = tpu.vector_load %arg5[%get3A_695] {strides = array<i32>} : memref<32768xf32, #tpu.memory_space<vmem>>, vector<16xf32>,
      %add3A_697 = arith.constant 29440 : i32
      %add3A_698 = arith.addi %add3A_697, %add3A_176 : i32
      %get3A_699 = arith.index_cast %add3A_698 : i32 to index
      %get3A_700 = tpu.vector_load %arg5[%get3A_699] {strides = array<i32>} : memref<32768xf32, #tpu.memory_space<vmem>>, vector<16xf32>,
      %add3A_701 = arith.constant 29568 : i32
      %add3A_702 = arith.addi %add3A_701, %add3A_176 : i32
      %get3A_703 = arith.index_cast %add3A_702 : i32 to index
      %get3A_704 = tpu.vector_load %arg5[%get3A_703] {strides = array<i32>} : memref<32768xf32, #tpu.memory_space<vmem>>, vector<16xf32>,
      %broadcast_in_dim3A_705 = arith.constant 56 : i32
      %broadcast_in_dim3A_706 = vector.broadcast %broadcast_in_dim3A_705 : i32 to vector<16xi32>
      %broadcast_in_dim3A_707 = arith.constant 57 : i32
      %broadcast_in_dim3A_708 = vector.broadcast %broadcast_in_dim3A_707 : i32 to vector<16xi32>
      %broadcast_in_dim3A_709 = arith.constant 58 : i32
      %broadcast_in_dim3A_710 = vector.broadcast %broadcast_in_dim3A_709 : i32 to vector<16xi32>
      %broadcast_in_dim3A_711 = arith.constant 59 : i32
      %broadcast_in_dim3A_712 = vector.broadcast %broadcast_in_dim3A_711 : i32 to vector<16xi32>
      %broadcast_in_dim3A_713 = arith.constant 60 : i32
      %broadcast_in_dim3A_714 = vector.broadcast %broadcast_in_dim3A_713 : i32 to vector<16xi32>
      %broadcast_in_dim3A_715 = arith.constant 61 : i32
      %broadcast_in_dim3A_716 = vector.broadcast %broadcast_in_dim3A_715 : i32 to vector<16xi32>
      %broadcast_in_dim3A_717 = arith.constant 62 : i32
      %broadcast_in_dim3A_718 = vector.broadcast %broadcast_in_dim3A_717 : i32 to vector<16xi32>
      %broadcast_in_dim3A_719 = arith.constant 63 : i32
      %broadcast_in_dim3A_720 = vector.broadcast %broadcast_in_dim3A_719 : i32 to vector<16xi32>
      %gt3A_721 = arith.cmpf ogt, %get3A_680, %get3A_676 : vector<16xf32>
      %max3A_722 = arith.maximumf %get3A_676, %get3A_680 : vector<16xf32>
      %select_n3A_723 = arith.select %gt3A_721, %broadcast_in_dim3A_708, %broadcast_in_dim3A_706 : vector<16xi1>, vector<16xi32>
      %gt3A_724 = arith.cmpf ogt, %get3A_688, %get3A_684 : vector<16xf32>
      %max3A_725 = arith.maximumf %get3A_684, %get3A_688 : vector<16xf32>
      %select_n3A_726 = arith.select %gt3A_724, %broadcast_in_dim3A_712, %broadcast_in_dim3A_710 : vector<16xi1>, vector<16xi32>
      %gt3A_727 = arith.cmpf ogt, %get3A_696, %get3A_692 : vector<16xf32>
      %max3A_728 = arith.maximumf %get3A_692, %get3A_696 : vector<16xf32>
      %select_n3A_729 = arith.select %gt3A_727, %broadcast_in_dim3A_716, %broadcast_in_dim3A_714 : vector<16xi1>, vector<16xi32>
      %gt3A_730 = arith.cmpf ogt, %get3A_704, %get3A_700 : vector<16xf32>
      %max3A_731 = arith.maximumf %get3A_700, %get3A_704 : vector<16xf32>
      %select_n3A_732 = arith.select %gt3A_730, %broadcast_in_dim3A_720, %broadcast_in_dim3A_718 : vector<16xi1>, vector<16xi32>
      %gt3A_733 = arith.cmpf ogt, %max3A_725, %max3A_722 : vector<16xf32>
      %max3A_734 = arith.maximumf %max3A_722, %max3A_725 : vector<16xf32>
      %select_n3A_735 = arith.select %gt3A_733, %select_n3A_726, %select_n3A_723 : vector<16xi1>, vector<16xi32>
      %gt3A_736 = arith.cmpf ogt, %max3A_731, %max3A_728 : vector<16xf32>
      %max3A_737 = arith.maximumf %max3A_728, %max3A_731 : vector<16xf32>
      %select_n3A_738 = arith.select %gt3A_736, %select_n3A_732, %select_n3A_729 : vector<16xi1>, vector<16xi32>
      %gt3A_739 = arith.cmpf ogt, %max3A_737, %max3A_734 : vector<16xf32>
      %max3A_740 = arith.maximumf %max3A_734, %max3A_737 : vector<16xf32>
      %select_n3A_741 = arith.select %gt3A_739, %select_n3A_738, %select_n3A_735 : vector<16xi1>, vector<16xi32>
      %add3A_742 = arith.constant 0 : i32
      %add3A_743 = arith.addi %add3A_742, %add3A_191 : i32
      %get3A_744 = arith.index_cast %add3A_743 : i32 to index
      %get3A_745 = tpu.vector_load %arg5[%get3A_744] {strides = array<i32>} : memref<32768xf32, #tpu.memory_space<vmem>>, vector<16xf32>,
      %add3A_746 = arith.constant 128 : i32
      %add3A_747 = arith.addi %add3A_746, %add3A_191 : i32
      %get3A_748 = arith.index_cast %add3A_747 : i32 to index
      %get3A_749 = tpu.vector_load %arg5[%get3A_748] {strides = array<i32>} : memref<32768xf32, #tpu.memory_space<vmem>>, vector<16xf32>,
      %add3A_750 = arith.constant 256 : i32
      %add3A_751 = arith.addi %add3A_750, %add3A_191 : i32
      %get3A_752 = arith.index_cast %add3A_751 : i32 to index
      %get3A_753 = tpu.vector_load %arg5[%get3A_752] {strides = array<i32>} : memref<32768xf32, #tpu.memory_space<vmem>>, vector<16xf32>,
      %add3A_754 = arith.constant 384 : i32
      %add3A_755 = arith.addi %add3A_754, %add3A_191 : i32
      %get3A_756 = arith.index_cast %add3A_755 : i32 to index
      %get3A_757 = tpu.vector_load %arg5[%get3A_756] {strides = array<i32>} : memref<32768xf32, #tpu.memory_space<vmem>>, vector<16xf32>,
      %add3A_758 = arith.constant 512 : i32
      %add3A_759 = arith.addi %add3A_758, %add3A_191 : i32
      %get3A_760 = arith.index_cast %add3A_759 : i32 to index
      %get3A_761 = tpu.vector_load %arg5[%get3A_760] {strides = array<i32>} : memref<32768xf32, #tpu.memory_space<vmem>>, vector<16xf32>,
      %add3A_762 = arith.constant 640 : i32
      %add3A_763 = arith.addi %add3A_762, %add3A_191 : i32
      %get3A_764 = arith.index_cast %add3A_763 : i32 to index
      %get3A_765 = tpu.vector_load %arg5[%get3A_764] {strides = array<i32>} : memref<32768xf32, #tpu.memory_space<vmem>>, vector<16xf32>,
      %add3A_766 = arith.constant 768 : i32
      %add3A_767 = arith.addi %add3A_766, %add3A_191 : i32
      %get3A_768 = arith.index_cast %add3A_767 : i32 to index
      %get3A_769 = tpu.vector_load %arg5[%get3A_768] {strides = array<i32>} : memref<32768xf32, #tpu.memory_space<vmem>>, vector<16xf32>,
      %add3A_770 = arith.constant 896 : i32
      %add3A_771 = arith.addi %add3A_770, %add3A_191 : i32
      %get3A_772 = arith.index_cast %add3A_771 : i32 to index
      %get3A_773 = tpu.vector_load %arg5[%get3A_772] {strides = array<i32>} : memref<32768xf32, #tpu.memory_space<vmem>>, vector<16xf32>,
      %broadcast_in_dim3A_774 = arith.constant 0 : i32
      %broadcast_in_dim3A_775 = vector.broadcast %broadcast_in_dim3A_774 : i32 to vector<16xi32>
      %broadcast_in_dim3A_776 = arith.constant 1 : i32
      %broadcast_in_dim3A_777 = vector.broadcast %broadcast_in_dim3A_776 : i32 to vector<16xi32>
      %broadcast_in_dim3A_778 = arith.constant 2 : i32
      %broadcast_in_dim3A_779 = vector.broadcast %broadcast_in_dim3A_778 : i32 to vector<16xi32>
      %broadcast_in_dim3A_780 = arith.constant 3 : i32
      %broadcast_in_dim3A_781 = vector.broadcast %broadcast_in_dim3A_780 : i32 to vector<16xi32>
      %broadcast_in_dim3A_782 = arith.constant 4 : i32
      %broadcast_in_dim3A_783 = vector.broadcast %broadcast_in_dim3A_782 : i32 to vector<16xi32>
      %broadcast_in_dim3A_784 = arith.constant 5 : i32
      %broadcast_in_dim3A_785 = vector.broadcast %broadcast_in_dim3A_784 : i32 to vector<16xi32>
      %broadcast_in_dim3A_786 = arith.constant 6 : i32
      %broadcast_in_dim3A_787 = vector.broadcast %broadcast_in_dim3A_786 : i32 to vector<16xi32>
      %broadcast_in_dim3A_788 = arith.constant 7 : i32
      %broadcast_in_dim3A_789 = vector.broadcast %broadcast_in_dim3A_788 : i32 to vector<16xi32>
      %gt3A_790 = arith.cmpf ogt, %get3A_749, %get3A_745 : vector<16xf32>
      %max3A_791 = arith.maximumf %get3A_745, %get3A_749 : vector<16xf32>
      %select_n3A_792 = arith.select %gt3A_790, %broadcast_in_dim3A_777, %broadcast_in_dim3A_775 : vector<16xi1>, vector<16xi32>
      %gt3A_793 = arith.cmpf ogt, %get3A_757, %get3A_753 : vector<16xf32>
      %max3A_794 = arith.maximumf %get3A_753, %get3A_757 : vector<16xf32>
      %select_n3A_795 = arith.select %gt3A_793, %broadcast_in_dim3A_781, %broadcast_in_dim3A_779 : vector<16xi1>, vector<16xi32>
      %gt3A_796 = arith.cmpf ogt, %get3A_765, %get3A_761 : vector<16xf32>
      %max3A_797 = arith.maximumf %get3A_761, %get3A_765 : vector<16xf32>
      %select_n3A_798 = arith.select %gt3A_796, %broadcast_in_dim3A_785, %broadcast_in_dim3A_783 : vector<16xi1>, vector<16xi32>
      %gt3A_799 = arith.cmpf ogt, %get3A_773, %get3A_769 : vector<16xf32>
      %max3A_800 = arith.maximumf %get3A_769, %get3A_773 : vector<16xf32>
      %select_n3A_801 = arith.select %gt3A_799, %broadcast_in_dim3A_789, %broadcast_in_dim3A_787 : vector<16xi1>, vector<16xi32>
      %gt3A_802 = arith.cmpf ogt, %max3A_794, %max3A_791 : vector<16xf32>
      %max3A_803 = arith.maximumf %max3A_791, %max3A_794 : vector<16xf32>
      %select_n3A_804 = arith.select %gt3A_802, %select_n3A_795, %select_n3A_792 : vector<16xi1>, vector<16xi32>
      %gt3A_805 = arith.cmpf ogt, %max3A_800, %max3A_797 : vector<16xf32>
      %max3A_806 = arith.maximumf %max3A_797, %max3A_800 : vector<16xf32>
      %select_n3A_807 = arith.select %gt3A_805, %select_n3A_801, %select_n3A_798 : vector<16xi1>, vector<16xi32>
      %gt3A_808 = arith.cmpf ogt, %max3A_806, %max3A_803 : vector<16xf32>
      %max3A_809 = arith.maximumf %max3A_803, %max3A_806 : vector<16xf32>
      %select_n3A_810 = arith.select %gt3A_808, %select_n3A_807, %select_n3A_804 : vector<16xi1>, vector<16xi32>
      %add3A_811 = arith.constant 4096 : i32
      %add3A_812 = arith.addi %add3A_811, %add3A_191 : i32
      %get3A_813 = arith.index_cast %add3A_812 : i32 to index
      %get3A_814 = tpu.vector_load %arg5[%get3A_813] {strides = array<i32>} : memref<32768xf32, #tpu.memory_space<vmem>>, vector<16xf32>,
      %add3A_815 = arith.constant 4224 : i32
      %add3A_816 = arith.addi %add3A_815, %add3A_191 : i32
      %get3A_817 = arith.index_cast %add3A_816 : i32 to index
      %get3A_818 = tpu.vector_load %arg5[%get3A_817] {strides = array<i32>} : memref<32768xf32, #tpu.memory_space<vmem>>, vector<16xf32>,
      %add3A_819 = arith.constant 4352 : i32
      %add3A_820 = arith.addi %add3A_819, %add3A_191 : i32
      %get3A_821 = arith.index_cast %add3A_820 : i32 to index
      %get3A_822 = tpu.vector_load %arg5[%get3A_821] {strides = array<i32>} : memref<32768xf32, #tpu.memory_space<vmem>>, vector<16xf32>,
      %add3A_823 = arith.constant 4480 : i32
      %add3A_824 = arith.addi %add3A_823, %add3A_191 : i32
      %get3A_825 = arith.index_cast %add3A_824 : i32 to index
      %get3A_826 = tpu.vector_load %arg5[%get3A_825] {strides = array<i32>} : memref<32768xf32, #tpu.memory_space<vmem>>, vector<16xf32>,
      %add3A_827 = arith.constant 4608 : i32
      %add3A_828 = arith.addi %add3A_827, %add3A_191 : i32
      %get3A_829 = arith.index_cast %add3A_828 : i32 to index
      %get3A_830 = tpu.vector_load %arg5[%get3A_829] {strides = array<i32>} : memref<32768xf32, #tpu.memory_space<vmem>>, vector<16xf32>,
      %add3A_831 = arith.constant 4736 : i32
      %add3A_832 = arith.addi %add3A_831, %add3A_191 : i32
      %get3A_833 = arith.index_cast %add3A_832 : i32 to index
      %get3A_834 = tpu.vector_load %arg5[%get3A_833] {strides = array<i32>} : memref<32768xf32, #tpu.memory_space<vmem>>, vector<16xf32>,
      %add3A_835 = arith.constant 4864 : i32
      %add3A_836 = arith.addi %add3A_835, %add3A_191 : i32
      %get3A_837 = arith.index_cast %add3A_836 : i32 to index
      %get3A_838 = tpu.vector_load %arg5[%get3A_837] {strides = array<i32>} : memref<32768xf32, #tpu.memory_space<vmem>>, vector<16xf32>,
      %add3A_839 = arith.constant 4992 : i32
      %add3A_840 = arith.addi %add3A_839, %add3A_191 : i32
      %get3A_841 = arith.index_cast %add3A_840 : i32 to index
      %get3A_842 = tpu.vector_load %arg5[%get3A_841] {strides = array<i32>} : memref<32768xf32, #tpu.memory_space<vmem>>, vector<16xf32>,
      %broadcast_in_dim3A_843 = arith.constant 8 : i32
      %broadcast_in_dim3A_844 = vector.broadcast %broadcast_in_dim3A_843 : i32 to vector<16xi32>
      %broadcast_in_dim3A_845 = arith.constant 9 : i32
      %broadcast_in_dim3A_846 = vector.broadcast %broadcast_in_dim3A_845 : i32 to vector<16xi32>
      %broadcast_in_dim3A_847 = arith.constant 10 : i32
      %broadcast_in_dim3A_848 = vector.broadcast %broadcast_in_dim3A_847 : i32 to vector<16xi32>
      %broadcast_in_dim3A_849 = arith.constant 11 : i32
      %broadcast_in_dim3A_850 = vector.broadcast %broadcast_in_dim3A_849 : i32 to vector<16xi32>
      %broadcast_in_dim3A_851 = arith.constant 12 : i32
      %broadcast_in_dim3A_852 = vector.broadcast %broadcast_in_dim3A_851 : i32 to vector<16xi32>
      %broadcast_in_dim3A_853 = arith.constant 13 : i32
      %broadcast_in_dim3A_854 = vector.broadcast %broadcast_in_dim3A_853 : i32 to vector<16xi32>
      %broadcast_in_dim3A_855 = arith.constant 14 : i32
      %broadcast_in_dim3A_856 = vector.broadcast %broadcast_in_dim3A_855 : i32 to vector<16xi32>
      %broadcast_in_dim3A_857 = arith.constant 15 : i32
      %broadcast_in_dim3A_858 = vector.broadcast %broadcast_in_dim3A_857 : i32 to vector<16xi32>
      %gt3A_859 = arith.cmpf ogt, %get3A_818, %get3A_814 : vector<16xf32>
      %max3A_860 = arith.maximumf %get3A_814, %get3A_818 : vector<16xf32>
      %select_n3A_861 = arith.select %gt3A_859, %broadcast_in_dim3A_846, %broadcast_in_dim3A_844 : vector<16xi1>, vector<16xi32>
      %gt3A_862 = arith.cmpf ogt, %get3A_826, %get3A_822 : vector<16xf32>
      %max3A_863 = arith.maximumf %get3A_822, %get3A_826 : vector<16xf32>
      %select_n3A_864 = arith.select %gt3A_862, %broadcast_in_dim3A_850, %broadcast_in_dim3A_848 : vector<16xi1>, vector<16xi32>
      %gt3A_865 = arith.cmpf ogt, %get3A_834, %get3A_830 : vector<16xf32>
      %max3A_866 = arith.maximumf %get3A_830, %get3A_834 : vector<16xf32>
      %select_n3A_867 = arith.select %gt3A_865, %broadcast_in_dim3A_854, %broadcast_in_dim3A_852 : vector<16xi1>, vector<16xi32>
      %gt3A_868 = arith.cmpf ogt, %get3A_842, %get3A_838 : vector<16xf32>
      %max3A_869 = arith.maximumf %get3A_838, %get3A_842 : vector<16xf32>
      %select_n3A_870 = arith.select %gt3A_868, %broadcast_in_dim3A_858, %broadcast_in_dim3A_856 : vector<16xi1>, vector<16xi32>
      %gt3A_871 = arith.cmpf ogt, %max3A_863, %max3A_860 : vector<16xf32>
      %max3A_872 = arith.maximumf %max3A_860, %max3A_863 : vector<16xf32>
      %select_n3A_873 = arith.select %gt3A_871, %select_n3A_864, %select_n3A_861 : vector<16xi1>, vector<16xi32>
      %gt3A_874 = arith.cmpf ogt, %max3A_869, %max3A_866 : vector<16xf32>
      %max3A_875 = arith.maximumf %max3A_866, %max3A_869 : vector<16xf32>
      %select_n3A_876 = arith.select %gt3A_874, %select_n3A_870, %select_n3A_867 : vector<16xi1>, vector<16xi32>
      %gt3A_877 = arith.cmpf ogt, %max3A_875, %max3A_872 : vector<16xf32>
      %max3A_878 = arith.maximumf %max3A_872, %max3A_875 : vector<16xf32>
      %select_n3A_879 = arith.select %gt3A_877, %select_n3A_876, %select_n3A_873 : vector<16xi1>, vector<16xi32>
      %add3A_880 = arith.constant 8192 : i32
      %add3A_881 = arith.addi %add3A_880, %add3A_191 : i32
      %get3A_882 = arith.index_cast %add3A_881 : i32 to index
      %get3A_883 = tpu.vector_load %arg5[%get3A_882] {strides = array<i32>} : memref<32768xf32, #tpu.memory_space<vmem>>, vector<16xf32>,
      %add3A_884 = arith.constant 8320 : i32
      %add3A_885 = arith.addi %add3A_884, %add3A_191 : i32
      %get3A_886 = arith.index_cast %add3A_885 : i32 to index
      %get3A_887 = tpu.vector_load %arg5[%get3A_886] {strides = array<i32>} : memref<32768xf32, #tpu.memory_space<vmem>>, vector<16xf32>,
      %add3A_888 = arith.constant 8448 : i32
      %add3A_889 = arith.addi %add3A_888, %add3A_191 : i32
      %get3A_890 = arith.index_cast %add3A_889 : i32 to index
      %get3A_891 = tpu.vector_load %arg5[%get3A_890] {strides = array<i32>} : memref<32768xf32, #tpu.memory_space<vmem>>, vector<16xf32>,
      %add3A_892 = arith.constant 8576 : i32
      %add3A_893 = arith.addi %add3A_892, %add3A_191 : i32
      %get3A_894 = arith.index_cast %add3A_893 : i32 to index
      %get3A_895 = tpu.vector_load %arg5[%get3A_894] {strides = array<i32>} : memref<32768xf32, #tpu.memory_space<vmem>>, vector<16xf32>,
      %add3A_896 = arith.constant 8704 : i32
      %add3A_897 = arith.addi %add3A_896, %add3A_191 : i32
      %get3A_898 = arith.index_cast %add3A_897 : i32 to index
      %get3A_899 = tpu.vector_load %arg5[%get3A_898] {strides = array<i32>} : memref<32768xf32, #tpu.memory_space<vmem>>, vector<16xf32>,
      %add3A_900 = arith.constant 8832 : i32
      %add3A_901 = arith.addi %add3A_900, %add3A_191 : i32
      %get3A_902 = arith.index_cast %add3A_901 : i32 to index
      %get3A_903 = tpu.vector_load %arg5[%get3A_902] {strides = array<i32>} : memref<32768xf32, #tpu.memory_space<vmem>>, vector<16xf32>,
      %add3A_904 = arith.constant 8960 : i32
      %add3A_905 = arith.addi %add3A_904, %add3A_191 : i32
      %get3A_906 = arith.index_cast %add3A_905 : i32 to index
      %get3A_907 = tpu.vector_load %arg5[%get3A_906] {strides = array<i32>} : memref<32768xf32, #tpu.memory_space<vmem>>, vector<16xf32>,
      %add3A_908 = arith.constant 9088 : i32
      %add3A_909 = arith.addi %add3A_908, %add3A_191 : i32
      %get3A_910 = arith.index_cast %add3A_909 : i32 to index
      %get3A_911 = tpu.vector_load %arg5[%get3A_910] {strides = array<i32>} : memref<32768xf32, #tpu.memory_space<vmem>>, vector<16xf32>,
      %broadcast_in_dim3A_912 = arith.constant 16 : i32
      %broadcast_in_dim3A_913 = vector.broadcast %broadcast_in_dim3A_912 : i32 to vector<16xi32>
      %broadcast_in_dim3A_914 = arith.constant 17 : i32
      %broadcast_in_dim3A_915 = vector.broadcast %broadcast_in_dim3A_914 : i32 to vector<16xi32>
      %broadcast_in_dim3A_916 = arith.constant 18 : i32
      %broadcast_in_dim3A_917 = vector.broadcast %broadcast_in_dim3A_916 : i32 to vector<16xi32>
      %broadcast_in_dim3A_918 = arith.constant 19 : i32
      %broadcast_in_dim3A_919 = vector.broadcast %broadcast_in_dim3A_918 : i32 to vector<16xi32>
      %broadcast_in_dim3A_920 = arith.constant 20 : i32
      %broadcast_in_dim3A_921 = vector.broadcast %broadcast_in_dim3A_920 : i32 to vector<16xi32>
      %broadcast_in_dim3A_922 = arith.constant 21 : i32
      %broadcast_in_dim3A_923 = vector.broadcast %broadcast_in_dim3A_922 : i32 to vector<16xi32>
      %broadcast_in_dim3A_924 = arith.constant 22 : i32
      %broadcast_in_dim3A_925 = vector.broadcast %broadcast_in_dim3A_924 : i32 to vector<16xi32>
      %broadcast_in_dim3A_926 = arith.constant 23 : i32
      %broadcast_in_dim3A_927 = vector.broadcast %broadcast_in_dim3A_926 : i32 to vector<16xi32>
      %gt3A_928 = arith.cmpf ogt, %get3A_887, %get3A_883 : vector<16xf32>
      %max3A_929 = arith.maximumf %get3A_883, %get3A_887 : vector<16xf32>
      %select_n3A_930 = arith.select %gt3A_928, %broadcast_in_dim3A_915, %broadcast_in_dim3A_913 : vector<16xi1>, vector<16xi32>
      %gt3A_931 = arith.cmpf ogt, %get3A_895, %get3A_891 : vector<16xf32>
      %max3A_932 = arith.maximumf %get3A_891, %get3A_895 : vector<16xf32>
      %select_n3A_933 = arith.select %gt3A_931, %broadcast_in_dim3A_919, %broadcast_in_dim3A_917 : vector<16xi1>, vector<16xi32>
      %gt3A_934 = arith.cmpf ogt, %get3A_903, %get3A_899 : vector<16xf32>
      %max3A_935 = arith.maximumf %get3A_899, %get3A_903 : vector<16xf32>
      %select_n3A_936 = arith.select %gt3A_934, %broadcast_in_dim3A_923, %broadcast_in_dim3A_921 : vector<16xi1>, vector<16xi32>
      %gt3A_937 = arith.cmpf ogt, %get3A_911, %get3A_907 : vector<16xf32>
      %max3A_938 = arith.maximumf %get3A_907, %get3A_911 : vector<16xf32>
      %select_n3A_939 = arith.select %gt3A_937, %broadcast_in_dim3A_927, %broadcast_in_dim3A_925 : vector<16xi1>, vector<16xi32>
      %gt3A_940 = arith.cmpf ogt, %max3A_932, %max3A_929 : vector<16xf32>
      %max3A_941 = arith.maximumf %max3A_929, %max3A_932 : vector<16xf32>
      %select_n3A_942 = arith.select %gt3A_940, %select_n3A_933, %select_n3A_930 : vector<16xi1>, vector<16xi32>
      %gt3A_943 = arith.cmpf ogt, %max3A_938, %max3A_935 : vector<16xf32>
      %max3A_944 = arith.maximumf %max3A_935, %max3A_938 : vector<16xf32>
      %select_n3A_945 = arith.select %gt3A_943, %select_n3A_939, %select_n3A_936 : vector<16xi1>, vector<16xi32>
      %gt3A_946 = arith.cmpf ogt, %max3A_944, %max3A_941 : vector<16xf32>
      %max3A_947 = arith.maximumf %max3A_941, %max3A_944 : vector<16xf32>
      %select_n3A_948 = arith.select %gt3A_946, %select_n3A_945, %select_n3A_942 : vector<16xi1>, vector<16xi32>
      %add3A_949 = arith.constant 12288 : i32
      %add3A_950 = arith.addi %add3A_949, %add3A_191 : i32
      %get3A_951 = arith.index_cast %add3A_950 : i32 to index
      %get3A_952 = tpu.vector_load %arg5[%get3A_951] {strides = array<i32>} : memref<32768xf32, #tpu.memory_space<vmem>>, vector<16xf32>,
      %add3A_953 = arith.constant 12416 : i32
      %add3A_954 = arith.addi %add3A_953, %add3A_191 : i32
      %get3A_955 = arith.index_cast %add3A_954 : i32 to index
      %get3A_956 = tpu.vector_load %arg5[%get3A_955] {strides = array<i32>} : memref<32768xf32, #tpu.memory_space<vmem>>, vector<16xf32>,
      %add3A_957 = arith.constant 12544 : i32
      %add3A_958 = arith.addi %add3A_957, %add3A_191 : i32
      %get3A_959 = arith.index_cast %add3A_958 : i32 to index
      %get3A_960 = tpu.vector_load %arg5[%get3A_959] {strides = array<i32>} : memref<32768xf32, #tpu.memory_space<vmem>>, vector<16xf32>,
      %add3A_961 = arith.constant 12672 : i32
      %add3A_962 = arith.addi %add3A_961, %add3A_191 : i32
      %get3A_963 = arith.index_cast %add3A_962 : i32 to index
      %get3A_964 = tpu.vector_load %arg5[%get3A_963] {strides = array<i32>} : memref<32768xf32, #tpu.memory_space<vmem>>, vector<16xf32>,
      %add3A_965 = arith.constant 12800 : i32
      %add3A_966 = arith.addi %add3A_965, %add3A_191 : i32
      %get3A_967 = arith.index_cast %add3A_966 : i32 to index
      %get3A_968 = tpu.vector_load %arg5[%get3A_967] {strides = array<i32>} : memref<32768xf32, #tpu.memory_space<vmem>>, vector<16xf32>,
      %add3A_969 = arith.constant 12928 : i32
      %add3A_970 = arith.addi %add3A_969, %add3A_191 : i32
      %get3A_971 = arith.index_cast %add3A_970 : i32 to index
      %get3A_972 = tpu.vector_load %arg5[%get3A_971] {strides = array<i32>} : memref<32768xf32, #tpu.memory_space<vmem>>, vector<16xf32>,
      %add3A_973 = arith.constant 13056 : i32
      %add3A_974 = arith.addi %add3A_973, %add3A_191 : i32
      %get3A_975 = arith.index_cast %add3A_974 : i32 to index
      %get3A_976 = tpu.vector_load %arg5[%get3A_975] {strides = array<i32>} : memref<32768xf32, #tpu.memory_space<vmem>>, vector<16xf32>,
      %add3A_977 = arith.constant 13184 : i32
      %add3A_978 = arith.addi %add3A_977, %add3A_191 : i32
      %get3A_979 = arith.index_cast %add3A_978 : i32 to index
      %get3A_980 = tpu.vector_load %arg5[%get3A_979] {strides = array<i32>} : memref<32768xf32, #tpu.memory_space<vmem>>, vector<16xf32>,
      %broadcast_in_dim3A_981 = arith.constant 24 : i32
      %broadcast_in_dim3A_982 = vector.broadcast %broadcast_in_dim3A_981 : i32 to vector<16xi32>
      %broadcast_in_dim3A_983 = arith.constant 25 : i32
      %broadcast_in_dim3A_984 = vector.broadcast %broadcast_in_dim3A_983 : i32 to vector<16xi32>
      %broadcast_in_dim3A_985 = arith.constant 26 : i32
      %broadcast_in_dim3A_986 = vector.broadcast %broadcast_in_dim3A_985 : i32 to vector<16xi32>
      %broadcast_in_dim3A_987 = arith.constant 27 : i32
      %broadcast_in_dim3A_988 = vector.broadcast %broadcast_in_dim3A_987 : i32 to vector<16xi32>
      %broadcast_in_dim3A_989 = arith.constant 28 : i32
      %broadcast_in_dim3A_990 = vector.broadcast %broadcast_in_dim3A_989 : i32 to vector<16xi32>
      %broadcast_in_dim3A_991 = arith.constant 29 : i32
      %broadcast_in_dim3A_992 = vector.broadcast %broadcast_in_dim3A_991 : i32 to vector<16xi32>
      %broadcast_in_dim3A_993 = arith.constant 30 : i32
      %broadcast_in_dim3A_994 = vector.broadcast %broadcast_in_dim3A_993 : i32 to vector<16xi32>
      %broadcast_in_dim3A_995 = arith.constant 31 : i32
      %broadcast_in_dim3A_996 = vector.broadcast %broadcast_in_dim3A_995 : i32 to vector<16xi32>
      %gt3A_997 = arith.cmpf ogt, %get3A_956, %get3A_952 : vector<16xf32>
      %max3A_998 = arith.maximumf %get3A_952, %get3A_956 : vector<16xf32>
      %select_n3A_999 = arith.select %gt3A_997, %broadcast_in_dim3A_984, %broadcast_in_dim3A_982 : vector<16xi1>, vector<16xi32>
      %gt3A_1000 = arith.cmpf ogt, %get3A_964, %get3A_960 : vector<16xf32>
      %max3A_1001 = arith.maximumf %get3A_960, %get3A_964 : vector<16xf32>
      %select_n3A_1002 = arith.select %gt3A_1000, %broadcast_in_dim3A_988, %broadcast_in_dim3A_986 : vector<16xi1>, vector<16xi32>
      %gt3A_1003 = arith.cmpf ogt, %get3A_972, %get3A_968 : vector<16xf32>
      %max3A_1004 = arith.maximumf %get3A_968, %get3A_972 : vector<16xf32>
      %select_n3A_1005 = arith.select %gt3A_1003, %broadcast_in_dim3A_992, %broadcast_in_dim3A_990 : vector<16xi1>, vector<16xi32>
      %gt3A_1006 = arith.cmpf ogt, %get3A_980, %get3A_976 : vector<16xf32>
      %max3A_1007 = arith.maximumf %get3A_976, %get3A_980 : vector<16xf32>
      %select_n3A_1008 = arith.select %gt3A_1006, %broadcast_in_dim3A_996, %broadcast_in_dim3A_994 : vector<16xi1>, vector<16xi32>
      %gt3A_1009 = arith.cmpf ogt, %max3A_1001, %max3A_998 : vector<16xf32>
      %max3A_1010 = arith.maximumf %max3A_998, %max3A_1001 : vector<16xf32>
      %select_n3A_1011 = arith.select %gt3A_1009, %select_n3A_1002, %select_n3A_999 : vector<16xi1>, vector<16xi32>
      %gt3A_1012 = arith.cmpf ogt, %max3A_1007, %max3A_1004 : vector<16xf32>
      %max3A_1013 = arith.maximumf %max3A_1004, %max3A_1007 : vector<16xf32>
      %select_n3A_1014 = arith.select %gt3A_1012, %select_n3A_1008, %select_n3A_1005 : vector<16xi1>, vector<16xi32>
      %gt3A_1015 = arith.cmpf ogt, %max3A_1013, %max3A_1010 : vector<16xf32>
      %max3A_1016 = arith.maximumf %max3A_1010, %max3A_1013 : vector<16xf32>
      %select_n3A_1017 = arith.select %gt3A_1015, %select_n3A_1014, %select_n3A_1011 : vector<16xi1>, vector<16xi32>
      %add3A_1018 = arith.constant 16384 : i32
      %add3A_1019 = arith.addi %add3A_1018, %add3A_191 : i32
      %get3A_1020 = arith.index_cast %add3A_1019 : i32 to index
      %get3A_1021 = tpu.vector_load %arg5[%get3A_1020] {strides = array<i32>} : memref<32768xf32, #tpu.memory_space<vmem>>, vector<16xf32>,
      %add3A_1022 = arith.constant 16512 : i32
      %add3A_1023 = arith.addi %add3A_1022, %add3A_191 : i32
      %get3A_1024 = arith.index_cast %add3A_1023 : i32 to index
      %get3A_1025 = tpu.vector_load %arg5[%get3A_1024] {strides = array<i32>} : memref<32768xf32, #tpu.memory_space<vmem>>, vector<16xf32>,
      %add3A_1026 = arith.constant 16640 : i32
      %add3A_1027 = arith.addi %add3A_1026, %add3A_191 : i32
      %get3A_1028 = arith.index_cast %add3A_1027 : i32 to index
      %get3A_1029 = tpu.vector_load %arg5[%get3A_1028] {strides = array<i32>} : memref<32768xf32, #tpu.memory_space<vmem>>, vector<16xf32>,
      %add3A_1030 = arith.constant 16768 : i32
      %add3A_1031 = arith.addi %add3A_1030, %add3A_191 : i32
      %get3A_1032 = arith.index_cast %add3A_1031 : i32 to index
      %get3A_1033 = tpu.vector_load %arg5[%get3A_1032] {strides = array<i32>} : memref<32768xf32, #tpu.memory_space<vmem>>, vector<16xf32>,
      %add3A_1034 = arith.constant 16896 : i32
      %add3A_1035 = arith.addi %add3A_1034, %add3A_191 : i32
      %get3A_1036 = arith.index_cast %add3A_1035 : i32 to index
      %get3A_1037 = tpu.vector_load %arg5[%get3A_1036] {strides = array<i32>} : memref<32768xf32, #tpu.memory_space<vmem>>, vector<16xf32>,
      %add3A_1038 = arith.constant 17024 : i32
      %add3A_1039 = arith.addi %add3A_1038, %add3A_191 : i32
      %get3A_1040 = arith.index_cast %add3A_1039 : i32 to index
      %get3A_1041 = tpu.vector_load %arg5[%get3A_1040] {strides = array<i32>} : memref<32768xf32, #tpu.memory_space<vmem>>, vector<16xf32>,
      %add3A_1042 = arith.constant 17152 : i32
      %add3A_1043 = arith.addi %add3A_1042, %add3A_191 : i32
      %get3A_1044 = arith.index_cast %add3A_1043 : i32 to index
      %get3A_1045 = tpu.vector_load %arg5[%get3A_1044] {strides = array<i32>} : memref<32768xf32, #tpu.memory_space<vmem>>, vector<16xf32>,
      %add3A_1046 = arith.constant 17280 : i32
      %add3A_1047 = arith.addi %add3A_1046, %add3A_191 : i32
      %get3A_1048 = arith.index_cast %add3A_1047 : i32 to index
      %get3A_1049 = tpu.vector_load %arg5[%get3A_1048] {strides = array<i32>} : memref<32768xf32, #tpu.memory_space<vmem>>, vector<16xf32>,
      %broadcast_in_dim3A_1050 = arith.constant 32 : i32
      %broadcast_in_dim3A_1051 = vector.broadcast %broadcast_in_dim3A_1050 : i32 to vector<16xi32>
      %broadcast_in_dim3A_1052 = arith.constant 33 : i32
      %broadcast_in_dim3A_1053 = vector.broadcast %broadcast_in_dim3A_1052 : i32 to vector<16xi32>
      %broadcast_in_dim3A_1054 = arith.constant 34 : i32
      %broadcast_in_dim3A_1055 = vector.broadcast %broadcast_in_dim3A_1054 : i32 to vector<16xi32>
      %broadcast_in_dim3A_1056 = arith.constant 35 : i32
      %broadcast_in_dim3A_1057 = vector.broadcast %broadcast_in_dim3A_1056 : i32 to vector<16xi32>
      %broadcast_in_dim3A_1058 = arith.constant 36 : i32
      %broadcast_in_dim3A_1059 = vector.broadcast %broadcast_in_dim3A_1058 : i32 to vector<16xi32>
      %broadcast_in_dim3A_1060 = arith.constant 37 : i32
      %broadcast_in_dim3A_1061 = vector.broadcast %broadcast_in_dim3A_1060 : i32 to vector<16xi32>
      %broadcast_in_dim3A_1062 = arith.constant 38 : i32
      %broadcast_in_dim3A_1063 = vector.broadcast %broadcast_in_dim3A_1062 : i32 to vector<16xi32>
      %broadcast_in_dim3A_1064 = arith.constant 39 : i32
      %broadcast_in_dim3A_1065 = vector.broadcast %broadcast_in_dim3A_1064 : i32 to vector<16xi32>
      %gt3A_1066 = arith.cmpf ogt, %get3A_1025, %get3A_1021 : vector<16xf32>
      %max3A_1067 = arith.maximumf %get3A_1021, %get3A_1025 : vector<16xf32>
      %select_n3A_1068 = arith.select %gt3A_1066, %broadcast_in_dim3A_1053, %broadcast_in_dim3A_1051 : vector<16xi1>, vector<16xi32>
      %gt3A_1069 = arith.cmpf ogt, %get3A_1033, %get3A_1029 : vector<16xf32>
      %max3A_1070 = arith.maximumf %get3A_1029, %get3A_1033 : vector<16xf32>
      %select_n3A_1071 = arith.select %gt3A_1069, %broadcast_in_dim3A_1057, %broadcast_in_dim3A_1055 : vector<16xi1>, vector<16xi32>
      %gt3A_1072 = arith.cmpf ogt, %get3A_1041, %get3A_1037 : vector<16xf32>
      %max3A_1073 = arith.maximumf %get3A_1037, %get3A_1041 : vector<16xf32>
      %select_n3A_1074 = arith.select %gt3A_1072, %broadcast_in_dim3A_1061, %broadcast_in_dim3A_1059 : vector<16xi1>, vector<16xi32>
      %gt3A_1075 = arith.cmpf ogt, %get3A_1049, %get3A_1045 : vector<16xf32>
      %max3A_1076 = arith.maximumf %get3A_1045, %get3A_1049 : vector<16xf32>
      %select_n3A_1077 = arith.select %gt3A_1075, %broadcast_in_dim3A_1065, %broadcast_in_dim3A_1063 : vector<16xi1>, vector<16xi32>
      %gt3A_1078 = arith.cmpf ogt, %max3A_1070, %max3A_1067 : vector<16xf32>
      %max3A_1079 = arith.maximumf %max3A_1067, %max3A_1070 : vector<16xf32>
      %select_n3A_1080 = arith.select %gt3A_1078, %select_n3A_1071, %select_n3A_1068 : vector<16xi1>, vector<16xi32>
      %gt3A_1081 = arith.cmpf ogt, %max3A_1076, %max3A_1073 : vector<16xf32>
      %max3A_1082 = arith.maximumf %max3A_1073, %max3A_1076 : vector<16xf32>
      %select_n3A_1083 = arith.select %gt3A_1081, %select_n3A_1077, %select_n3A_1074 : vector<16xi1>, vector<16xi32>
      %gt3A_1084 = arith.cmpf ogt, %max3A_1082, %max3A_1079 : vector<16xf32>
      %max3A_1085 = arith.maximumf %max3A_1079, %max3A_1082 : vector<16xf32>
      %select_n3A_1086 = arith.select %gt3A_1084, %select_n3A_1083, %select_n3A_1080 : vector<16xi1>, vector<16xi32>
      %add3A_1087 = arith.constant 20480 : i32
      %add3A_1088 = arith.addi %add3A_1087, %add3A_191 : i32
      %get3A_1089 = arith.index_cast %add3A_1088 : i32 to index
      %get3A_1090 = tpu.vector_load %arg5[%get3A_1089] {strides = array<i32>} : memref<32768xf32, #tpu.memory_space<vmem>>, vector<16xf32>,
      %add3A_1091 = arith.constant 20608 : i32
      %add3A_1092 = arith.addi %add3A_1091, %add3A_191 : i32
      %get3A_1093 = arith.index_cast %add3A_1092 : i32 to index
      %get3A_1094 = tpu.vector_load %arg5[%get3A_1093] {strides = array<i32>} : memref<32768xf32, #tpu.memory_space<vmem>>, vector<16xf32>,
      %add3A_1095 = arith.constant 20736 : i32
      %add3A_1096 = arith.addi %add3A_1095, %add3A_191 : i32
      %get3A_1097 = arith.index_cast %add3A_1096 : i32 to index
      %get3A_1098 = tpu.vector_load %arg5[%get3A_1097] {strides = array<i32>} : memref<32768xf32, #tpu.memory_space<vmem>>, vector<16xf32>,
      %add3A_1099 = arith.constant 20864 : i32
      %add3A_1100 = arith.addi %add3A_1099, %add3A_191 : i32
      %get3A_1101 = arith.index_cast %add3A_1100 : i32 to index
      %get3A_1102 = tpu.vector_load %arg5[%get3A_1101] {strides = array<i32>} : memref<32768xf32, #tpu.memory_space<vmem>>, vector<16xf32>,
      %add3A_1103 = arith.constant 20992 : i32
      %add3A_1104 = arith.addi %add3A_1103, %add3A_191 : i32
      %get3A_1105 = arith.index_cast %add3A_1104 : i32 to index
      %get3A_1106 = tpu.vector_load %arg5[%get3A_1105] {strides = array<i32>} : memref<32768xf32, #tpu.memory_space<vmem>>, vector<16xf32>,
      %add3A_1107 = arith.constant 21120 : i32
      %add3A_1108 = arith.addi %add3A_1107, %add3A_191 : i32
      %get3A_1109 = arith.index_cast %add3A_1108 : i32 to index
      %get3A_1110 = tpu.vector_load %arg5[%get3A_1109] {strides = array<i32>} : memref<32768xf32, #tpu.memory_space<vmem>>, vector<16xf32>,
      %add3A_1111 = arith.constant 21248 : i32
      %add3A_1112 = arith.addi %add3A_1111, %add3A_191 : i32
      %get3A_1113 = arith.index_cast %add3A_1112 : i32 to index
      %get3A_1114 = tpu.vector_load %arg5[%get3A_1113] {strides = array<i32>} : memref<32768xf32, #tpu.memory_space<vmem>>, vector<16xf32>,
      %add3A_1115 = arith.constant 21376 : i32
      %add3A_1116 = arith.addi %add3A_1115, %add3A_191 : i32
      %get3A_1117 = arith.index_cast %add3A_1116 : i32 to index
      %get3A_1118 = tpu.vector_load %arg5[%get3A_1117] {strides = array<i32>} : memref<32768xf32, #tpu.memory_space<vmem>>, vector<16xf32>,
      %broadcast_in_dim3A_1119 = arith.constant 40 : i32
      %broadcast_in_dim3A_1120 = vector.broadcast %broadcast_in_dim3A_1119 : i32 to vector<16xi32>
      %broadcast_in_dim3A_1121 = arith.constant 41 : i32
      %broadcast_in_dim3A_1122 = vector.broadcast %broadcast_in_dim3A_1121 : i32 to vector<16xi32>
      %broadcast_in_dim3A_1123 = arith.constant 42 : i32
      %broadcast_in_dim3A_1124 = vector.broadcast %broadcast_in_dim3A_1123 : i32 to vector<16xi32>
      %broadcast_in_dim3A_1125 = arith.constant 43 : i32
      %broadcast_in_dim3A_1126 = vector.broadcast %broadcast_in_dim3A_1125 : i32 to vector<16xi32>
      %broadcast_in_dim3A_1127 = arith.constant 44 : i32
      %broadcast_in_dim3A_1128 = vector.broadcast %broadcast_in_dim3A_1127 : i32 to vector<16xi32>
      %broadcast_in_dim3A_1129 = arith.constant 45 : i32
      %broadcast_in_dim3A_1130 = vector.broadcast %broadcast_in_dim3A_1129 : i32 to vector<16xi32>
      %broadcast_in_dim3A_1131 = arith.constant 46 : i32
      %broadcast_in_dim3A_1132 = vector.broadcast %broadcast_in_dim3A_1131 : i32 to vector<16xi32>
      %broadcast_in_dim3A_1133 = arith.constant 47 : i32
      %broadcast_in_dim3A_1134 = vector.broadcast %broadcast_in_dim3A_1133 : i32 to vector<16xi32>
      %gt3A_1135 = arith.cmpf ogt, %get3A_1094, %get3A_1090 : vector<16xf32>
      %max3A_1136 = arith.maximumf %get3A_1090, %get3A_1094 : vector<16xf32>
      %select_n3A_1137 = arith.select %gt3A_1135, %broadcast_in_dim3A_1122, %broadcast_in_dim3A_1120 : vector<16xi1>, vector<16xi32>
      %gt3A_1138 = arith.cmpf ogt, %get3A_1102, %get3A_1098 : vector<16xf32>
      %max3A_1139 = arith.maximumf %get3A_1098, %get3A_1102 : vector<16xf32>
      %select_n3A_1140 = arith.select %gt3A_1138, %broadcast_in_dim3A_1126, %broadcast_in_dim3A_1124 : vector<16xi1>, vector<16xi32>
      %gt3A_1141 = arith.cmpf ogt, %get3A_1110, %get3A_1106 : vector<16xf32>
      %max3A_1142 = arith.maximumf %get3A_1106, %get3A_1110 : vector<16xf32>
      %select_n3A_1143 = arith.select %gt3A_1141, %broadcast_in_dim3A_1130, %broadcast_in_dim3A_1128 : vector<16xi1>, vector<16xi32>
      %gt3A_1144 = arith.cmpf ogt, %get3A_1118, %get3A_1114 : vector<16xf32>
      %max3A_1145 = arith.maximumf %get3A_1114, %get3A_1118 : vector<16xf32>
      %select_n3A_1146 = arith.select %gt3A_1144, %broadcast_in_dim3A_1134, %broadcast_in_dim3A_1132 : vector<16xi1>, vector<16xi32>
      %gt3A_1147 = arith.cmpf ogt, %max3A_1139, %max3A_1136 : vector<16xf32>
      %max3A_1148 = arith.maximumf %max3A_1136, %max3A_1139 : vector<16xf32>
      %select_n3A_1149 = arith.select %gt3A_1147, %select_n3A_1140, %select_n3A_1137 : vector<16xi1>, vector<16xi32>
      %gt3A_1150 = arith.cmpf ogt, %max3A_1145, %max3A_1142 : vector<16xf32>
      %max3A_1151 = arith.maximumf %max3A_1142, %max3A_1145 : vector<16xf32>
      %select_n3A_1152 = arith.select %gt3A_1150, %select_n3A_1146, %select_n3A_1143 : vector<16xi1>, vector<16xi32>
      %gt3A_1153 = arith.cmpf ogt, %max3A_1151, %max3A_1148 : vector<16xf32>
      %max3A_1154 = arith.maximumf %max3A_1148, %max3A_1151 : vector<16xf32>
      %select_n3A_1155 = arith.select %gt3A_1153, %select_n3A_1152, %select_n3A_1149 : vector<16xi1>, vector<16xi32>
      %add3A_1156 = arith.constant 24576 : i32
      %add3A_1157 = arith.addi %add3A_1156, %add3A_191 : i32
      %get3A_1158 = arith.index_cast %add3A_1157 : i32 to index
      %get3A_1159 = tpu.vector_load %arg5[%get3A_1158] {strides = array<i32>} : memref<32768xf32, #tpu.memory_space<vmem>>, vector<16xf32>,
      %add3A_1160 = arith.constant 24704 : i32
      %add3A_1161 = arith.addi %add3A_1160, %add3A_191 : i32
      %get3A_1162 = arith.index_cast %add3A_1161 : i32 to index
      %get3A_1163 = tpu.vector_load %arg5[%get3A_1162] {strides = array<i32>} : memref<32768xf32, #tpu.memory_space<vmem>>, vector<16xf32>,
      %add3A_1164 = arith.constant 24832 : i32
      %add3A_1165 = arith.addi %add3A_1164, %add3A_191 : i32
      %get3A_1166 = arith.index_cast %add3A_1165 : i32 to index
      %get3A_1167 = tpu.vector_load %arg5[%get3A_1166] {strides = array<i32>} : memref<32768xf32, #tpu.memory_space<vmem>>, vector<16xf32>,
      %add3A_1168 = arith.constant 24960 : i32
      %add3A_1169 = arith.addi %add3A_1168, %add3A_191 : i32
      %get3A_1170 = arith.index_cast %add3A_1169 : i32 to index
      %get3A_1171 = tpu.vector_load %arg5[%get3A_1170] {strides = array<i32>} : memref<32768xf32, #tpu.memory_space<vmem>>, vector<16xf32>,
      %add3A_1172 = arith.constant 25088 : i32
      %add3A_1173 = arith.addi %add3A_1172, %add3A_191 : i32
      %get3A_1174 = arith.index_cast %add3A_1173 : i32 to index
      %get3A_1175 = tpu.vector_load %arg5[%get3A_1174] {strides = array<i32>} : memref<32768xf32, #tpu.memory_space<vmem>>, vector<16xf32>,
      %add3A_1176 = arith.constant 25216 : i32
      %add3A_1177 = arith.addi %add3A_1176, %add3A_191 : i32
      %get3A_1178 = arith.index_cast %add3A_1177 : i32 to index
      %get3A_1179 = tpu.vector_load %arg5[%get3A_1178] {strides = array<i32>} : memref<32768xf32, #tpu.memory_space<vmem>>, vector<16xf32>,
      %add3A_1180 = arith.constant 25344 : i32
      %add3A_1181 = arith.addi %add3A_1180, %add3A_191 : i32
      %get3A_1182 = arith.index_cast %add3A_1181 : i32 to index
      %get3A_1183 = tpu.vector_load %arg5[%get3A_1182] {strides = array<i32>} : memref<32768xf32, #tpu.memory_space<vmem>>, vector<16xf32>,
      %add3A_1184 = arith.constant 25472 : i32
      %add3A_1185 = arith.addi %add3A_1184, %add3A_191 : i32
      %get3A_1186 = arith.index_cast %add3A_1185 : i32 to index
      %get3A_1187 = tpu.vector_load %arg5[%get3A_1186] {strides = array<i32>} : memref<32768xf32, #tpu.memory_space<vmem>>, vector<16xf32>,
      %broadcast_in_dim3A_1188 = arith.constant 48 : i32
      %broadcast_in_dim3A_1189 = vector.broadcast %broadcast_in_dim3A_1188 : i32 to vector<16xi32>
      %broadcast_in_dim3A_1190 = arith.constant 49 : i32
      %broadcast_in_dim3A_1191 = vector.broadcast %broadcast_in_dim3A_1190 : i32 to vector<16xi32>
      %broadcast_in_dim3A_1192 = arith.constant 50 : i32
      %broadcast_in_dim3A_1193 = vector.broadcast %broadcast_in_dim3A_1192 : i32 to vector<16xi32>
      %broadcast_in_dim3A_1194 = arith.constant 51 : i32
      %broadcast_in_dim3A_1195 = vector.broadcast %broadcast_in_dim3A_1194 : i32 to vector<16xi32>
      %broadcast_in_dim3A_1196 = arith.constant 52 : i32
      %broadcast_in_dim3A_1197 = vector.broadcast %broadcast_in_dim3A_1196 : i32 to vector<16xi32>
      %broadcast_in_dim3A_1198 = arith.constant 53 : i32
      %broadcast_in_dim3A_1199 = vector.broadcast %broadcast_in_dim3A_1198 : i32 to vector<16xi32>
      %broadcast_in_dim3A_1200 = arith.constant 54 : i32
      %broadcast_in_dim3A_1201 = vector.broadcast %broadcast_in_dim3A_1200 : i32 to vector<16xi32>
      %broadcast_in_dim3A_1202 = arith.constant 55 : i32
      %broadcast_in_dim3A_1203 = vector.broadcast %broadcast_in_dim3A_1202 : i32 to vector<16xi32>
      %gt3A_1204 = arith.cmpf ogt, %get3A_1163, %get3A_1159 : vector<16xf32>
      %max3A_1205 = arith.maximumf %get3A_1159, %get3A_1163 : vector<16xf32>
      %select_n3A_1206 = arith.select %gt3A_1204, %broadcast_in_dim3A_1191, %broadcast_in_dim3A_1189 : vector<16xi1>, vector<16xi32>
      %gt3A_1207 = arith.cmpf ogt, %get3A_1171, %get3A_1167 : vector<16xf32>
      %max3A_1208 = arith.maximumf %get3A_1167, %get3A_1171 : vector<16xf32>
      %select_n3A_1209 = arith.select %gt3A_1207, %broadcast_in_dim3A_1195, %broadcast_in_dim3A_1193 : vector<16xi1>, vector<16xi32>
      %gt3A_1210 = arith.cmpf ogt, %get3A_1179, %get3A_1175 : vector<16xf32>
      %max3A_1211 = arith.maximumf %get3A_1175, %get3A_1179 : vector<16xf32>
      %select_n3A_1212 = arith.select %gt3A_1210, %broadcast_in_dim3A_1199, %broadcast_in_dim3A_1197 : vector<16xi1>, vector<16xi32>
      %gt3A_1213 = arith.cmpf ogt, %get3A_1187, %get3A_1183 : vector<16xf32>
      %max3A_1214 = arith.maximumf %get3A_1183, %get3A_1187 : vector<16xf32>
      %select_n3A_1215 = arith.select %gt3A_1213, %broadcast_in_dim3A_1203, %broadcast_in_dim3A_1201 : vector<16xi1>, vector<16xi32>
      %gt3A_1216 = arith.cmpf ogt, %max3A_1208, %max3A_1205 : vector<16xf32>
      %max3A_1217 = arith.maximumf %max3A_1205, %max3A_1208 : vector<16xf32>
      %select_n3A_1218 = arith.select %gt3A_1216, %select_n3A_1209, %select_n3A_1206 : vector<16xi1>, vector<16xi32>
      %gt3A_1219 = arith.cmpf ogt, %max3A_1214, %max3A_1211 : vector<16xf32>
      %max3A_1220 = arith.maximumf %max3A_1211, %max3A_1214 : vector<16xf32>
      %select_n3A_1221 = arith.select %gt3A_1219, %select_n3A_1215, %select_n3A_1212 : vector<16xi1>, vector<16xi32>
      %gt3A_1222 = arith.cmpf ogt, %max3A_1220, %max3A_1217 : vector<16xf32>
      %max3A_1223 = arith.maximumf %max3A_1217, %max3A_1220 : vector<16xf32>
      %select_n3A_1224 = arith.select %gt3A_1222, %select_n3A_1221, %select_n3A_1218 : vector<16xi1>, vector<16xi32>
      %add3A_1225 = arith.constant 28672 : i32
      %add3A_1226 = arith.addi %add3A_1225, %add3A_191 : i32
      %get3A_1227 = arith.index_cast %add3A_1226 : i32 to index
      %get3A_1228 = tpu.vector_load %arg5[%get3A_1227] {strides = array<i32>} : memref<32768xf32, #tpu.memory_space<vmem>>, vector<16xf32>,
      %add3A_1229 = arith.constant 28800 : i32
      %add3A_1230 = arith.addi %add3A_1229, %add3A_191 : i32
      %get3A_1231 = arith.index_cast %add3A_1230 : i32 to index
      %get3A_1232 = tpu.vector_load %arg5[%get3A_1231] {strides = array<i32>} : memref<32768xf32, #tpu.memory_space<vmem>>, vector<16xf32>,
      %add3A_1233 = arith.constant 28928 : i32
      %add3A_1234 = arith.addi %add3A_1233, %add3A_191 : i32
      %get3A_1235 = arith.index_cast %add3A_1234 : i32 to index
      %get3A_1236 = tpu.vector_load %arg5[%get3A_1235] {strides = array<i32>} : memref<32768xf32, #tpu.memory_space<vmem>>, vector<16xf32>,
      %add3A_1237 = arith.constant 29056 : i32
      %add3A_1238 = arith.addi %add3A_1237, %add3A_191 : i32
      %get3A_1239 = arith.index_cast %add3A_1238 : i32 to index
      %get3A_1240 = tpu.vector_load %arg5[%get3A_1239] {strides = array<i32>} : memref<32768xf32, #tpu.memory_space<vmem>>, vector<16xf32>,
      %add3A_1241 = arith.constant 29184 : i32
      %add3A_1242 = arith.addi %add3A_1241, %add3A_191 : i32
      %get3A_1243 = arith.index_cast %add3A_1242 : i32 to index
      %get3A_1244 = tpu.vector_load %arg5[%get3A_1243] {strides = array<i32>} : memref<32768xf32, #tpu.memory_space<vmem>>, vector<16xf32>,
      %add3A_1245 = arith.constant 29312 : i32
      %add3A_1246 = arith.addi %add3A_1245, %add3A_191 : i32
      %get3A_1247 = arith.index_cast %add3A_1246 : i32 to index
      %get3A_1248 = tpu.vector_load %arg5[%get3A_1247] {strides = array<i32>} : memref<32768xf32, #tpu.memory_space<vmem>>, vector<16xf32>,
      %add3A_1249 = arith.constant 29440 : i32
      %add3A_1250 = arith.addi %add3A_1249, %add3A_191 : i32
      %get3A_1251 = arith.index_cast %add3A_1250 : i32 to index
      %get3A_1252 = tpu.vector_load %arg5[%get3A_1251] {strides = array<i32>} : memref<32768xf32, #tpu.memory_space<vmem>>, vector<16xf32>,
      %add3A_1253 = arith.constant 29568 : i32
      %add3A_1254 = arith.addi %add3A_1253, %add3A_191 : i32
      %get3A_1255 = arith.index_cast %add3A_1254 : i32 to index
      %get3A_1256 = tpu.vector_load %arg5[%get3A_1255] {strides = array<i32>} : memref<32768xf32, #tpu.memory_space<vmem>>, vector<16xf32>,
      %broadcast_in_dim3A_1257 = arith.constant 56 : i32
      %broadcast_in_dim3A_1258 = vector.broadcast %broadcast_in_dim3A_1257 : i32 to vector<16xi32>
      %broadcast_in_dim3A_1259 = arith.constant 57 : i32
      %broadcast_in_dim3A_1260 = vector.broadcast %broadcast_in_dim3A_1259 : i32 to vector<16xi32>
      %broadcast_in_dim3A_1261 = arith.constant 58 : i32
      %broadcast_in_dim3A_1262 = vector.broadcast %broadcast_in_dim3A_1261 : i32 to vector<16xi32>
      %broadcast_in_dim3A_1263 = arith.constant 59 : i32
      %broadcast_in_dim3A_1264 = vector.broadcast %broadcast_in_dim3A_1263 : i32 to vector<16xi32>
      %broadcast_in_dim3A_1265 = arith.constant 60 : i32
      %broadcast_in_dim3A_1266 = vector.broadcast %broadcast_in_dim3A_1265 : i32 to vector<16xi32>
      %broadcast_in_dim3A_1267 = arith.constant 61 : i32
      %broadcast_in_dim3A_1268 = vector.broadcast %broadcast_in_dim3A_1267 : i32 to vector<16xi32>
      %broadcast_in_dim3A_1269 = arith.constant 62 : i32
      %broadcast_in_dim3A_1270 = vector.broadcast %broadcast_in_dim3A_1269 : i32 to vector<16xi32>
      %broadcast_in_dim3A_1271 = arith.constant 63 : i32
      %broadcast_in_dim3A_1272 = vector.broadcast %broadcast_in_dim3A_1271 : i32 to vector<16xi32>
      %gt3A_1273 = arith.cmpf ogt, %get3A_1232, %get3A_1228 : vector<16xf32>
      %max3A_1274 = arith.maximumf %get3A_1228, %get3A_1232 : vector<16xf32>
      %select_n3A_1275 = arith.select %gt3A_1273, %broadcast_in_dim3A_1260, %broadcast_in_dim3A_1258 : vector<16xi1>, vector<16xi32>
      %gt3A_1276 = arith.cmpf ogt, %get3A_1240, %get3A_1236 : vector<16xf32>
      %max3A_1277 = arith.maximumf %get3A_1236, %get3A_1240 : vector<16xf32>
      %select_n3A_1278 = arith.select %gt3A_1276, %broadcast_in_dim3A_1264, %broadcast_in_dim3A_1262 : vector<16xi1>, vector<16xi32>
      %gt3A_1279 = arith.cmpf ogt, %get3A_1248, %get3A_1244 : vector<16xf32>
      %max3A_1280 = arith.maximumf %get3A_1244, %get3A_1248 : vector<16xf32>
      %select_n3A_1281 = arith.select %gt3A_1279, %broadcast_in_dim3A_1268, %broadcast_in_dim3A_1266 : vector<16xi1>, vector<16xi32>
      %gt3A_1282 = arith.cmpf ogt, %get3A_1256, %get3A_1252 : vector<16xf32>
      %max3A_1283 = arith.maximumf %get3A_1252, %get3A_1256 : vector<16xf32>
      %select_n3A_1284 = arith.select %gt3A_1282, %broadcast_in_dim3A_1272, %broadcast_in_dim3A_1270 : vector<16xi1>, vector<16xi32>
      %gt3A_1285 = arith.cmpf ogt, %max3A_1277, %max3A_1274 : vector<16xf32>
      %max3A_1286 = arith.maximumf %max3A_1274, %max3A_1277 : vector<16xf32>
      %select_n3A_1287 = arith.select %gt3A_1285, %select_n3A_1278, %select_n3A_1275 : vector<16xi1>, vector<16xi32>
      %gt3A_1288 = arith.cmpf ogt, %max3A_1283, %max3A_1280 : vector<16xf32>
      %max3A_1289 = arith.maximumf %max3A_1280, %max3A_1283 : vector<16xf32>
      %select_n3A_1290 = arith.select %gt3A_1288, %select_n3A_1284, %select_n3A_1281 : vector<16xi1>, vector<16xi32>
      %gt3A_1291 = arith.cmpf ogt, %max3A_1289, %max3A_1286 : vector<16xf32>
      %max3A_1292 = arith.maximumf %max3A_1286, %max3A_1289 : vector<16xf32>
      %select_n3A_1293 = arith.select %gt3A_1291, %select_n3A_1290, %select_n3A_1287 : vector<16xi1>, vector<16xi32>
      %gt3A_1294 = arith.cmpf ogt, %max3A_326, %max3A_257 : vector<16xf32>
      %max3A_1295 = arith.maximumf %max3A_257, %max3A_326 : vector<16xf32>
      %select_n3A_1296 = arith.select %gt3A_1294, %select_n3A_327, %select_n3A_258 : vector<16xi1>, vector<16xi32>
      %gt3A_1297 = arith.cmpf ogt, %max3A_464, %max3A_395 : vector<16xf32>
      %max3A_1298 = arith.maximumf %max3A_395, %max3A_464 : vector<16xf32>
      %select_n3A_1299 = arith.select %gt3A_1297, %select_n3A_465, %select_n3A_396 : vector<16xi1>, vector<16xi32>
      %gt3A_1300 = arith.cmpf ogt, %max3A_602, %max3A_533 : vector<16xf32>
      %max3A_1301 = arith.maximumf %max3A_533, %max3A_602 : vector<16xf32>
      %select_n3A_1302 = arith.select %gt3A_1300, %select_n3A_603, %select_n3A_534 : vector<16xi1>, vector<16xi32>
      %gt3A_1303 = arith.cmpf ogt, %max3A_740, %max3A_671 : vector<16xf32>
      %max3A_1304 = arith.maximumf %max3A_671, %max3A_740 : vector<16xf32>
      %select_n3A_1305 = arith.select %gt3A_1303, %select_n3A_741, %select_n3A_672 : vector<16xi1>, vector<16xi32>
      %gt3A_1306 = arith.cmpf ogt, %max3A_1298, %max3A_1295 : vector<16xf32>
      %max3A_1307 = arith.maximumf %max3A_1295, %max3A_1298 : vector<16xf32>
      %select_n3A_1308 = arith.select %gt3A_1306, %select_n3A_1299, %select_n3A_1296 : vector<16xi1>, vector<16xi32>
      %gt3A_1309 = arith.cmpf ogt, %max3A_1304, %max3A_1301 : vector<16xf32>
      %max3A_1310 = arith.maximumf %max3A_1301, %max3A_1304 : vector<16xf32>
      %select_n3A_1311 = arith.select %gt3A_1309, %select_n3A_1305, %select_n3A_1302 : vector<16xi1>, vector<16xi32>
      %gt3A_1312 = arith.cmpf ogt, %max3A_1310, %max3A_1307 : vector<16xf32>
      %max3A_1313 = arith.maximumf %max3A_1307, %max3A_1310 : vector<16xf32>
      %select_n3A_1314 = arith.select %gt3A_1312, %select_n3A_1311, %select_n3A_1308 : vector<16xi1>, vector<16xi32>
      %add3A_1315 = arith.constant 0 : i32
      %add3A_1316 = arith.addi %add3A_176, %add3A_1315 : i32
      %swap3A = arith.index_cast %add3A_1316 : i32 to index
      %swap3A_1317 = tpu.vector_load %arg6[%swap3A] {strides = array<i32>} : memref<4096xi32, #tpu.memory_space<vmem>>, vector<16xi32>,
      tpu.vector_store %arg6[%swap3A], %select_n3A_1314 {strides = array<i32>} : memref<4096xi32, #tpu.memory_space<vmem>>, vector<16xi32>,
      %broadcast_in_dim3A_1318 = arith.constant 1.000000e+00 : f32
      %broadcast_in_dim3A_1319 = vector.broadcast %broadcast_in_dim3A_1318 : f32 to vector<16xf32>
      %gt3A_1320 = arith.cmpf ogt, %max3A_878, %max3A_809 : vector<16xf32>
      %max3A_1321 = arith.maximumf %max3A_809, %max3A_878 : vector<16xf32>
      %select_n3A_1322 = arith.select %gt3A_1320, %select_n3A_879, %select_n3A_810 : vector<16xi1>, vector<16xi32>
      %gt3A_1323 = arith.cmpf ogt, %max3A_1016, %max3A_947 : vector<16xf32>
      %max3A_1324 = arith.maximumf %max3A_947, %max3A_1016 : vector<16xf32>
      %select_n3A_1325 = arith.select %gt3A_1323, %select_n3A_1017, %select_n3A_948 : vector<16xi1>, vector<16xi32>
      %gt3A_1326 = arith.cmpf ogt, %max3A_1154, %max3A_1085 : vector<16xf32>
      %max3A_1327 = arith.maximumf %max3A_1085, %max3A_1154 : vector<16xf32>
      %select_n3A_1328 = arith.select %gt3A_1326, %select_n3A_1155, %select_n3A_1086 : vector<16xi1>, vector<16xi32>
      %gt3A_1329 = arith.cmpf ogt, %max3A_1292, %max3A_1223 : vector<16xf32>
      %max3A_1330 = arith.maximumf %max3A_1223, %max3A_1292 : vector<16xf32>
      %select_n3A_1331 = arith.select %gt3A_1329, %select_n3A_1293, %select_n3A_1224 : vector<16xi1>, vector<16xi32>
      %gt3A_1332 = arith.cmpf ogt, %max3A_1324, %max3A_1321 : vector<16xf32>
      %max3A_1333 = arith.maximumf %max3A_1321, %max3A_1324 : vector<16xf32>
      %select_n3A_1334 = arith.select %gt3A_1332, %select_n3A_1325, %select_n3A_1322 : vector<16xi1>, vector<16xi32>
      %gt3A_1335 = arith.cmpf ogt, %max3A_1330, %max3A_1327 : vector<16xf32>
      %max3A_1336 = arith.maximumf %max3A_1327, %max3A_1330 : vector<16xf32>
      %select_n3A_1337 = arith.select %gt3A_1335, %select_n3A_1331, %select_n3A_1328 : vector<16xi1>, vector<16xi32>
      %gt3A_1338 = arith.cmpf ogt, %max3A_1336, %max3A_1333 : vector<16xf32>
      %max3A_1339 = arith.maximumf %max3A_1333, %max3A_1336 : vector<16xf32>
      %select_n3A_1340 = arith.select %gt3A_1338, %select_n3A_1337, %select_n3A_1334 : vector<16xi1>, vector<16xi32>
      %add3A_1341 = arith.constant 0 : i32
      %add3A_1342 = arith.addi %add3A_191, %add3A_1341 : i32
      %swap3A_1343 = arith.index_cast %add3A_1342 : i32 to index
      %swap3A_1344 = tpu.vector_load %arg6[%swap3A_1343] {strides = array<i32>} : memref<4096xi32, #tpu.memory_space<vmem>>, vector<16xi32>,
      tpu.vector_store %arg6[%swap3A_1343], %select_n3A_1340 {strides = array<i32>} : memref<4096xi32, #tpu.memory_space<vmem>>, vector<16xi32>,
      %broadcast_in_dim3A_1345 = arith.constant 1.000000e+00 : f32
      %broadcast_in_dim3A_1346 = vector.broadcast %broadcast_in_dim3A_1345 : f32 to vector<16xf32>
      %broadcast_in_dim3A_1347 = arith.constant -8 : i32
      %broadcast_in_dim3A_1348 = vector.broadcast %broadcast_in_dim3A_1347 : i32 to vector<16xi32>
      %and3A_1349 = arith.andi %select_n3A_1314, %broadcast_in_dim3A_1348 : vector<16xi32>
      %shift_left3A = arith.constant 9 : i32
      %shift_left3A_1350 = vector.broadcast %shift_left3A : i32 to vector<16xi32>
      %shift_left3A_1351 = arith.shli %and3A_1349, %shift_left3A_1350 : vector<16xi32>
      %add3A_1352 = arith.addi %shift_left3A_1351, %add3A_178 : vector<16xi32>
      %broadcast_in_dim3A_1353 = arith.constant 7 : i32
      %broadcast_in_dim3A_1354 = vector.broadcast %broadcast_in_dim3A_1353 : i32 to vector<16xi32>
      %and3A_1355 = arith.andi %select_n3A_1314, %broadcast_in_dim3A_1354 : vector<16xi32>
      %shift_left3A_1356 = arith.constant 7 : i32
      %shift_left3A_1357 = vector.broadcast %shift_left3A_1356 : i32 to vector<16xi32>
      %shift_left3A_1358 = arith.shli %and3A_1355, %shift_left3A_1357 : vector<16xi32>
      %add3A_1359 = arith.addi %add3A_1352, %shift_left3A_1358 : vector<16xi32>
      tpu.vector_store_idx %arg5[%add3A_1359], %broadcast_in_dim3A_143 : memref<32768xf32, #tpu.memory_space<vmem>>[vector<16xi32>], vector<16xf32>,
      %broadcast_in_dim3A_1360 = arith.constant 0 : i32
      %broadcast_in_dim3A_1361 = vector.broadcast %broadcast_in_dim3A_1360 : i32 to vector<16xi32>
      %add3A_1362 = arith.addi %add3A_1352, %broadcast_in_dim3A_1361 : vector<16xi32>
      %gather3A = tpu.vector_load_idx %arg5[%add3A_1362] : memref<32768xf32, #tpu.memory_space<vmem>>[vector<16xi32>], vector<16xf32>,
      %broadcast_in_dim3A_1363 = arith.constant 128 : i32
      %broadcast_in_dim3A_1364 = vector.broadcast %broadcast_in_dim3A_1363 : i32 to vector<16xi32>
      %add3A_1365 = arith.addi %add3A_1352, %broadcast_in_dim3A_1364 : vector<16xi32>
      %gather3A_1366 = tpu.vector_load_idx %arg5[%add3A_1365] : memref<32768xf32, #tpu.memory_space<vmem>>[vector<16xi32>], vector<16xf32>,
      %broadcast_in_dim3A_1367 = arith.constant 256 : i32
      %broadcast_in_dim3A_1368 = vector.broadcast %broadcast_in_dim3A_1367 : i32 to vector<16xi32>
      %add3A_1369 = arith.addi %add3A_1352, %broadcast_in_dim3A_1368 : vector<16xi32>
      %gather3A_1370 = tpu.vector_load_idx %arg5[%add3A_1369] : memref<32768xf32, #tpu.memory_space<vmem>>[vector<16xi32>], vector<16xf32>,
      %broadcast_in_dim3A_1371 = arith.constant 384 : i32
      %broadcast_in_dim3A_1372 = vector.broadcast %broadcast_in_dim3A_1371 : i32 to vector<16xi32>
      %add3A_1373 = arith.addi %add3A_1352, %broadcast_in_dim3A_1372 : vector<16xi32>
      %gather3A_1374 = tpu.vector_load_idx %arg5[%add3A_1373] : memref<32768xf32, #tpu.memory_space<vmem>>[vector<16xi32>], vector<16xf32>,
      %broadcast_in_dim3A_1375 = arith.constant 512 : i32
      %broadcast_in_dim3A_1376 = vector.broadcast %broadcast_in_dim3A_1375 : i32 to vector<16xi32>
      %add3A_1377 = arith.addi %add3A_1352, %broadcast_in_dim3A_1376 : vector<16xi32>
      %gather3A_1378 = tpu.vector_load_idx %arg5[%add3A_1377] : memref<32768xf32, #tpu.memory_space<vmem>>[vector<16xi32>], vector<16xf32>,
      %broadcast_in_dim3A_1379 = arith.constant 640 : i32
      %broadcast_in_dim3A_1380 = vector.broadcast %broadcast_in_dim3A_1379 : i32 to vector<16xi32>
      %add3A_1381 = arith.addi %add3A_1352, %broadcast_in_dim3A_1380 : vector<16xi32>
      %gather3A_1382 = tpu.vector_load_idx %arg5[%add3A_1381] : memref<32768xf32, #tpu.memory_space<vmem>>[vector<16xi32>], vector<16xf32>,
      %broadcast_in_dim3A_1383 = arith.constant 768 : i32
      %broadcast_in_dim3A_1384 = vector.broadcast %broadcast_in_dim3A_1383 : i32 to vector<16xi32>
      %add3A_1385 = arith.addi %add3A_1352, %broadcast_in_dim3A_1384 : vector<16xi32>
      %gather3A_1386 = tpu.vector_load_idx %arg5[%add3A_1385] : memref<32768xf32, #tpu.memory_space<vmem>>[vector<16xi32>], vector<16xf32>,
      %broadcast_in_dim3A_1387 = arith.constant 896 : i32
      %broadcast_in_dim3A_1388 = vector.broadcast %broadcast_in_dim3A_1387 : i32 to vector<16xi32>
      %add3A_1389 = arith.addi %add3A_1352, %broadcast_in_dim3A_1388 : vector<16xi32>
      %gather3A_1390 = tpu.vector_load_idx %arg5[%add3A_1389] : memref<32768xf32, #tpu.memory_space<vmem>>[vector<16xi32>], vector<16xf32>,
      %broadcast_in_dim3A_1391 = arith.constant 0 : i32
      %broadcast_in_dim3A_1392 = vector.broadcast %broadcast_in_dim3A_1391 : i32 to vector<16xi32>
      %add3A_1393 = arith.addi %and3A_1349, %broadcast_in_dim3A_1392 : vector<16xi32>
      %broadcast_in_dim3A_1394 = arith.constant 1 : i32
      %broadcast_in_dim3A_1395 = vector.broadcast %broadcast_in_dim3A_1394 : i32 to vector<16xi32>
      %add3A_1396 = arith.addi %and3A_1349, %broadcast_in_dim3A_1395 : vector<16xi32>
      %broadcast_in_dim3A_1397 = arith.constant 2 : i32
      %broadcast_in_dim3A_1398 = vector.broadcast %broadcast_in_dim3A_1397 : i32 to vector<16xi32>
      %add3A_1399 = arith.addi %and3A_1349, %broadcast_in_dim3A_1398 : vector<16xi32>
      %broadcast_in_dim3A_1400 = arith.constant 3 : i32
      %broadcast_in_dim3A_1401 = vector.broadcast %broadcast_in_dim3A_1400 : i32 to vector<16xi32>
      %add3A_1402 = arith.addi %and3A_1349, %broadcast_in_dim3A_1401 : vector<16xi32>
      %broadcast_in_dim3A_1403 = arith.constant 4 : i32
      %broadcast_in_dim3A_1404 = vector.broadcast %broadcast_in_dim3A_1403 : i32 to vector<16xi32>
      %add3A_1405 = arith.addi %and3A_1349, %broadcast_in_dim3A_1404 : vector<16xi32>
      %broadcast_in_dim3A_1406 = arith.constant 5 : i32
      %broadcast_in_dim3A_1407 = vector.broadcast %broadcast_in_dim3A_1406 : i32 to vector<16xi32>
      %add3A_1408 = arith.addi %and3A_1349, %broadcast_in_dim3A_1407 : vector<16xi32>
      %broadcast_in_dim3A_1409 = arith.constant 6 : i32
      %broadcast_in_dim3A_1410 = vector.broadcast %broadcast_in_dim3A_1409 : i32 to vector<16xi32>
      %add3A_1411 = arith.addi %and3A_1349, %broadcast_in_dim3A_1410 : vector<16xi32>
      %broadcast_in_dim3A_1412 = arith.constant 7 : i32
      %broadcast_in_dim3A_1413 = vector.broadcast %broadcast_in_dim3A_1412 : i32 to vector<16xi32>
      %add3A_1414 = arith.addi %and3A_1349, %broadcast_in_dim3A_1413 : vector<16xi32>
      %gt3A_1415 = arith.cmpf ogt, %gather3A_1366, %gather3A : vector<16xf32>
      %max3A_1416 = arith.maximumf %gather3A, %gather3A_1366 : vector<16xf32>
      %select_n3A_1417 = arith.select %gt3A_1415, %add3A_1396, %add3A_1393 : vector<16xi1>, vector<16xi32>
      %gt3A_1418 = arith.cmpf ogt, %gather3A_1374, %gather3A_1370 : vector<16xf32>
      %max3A_1419 = arith.maximumf %gather3A_1370, %gather3A_1374 : vector<16xf32>
      %select_n3A_1420 = arith.select %gt3A_1418, %add3A_1402, %add3A_1399 : vector<16xi1>, vector<16xi32>
      %gt3A_1421 = arith.cmpf ogt, %gather3A_1382, %gather3A_1378 : vector<16xf32>
      %max3A_1422 = arith.maximumf %gather3A_1378, %gather3A_1382 : vector<16xf32>
      %select_n3A_1423 = arith.select %gt3A_1421, %add3A_1408, %add3A_1405 : vector<16xi1>, vector<16xi32>
      %gt3A_1424 = arith.cmpf ogt, %gather3A_1390, %gather3A_1386 : vector<16xf32>
      %max3A_1425 = arith.maximumf %gather3A_1386, %gather3A_1390 : vector<16xf32>
      %select_n3A_1426 = arith.select %gt3A_1424, %add3A_1414, %add3A_1411 : vector<16xi1>, vector<16xi32>
      %gt3A_1427 = arith.cmpf ogt, %max3A_1419, %max3A_1416 : vector<16xf32>
      %max3A_1428 = arith.maximumf %max3A_1416, %max3A_1419 : vector<16xf32>
      %select_n3A_1429 = arith.select %gt3A_1427, %select_n3A_1420, %select_n3A_1417 : vector<16xi1>, vector<16xi32>
      %gt3A_1430 = arith.cmpf ogt, %max3A_1425, %max3A_1422 : vector<16xf32>
      %max3A_1431 = arith.maximumf %max3A_1422, %max3A_1425 : vector<16xf32>
      %select_n3A_1432 = arith.select %gt3A_1430, %select_n3A_1426, %select_n3A_1423 : vector<16xi1>, vector<16xi32>
      %gt3A_1433 = arith.cmpf ogt, %max3A_1431, %max3A_1428 : vector<16xf32>
      %max3A_1434 = arith.maximumf %max3A_1428, %max3A_1431 : vector<16xf32>
      %select_n3A_1435 = arith.select %gt3A_1433, %select_n3A_1432, %select_n3A_1429 : vector<16xi1>, vector<16xi32>
      %broadcast_in_dim3A_1436 = arith.constant 0 : i32
      %broadcast_in_dim3A_1437 = vector.broadcast %broadcast_in_dim3A_1436 : i32 to vector<16xi32>
      %eq3A = arith.cmpi eq, %and3A_1349, %broadcast_in_dim3A_1437 : vector<16xi32>
      %select_n3A_1438 = arith.select %eq3A, %max3A_1434, %max3A_257 : vector<16xi1>, vector<16xf32>
      %select_n3A_1439 = arith.select %eq3A, %select_n3A_1435, %select_n3A_258 : vector<16xi1>, vector<16xi32>
      %broadcast_in_dim3A_1440 = arith.constant 8 : i32
      %broadcast_in_dim3A_1441 = vector.broadcast %broadcast_in_dim3A_1440 : i32 to vector<16xi32>
      %eq3A_1442 = arith.cmpi eq, %and3A_1349, %broadcast_in_dim3A_1441 : vector<16xi32>
      %select_n3A_1443 = arith.select %eq3A_1442, %max3A_1434, %max3A_326 : vector<16xi1>, vector<16xf32>
      %select_n3A_1444 = arith.select %eq3A_1442, %select_n3A_1435, %select_n3A_327 : vector<16xi1>, vector<16xi32>
      %broadcast_in_dim3A_1445 = arith.constant 16 : i32
      %broadcast_in_dim3A_1446 = vector.broadcast %broadcast_in_dim3A_1445 : i32 to vector<16xi32>
      %eq3A_1447 = arith.cmpi eq, %and3A_1349, %broadcast_in_dim3A_1446 : vector<16xi32>
      %select_n3A_1448 = arith.select %eq3A_1447, %max3A_1434, %max3A_395 : vector<16xi1>, vector<16xf32>
      %select_n3A_1449 = arith.select %eq3A_1447, %select_n3A_1435, %select_n3A_396 : vector<16xi1>, vector<16xi32>
      %broadcast_in_dim3A_1450 = arith.constant 24 : i32
      %broadcast_in_dim3A_1451 = vector.broadcast %broadcast_in_dim3A_1450 : i32 to vector<16xi32>
      %eq3A_1452 = arith.cmpi eq, %and3A_1349, %broadcast_in_dim3A_1451 : vector<16xi32>
      %select_n3A_1453 = arith.select %eq3A_1452, %max3A_1434, %max3A_464 : vector<16xi1>, vector<16xf32>
      %select_n3A_1454 = arith.select %eq3A_1452, %select_n3A_1435, %select_n3A_465 : vector<16xi1>, vector<16xi32>
      %broadcast_in_dim3A_1455 = arith.constant 32 : i32
      %broadcast_in_dim3A_1456 = vector.broadcast %broadcast_in_dim3A_1455 : i32 to vector<16xi32>
      %eq3A_1457 = arith.cmpi eq, %and3A_1349, %broadcast_in_dim3A_1456 : vector<16xi32>
      %select_n3A_1458 = arith.select %eq3A_1457, %max3A_1434, %max3A_533 : vector<16xi1>, vector<16xf32>
      %select_n3A_1459 = arith.select %eq3A_1457, %select_n3A_1435, %select_n3A_534 : vector<16xi1>, vector<16xi32>
      %broadcast_in_dim3A_1460 = arith.constant 40 : i32
      %broadcast_in_dim3A_1461 = vector.broadcast %broadcast_in_dim3A_1460 : i32 to vector<16xi32>
      %eq3A_1462 = arith.cmpi eq, %and3A_1349, %broadcast_in_dim3A_1461 : vector<16xi32>
      %select_n3A_1463 = arith.select %eq3A_1462, %max3A_1434, %max3A_602 : vector<16xi1>, vector<16xf32>
      %select_n3A_1464 = arith.select %eq3A_1462, %select_n3A_1435, %select_n3A_603 : vector<16xi1>, vector<16xi32>
      %broadcast_in_dim3A_1465 = arith.constant 48 : i32
      %broadcast_in_dim3A_1466 = vector.broadcast %broadcast_in_dim3A_1465 : i32 to vector<16xi32>
      %eq3A_1467 = arith.cmpi eq, %and3A_1349, %broadcast_in_dim3A_1466 : vector<16xi32>
      %select_n3A_1468 = arith.select %eq3A_1467, %max3A_1434, %max3A_671 : vector<16xi1>, vector<16xf32>
      %select_n3A_1469 = arith.select %eq3A_1467, %select_n3A_1435, %select_n3A_672 : vector<16xi1>, vector<16xi32>
      %broadcast_in_dim3A_1470 = arith.constant 56 : i32
      %broadcast_in_dim3A_1471 = vector.broadcast %broadcast_in_dim3A_1470 : i32 to vector<16xi32>
      %eq3A_1472 = arith.cmpi eq, %and3A_1349, %broadcast_in_dim3A_1471 : vector<16xi32>
      %select_n3A_1473 = arith.select %eq3A_1472, %max3A_1434, %max3A_740 : vector<16xi1>, vector<16xf32>
      %select_n3A_1474 = arith.select %eq3A_1472, %select_n3A_1435, %select_n3A_741 : vector<16xi1>, vector<16xi32>
      %broadcast_in_dim3A_1475 = arith.constant -8 : i32
      %broadcast_in_dim3A_1476 = vector.broadcast %broadcast_in_dim3A_1475 : i32 to vector<16xi32>
      %and3A_1477 = arith.andi %select_n3A_1340, %broadcast_in_dim3A_1476 : vector<16xi32>
      %shift_left3A_1478 = arith.constant 9 : i32
      %shift_left3A_1479 = vector.broadcast %shift_left3A_1478 : i32 to vector<16xi32>
      %shift_left3A_1480 = arith.shli %and3A_1477, %shift_left3A_1479 : vector<16xi32>
      %add3A_1481 = arith.addi %shift_left3A_1480, %add3A_193 : vector<16xi32>
      %broadcast_in_dim3A_1482 = arith.constant 7 : i32
      %broadcast_in_dim3A_1483 = vector.broadcast %broadcast_in_dim3A_1482 : i32 to vector<16xi32>
      %and3A_1484 = arith.andi %select_n3A_1340, %broadcast_in_dim3A_1483 : vector<16xi32>
      %shift_left3A_1485 = arith.constant 7 : i32
      %shift_left3A_1486 = vector.broadcast %shift_left3A_1485 : i32 to vector<16xi32>
      %shift_left3A_1487 = arith.shli %and3A_1484, %shift_left3A_1486 : vector<16xi32>
      %add3A_1488 = arith.addi %add3A_1481, %shift_left3A_1487 : vector<16xi32>
      tpu.vector_store_idx %arg5[%add3A_1488], %broadcast_in_dim3A_143 : memref<32768xf32, #tpu.memory_space<vmem>>[vector<16xi32>], vector<16xf32>,
      %broadcast_in_dim3A_1489 = arith.constant 0 : i32
      %broadcast_in_dim3A_1490 = vector.broadcast %broadcast_in_dim3A_1489 : i32 to vector<16xi32>
      %add3A_1491 = arith.addi %add3A_1481, %broadcast_in_dim3A_1490 : vector<16xi32>
      %gather3A_1492 = tpu.vector_load_idx %arg5[%add3A_1491] : memref<32768xf32, #tpu.memory_space<vmem>>[vector<16xi32>], vector<16xf32>,
      %broadcast_in_dim3A_1493 = arith.constant 128 : i32
      %broadcast_in_dim3A_1494 = vector.broadcast %broadcast_in_dim3A_1493 : i32 to vector<16xi32>
      %add3A_1495 = arith.addi %add3A_1481, %broadcast_in_dim3A_1494 : vector<16xi32>
      %gather3A_1496 = tpu.vector_load_idx %arg5[%add3A_1495] : memref<32768xf32, #tpu.memory_space<vmem>>[vector<16xi32>], vector<16xf32>,
      %broadcast_in_dim3A_1497 = arith.constant 256 : i32
      %broadcast_in_dim3A_1498 = vector.broadcast %broadcast_in_dim3A_1497 : i32 to vector<16xi32>
      %add3A_1499 = arith.addi %add3A_1481, %broadcast_in_dim3A_1498 : vector<16xi32>
      %gather3A_1500 = tpu.vector_load_idx %arg5[%add3A_1499] : memref<32768xf32, #tpu.memory_space<vmem>>[vector<16xi32>], vector<16xf32>,
      %broadcast_in_dim3A_1501 = arith.constant 384 : i32
      %broadcast_in_dim3A_1502 = vector.broadcast %broadcast_in_dim3A_1501 : i32 to vector<16xi32>
      %add3A_1503 = arith.addi %add3A_1481, %broadcast_in_dim3A_1502 : vector<16xi32>
      %gather3A_1504 = tpu.vector_load_idx %arg5[%add3A_1503] : memref<32768xf32, #tpu.memory_space<vmem>>[vector<16xi32>], vector<16xf32>,
      %broadcast_in_dim3A_1505 = arith.constant 512 : i32
      %broadcast_in_dim3A_1506 = vector.broadcast %broadcast_in_dim3A_1505 : i32 to vector<16xi32>
      %add3A_1507 = arith.addi %add3A_1481, %broadcast_in_dim3A_1506 : vector<16xi32>
      %gather3A_1508 = tpu.vector_load_idx %arg5[%add3A_1507] : memref<32768xf32, #tpu.memory_space<vmem>>[vector<16xi32>], vector<16xf32>,
      %broadcast_in_dim3A_1509 = arith.constant 640 : i32
      %broadcast_in_dim3A_1510 = vector.broadcast %broadcast_in_dim3A_1509 : i32 to vector<16xi32>
      %add3A_1511 = arith.addi %add3A_1481, %broadcast_in_dim3A_1510 : vector<16xi32>
      %gather3A_1512 = tpu.vector_load_idx %arg5[%add3A_1511] : memref<32768xf32, #tpu.memory_space<vmem>>[vector<16xi32>], vector<16xf32>,
      %broadcast_in_dim3A_1513 = arith.constant 768 : i32
      %broadcast_in_dim3A_1514 = vector.broadcast %broadcast_in_dim3A_1513 : i32 to vector<16xi32>
      %add3A_1515 = arith.addi %add3A_1481, %broadcast_in_dim3A_1514 : vector<16xi32>
      %gather3A_1516 = tpu.vector_load_idx %arg5[%add3A_1515] : memref<32768xf32, #tpu.memory_space<vmem>>[vector<16xi32>], vector<16xf32>,
      %broadcast_in_dim3A_1517 = arith.constant 896 : i32
      %broadcast_in_dim3A_1518 = vector.broadcast %broadcast_in_dim3A_1517 : i32 to vector<16xi32>
      %add3A_1519 = arith.addi %add3A_1481, %broadcast_in_dim3A_1518 : vector<16xi32>
      %gather3A_1520 = tpu.vector_load_idx %arg5[%add3A_1519] : memref<32768xf32, #tpu.memory_space<vmem>>[vector<16xi32>], vector<16xf32>,
      %broadcast_in_dim3A_1521 = arith.constant 0 : i32
      %broadcast_in_dim3A_1522 = vector.broadcast %broadcast_in_dim3A_1521 : i32 to vector<16xi32>
      %add3A_1523 = arith.addi %and3A_1477, %broadcast_in_dim3A_1522 : vector<16xi32>
      %broadcast_in_dim3A_1524 = arith.constant 1 : i32
      %broadcast_in_dim3A_1525 = vector.broadcast %broadcast_in_dim3A_1524 : i32 to vector<16xi32>
      %add3A_1526 = arith.addi %and3A_1477, %broadcast_in_dim3A_1525 : vector<16xi32>
      %broadcast_in_dim3A_1527 = arith.constant 2 : i32
      %broadcast_in_dim3A_1528 = vector.broadcast %broadcast_in_dim3A_1527 : i32 to vector<16xi32>
      %add3A_1529 = arith.addi %and3A_1477, %broadcast_in_dim3A_1528 : vector<16xi32>
      %broadcast_in_dim3A_1530 = arith.constant 3 : i32
      %broadcast_in_dim3A_1531 = vector.broadcast %broadcast_in_dim3A_1530 : i32 to vector<16xi32>
      %add3A_1532 = arith.addi %and3A_1477, %broadcast_in_dim3A_1531 : vector<16xi32>
      %broadcast_in_dim3A_1533 = arith.constant 4 : i32
      %broadcast_in_dim3A_1534 = vector.broadcast %broadcast_in_dim3A_1533 : i32 to vector<16xi32>
      %add3A_1535 = arith.addi %and3A_1477, %broadcast_in_dim3A_1534 : vector<16xi32>
      %broadcast_in_dim3A_1536 = arith.constant 5 : i32
      %broadcast_in_dim3A_1537 = vector.broadcast %broadcast_in_dim3A_1536 : i32 to vector<16xi32>
      %add3A_1538 = arith.addi %and3A_1477, %broadcast_in_dim3A_1537 : vector<16xi32>
      %broadcast_in_dim3A_1539 = arith.constant 6 : i32
      %broadcast_in_dim3A_1540 = vector.broadcast %broadcast_in_dim3A_1539 : i32 to vector<16xi32>
      %add3A_1541 = arith.addi %and3A_1477, %broadcast_in_dim3A_1540 : vector<16xi32>
      %broadcast_in_dim3A_1542 = arith.constant 7 : i32
      %broadcast_in_dim3A_1543 = vector.broadcast %broadcast_in_dim3A_1542 : i32 to vector<16xi32>
      %add3A_1544 = arith.addi %and3A_1477, %broadcast_in_dim3A_1543 : vector<16xi32>
      %gt3A_1545 = arith.cmpf ogt, %gather3A_1496, %gather3A_1492 : vector<16xf32>
      %max3A_1546 = arith.maximumf %gather3A_1492, %gather3A_1496 : vector<16xf32>
      %select_n3A_1547 = arith.select %gt3A_1545, %add3A_1526, %add3A_1523 : vector<16xi1>, vector<16xi32>
      %gt3A_1548 = arith.cmpf ogt, %gather3A_1504, %gather3A_1500 : vector<16xf32>
      %max3A_1549 = arith.maximumf %gather3A_1500, %gather3A_1504 : vector<16xf32>
      %select_n3A_1550 = arith.select %gt3A_1548, %add3A_1532, %add3A_1529 : vector<16xi1>, vector<16xi32>
      %gt3A_1551 = arith.cmpf ogt, %gather3A_1512, %gather3A_1508 : vector<16xf32>
      %max3A_1552 = arith.maximumf %gather3A_1508, %gather3A_1512 : vector<16xf32>
      %select_n3A_1553 = arith.select %gt3A_1551, %add3A_1538, %add3A_1535 : vector<16xi1>, vector<16xi32>
      %gt3A_1554 = arith.cmpf ogt, %gather3A_1520, %gather3A_1516 : vector<16xf32>
      %max3A_1555 = arith.maximumf %gather3A_1516, %gather3A_1520 : vector<16xf32>
      %select_n3A_1556 = arith.select %gt3A_1554, %add3A_1544, %add3A_1541 : vector<16xi1>, vector<16xi32>
      %gt3A_1557 = arith.cmpf ogt, %max3A_1549, %max3A_1546 : vector<16xf32>
      %max3A_1558 = arith.maximumf %max3A_1546, %max3A_1549 : vector<16xf32>
      %select_n3A_1559 = arith.select %gt3A_1557, %select_n3A_1550, %select_n3A_1547 : vector<16xi1>, vector<16xi32>
      %gt3A_1560 = arith.cmpf ogt, %max3A_1555, %max3A_1552 : vector<16xf32>
      %max3A_1561 = arith.maximumf %max3A_1552, %max3A_1555 : vector<16xf32>
      %select_n3A_1562 = arith.select %gt3A_1560, %select_n3A_1556, %select_n3A_1553 : vector<16xi1>, vector<16xi32>
      %gt3A_1563 = arith.cmpf ogt, %max3A_1561, %max3A_1558 : vector<16xf32>
      %max3A_1564 = arith.maximumf %max3A_1558, %max3A_1561 : vector<16xf32>
      %select_n3A_1565 = arith.select %gt3A_1563, %select_n3A_1562, %select_n3A_1559 : vector<16xi1>, vector<16xi32>
      %broadcast_in_dim3A_1566 = arith.constant 0 : i32
      %broadcast_in_dim3A_1567 = vector.broadcast %broadcast_in_dim3A_1566 : i32 to vector<16xi32>
      %eq3A_1568 = arith.cmpi eq, %and3A_1477, %broadcast_in_dim3A_1567 : vector<16xi32>
      %select_n3A_1569 = arith.select %eq3A_1568, %max3A_1564, %max3A_809 : vector<16xi1>, vector<16xf32>
      %select_n3A_1570 = arith.select %eq3A_1568, %select_n3A_1565, %select_n3A_810 : vector<16xi1>, vector<16xi32>
      %broadcast_in_dim3A_1571 = arith.constant 8 : i32
      %broadcast_in_dim3A_1572 = vector.broadcast %broadcast_in_dim3A_1571 : i32 to vector<16xi32>
      %eq3A_1573 = arith.cmpi eq, %and3A_1477, %broadcast_in_dim3A_1572 : vector<16xi32>
      %select_n3A_1574 = arith.select %eq3A_1573, %max3A_1564, %max3A_878 : vector<16xi1>, vector<16xf32>
      %select_n3A_1575 = arith.select %eq3A_1573, %select_n3A_1565, %select_n3A_879 : vector<16xi1>, vector<16xi32>
      %broadcast_in_dim3A_1576 = arith.constant 16 : i32
      %broadcast_in_dim3A_1577 = vector.broadcast %broadcast_in_dim3A_1576 : i32 to vector<16xi32>
      %eq3A_1578 = arith.cmpi eq, %and3A_1477, %broadcast_in_dim3A_1577 : vector<16xi32>
      %select_n3A_1579 = arith.select %eq3A_1578, %max3A_1564, %max3A_947 : vector<16xi1>, vector<16xf32>
      %select_n3A_1580 = arith.select %eq3A_1578, %select_n3A_1565, %select_n3A_948 : vector<16xi1>, vector<16xi32>
      %broadcast_in_dim3A_1581 = arith.constant 24 : i32
      %broadcast_in_dim3A_1582 = vector.broadcast %broadcast_in_dim3A_1581 : i32 to vector<16xi32>
      %eq3A_1583 = arith.cmpi eq, %and3A_1477, %broadcast_in_dim3A_1582 : vector<16xi32>
      %select_n3A_1584 = arith.select %eq3A_1583, %max3A_1564, %max3A_1016 : vector<16xi1>, vector<16xf32>
      %select_n3A_1585 = arith.select %eq3A_1583, %select_n3A_1565, %select_n3A_1017 : vector<16xi1>, vector<16xi32>
      %broadcast_in_dim3A_1586 = arith.constant 32 : i32
      %broadcast_in_dim3A_1587 = vector.broadcast %broadcast_in_dim3A_1586 : i32 to vector<16xi32>
      %eq3A_1588 = arith.cmpi eq, %and3A_1477, %broadcast_in_dim3A_1587 : vector<16xi32>
      %select_n3A_1589 = arith.select %eq3A_1588, %max3A_1564, %max3A_1085 : vector<16xi1>, vector<16xf32>
      %select_n3A_1590 = arith.select %eq3A_1588, %select_n3A_1565, %select_n3A_1086 : vector<16xi1>, vector<16xi32>
      %broadcast_in_dim3A_1591 = arith.constant 40 : i32
      %broadcast_in_dim3A_1592 = vector.broadcast %broadcast_in_dim3A_1591 : i32 to vector<16xi32>
      %eq3A_1593 = arith.cmpi eq, %and3A_1477, %broadcast_in_dim3A_1592 : vector<16xi32>
      %select_n3A_1594 = arith.select %eq3A_1593, %max3A_1564, %max3A_1154 : vector<16xi1>, vector<16xf32>
      %select_n3A_1595 = arith.select %eq3A_1593, %select_n3A_1565, %select_n3A_1155 : vector<16xi1>, vector<16xi32>
      %broadcast_in_dim3A_1596 = arith.constant 48 : i32
      %broadcast_in_dim3A_1597 = vector.broadcast %broadcast_in_dim3A_1596 : i32 to vector<16xi32>
      %eq3A_1598 = arith.cmpi eq, %and3A_1477, %broadcast_in_dim3A_1597 : vector<16xi32>
      %select_n3A_1599 = arith.select %eq3A_1598, %max3A_1564, %max3A_1223 : vector<16xi1>, vector<16xf32>
      %select_n3A_1600 = arith.select %eq3A_1598, %select_n3A_1565, %select_n3A_1224 : vector<16xi1>, vector<16xi32>
      %broadcast_in_dim3A_1601 = arith.constant 56 : i32
      %broadcast_in_dim3A_1602 = vector.broadcast %broadcast_in_dim3A_1601 : i32 to vector<16xi32>
      %eq3A_1603 = arith.cmpi eq, %and3A_1477, %broadcast_in_dim3A_1602 : vector<16xi32>
      %select_n3A_1604 = arith.select %eq3A_1603, %max3A_1564, %max3A_1292 : vector<16xi1>, vector<16xf32>
      %select_n3A_1605 = arith.select %eq3A_1603, %select_n3A_1565, %select_n3A_1293 : vector<16xi1>, vector<16xi32>
      %gt3A_1606 = arith.cmpf ogt, %select_n3A_1443, %select_n3A_1438 : vector<16xf32>
      %max3A_1607 = arith.maximumf %select_n3A_1438, %select_n3A_1443 : vector<16xf32>
      %select_n3A_1608 = arith.select %gt3A_1606, %select_n3A_1444, %select_n3A_1439 : vector<16xi1>, vector<16xi32>
      %gt3A_1609 = arith.cmpf ogt, %select_n3A_1453, %select_n3A_1448 : vector<16xf32>
      %max3A_1610 = arith.maximumf %select_n3A_1448, %select_n3A_1453 : vector<16xf32>
      %select_n3A_1611 = arith.select %gt3A_1609, %select_n3A_1454, %select_n3A_1449 : vector<16xi1>, vector<16xi32>
      %gt3A_1612 = arith.cmpf ogt, %select_n3A_1463, %select_n3A_1458 : vector<16xf32>
      %max3A_1613 = arith.maximumf %select_n3A_1458, %select_n3A_1463 : vector<16xf32>
      %select_n3A_1614 = arith.select %gt3A_1612, %select_n3A_1464, %select_n3A_1459 : vector<16xi1>, vector<16xi32>
      %gt3A_1615 = arith.cmpf ogt, %select_n3A_1473, %select_n3A_1468 : vector<16xf32>
      %max3A_1616 = arith.maximumf %select_n3A_1468, %select_n3A_1473 : vector<16xf32>
      %select_n3A_1617 = arith.select %gt3A_1615, %select_n3A_1474, %select_n3A_1469 : vector<16xi1>, vector<16xi32>
      %gt3A_1618 = arith.cmpf ogt, %max3A_1610, %max3A_1607 : vector<16xf32>
      %max3A_1619 = arith.maximumf %max3A_1607, %max3A_1610 : vector<16xf32>
      %select_n3A_1620 = arith.select %gt3A_1618, %select_n3A_1611, %select_n3A_1608 : vector<16xi1>, vector<16xi32>
      %gt3A_1621 = arith.cmpf ogt, %max3A_1616, %max3A_1613 : vector<16xf32>
      %max3A_1622 = arith.maximumf %max3A_1613, %max3A_1616 : vector<16xf32>
      %select_n3A_1623 = arith.select %gt3A_1621, %select_n3A_1617, %select_n3A_1614 : vector<16xi1>, vector<16xi32>
      %gt3A_1624 = arith.cmpf ogt, %max3A_1622, %max3A_1619 : vector<16xf32>
      %max3A_1625 = arith.maximumf %max3A_1619, %max3A_1622 : vector<16xf32>
      %select_n3A_1626 = arith.select %gt3A_1624, %select_n3A_1623, %select_n3A_1620 : vector<16xi1>, vector<16xi32>
      %add3A_1627 = arith.constant 128 : i32
      %add3A_1628 = arith.addi %add3A_176, %add3A_1627 : i32
      %swap3A_1629 = arith.index_cast %add3A_1628 : i32 to index
      %swap3A_1630 = tpu.vector_load %arg6[%swap3A_1629] {strides = array<i32>} : memref<4096xi32, #tpu.memory_space<vmem>>, vector<16xi32>,
      tpu.vector_store %arg6[%swap3A_1629], %select_n3A_1626 {strides = array<i32>} : memref<4096xi32, #tpu.memory_space<vmem>>, vector<16xi32>,
      %sub3A = arith.subf %max3A_1625, %max3A_1313 : vector<16xf32>
      %exp3A = math.exp %sub3A : vector<16xf32>
      %gt3A_1631 = arith.cmpf ogt, %select_n3A_1574, %select_n3A_1569 : vector<16xf32>
      %max3A_1632 = arith.maximumf %select_n3A_1569, %select_n3A_1574 : vector<16xf32>
      %select_n3A_1633 = arith.select %gt3A_1631, %select_n3A_1575, %select_n3A_1570 : vector<16xi1>, vector<16xi32>
      %gt3A_1634 = arith.cmpf ogt, %select_n3A_1584, %select_n3A_1579 : vector<16xf32>
      %max3A_1635 = arith.maximumf %select_n3A_1579, %select_n3A_1584 : vector<16xf32>
      %select_n3A_1636 = arith.select %gt3A_1634, %select_n3A_1585, %select_n3A_1580 : vector<16xi1>, vector<16xi32>
      %gt3A_1637 = arith.cmpf ogt, %select_n3A_1594, %select_n3A_1589 : vector<16xf32>
      %max3A_1638 = arith.maximumf %select_n3A_1589, %select_n3A_1594 : vector<16xf32>
      %select_n3A_1639 = arith.select %gt3A_1637, %select_n3A_1595, %select_n3A_1590 : vector<16xi1>, vector<16xi32>
      %gt3A_1640 = arith.cmpf ogt, %select_n3A_1604, %select_n3A_1599 : vector<16xf32>
      %max3A_1641 = arith.maximumf %select_n3A_1599, %select_n3A_1604 : vector<16xf32>
      %select_n3A_1642 = arith.select %gt3A_1640, %select_n3A_1605, %select_n3A_1600 : vector<16xi1>, vector<16xi32>
      %gt3A_1643 = arith.cmpf ogt, %max3A_1635, %max3A_1632 : vector<16xf32>
      %max3A_1644 = arith.maximumf %max3A_1632, %max3A_1635 : vector<16xf32>
      %select_n3A_1645 = arith.select %gt3A_1643, %select_n3A_1636, %select_n3A_1633 : vector<16xi1>, vector<16xi32>
      %gt3A_1646 = arith.cmpf ogt, %max3A_1641, %max3A_1638 : vector<16xf32>
      %max3A_1647 = arith.maximumf %max3A_1638, %max3A_1641 : vector<16xf32>
      %select_n3A_1648 = arith.select %gt3A_1646, %select_n3A_1642, %select_n3A_1639 : vector<16xi1>, vector<16xi32>
      %gt3A_1649 = arith.cmpf ogt, %max3A_1647, %max3A_1644 : vector<16xf32>
      %max3A_1650 = arith.maximumf %max3A_1644, %max3A_1647 : vector<16xf32>
      %select_n3A_1651 = arith.select %gt3A_1649, %select_n3A_1648, %select_n3A_1645 : vector<16xi1>, vector<16xi32>
      %add3A_1652 = arith.constant 128 : i32
      %add3A_1653 = arith.addi %add3A_191, %add3A_1652 : i32
      %swap3A_1654 = arith.index_cast %add3A_1653 : i32 to index
      %swap3A_1655 = tpu.vector_load %arg6[%swap3A_1654] {strides = array<i32>} : memref<4096xi32, #tpu.memory_space<vmem>>, vector<16xi32>,
      tpu.vector_store %arg6[%swap3A_1654], %select_n3A_1651 {strides = array<i32>} : memref<4096xi32, #tpu.memory_space<vmem>>, vector<16xi32>,
      %sub3A_1656 = arith.subf %max3A_1650, %max3A_1339 : vector<16xf32>
      %exp3A_1657 = math.exp %sub3A_1656 : vector<16xf32>
      %broadcast_in_dim3A_1658 = arith.constant -8 : i32
      %broadcast_in_dim3A_1659 = vector.broadcast %broadcast_in_dim3A_1658 : i32 to vector<16xi32>
      %and3A_1660 = arith.andi %select_n3A_1626, %broadcast_in_dim3A_1659 : vector<16xi32>
      %shift_left3A_1661 = arith.constant 9 : i32
      %shift_left3A_1662 = vector.broadcast %shift_left3A_1661 : i32 to vector<16xi32>
      %shift_left3A_1663 = arith.shli %and3A_1660, %shift_left3A_1662 : vector<16xi32>
      %add3A_1664 = arith.addi %shift_left3A_1663, %add3A_178 : vector<16xi32>
      %broadcast_in_dim3A_1665 = arith.constant 7 : i32
      %broadcast_in_dim3A_1666 = vector.broadcast %broadcast_in_dim3A_1665 : i32 to vector<16xi32>
      %and3A_1667 = arith.andi %select_n3A_1626, %broadcast_in_dim3A_1666 : vector<16xi32>
      %shift_left3A_1668 = arith.constant 7 : i32
      %shift_left3A_1669 = vector.broadcast %shift_left3A_1668 : i32 to vector<16xi32>
      %shift_left3A_1670 = arith.shli %and3A_1667, %shift_left3A_1669 : vector<16xi32>
      %add3A_1671 = arith.addi %add3A_1664, %shift_left3A_1670 : vector<16xi32>
      tpu.vector_store_idx %arg5[%add3A_1671], %broadcast_in_dim3A_143 : memref<32768xf32, #tpu.memory_space<vmem>>[vector<16xi32>], vector<16xf32>,
      %broadcast_in_dim3A_1672 = arith.constant 0 : i32
      %broadcast_in_dim3A_1673 = vector.broadcast %broadcast_in_dim3A_1672 : i32 to vector<16xi32>
      %add3A_1674 = arith.addi %add3A_1664, %broadcast_in_dim3A_1673 : vector<16xi32>
      %gather3A_1675 = tpu.vector_load_idx %arg5[%add3A_1674] : memref<32768xf32, #tpu.memory_space<vmem>>[vector<16xi32>], vector<16xf32>,
      %broadcast_in_dim3A_1676 = arith.constant 128 : i32
      %broadcast_in_dim3A_1677 = vector.broadcast %broadcast_in_dim3A_1676 : i32 to vector<16xi32>
      %add3A_1678 = arith.addi %add3A_1664, %broadcast_in_dim3A_1677 : vector<16xi32>
      %gather3A_1679 = tpu.vector_load_idx %arg5[%add3A_1678] : memref<32768xf32, #tpu.memory_space<vmem>>[vector<16xi32>], vector<16xf32>,
      %broadcast_in_dim3A_1680 = arith.constant 256 : i32
      %broadcast_in_dim3A_1681 = vector.broadcast %broadcast_in_dim3A_1680 : i32 to vector<16xi32>
      %add3A_1682 = arith.addi %add3A_1664, %broadcast_in_dim3A_1681 : vector<16xi32>
      %gather3A_1683 = tpu.vector_load_idx %arg5[%add3A_1682] : memref<32768xf32, #tpu.memory_space<vmem>>[vector<16xi32>], vector<16xf32>,
      %broadcast_in_dim3A_1684 = arith.constant 384 : i32
      %broadcast_in_dim3A_1685 = vector.broadcast %broadcast_in_dim3A_1684 : i32 to vector<16xi32>
      %add3A_1686 = arith.addi %add3A_1664, %broadcast_in_dim3A_1685 : vector<16xi32>
      %gather3A_1687 = tpu.vector_load_idx %arg5[%add3A_1686] : memref<32768xf32, #tpu.memory_space<vmem>>[vector<16xi32>], vector<16xf32>,
      %broadcast_in_dim3A_1688 = arith.constant 512 : i32
      %broadcast_in_dim3A_1689 = vector.broadcast %broadcast_in_dim3A_1688 : i32 to vector<16xi32>
      %add3A_1690 = arith.addi %add3A_1664, %broadcast_in_dim3A_1689 : vector<16xi32>
      %gather3A_1691 = tpu.vector_load_idx %arg5[%add3A_1690] : memref<32768xf32, #tpu.memory_space<vmem>>[vector<16xi32>], vector<16xf32>,
      %broadcast_in_dim3A_1692 = arith.constant 640 : i32
      %broadcast_in_dim3A_1693 = vector.broadcast %broadcast_in_dim3A_1692 : i32 to vector<16xi32>
      %add3A_1694 = arith.addi %add3A_1664, %broadcast_in_dim3A_1693 : vector<16xi32>
      %gather3A_1695 = tpu.vector_load_idx %arg5[%add3A_1694] : memref<32768xf32, #tpu.memory_space<vmem>>[vector<16xi32>], vector<16xf32>,
      %broadcast_in_dim3A_1696 = arith.constant 768 : i32
      %broadcast_in_dim3A_1697 = vector.broadcast %broadcast_in_dim3A_1696 : i32 to vector<16xi32>
      %add3A_1698 = arith.addi %add3A_1664, %broadcast_in_dim3A_1697 : vector<16xi32>
      %gather3A_1699 = tpu.vector_load_idx %arg5[%add3A_1698] : memref<32768xf32, #tpu.memory_space<vmem>>[vector<16xi32>], vector<16xf32>,
      %broadcast_in_dim3A_1700 = arith.constant 896 : i32
      %broadcast_in_dim3A_1701 = vector.broadcast %broadcast_in_dim3A_1700 : i32 to vector<16xi32>
      %add3A_1702 = arith.addi %add3A_1664, %broadcast_in_dim3A_1701 : vector<16xi32>
      %gather3A_1703 = tpu.vector_load_idx %arg5[%add3A_1702] : memref<32768xf32, #tpu.memory_space<vmem>>[vector<16xi32>], vector<16xf32>,
      %broadcast_in_dim3A_1704 = arith.constant 0 : i32
      %broadcast_in_dim3A_1705 = vector.broadcast %broadcast_in_dim3A_1704 : i32 to vector<16xi32>
      %add3A_1706 = arith.addi %and3A_1660, %broadcast_in_dim3A_1705 : vector<16xi32>
      %broadcast_in_dim3A_1707 = arith.constant 1 : i32
      %broadcast_in_dim3A_1708 = vector.broadcast %broadcast_in_dim3A_1707 : i32 to vector<16xi32>
      %add3A_1709 = arith.addi %and3A_1660, %broadcast_in_dim3A_1708 : vector<16xi32>
      %broadcast_in_dim3A_1710 = arith.constant 2 : i32
      %broadcast_in_dim3A_1711 = vector.broadcast %broadcast_in_dim3A_1710 : i32 to vector<16xi32>
      %add3A_1712 = arith.addi %and3A_1660, %broadcast_in_dim3A_1711 : vector<16xi32>
      %broadcast_in_dim3A_1713 = arith.constant 3 : i32
      %broadcast_in_dim3A_1714 = vector.broadcast %broadcast_in_dim3A_1713 : i32 to vector<16xi32>
      %add3A_1715 = arith.addi %and3A_1660, %broadcast_in_dim3A_1714 : vector<16xi32>
      %broadcast_in_dim3A_1716 = arith.constant 4 : i32
      %broadcast_in_dim3A_1717 = vector.broadcast %broadcast_in_dim3A_1716 : i32 to vector<16xi32>
      %add3A_1718 = arith.addi %and3A_1660, %broadcast_in_dim3A_1717 : vector<16xi32>
      %broadcast_in_dim3A_1719 = arith.constant 5 : i32
      %broadcast_in_dim3A_1720 = vector.broadcast %broadcast_in_dim3A_1719 : i32 to vector<16xi32>
      %add3A_1721 = arith.addi %and3A_1660, %broadcast_in_dim3A_1720 : vector<16xi32>
      %broadcast_in_dim3A_1722 = arith.constant 6 : i32
      %broadcast_in_dim3A_1723 = vector.broadcast %broadcast_in_dim3A_1722 : i32 to vector<16xi32>
      %add3A_1724 = arith.addi %and3A_1660, %broadcast_in_dim3A_1723 : vector<16xi32>
      %broadcast_in_dim3A_1725 = arith.constant 7 : i32
      %broadcast_in_dim3A_1726 = vector.broadcast %broadcast_in_dim3A_1725 : i32 to vector<16xi32>
      %add3A_1727 = arith.addi %and3A_1660, %broadcast_in_dim3A_1726 : vector<16xi32>
      %gt3A_1728 = arith.cmpf ogt, %gather3A_1679, %gather3A_1675 : vector<16xf32>
      %max3A_1729 = arith.maximumf %gather3A_1675, %gather3A_1679 : vector<16xf32>
      %select_n3A_1730 = arith.select %gt3A_1728, %add3A_1709, %add3A_1706 : vector<16xi1>, vector<16xi32>
      %gt3A_1731 = arith.cmpf ogt, %gather3A_1687, %gather3A_1683 : vector<16xf32>
      %max3A_1732 = arith.maximumf %gather3A_1683, %gather3A_1687 : vector<16xf32>
      %select_n3A_1733 = arith.select %gt3A_1731, %add3A_1715, %add3A_1712 : vector<16xi1>, vector<16xi32>
      %gt3A_1734 = arith.cmpf ogt, %gather3A_1695, %gather3A_1691 : vector<16xf32>
      %max3A_1735 = arith.maximumf %gather3A_1691, %gather3A_1695 : vector<16xf32>
      %select_n3A_1736 = arith.select %gt3A_1734, %add3A_1721, %add3A_1718 : vector<16xi1>, vector<16xi32>
      %gt3A_1737 = arith.cmpf ogt, %gather3A_1703, %gather3A_1699 : vector<16xf32>
      %max3A_1738 = arith.maximumf %gather3A_1699, %gather3A_1703 : vector<16xf32>
      %select_n3A_1739 = arith.select %gt3A_1737, %add3A_1727, %add3A_1724 : vector<16xi1>, vector<16xi32>
      %gt3A_1740 = arith.cmpf ogt, %max3A_1732, %max3A_1729 : vector<16xf32>
      %max3A_1741 = arith.maximumf %max3A_1729, %max3A_1732 : vector<16xf32>
      %select_n3A_1742 = arith.select %gt3A_1740, %select_n3A_1733, %select_n3A_1730 : vector<16xi1>, vector<16xi32>
      %gt3A_1743 = arith.cmpf ogt, %max3A_1738, %max3A_1735 : vector<16xf32>
      %max3A_1744 = arith.maximumf %max3A_1735, %max3A_1738 : vector<16xf32>
      %select_n3A_1745 = arith.select %gt3A_1743, %select_n3A_1739, %select_n3A_1736 : vector<16xi1>, vector<16xi32>
      %gt3A_1746 = arith.cmpf ogt, %max3A_1744, %max3A_1741 : vector<16xf32>
      %max3A_1747 = arith.maximumf %max3A_1741, %max3A_1744 : vector<16xf32>
      %select_n3A_1748 = arith.select %gt3A_1746, %select_n3A_1745, %select_n3A_1742 : vector<16xi1>, vector<16xi32>
      %broadcast_in_dim3A_1749 = arith.constant 0 : i32
      %broadcast_in_dim3A_1750 = vector.broadcast %broadcast_in_dim3A_1749 : i32 to vector<16xi32>
      %eq3A_1751 = arith.cmpi eq, %and3A_1660, %broadcast_in_dim3A_1750 : vector<16xi32>
      %select_n3A_1752 = arith.select %eq3A_1751, %max3A_1747, %select_n3A_1438 : vector<16xi1>, vector<16xf32>
      %select_n3A_1753 = arith.select %eq3A_1751, %select_n3A_1748, %select_n3A_1439 : vector<16xi1>, vector<16xi32>
      %broadcast_in_dim3A_1754 = arith.constant 8 : i32
      %broadcast_in_dim3A_1755 = vector.broadcast %broadcast_in_dim3A_1754 : i32 to vector<16xi32>
      %eq3A_1756 = arith.cmpi eq, %and3A_1660, %broadcast_in_dim3A_1755 : vector<16xi32>
      %select_n3A_1757 = arith.select %eq3A_1756, %max3A_1747, %select_n3A_1443 : vector<16xi1>, vector<16xf32>
      %select_n3A_1758 = arith.select %eq3A_1756, %select_n3A_1748, %select_n3A_1444 : vector<16xi1>, vector<16xi32>
      %broadcast_in_dim3A_1759 = arith.constant 16 : i32
      %broadcast_in_dim3A_1760 = vector.broadcast %broadcast_in_dim3A_1759 : i32 to vector<16xi32>
      %eq3A_1761 = arith.cmpi eq, %and3A_1660, %broadcast_in_dim3A_1760 : vector<16xi32>
      %select_n3A_1762 = arith.select %eq3A_1761, %max3A_1747, %select_n3A_1448 : vector<16xi1>, vector<16xf32>
      %select_n3A_1763 = arith.select %eq3A_1761, %select_n3A_1748, %select_n3A_1449 : vector<16xi1>, vector<16xi32>
      %broadcast_in_dim3A_1764 = arith.constant 24 : i32
      %broadcast_in_dim3A_1765 = vector.broadcast %broadcast_in_dim3A_1764 : i32 to vector<16xi32>
      %eq3A_1766 = arith.cmpi eq, %and3A_1660, %broadcast_in_dim3A_1765 : vector<16xi32>
      %select_n3A_1767 = arith.select %eq3A_1766, %max3A_1747, %select_n3A_1453 : vector<16xi1>, vector<16xf32>
      %select_n3A_1768 = arith.select %eq3A_1766, %select_n3A_1748, %select_n3A_1454 : vector<16xi1>, vector<16xi32>
      %broadcast_in_dim3A_1769 = arith.constant 32 : i32
      %broadcast_in_dim3A_1770 = vector.broadcast %broadcast_in_dim3A_1769 : i32 to vector<16xi32>
      %eq3A_1771 = arith.cmpi eq, %and3A_1660, %broadcast_in_dim3A_1770 : vector<16xi32>
      %select_n3A_1772 = arith.select %eq3A_1771, %max3A_1747, %select_n3A_1458 : vector<16xi1>, vector<16xf32>
      %select_n3A_1773 = arith.select %eq3A_1771, %select_n3A_1748, %select_n3A_1459 : vector<16xi1>, vector<16xi32>
      %broadcast_in_dim3A_1774 = arith.constant 40 : i32
      %broadcast_in_dim3A_1775 = vector.broadcast %broadcast_in_dim3A_1774 : i32 to vector<16xi32>
      %eq3A_1776 = arith.cmpi eq, %and3A_1660, %broadcast_in_dim3A_1775 : vector<16xi32>
      %select_n3A_1777 = arith.select %eq3A_1776, %max3A_1747, %select_n3A_1463 : vector<16xi1>, vector<16xf32>
      %select_n3A_1778 = arith.select %eq3A_1776, %select_n3A_1748, %select_n3A_1464 : vector<16xi1>, vector<16xi32>
      %broadcast_in_dim3A_1779 = arith.constant 48 : i32
      %broadcast_in_dim3A_1780 = vector.broadcast %broadcast_in_dim3A_1779 : i32 to vector<16xi32>
      %eq3A_1781 = arith.cmpi eq, %and3A_1660, %broadcast_in_dim3A_1780 : vector<16xi32>
      %select_n3A_1782 = arith.select %eq3A_1781, %max3A_1747, %select_n3A_1468 : vector<16xi1>, vector<16xf32>
      %select_n3A_1783 = arith.select %eq3A_1781, %select_n3A_1748, %select_n3A_1469 : vector<16xi1>, vector<16xi32>
      %broadcast_in_dim3A_1784 = arith.constant 56 : i32
      %broadcast_in_dim3A_1785 = vector.broadcast %broadcast_in_dim3A_1784 : i32 to vector<16xi32>
      %eq3A_1786 = arith.cmpi eq, %and3A_1660, %broadcast_in_dim3A_1785 : vector<16xi32>
      %select_n3A_1787 = arith.select %eq3A_1786, %max3A_1747, %select_n3A_1473 : vector<16xi1>, vector<16xf32>
      %select_n3A_1788 = arith.select %eq3A_1786, %select_n3A_1748, %select_n3A_1474 : vector<16xi1>, vector<16xi32>
      %broadcast_in_dim3A_1789 = arith.constant -8 : i32
      %broadcast_in_dim3A_1790 = vector.broadcast %broadcast_in_dim3A_1789 : i32 to vector<16xi32>
      %and3A_1791 = arith.andi %select_n3A_1651, %broadcast_in_dim3A_1790 : vector<16xi32>
      %shift_left3A_1792 = arith.constant 9 : i32
      %shift_left3A_1793 = vector.broadcast %shift_left3A_1792 : i32 to vector<16xi32>
      %shift_left3A_1794 = arith.shli %and3A_1791, %shift_left3A_1793 : vector<16xi32>
      %add3A_1795 = arith.addi %shift_left3A_1794, %add3A_193 : vector<16xi32>
      %broadcast_in_dim3A_1796 = arith.constant 7 : i32
      %broadcast_in_dim3A_1797 = vector.broadcast %broadcast_in_dim3A_1796 : i32 to vector<16xi32>
      %and3A_1798 = arith.andi %select_n3A_1651, %broadcast_in_dim3A_1797 : vector<16xi32>
      %shift_left3A_1799 = arith.constant 7 : i32
      %shift_left3A_1800 = vector.broadcast %shift_left3A_1799 : i32 to vector<16xi32>
      %shift_left3A_1801 = arith.shli %and3A_1798, %shift_left3A_1800 : vector<16xi32>
      %add3A_1802 = arith.addi %add3A_1795, %shift_left3A_1801 : vector<16xi32>
      tpu.vector_store_idx %arg5[%add3A_1802], %broadcast_in_dim3A_143 : memref<32768xf32, #tpu.memory_space<vmem>>[vector<16xi32>], vector<16xf32>,
      %broadcast_in_dim3A_1803 = arith.constant 0 : i32
      %broadcast_in_dim3A_1804 = vector.broadcast %broadcast_in_dim3A_1803 : i32 to vector<16xi32>
      %add3A_1805 = arith.addi %add3A_1795, %broadcast_in_dim3A_1804 : vector<16xi32>
      %gather3A_1806 = tpu.vector_load_idx %arg5[%add3A_1805] : memref<32768xf32, #tpu.memory_space<vmem>>[vector<16xi32>], vector<16xf32>,
      %broadcast_in_dim3A_1807 = arith.constant 128 : i32
      %broadcast_in_dim3A_1808 = vector.broadcast %broadcast_in_dim3A_1807 : i32 to vector<16xi32>
      %add3A_1809 = arith.addi %add3A_1795, %broadcast_in_dim3A_1808 : vector<16xi32>
      %gather3A_1810 = tpu.vector_load_idx %arg5[%add3A_1809] : memref<32768xf32, #tpu.memory_space<vmem>>[vector<16xi32>], vector<16xf32>,
      %broadcast_in_dim3A_1811 = arith.constant 256 : i32
      %broadcast_in_dim3A_1812 = vector.broadcast %broadcast_in_dim3A_1811 : i32 to vector<16xi32>
      %add3A_1813 = arith.addi %add3A_1795, %broadcast_in_dim3A_1812 : vector<16xi32>
      %gather3A_1814 = tpu.vector_load_idx %arg5[%add3A_1813] : memref<32768xf32, #tpu.memory_space<vmem>>[vector<16xi32>], vector<16xf32>,
      %broadcast_in_dim3A_1815 = arith.constant 384 : i32
      %broadcast_in_dim3A_1816 = vector.broadcast %broadcast_in_dim3A_1815 : i32 to vector<16xi32>
      %add3A_1817 = arith.addi %add3A_1795, %broadcast_in_dim3A_1816 : vector<16xi32>
      %gather3A_1818 = tpu.vector_load_idx %arg5[%add3A_1817] : memref<32768xf32, #tpu.memory_space<vmem>>[vector<16xi32>], vector<16xf32>,
      %broadcast_in_dim3A_1819 = arith.constant 512 : i32
      %broadcast_in_dim3A_1820 = vector.broadcast %broadcast_in_dim3A_1819 : i32 to vector<16xi32>
      %add3A_1821 = arith.addi %add3A_1795, %broadcast_in_dim3A_1820 : vector<16xi32>
      %gather3A_1822 = tpu.vector_load_idx %arg5[%add3A_1821] : memref<32768xf32, #tpu.memory_space<vmem>>[vector<16xi32>], vector<16xf32>,
      %broadcast_in_dim3A_1823 = arith.constant 640 : i32
      %broadcast_in_dim3A_1824 = vector.broadcast %broadcast_in_dim3A_1823 : i32 to vector<16xi32>
      %add3A_1825 = arith.addi %add3A_1795, %broadcast_in_dim3A_1824 : vector<16xi32>
      %gather3A_1826 = tpu.vector_load_idx %arg5[%add3A_1825] : memref<32768xf32, #tpu.memory_space<vmem>>[vector<16xi32>], vector<16xf32>,
      %broadcast_in_dim3A_1827 = arith.constant 768 : i32
      %broadcast_in_dim3A_1828 = vector.broadcast %broadcast_in_dim3A_1827 : i32 to vector<16xi32>
      %add3A_1829 = arith.addi %add3A_1795, %broadcast_in_dim3A_1828 : vector<16xi32>
      %gather3A_1830 = tpu.vector_load_idx %arg5[%add3A_1829] : memref<32768xf32, #tpu.memory_space<vmem>>[vector<16xi32>], vector<16xf32>,
      %broadcast_in_dim3A_1831 = arith.constant 896 : i32
      %broadcast_in_dim3A_1832 = vector.broadcast %broadcast_in_dim3A_1831 : i32 to vector<16xi32>
      %add3A_1833 = arith.addi %add3A_1795, %broadcast_in_dim3A_1832 : vector<16xi32>
      %gather3A_1834 = tpu.vector_load_idx %arg5[%add3A_1833] : memref<32768xf32, #tpu.memory_space<vmem>>[vector<16xi32>], vector<16xf32>,
      %broadcast_in_dim3A_1835 = arith.constant 0 : i32
      %broadcast_in_dim3A_1836 = vector.broadcast %broadcast_in_dim3A_1835 : i32 to vector<16xi32>
      %add3A_1837 = arith.addi %and3A_1791, %broadcast_in_dim3A_1836 : vector<16xi32>
      %broadcast_in_dim3A_1838 = arith.constant 1 : i32
      %broadcast_in_dim3A_1839 = vector.broadcast %broadcast_in_dim3A_1838 : i32 to vector<16xi32>
      %add3A_1840 = arith.addi %and3A_1791, %broadcast_in_dim3A_1839 : vector<16xi32>
      %broadcast_in_dim3A_1841 = arith.constant 2 : i32
      %broadcast_in_dim3A_1842 = vector.broadcast %broadcast_in_dim3A_1841 : i32 to vector<16xi32>
      %add3A_1843 = arith.addi %and3A_1791, %broadcast_in_dim3A_1842 : vector<16xi32>
      %broadcast_in_dim3A_1844 = arith.constant 3 : i32
      %broadcast_in_dim3A_1845 = vector.broadcast %broadcast_in_dim3A_1844 : i32 to vector<16xi32>
      %add3A_1846 = arith.addi %and3A_1791, %broadcast_in_dim3A_1845 : vector<16xi32>
      %broadcast_in_dim3A_1847 = arith.constant 4 : i32
      %broadcast_in_dim3A_1848 = vector.broadcast %broadcast_in_dim3A_1847 : i32 to vector<16xi32>
      %add3A_1849 = arith.addi %and3A_1791, %broadcast_in_dim3A_1848 : vector<16xi32>
      %broadcast_in_dim3A_1850 = arith.constant 5 : i32
      %broadcast_in_dim3A_1851 = vector.broadcast %broadcast_in_dim3A_1850 : i32 to vector<16xi32>
      %add3A_1852 = arith.addi %and3A_1791, %broadcast_in_dim3A_1851 : vector<16xi32>
      %broadcast_in_dim3A_1853 = arith.constant 6 : i32
      %broadcast_in_dim3A_1854 = vector.broadcast %broadcast_in_dim3A_1853 : i32 to vector<16xi32>
      %add3A_1855 = arith.addi %and3A_1791, %broadcast_in_dim3A_1854 : vector<16xi32>
      %broadcast_in_dim3A_1856 = arith.constant 7 : i32
      %broadcast_in_dim3A_1857 = vector.broadcast %broadcast_in_dim3A_1856 : i32 to vector<16xi32>
      %add3A_1858 = arith.addi %and3A_1791, %broadcast_in_dim3A_1857 : vector<16xi32>
      %gt3A_1859 = arith.cmpf ogt, %gather3A_1810, %gather3A_1806 : vector<16xf32>
      %max3A_1860 = arith.maximumf %gather3A_1806, %gather3A_1810 : vector<16xf32>
      %select_n3A_1861 = arith.select %gt3A_1859, %add3A_1840, %add3A_1837 : vector<16xi1>, vector<16xi32>
      %gt3A_1862 = arith.cmpf ogt, %gather3A_1818, %gather3A_1814 : vector<16xf32>
      %max3A_1863 = arith.maximumf %gather3A_1814, %gather3A_1818 : vector<16xf32>
      %select_n3A_1864 = arith.select %gt3A_1862, %add3A_1846, %add3A_1843 : vector<16xi1>, vector<16xi32>
      %gt3A_1865 = arith.cmpf ogt, %gather3A_1826, %gather3A_1822 : vector<16xf32>
      %max3A_1866 = arith.maximumf %gather3A_1822, %gather3A_1826 : vector<16xf32>
      %select_n3A_1867 = arith.select %gt3A_1865, %add3A_1852, %add3A_1849 : vector<16xi1>, vector<16xi32>
      %gt3A_1868 = arith.cmpf ogt, %gather3A_1834, %gather3A_1830 : vector<16xf32>
      %max3A_1869 = arith.maximumf %gather3A_1830, %gather3A_1834 : vector<16xf32>
      %select_n3A_1870 = arith.select %gt3A_1868, %add3A_1858, %add3A_1855 : vector<16xi1>, vector<16xi32>
      %gt3A_1871 = arith.cmpf ogt, %max3A_1863, %max3A_1860 : vector<16xf32>
      %max3A_1872 = arith.maximumf %max3A_1860, %max3A_1863 : vector<16xf32>
      %select_n3A_1873 = arith.select %gt3A_1871, %select_n3A_1864, %select_n3A_1861 : vector<16xi1>, vector<16xi32>
      %gt3A_1874 = arith.cmpf ogt, %max3A_1869, %max3A_1866 : vector<16xf32>
      %max3A_1875 = arith.maximumf %max3A_1866, %max3A_1869 : vector<16xf32>
      %select_n3A_1876 = arith.select %gt3A_1874, %select_n3A_1870, %select_n3A_1867 : vector<16xi1>, vector<16xi32>
      %gt3A_1877 = arith.cmpf ogt, %max3A_1875, %max3A_1872 : vector<16xf32>
      %max3A_1878 = arith.maximumf %max3A_1872, %max3A_1875 : vector<16xf32>
      %select_n3A_1879 = arith.select %gt3A_1877, %select_n3A_1876, %select_n3A_1873 : vector<16xi1>, vector<16xi32>
      %broadcast_in_dim3A_1880 = arith.constant 0 : i32
      %broadcast_in_dim3A_1881 = vector.broadcast %broadcast_in_dim3A_1880 : i32 to vector<16xi32>
      %eq3A_1882 = arith.cmpi eq, %and3A_1791, %broadcast_in_dim3A_1881 : vector<16xi32>
      %select_n3A_1883 = arith.select %eq3A_1882, %max3A_1878, %select_n3A_1569 : vector<16xi1>, vector<16xf32>
      %select_n3A_1884 = arith.select %eq3A_1882, %select_n3A_1879, %select_n3A_1570 : vector<16xi1>, vector<16xi32>
      %broadcast_in_dim3A_1885 = arith.constant 8 : i32
      %broadcast_in_dim3A_1886 = vector.broadcast %broadcast_in_dim3A_1885 : i32 to vector<16xi32>
      %eq3A_1887 = arith.cmpi eq, %and3A_1791, %broadcast_in_dim3A_1886 : vector<16xi32>
      %select_n3A_1888 = arith.select %eq3A_1887, %max3A_1878, %select_n3A_1574 : vector<16xi1>, vector<16xf32>
      %select_n3A_1889 = arith.select %eq3A_1887, %select_n3A_1879, %select_n3A_1575 : vector<16xi1>, vector<16xi32>
      %broadcast_in_dim3A_1890 = arith.constant 16 : i32
      %broadcast_in_dim3A_1891 = vector.broadcast %broadcast_in_dim3A_1890 : i32 to vector<16xi32>
      %eq3A_1892 = arith.cmpi eq, %and3A_1791, %broadcast_in_dim3A_1891 : vector<16xi32>
      %select_n3A_1893 = arith.select %eq3A_1892, %max3A_1878, %select_n3A_1579 : vector<16xi1>, vector<16xf32>
      %select_n3A_1894 = arith.select %eq3A_1892, %select_n3A_1879, %select_n3A_1580 : vector<16xi1>, vector<16xi32>
      %broadcast_in_dim3A_1895 = arith.constant 24 : i32
      %broadcast_in_dim3A_1896 = vector.broadcast %broadcast_in_dim3A_1895 : i32 to vector<16xi32>
      %eq3A_1897 = arith.cmpi eq, %and3A_1791, %broadcast_in_dim3A_1896 : vector<16xi32>
      %select_n3A_1898 = arith.select %eq3A_1897, %max3A_1878, %select_n3A_1584 : vector<16xi1>, vector<16xf32>
      %select_n3A_1899 = arith.select %eq3A_1897, %select_n3A_1879, %select_n3A_1585 : vector<16xi1>, vector<16xi32>
      %broadcast_in_dim3A_1900 = arith.constant 32 : i32
      %broadcast_in_dim3A_1901 = vector.broadcast %broadcast_in_dim3A_1900 : i32 to vector<16xi32>
      %eq3A_1902 = arith.cmpi eq, %and3A_1791, %broadcast_in_dim3A_1901 : vector<16xi32>
      %select_n3A_1903 = arith.select %eq3A_1902, %max3A_1878, %select_n3A_1589 : vector<16xi1>, vector<16xf32>
      %select_n3A_1904 = arith.select %eq3A_1902, %select_n3A_1879, %select_n3A_1590 : vector<16xi1>, vector<16xi32>
      %broadcast_in_dim3A_1905 = arith.constant 40 : i32
      %broadcast_in_dim3A_1906 = vector.broadcast %broadcast_in_dim3A_1905 : i32 to vector<16xi32>
      %eq3A_1907 = arith.cmpi eq, %and3A_1791, %broadcast_in_dim3A_1906 : vector<16xi32>
      %select_n3A_1908 = arith.select %eq3A_1907, %max3A_1878, %select_n3A_1594 : vector<16xi1>, vector<16xf32>
      %select_n3A_1909 = arith.select %eq3A_1907, %select_n3A_1879, %select_n3A_1595 : vector<16xi1>, vector<16xi32>
      %broadcast_in_dim3A_1910 = arith.constant 48 : i32
      %broadcast_in_dim3A_1911 = vector.broadcast %broadcast_in_dim3A_1910 : i32 to vector<16xi32>
      %eq3A_1912 = arith.cmpi eq, %and3A_1791, %broadcast_in_dim3A_1911 : vector<16xi32>
      %select_n3A_1913 = arith.select %eq3A_1912, %max3A_1878, %select_n3A_1599 : vector<16xi1>, vector<16xf32>
      %select_n3A_1914 = arith.select %eq3A_1912, %select_n3A_1879, %select_n3A_1600 : vector<16xi1>, vector<16xi32>
      %broadcast_in_dim3A_1915 = arith.constant 56 : i32
      %broadcast_in_dim3A_1916 = vector.broadcast %broadcast_in_dim3A_1915 : i32 to vector<16xi32>
      %eq3A_1917 = arith.cmpi eq, %and3A_1791, %broadcast_in_dim3A_1916 : vector<16xi32>
      %select_n3A_1918 = arith.select %eq3A_1917, %max3A_1878, %select_n3A_1604 : vector<16xi1>, vector<16xf32>
      %select_n3A_1919 = arith.select %eq3A_1917, %select_n3A_1879, %select_n3A_1605 : vector<16xi1>, vector<16xi32>
      %gt3A_1920 = arith.cmpf ogt, %select_n3A_1757, %select_n3A_1752 : vector<16xf32>
      %max3A_1921 = arith.maximumf %select_n3A_1752, %select_n3A_1757 : vector<16xf32>
      %select_n3A_1922 = arith.select %gt3A_1920, %select_n3A_1758, %select_n3A_1753 : vector<16xi1>, vector<16xi32>
      %gt3A_1923 = arith.cmpf ogt, %select_n3A_1767, %select_n3A_1762 : vector<16xf32>
      %max3A_1924 = arith.maximumf %select_n3A_1762, %select_n3A_1767 : vector<16xf32>
      %select_n3A_1925 = arith.select %gt3A_1923, %select_n3A_1768, %select_n3A_1763 : vector<16xi1>, vector<16xi32>
      %gt3A_1926 = arith.cmpf ogt, %select_n3A_1777, %select_n3A_1772 : vector<16xf32>
      %max3A_1927 = arith.maximumf %select_n3A_1772, %select_n3A_1777 : vector<16xf32>
      %select_n3A_1928 = arith.select %gt3A_1926, %select_n3A_1778, %select_n3A_1773 : vector<16xi1>, vector<16xi32>
      %gt3A_1929 = arith.cmpf ogt, %select_n3A_1787, %select_n3A_1782 : vector<16xf32>
      %max3A_1930 = arith.maximumf %select_n3A_1782, %select_n3A_1787 : vector<16xf32>
      %select_n3A_1931 = arith.select %gt3A_1929, %select_n3A_1788, %select_n3A_1783 : vector<16xi1>, vector<16xi32>
      %gt3A_1932 = arith.cmpf ogt, %max3A_1924, %max3A_1921 : vector<16xf32>
      %max3A_1933 = arith.maximumf %max3A_1921, %max3A_1924 : vector<16xf32>
      %select_n3A_1934 = arith.select %gt3A_1932, %select_n3A_1925, %select_n3A_1922 : vector<16xi1>, vector<16xi32>
      %gt3A_1935 = arith.cmpf ogt, %max3A_1930, %max3A_1927 : vector<16xf32>
      %max3A_1936 = arith.maximumf %max3A_1927, %max3A_1930 : vector<16xf32>
      %select_n3A_1937 = arith.select %gt3A_1935, %select_n3A_1931, %select_n3A_1928 : vector<16xi1>, vector<16xi32>
      %gt3A_1938 = arith.cmpf ogt, %max3A_1936, %max3A_1933 : vector<16xf32>
      %max3A_1939 = arith.maximumf %max3A_1933, %max3A_1936 : vector<16xf32>
      %select_n3A_1940 = arith.select %gt3A_1938, %select_n3A_1937, %select_n3A_1934 : vector<16xi1>, vector<16xi32>
      %add3A_1941 = arith.constant 256 : i32
      %add3A_1942 = arith.addi %add3A_176, %add3A_1941 : i32
      %swap3A_1943 = arith.index_cast %add3A_1942 : i32 to index
      %swap3A_1944 = tpu.vector_load %arg6[%swap3A_1943] {strides = array<i32>} : memref<4096xi32, #tpu.memory_space<vmem>>, vector<16xi32>,
      tpu.vector_store %arg6[%swap3A_1943], %select_n3A_1940 {strides = array<i32>} : memref<4096xi32, #tpu.memory_space<vmem>>, vector<16xi32>,
      %sub3A_1945 = arith.subf %max3A_1939, %max3A_1313 : vector<16xf32>
      %exp3A_1946 = math.exp %sub3A_1945 : vector<16xf32>
      %gt3A_1947 = arith.cmpf ogt, %select_n3A_1888, %select_n3A_1883 : vector<16xf32>
      %max3A_1948 = arith.maximumf %select_n3A_1883, %select_n3A_1888 : vector<16xf32>
      %select_n3A_1949 = arith.select %gt3A_1947, %select_n3A_1889, %select_n3A_1884 : vector<16xi1>, vector<16xi32>
      %gt3A_1950 = arith.cmpf ogt, %select_n3A_1898, %select_n3A_1893 : vector<16xf32>
      %max3A_1951 = arith.maximumf %select_n3A_1893, %select_n3A_1898 : vector<16xf32>
      %select_n3A_1952 = arith.select %gt3A_1950, %select_n3A_1899, %select_n3A_1894 : vector<16xi1>, vector<16xi32>
      %gt3A_1953 = arith.cmpf ogt, %select_n3A_1908, %select_n3A_1903 : vector<16xf32>
      %max3A_1954 = arith.maximumf %select_n3A_1903, %select_n3A_1908 : vector<16xf32>
      %select_n3A_1955 = arith.select %gt3A_1953, %select_n3A_1909, %select_n3A_1904 : vector<16xi1>, vector<16xi32>
      %gt3A_1956 = arith.cmpf ogt, %select_n3A_1918, %select_n3A_1913 : vector<16xf32>
      %max3A_1957 = arith.maximumf %select_n3A_1913, %select_n3A_1918 : vector<16xf32>
      %select_n3A_1958 = arith.select %gt3A_1956, %select_n3A_1919, %select_n3A_1914 : vector<16xi1>, vector<16xi32>
      %gt3A_1959 = arith.cmpf ogt, %max3A_1951, %max3A_1948 : vector<16xf32>
      %max3A_1960 = arith.maximumf %max3A_1948, %max3A_1951 : vector<16xf32>
      %select_n3A_1961 = arith.select %gt3A_1959, %select_n3A_1952, %select_n3A_1949 : vector<16xi1>, vector<16xi32>
      %gt3A_1962 = arith.cmpf ogt, %max3A_1957, %max3A_1954 : vector<16xf32>
      %max3A_1963 = arith.maximumf %max3A_1954, %max3A_1957 : vector<16xf32>
      %select_n3A_1964 = arith.select %gt3A_1962, %select_n3A_1958, %select_n3A_1955 : vector<16xi1>, vector<16xi32>
      %gt3A_1965 = arith.cmpf ogt, %max3A_1963, %max3A_1960 : vector<16xf32>
      %max3A_1966 = arith.maximumf %max3A_1960, %max3A_1963 : vector<16xf32>
      %select_n3A_1967 = arith.select %gt3A_1965, %select_n3A_1964, %select_n3A_1961 : vector<16xi1>, vector<16xi32>
      %add3A_1968 = arith.constant 256 : i32
      %add3A_1969 = arith.addi %add3A_191, %add3A_1968 : i32
      %swap3A_1970 = arith.index_cast %add3A_1969 : i32 to index
      %swap3A_1971 = tpu.vector_load %arg6[%swap3A_1970] {strides = array<i32>} : memref<4096xi32, #tpu.memory_space<vmem>>, vector<16xi32>,
      tpu.vector_store %arg6[%swap3A_1970], %select_n3A_1967 {strides = array<i32>} : memref<4096xi32, #tpu.memory_space<vmem>>, vector<16xi32>,
      %sub3A_1972 = arith.subf %max3A_1966, %max3A_1339 : vector<16xf32>
      %exp3A_1973 = math.exp %sub3A_1972 : vector<16xf32>
      %broadcast_in_dim3A_1974 = arith.constant -8 : i32
      %broadcast_in_dim3A_1975 = vector.broadcast %broadcast_in_dim3A_1974 : i32 to vector<16xi32>
      %and3A_1976 = arith.andi %select_n3A_1940, %broadcast_in_dim3A_1975 : vector<16xi32>
      %shift_left3A_1977 = arith.constant 9 : i32
      %shift_left3A_1978 = vector.broadcast %shift_left3A_1977 : i32 to vector<16xi32>
      %shift_left3A_1979 = arith.shli %and3A_1976, %shift_left3A_1978 : vector<16xi32>
      %add3A_1980 = arith.addi %shift_left3A_1979, %add3A_178 : vector<16xi32>
      %broadcast_in_dim3A_1981 = arith.constant 7 : i32
      %broadcast_in_dim3A_1982 = vector.broadcast %broadcast_in_dim3A_1981 : i32 to vector<16xi32>
      %and3A_1983 = arith.andi %select_n3A_1940, %broadcast_in_dim3A_1982 : vector<16xi32>
      %shift_left3A_1984 = arith.constant 7 : i32
      %shift_left3A_1985 = vector.broadcast %shift_left3A_1984 : i32 to vector<16xi32>
      %shift_left3A_1986 = arith.shli %and3A_1983, %shift_left3A_1985 : vector<16xi32>
      %add3A_1987 = arith.addi %add3A_1980, %shift_left3A_1986 : vector<16xi32>
      tpu.vector_store_idx %arg5[%add3A_1987], %broadcast_in_dim3A_143 : memref<32768xf32, #tpu.memory_space<vmem>>[vector<16xi32>], vector<16xf32>,
      %broadcast_in_dim3A_1988 = arith.constant 0 : i32
      %broadcast_in_dim3A_1989 = vector.broadcast %broadcast_in_dim3A_1988 : i32 to vector<16xi32>
      %add3A_1990 = arith.addi %add3A_1980, %broadcast_in_dim3A_1989 : vector<16xi32>
      %gather3A_1991 = tpu.vector_load_idx %arg5[%add3A_1990] : memref<32768xf32, #tpu.memory_space<vmem>>[vector<16xi32>], vector<16xf32>,
      %broadcast_in_dim3A_1992 = arith.constant 128 : i32
      %broadcast_in_dim3A_1993 = vector.broadcast %broadcast_in_dim3A_1992 : i32 to vector<16xi32>
      %add3A_1994 = arith.addi %add3A_1980, %broadcast_in_dim3A_1993 : vector<16xi32>
      %gather3A_1995 = tpu.vector_load_idx %arg5[%add3A_1994] : memref<32768xf32, #tpu.memory_space<vmem>>[vector<16xi32>], vector<16xf32>,
      %broadcast_in_dim3A_1996 = arith.constant 256 : i32
      %broadcast_in_dim3A_1997 = vector.broadcast %broadcast_in_dim3A_1996 : i32 to vector<16xi32>
      %add3A_1998 = arith.addi %add3A_1980, %broadcast_in_dim3A_1997 : vector<16xi32>
      %gather3A_1999 = tpu.vector_load_idx %arg5[%add3A_1998] : memref<32768xf32, #tpu.memory_space<vmem>>[vector<16xi32>], vector<16xf32>,
      %broadcast_in_dim3A_2000 = arith.constant 384 : i32
      %broadcast_in_dim3A_2001 = vector.broadcast %broadcast_in_dim3A_2000 : i32 to vector<16xi32>
      %add3A_2002 = arith.addi %add3A_1980, %broadcast_in_dim3A_2001 : vector<16xi32>
      %gather3A_2003 = tpu.vector_load_idx %arg5[%add3A_2002] : memref<32768xf32, #tpu.memory_space<vmem>>[vector<16xi32>], vector<16xf32>,
      %broadcast_in_dim3A_2004 = arith.constant 512 : i32
      %broadcast_in_dim3A_2005 = vector.broadcast %broadcast_in_dim3A_2004 : i32 to vector<16xi32>
      %add3A_2006 = arith.addi %add3A_1980, %broadcast_in_dim3A_2005 : vector<16xi32>
      %gather3A_2007 = tpu.vector_load_idx %arg5[%add3A_2006] : memref<32768xf32, #tpu.memory_space<vmem>>[vector<16xi32>], vector<16xf32>,
      %broadcast_in_dim3A_2008 = arith.constant 640 : i32
      %broadcast_in_dim3A_2009 = vector.broadcast %broadcast_in_dim3A_2008 : i32 to vector<16xi32>
      %add3A_2010 = arith.addi %add3A_1980, %broadcast_in_dim3A_2009 : vector<16xi32>
      %gather3A_2011 = tpu.vector_load_idx %arg5[%add3A_2010] : memref<32768xf32, #tpu.memory_space<vmem>>[vector<16xi32>], vector<16xf32>,
      %broadcast_in_dim3A_2012 = arith.constant 768 : i32
      %broadcast_in_dim3A_2013 = vector.broadcast %broadcast_in_dim3A_2012 : i32 to vector<16xi32>
      %add3A_2014 = arith.addi %add3A_1980, %broadcast_in_dim3A_2013 : vector<16xi32>
      %gather3A_2015 = tpu.vector_load_idx %arg5[%add3A_2014] : memref<32768xf32, #tpu.memory_space<vmem>>[vector<16xi32>], vector<16xf32>,
      %broadcast_in_dim3A_2016 = arith.constant 896 : i32
      %broadcast_in_dim3A_2017 = vector.broadcast %broadcast_in_dim3A_2016 : i32 to vector<16xi32>
      %add3A_2018 = arith.addi %add3A_1980, %broadcast_in_dim3A_2017 : vector<16xi32>
      %gather3A_2019 = tpu.vector_load_idx %arg5[%add3A_2018] : memref<32768xf32, #tpu.memory_space<vmem>>[vector<16xi32>], vector<16xf32>,
      %broadcast_in_dim3A_2020 = arith.constant 0 : i32
      %broadcast_in_dim3A_2021 = vector.broadcast %broadcast_in_dim3A_2020 : i32 to vector<16xi32>
      %add3A_2022 = arith.addi %and3A_1976, %broadcast_in_dim3A_2021 : vector<16xi32>
      %broadcast_in_dim3A_2023 = arith.constant 1 : i32
      %broadcast_in_dim3A_2024 = vector.broadcast %broadcast_in_dim3A_2023 : i32 to vector<16xi32>
      %add3A_2025 = arith.addi %and3A_1976, %broadcast_in_dim3A_2024 : vector<16xi32>
      %broadcast_in_dim3A_2026 = arith.constant 2 : i32
      %broadcast_in_dim3A_2027 = vector.broadcast %broadcast_in_dim3A_2026 : i32 to vector<16xi32>
      %add3A_2028 = arith.addi %and3A_1976, %broadcast_in_dim3A_2027 : vector<16xi32>
      %broadcast_in_dim3A_2029 = arith.constant 3 : i32
      %broadcast_in_dim3A_2030 = vector.broadcast %broadcast_in_dim3A_2029 : i32 to vector<16xi32>
      %add3A_2031 = arith.addi %and3A_1976, %broadcast_in_dim3A_2030 : vector<16xi32>
      %broadcast_in_dim3A_2032 = arith.constant 4 : i32
      %broadcast_in_dim3A_2033 = vector.broadcast %broadcast_in_dim3A_2032 : i32 to vector<16xi32>
      %add3A_2034 = arith.addi %and3A_1976, %broadcast_in_dim3A_2033 : vector<16xi32>
      %broadcast_in_dim3A_2035 = arith.constant 5 : i32
      %broadcast_in_dim3A_2036 = vector.broadcast %broadcast_in_dim3A_2035 : i32 to vector<16xi32>
      %add3A_2037 = arith.addi %and3A_1976, %broadcast_in_dim3A_2036 : vector<16xi32>
      %broadcast_in_dim3A_2038 = arith.constant 6 : i32
      %broadcast_in_dim3A_2039 = vector.broadcast %broadcast_in_dim3A_2038 : i32 to vector<16xi32>
      %add3A_2040 = arith.addi %and3A_1976, %broadcast_in_dim3A_2039 : vector<16xi32>
      %broadcast_in_dim3A_2041 = arith.constant 7 : i32
      %broadcast_in_dim3A_2042 = vector.broadcast %broadcast_in_dim3A_2041 : i32 to vector<16xi32>
      %add3A_2043 = arith.addi %and3A_1976, %broadcast_in_dim3A_2042 : vector<16xi32>
      %gt3A_2044 = arith.cmpf ogt, %gather3A_1995, %gather3A_1991 : vector<16xf32>
      %max3A_2045 = arith.maximumf %gather3A_1991, %gather3A_1995 : vector<16xf32>
      %select_n3A_2046 = arith.select %gt3A_2044, %add3A_2025, %add3A_2022 : vector<16xi1>, vector<16xi32>
      %gt3A_2047 = arith.cmpf ogt, %gather3A_2003, %gather3A_1999 : vector<16xf32>
      %max3A_2048 = arith.maximumf %gather3A_1999, %gather3A_2003 : vector<16xf32>
      %select_n3A_2049 = arith.select %gt3A_2047, %add3A_2031, %add3A_2028 : vector<16xi1>, vector<16xi32>
      %gt3A_2050 = arith.cmpf ogt, %gather3A_2011, %gather3A_2007 : vector<16xf32>
      %max3A_2051 = arith.maximumf %gather3A_2007, %gather3A_2011 : vector<16xf32>
      %select_n3A_2052 = arith.select %gt3A_2050, %add3A_2037, %add3A_2034 : vector<16xi1>, vector<16xi32>
      %gt3A_2053 = arith.cmpf ogt, %gather3A_2019, %gather3A_2015 : vector<16xf32>
      %max3A_2054 = arith.maximumf %gather3A_2015, %gather3A_2019 : vector<16xf32>
      %select_n3A_2055 = arith.select %gt3A_2053, %add3A_2043, %add3A_2040 : vector<16xi1>, vector<16xi32>
      %gt3A_2056 = arith.cmpf ogt, %max3A_2048, %max3A_2045 : vector<16xf32>
      %max3A_2057 = arith.maximumf %max3A_2045, %max3A_2048 : vector<16xf32>
      %select_n3A_2058 = arith.select %gt3A_2056, %select_n3A_2049, %select_n3A_2046 : vector<16xi1>, vector<16xi32>
      %gt3A_2059 = arith.cmpf ogt, %max3A_2054, %max3A_2051 : vector<16xf32>
      %max3A_2060 = arith.maximumf %max3A_2051, %max3A_2054 : vector<16xf32>
      %select_n3A_2061 = arith.select %gt3A_2059, %select_n3A_2055, %select_n3A_2052 : vector<16xi1>, vector<16xi32>
      %gt3A_2062 = arith.cmpf ogt, %max3A_2060, %max3A_2057 : vector<16xf32>
      %max3A_2063 = arith.maximumf %max3A_2057, %max3A_2060 : vector<16xf32>
      %select_n3A_2064 = arith.select %gt3A_2062, %select_n3A_2061, %select_n3A_2058 : vector<16xi1>, vector<16xi32>
      %broadcast_in_dim3A_2065 = arith.constant 0 : i32
      %broadcast_in_dim3A_2066 = vector.broadcast %broadcast_in_dim3A_2065 : i32 to vector<16xi32>
      %eq3A_2067 = arith.cmpi eq, %and3A_1976, %broadcast_in_dim3A_2066 : vector<16xi32>
      %select_n3A_2068 = arith.select %eq3A_2067, %max3A_2063, %select_n3A_1752 : vector<16xi1>, vector<16xf32>
      %select_n3A_2069 = arith.select %eq3A_2067, %select_n3A_2064, %select_n3A_1753 : vector<16xi1>, vector<16xi32>
      %broadcast_in_dim3A_2070 = arith.constant 8 : i32
      %broadcast_in_dim3A_2071 = vector.broadcast %broadcast_in_dim3A_2070 : i32 to vector<16xi32>
      %eq3A_2072 = arith.cmpi eq, %and3A_1976, %broadcast_in_dim3A_2071 : vector<16xi32>
      %select_n3A_2073 = arith.select %eq3A_2072, %max3A_2063, %select_n3A_1757 : vector<16xi1>, vector<16xf32>
      %select_n3A_2074 = arith.select %eq3A_2072, %select_n3A_2064, %select_n3A_1758 : vector<16xi1>, vector<16xi32>
      %broadcast_in_dim3A_2075 = arith.constant 16 : i32
      %broadcast_in_dim3A_2076 = vector.broadcast %broadcast_in_dim3A_2075 : i32 to vector<16xi32>
      %eq3A_2077 = arith.cmpi eq, %and3A_1976, %broadcast_in_dim3A_2076 : vector<16xi32>
      %select_n3A_2078 = arith.select %eq3A_2077, %max3A_2063, %select_n3A_1762 : vector<16xi1>, vector<16xf32>
      %select_n3A_2079 = arith.select %eq3A_2077, %select_n3A_2064, %select_n3A_1763 : vector<16xi1>, vector<16xi32>
      %broadcast_in_dim3A_2080 = arith.constant 24 : i32
      %broadcast_in_dim3A_2081 = vector.broadcast %broadcast_in_dim3A_2080 : i32 to vector<16xi32>
      %eq3A_2082 = arith.cmpi eq, %and3A_1976, %broadcast_in_dim3A_2081 : vector<16xi32>
      %select_n3A_2083 = arith.select %eq3A_2082, %max3A_2063, %select_n3A_1767 : vector<16xi1>, vector<16xf32>
      %select_n3A_2084 = arith.select %eq3A_2082, %select_n3A_2064, %select_n3A_1768 : vector<16xi1>, vector<16xi32>
      %broadcast_in_dim3A_2085 = arith.constant 32 : i32
      %broadcast_in_dim3A_2086 = vector.broadcast %broadcast_in_dim3A_2085 : i32 to vector<16xi32>
      %eq3A_2087 = arith.cmpi eq, %and3A_1976, %broadcast_in_dim3A_2086 : vector<16xi32>
      %select_n3A_2088 = arith.select %eq3A_2087, %max3A_2063, %select_n3A_1772 : vector<16xi1>, vector<16xf32>
      %select_n3A_2089 = arith.select %eq3A_2087, %select_n3A_2064, %select_n3A_1773 : vector<16xi1>, vector<16xi32>
      %broadcast_in_dim3A_2090 = arith.constant 40 : i32
      %broadcast_in_dim3A_2091 = vector.broadcast %broadcast_in_dim3A_2090 : i32 to vector<16xi32>
      %eq3A_2092 = arith.cmpi eq, %and3A_1976, %broadcast_in_dim3A_2091 : vector<16xi32>
      %select_n3A_2093 = arith.select %eq3A_2092, %max3A_2063, %select_n3A_1777 : vector<16xi1>, vector<16xf32>
      %select_n3A_2094 = arith.select %eq3A_2092, %select_n3A_2064, %select_n3A_1778 : vector<16xi1>, vector<16xi32>
      %broadcast_in_dim3A_2095 = arith.constant 48 : i32
      %broadcast_in_dim3A_2096 = vector.broadcast %broadcast_in_dim3A_2095 : i32 to vector<16xi32>
      %eq3A_2097 = arith.cmpi eq, %and3A_1976, %broadcast_in_dim3A_2096 : vector<16xi32>
      %select_n3A_2098 = arith.select %eq3A_2097, %max3A_2063, %select_n3A_1782 : vector<16xi1>, vector<16xf32>
      %select_n3A_2099 = arith.select %eq3A_2097, %select_n3A_2064, %select_n3A_1783 : vector<16xi1>, vector<16xi32>
      %broadcast_in_dim3A_2100 = arith.constant 56 : i32
      %broadcast_in_dim3A_2101 = vector.broadcast %broadcast_in_dim3A_2100 : i32 to vector<16xi32>
      %eq3A_2102 = arith.cmpi eq, %and3A_1976, %broadcast_in_dim3A_2101 : vector<16xi32>
      %select_n3A_2103 = arith.select %eq3A_2102, %max3A_2063, %select_n3A_1787 : vector<16xi1>, vector<16xf32>
      %select_n3A_2104 = arith.select %eq3A_2102, %select_n3A_2064, %select_n3A_1788 : vector<16xi1>, vector<16xi32>
      %broadcast_in_dim3A_2105 = arith.constant -8 : i32
      %broadcast_in_dim3A_2106 = vector.broadcast %broadcast_in_dim3A_2105 : i32 to vector<16xi32>
      %and3A_2107 = arith.andi %select_n3A_1967, %broadcast_in_dim3A_2106 : vector<16xi32>
      %shift_left3A_2108 = arith.constant 9 : i32
      %shift_left3A_2109 = vector.broadcast %shift_left3A_2108 : i32 to vector<16xi32>
      %shift_left3A_2110 = arith.shli %and3A_2107, %shift_left3A_2109 : vector<16xi32>
      %add3A_2111 = arith.addi %shift_left3A_2110, %add3A_193 : vector<16xi32>
      %broadcast_in_dim3A_2112 = arith.constant 7 : i32
      %broadcast_in_dim3A_2113 = vector.broadcast %broadcast_in_dim3A_2112 : i32 to vector<16xi32>
      %and3A_2114 = arith.andi %select_n3A_1967, %broadcast_in_dim3A_2113 : vector<16xi32>
      %shift_left3A_2115 = arith.constant 7 : i32
      %shift_left3A_2116 = vector.broadcast %shift_left3A_2115 : i32 to vector<16xi32>
      %shift_left3A_2117 = arith.shli %and3A_2114, %shift_left3A_2116 : vector<16xi32>
      %add3A_2118 = arith.addi %add3A_2111, %shift_left3A_2117 : vector<16xi32>
      tpu.vector_store_idx %arg5[%add3A_2118], %broadcast_in_dim3A_143 : memref<32768xf32, #tpu.memory_space<vmem>>[vector<16xi32>], vector<16xf32>,
      %broadcast_in_dim3A_2119 = arith.constant 0 : i32
      %broadcast_in_dim3A_2120 = vector.broadcast %broadcast_in_dim3A_2119 : i32 to vector<16xi32>
      %add3A_2121 = arith.addi %add3A_2111, %broadcast_in_dim3A_2120 : vector<16xi32>
      %gather3A_2122 = tpu.vector_load_idx %arg5[%add3A_2121] : memref<32768xf32, #tpu.memory_space<vmem>>[vector<16xi32>], vector<16xf32>,
      %broadcast_in_dim3A_2123 = arith.constant 128 : i32
      %broadcast_in_dim3A_2124 = vector.broadcast %broadcast_in_dim3A_2123 : i32 to vector<16xi32>
      %add3A_2125 = arith.addi %add3A_2111, %broadcast_in_dim3A_2124 : vector<16xi32>
      %gather3A_2126 = tpu.vector_load_idx %arg5[%add3A_2125] : memref<32768xf32, #tpu.memory_space<vmem>>[vector<16xi32>], vector<16xf32>,
      %broadcast_in_dim3A_2127 = arith.constant 256 : i32
      %broadcast_in_dim3A_2128 = vector.broadcast %broadcast_in_dim3A_2127 : i32 to vector<16xi32>
      %add3A_2129 = arith.addi %add3A_2111, %broadcast_in_dim3A_2128 : vector<16xi32>
      %gather3A_2130 = tpu.vector_load_idx %arg5[%add3A_2129] : memref<32768xf32, #tpu.memory_space<vmem>>[vector<16xi32>], vector<16xf32>,
      %broadcast_in_dim3A_2131 = arith.constant 384 : i32
      %broadcast_in_dim3A_2132 = vector.broadcast %broadcast_in_dim3A_2131 : i32 to vector<16xi32>
      %add3A_2133 = arith.addi %add3A_2111, %broadcast_in_dim3A_2132 : vector<16xi32>
      %gather3A_2134 = tpu.vector_load_idx %arg5[%add3A_2133] : memref<32768xf32, #tpu.memory_space<vmem>>[vector<16xi32>], vector<16xf32>,
      %broadcast_in_dim3A_2135 = arith.constant 512 : i32
      %broadcast_in_dim3A_2136 = vector.broadcast %broadcast_in_dim3A_2135 : i32 to vector<16xi32>
      %add3A_2137 = arith.addi %add3A_2111, %broadcast_in_dim3A_2136 : vector<16xi32>
      %gather3A_2138 = tpu.vector_load_idx %arg5[%add3A_2137] : memref<32768xf32, #tpu.memory_space<vmem>>[vector<16xi32>], vector<16xf32>,
      %broadcast_in_dim3A_2139 = arith.constant 640 : i32
      %broadcast_in_dim3A_2140 = vector.broadcast %broadcast_in_dim3A_2139 : i32 to vector<16xi32>
      %add3A_2141 = arith.addi %add3A_2111, %broadcast_in_dim3A_2140 : vector<16xi32>
      %gather3A_2142 = tpu.vector_load_idx %arg5[%add3A_2141] : memref<32768xf32, #tpu.memory_space<vmem>>[vector<16xi32>], vector<16xf32>,
      %broadcast_in_dim3A_2143 = arith.constant 768 : i32
      %broadcast_in_dim3A_2144 = vector.broadcast %broadcast_in_dim3A_2143 : i32 to vector<16xi32>
      %add3A_2145 = arith.addi %add3A_2111, %broadcast_in_dim3A_2144 : vector<16xi32>
      %gather3A_2146 = tpu.vector_load_idx %arg5[%add3A_2145] : memref<32768xf32, #tpu.memory_space<vmem>>[vector<16xi32>], vector<16xf32>,
      %broadcast_in_dim3A_2147 = arith.constant 896 : i32
      %broadcast_in_dim3A_2148 = vector.broadcast %broadcast_in_dim3A_2147 : i32 to vector<16xi32>
      %add3A_2149 = arith.addi %add3A_2111, %broadcast_in_dim3A_2148 : vector<16xi32>
      %gather3A_2150 = tpu.vector_load_idx %arg5[%add3A_2149] : memref<32768xf32, #tpu.memory_space<vmem>>[vector<16xi32>], vector<16xf32>,
      %broadcast_in_dim3A_2151 = arith.constant 0 : i32
      %broadcast_in_dim3A_2152 = vector.broadcast %broadcast_in_dim3A_2151 : i32 to vector<16xi32>
      %add3A_2153 = arith.addi %and3A_2107, %broadcast_in_dim3A_2152 : vector<16xi32>
      %broadcast_in_dim3A_2154 = arith.constant 1 : i32
      %broadcast_in_dim3A_2155 = vector.broadcast %broadcast_in_dim3A_2154 : i32 to vector<16xi32>
      %add3A_2156 = arith.addi %and3A_2107, %broadcast_in_dim3A_2155 : vector<16xi32>
      %broadcast_in_dim3A_2157 = arith.constant 2 : i32
      %broadcast_in_dim3A_2158 = vector.broadcast %broadcast_in_dim3A_2157 : i32 to vector<16xi32>
      %add3A_2159 = arith.addi %and3A_2107, %broadcast_in_dim3A_2158 : vector<16xi32>
      %broadcast_in_dim3A_2160 = arith.constant 3 : i32
      %broadcast_in_dim3A_2161 = vector.broadcast %broadcast_in_dim3A_2160 : i32 to vector<16xi32>
      %add3A_2162 = arith.addi %and3A_2107, %broadcast_in_dim3A_2161 : vector<16xi32>
      %broadcast_in_dim3A_2163 = arith.constant 4 : i32
      %broadcast_in_dim3A_2164 = vector.broadcast %broadcast_in_dim3A_2163 : i32 to vector<16xi32>
      %add3A_2165 = arith.addi %and3A_2107, %broadcast_in_dim3A_2164 : vector<16xi32>
      %broadcast_in_dim3A_2166 = arith.constant 5 : i32
      %broadcast_in_dim3A_2167 = vector.broadcast %broadcast_in_dim3A_2166 : i32 to vector<16xi32>
      %add3A_2168 = arith.addi %and3A_2107, %broadcast_in_dim3A_2167 : vector<16xi32>
      %broadcast_in_dim3A_2169 = arith.constant 6 : i32
      %broadcast_in_dim3A_2170 = vector.broadcast %broadcast_in_dim3A_2169 : i32 to vector<16xi32>
      %add3A_2171 = arith.addi %and3A_2107, %broadcast_in_dim3A_2170 : vector<16xi32>
      %broadcast_in_dim3A_2172 = arith.constant 7 : i32
      %broadcast_in_dim3A_2173 = vector.broadcast %broadcast_in_dim3A_2172 : i32 to vector<16xi32>
      %add3A_2174 = arith.addi %and3A_2107, %broadcast_in_dim3A_2173 : vector<16xi32>
      %gt3A_2175 = arith.cmpf ogt, %gather3A_2126, %gather3A_2122 : vector<16xf32>
      %max3A_2176 = arith.maximumf %gather3A_2122, %gather3A_2126 : vector<16xf32>
      %select_n3A_2177 = arith.select %gt3A_2175, %add3A_2156, %add3A_2153 : vector<16xi1>, vector<16xi32>
      %gt3A_2178 = arith.cmpf ogt, %gather3A_2134, %gather3A_2130 : vector<16xf32>
      %max3A_2179 = arith.maximumf %gather3A_2130, %gather3A_2134 : vector<16xf32>
      %select_n3A_2180 = arith.select %gt3A_2178, %add3A_2162, %add3A_2159 : vector<16xi1>, vector<16xi32>
      %gt3A_2181 = arith.cmpf ogt, %gather3A_2142, %gather3A_2138 : vector<16xf32>
      %max3A_2182 = arith.maximumf %gather3A_2138, %gather3A_2142 : vector<16xf32>
      %select_n3A_2183 = arith.select %gt3A_2181, %add3A_2168, %add3A_2165 : vector<16xi1>, vector<16xi32>
      %gt3A_2184 = arith.cmpf ogt, %gather3A_2150, %gather3A_2146 : vector<16xf32>
      %max3A_2185 = arith.maximumf %gather3A_2146, %gather3A_2150 : vector<16xf32>
      %select_n3A_2186 = arith.select %gt3A_2184, %add3A_2174, %add3A_2171 : vector<16xi1>, vector<16xi32>
      %gt3A_2187 = arith.cmpf ogt, %max3A_2179, %max3A_2176 : vector<16xf32>
      %max3A_2188 = arith.maximumf %max3A_2176, %max3A_2179 : vector<16xf32>
      %select_n3A_2189 = arith.select %gt3A_2187, %select_n3A_2180, %select_n3A_2177 : vector<16xi1>, vector<16xi32>
      %gt3A_2190 = arith.cmpf ogt, %max3A_2185, %max3A_2182 : vector<16xf32>
      %max3A_2191 = arith.maximumf %max3A_2182, %max3A_2185 : vector<16xf32>
      %select_n3A_2192 = arith.select %gt3A_2190, %select_n3A_2186, %select_n3A_2183 : vector<16xi1>, vector<16xi32>
      %gt3A_2193 = arith.cmpf ogt, %max3A_2191, %max3A_2188 : vector<16xf32>
      %max3A_2194 = arith.maximumf %max3A_2188, %max3A_2191 : vector<16xf32>
      %select_n3A_2195 = arith.select %gt3A_2193, %select_n3A_2192, %select_n3A_2189 : vector<16xi1>, vector<16xi32>
      %broadcast_in_dim3A_2196 = arith.constant 0 : i32
      %broadcast_in_dim3A_2197 = vector.broadcast %broadcast_in_dim3A_2196 : i32 to vector<16xi32>
      %eq3A_2198 = arith.cmpi eq, %and3A_2107, %broadcast_in_dim3A_2197 : vector<16xi32>
      %select_n3A_2199 = arith.select %eq3A_2198, %max3A_2194, %select_n3A_1883 : vector<16xi1>, vector<16xf32>
      %select_n3A_2200 = arith.select %eq3A_2198, %select_n3A_2195, %select_n3A_1884 : vector<16xi1>, vector<16xi32>
      %broadcast_in_dim3A_2201 = arith.constant 8 : i32
      %broadcast_in_dim3A_2202 = vector.broadcast %broadcast_in_dim3A_2201 : i32 to vector<16xi32>
      %eq3A_2203 = arith.cmpi eq, %and3A_2107, %broadcast_in_dim3A_2202 : vector<16xi32>
      %select_n3A_2204 = arith.select %eq3A_2203, %max3A_2194, %select_n3A_1888 : vector<16xi1>, vector<16xf32>
      %select_n3A_2205 = arith.select %eq3A_2203, %select_n3A_2195, %select_n3A_1889 : vector<16xi1>, vector<16xi32>
      %broadcast_in_dim3A_2206 = arith.constant 16 : i32
      %broadcast_in_dim3A_2207 = vector.broadcast %broadcast_in_dim3A_2206 : i32 to vector<16xi32>
      %eq3A_2208 = arith.cmpi eq, %and3A_2107, %broadcast_in_dim3A_2207 : vector<16xi32>
      %select_n3A_2209 = arith.select %eq3A_2208, %max3A_2194, %select_n3A_1893 : vector<16xi1>, vector<16xf32>
      %select_n3A_2210 = arith.select %eq3A_2208, %select_n3A_2195, %select_n3A_1894 : vector<16xi1>, vector<16xi32>
      %broadcast_in_dim3A_2211 = arith.constant 24 : i32
      %broadcast_in_dim3A_2212 = vector.broadcast %broadcast_in_dim3A_2211 : i32 to vector<16xi32>
      %eq3A_2213 = arith.cmpi eq, %and3A_2107, %broadcast_in_dim3A_2212 : vector<16xi32>
      %select_n3A_2214 = arith.select %eq3A_2213, %max3A_2194, %select_n3A_1898 : vector<16xi1>, vector<16xf32>
      %select_n3A_2215 = arith.select %eq3A_2213, %select_n3A_2195, %select_n3A_1899 : vector<16xi1>, vector<16xi32>
      %broadcast_in_dim3A_2216 = arith.constant 32 : i32
      %broadcast_in_dim3A_2217 = vector.broadcast %broadcast_in_dim3A_2216 : i32 to vector<16xi32>
      %eq3A_2218 = arith.cmpi eq, %and3A_2107, %broadcast_in_dim3A_2217 : vector<16xi32>
      %select_n3A_2219 = arith.select %eq3A_2218, %max3A_2194, %select_n3A_1903 : vector<16xi1>, vector<16xf32>
      %select_n3A_2220 = arith.select %eq3A_2218, %select_n3A_2195, %select_n3A_1904 : vector<16xi1>, vector<16xi32>
      %broadcast_in_dim3A_2221 = arith.constant 40 : i32
      %broadcast_in_dim3A_2222 = vector.broadcast %broadcast_in_dim3A_2221 : i32 to vector<16xi32>
      %eq3A_2223 = arith.cmpi eq, %and3A_2107, %broadcast_in_dim3A_2222 : vector<16xi32>
      %select_n3A_2224 = arith.select %eq3A_2223, %max3A_2194, %select_n3A_1908 : vector<16xi1>, vector<16xf32>
      %select_n3A_2225 = arith.select %eq3A_2223, %select_n3A_2195, %select_n3A_1909 : vector<16xi1>, vector<16xi32>
      %broadcast_in_dim3A_2226 = arith.constant 48 : i32
      %broadcast_in_dim3A_2227 = vector.broadcast %broadcast_in_dim3A_2226 : i32 to vector<16xi32>
      %eq3A_2228 = arith.cmpi eq, %and3A_2107, %broadcast_in_dim3A_2227 : vector<16xi32>
      %select_n3A_2229 = arith.select %eq3A_2228, %max3A_2194, %select_n3A_1913 : vector<16xi1>, vector<16xf32>
      %select_n3A_2230 = arith.select %eq3A_2228, %select_n3A_2195, %select_n3A_1914 : vector<16xi1>, vector<16xi32>
      %broadcast_in_dim3A_2231 = arith.constant 56 : i32
      %broadcast_in_dim3A_2232 = vector.broadcast %broadcast_in_dim3A_2231 : i32 to vector<16xi32>
      %eq3A_2233 = arith.cmpi eq, %and3A_2107, %broadcast_in_dim3A_2232 : vector<16xi32>
      %select_n3A_2234 = arith.select %eq3A_2233, %max3A_2194, %select_n3A_1918 : vector<16xi1>, vector<16xf32>
      %select_n3A_2235 = arith.select %eq3A_2233, %select_n3A_2195, %select_n3A_1919 : vector<16xi1>, vector<16xi32>
      %gt3A_2236 = arith.cmpf ogt, %select_n3A_2073, %select_n3A_2068 : vector<16xf32>
      %max3A_2237 = arith.maximumf %select_n3A_2068, %select_n3A_2073 : vector<16xf32>
      %select_n3A_2238 = arith.select %gt3A_2236, %select_n3A_2074, %select_n3A_2069 : vector<16xi1>, vector<16xi32>
      %gt3A_2239 = arith.cmpf ogt, %select_n3A_2083, %select_n3A_2078 : vector<16xf32>
      %max3A_2240 = arith.maximumf %select_n3A_2078, %select_n3A_2083 : vector<16xf32>
      %select_n3A_2241 = arith.select %gt3A_2239, %select_n3A_2084, %select_n3A_2079 : vector<16xi1>, vector<16xi32>
      %gt3A_2242 = arith.cmpf ogt, %select_n3A_2093, %select_n3A_2088 : vector<16xf32>
      %max3A_2243 = arith.maximumf %select_n3A_2088, %select_n3A_2093 : vector<16xf32>
      %select_n3A_2244 = arith.select %gt3A_2242, %select_n3A_2094, %select_n3A_2089 : vector<16xi1>, vector<16xi32>
      %gt3A_2245 = arith.cmpf ogt, %select_n3A_2103, %select_n3A_2098 : vector<16xf32>
      %max3A_2246 = arith.maximumf %select_n3A_2098, %select_n3A_2103 : vector<16xf32>
      %select_n3A_2247 = arith.select %gt3A_2245, %select_n3A_2104, %select_n3A_2099 : vector<16xi1>, vector<16xi32>
      %gt3A_2248 = arith.cmpf ogt, %max3A_2240, %max3A_2237 : vector<16xf32>
      %max3A_2249 = arith.maximumf %max3A_2237, %max3A_2240 : vector<16xf32>
      %select_n3A_2250 = arith.select %gt3A_2248, %select_n3A_2241, %select_n3A_2238 : vector<16xi1>, vector<16xi32>
      %gt3A_2251 = arith.cmpf ogt, %max3A_2246, %max3A_2243 : vector<16xf32>
      %max3A_2252 = arith.maximumf %max3A_2243, %max3A_2246 : vector<16xf32>
      %select_n3A_2253 = arith.select %gt3A_2251, %select_n3A_2247, %select_n3A_2244 : vector<16xi1>, vector<16xi32>
      %gt3A_2254 = arith.cmpf ogt, %max3A_2252, %max3A_2249 : vector<16xf32>
      %max3A_2255 = arith.maximumf %max3A_2249, %max3A_2252 : vector<16xf32>
      %select_n3A_2256 = arith.select %gt3A_2254, %select_n3A_2253, %select_n3A_2250 : vector<16xi1>, vector<16xi32>
      %add3A_2257 = arith.constant 384 : i32
      %add3A_2258 = arith.addi %add3A_176, %add3A_2257 : i32
      %swap3A_2259 = arith.index_cast %add3A_2258 : i32 to index
      %swap3A_2260 = tpu.vector_load %arg6[%swap3A_2259] {strides = array<i32>} : memref<4096xi32, #tpu.memory_space<vmem>>, vector<16xi32>,
      tpu.vector_store %arg6[%swap3A_2259], %select_n3A_2256 {strides = array<i32>} : memref<4096xi32, #tpu.memory_space<vmem>>, vector<16xi32>,
      %sub3A_2261 = arith.subf %max3A_2255, %max3A_1313 : vector<16xf32>
      %exp3A_2262 = math.exp %sub3A_2261 : vector<16xf32>
      %gt3A_2263 = arith.cmpf ogt, %select_n3A_2204, %select_n3A_2199 : vector<16xf32>
      %max3A_2264 = arith.maximumf %select_n3A_2199, %select_n3A_2204 : vector<16xf32>
      %select_n3A_2265 = arith.select %gt3A_2263, %select_n3A_2205, %select_n3A_2200 : vector<16xi1>, vector<16xi32>
      %gt3A_2266 = arith.cmpf ogt, %select_n3A_2214, %select_n3A_2209 : vector<16xf32>
      %max3A_2267 = arith.maximumf %select_n3A_2209, %select_n3A_2214 : vector<16xf32>
      %select_n3A_2268 = arith.select %gt3A_2266, %select_n3A_2215, %select_n3A_2210 : vector<16xi1>, vector<16xi32>
      %gt3A_2269 = arith.cmpf ogt, %select_n3A_2224, %select_n3A_2219 : vector<16xf32>
      %max3A_2270 = arith.maximumf %select_n3A_2219, %select_n3A_2224 : vector<16xf32>
      %select_n3A_2271 = arith.select %gt3A_2269, %select_n3A_2225, %select_n3A_2220 : vector<16xi1>, vector<16xi32>
      %gt3A_2272 = arith.cmpf ogt, %select_n3A_2234, %select_n3A_2229 : vector<16xf32>
      %max3A_2273 = arith.maximumf %select_n3A_2229, %select_n3A_2234 : vector<16xf32>
      %select_n3A_2274 = arith.select %gt3A_2272, %select_n3A_2235, %select_n3A_2230 : vector<16xi1>, vector<16xi32>
      %gt3A_2275 = arith.cmpf ogt, %max3A_2267, %max3A_2264 : vector<16xf32>
      %max3A_2276 = arith.maximumf %max3A_2264, %max3A_2267 : vector<16xf32>
      %select_n3A_2277 = arith.select %gt3A_2275, %select_n3A_2268, %select_n3A_2265 : vector<16xi1>, vector<16xi32>
      %gt3A_2278 = arith.cmpf ogt, %max3A_2273, %max3A_2270 : vector<16xf32>
      %max3A_2279 = arith.maximumf %max3A_2270, %max3A_2273 : vector<16xf32>
      %select_n3A_2280 = arith.select %gt3A_2278, %select_n3A_2274, %select_n3A_2271 : vector<16xi1>, vector<16xi32>
      %gt3A_2281 = arith.cmpf ogt, %max3A_2279, %max3A_2276 : vector<16xf32>
      %max3A_2282 = arith.maximumf %max3A_2276, %max3A_2279 : vector<16xf32>
      %select_n3A_2283 = arith.select %gt3A_2281, %select_n3A_2280, %select_n3A_2277 : vector<16xi1>, vector<16xi32>
      %add3A_2284 = arith.constant 384 : i32
      %add3A_2285 = arith.addi %add3A_191, %add3A_2284 : i32
      %swap3A_2286 = arith.index_cast %add3A_2285 : i32 to index
      %swap3A_2287 = tpu.vector_load %arg6[%swap3A_2286] {strides = array<i32>} : memref<4096xi32, #tpu.memory_space<vmem>>, vector<16xi32>,
      tpu.vector_store %arg6[%swap3A_2286], %select_n3A_2283 {strides = array<i32>} : memref<4096xi32, #tpu.memory_space<vmem>>, vector<16xi32>,
      %sub3A_2288 = arith.subf %max3A_2282, %max3A_1339 : vector<16xf32>
      %exp3A_2289 = math.exp %sub3A_2288 : vector<16xf32>
      %broadcast_in_dim3A_2290 = arith.constant -8 : i32
      %broadcast_in_dim3A_2291 = vector.broadcast %broadcast_in_dim3A_2290 : i32 to vector<16xi32>
      %and3A_2292 = arith.andi %select_n3A_2256, %broadcast_in_dim3A_2291 : vector<16xi32>
      %shift_left3A_2293 = arith.constant 9 : i32
      %shift_left3A_2294 = vector.broadcast %shift_left3A_2293 : i32 to vector<16xi32>
      %shift_left3A_2295 = arith.shli %and3A_2292, %shift_left3A_2294 : vector<16xi32>
      %add3A_2296 = arith.addi %shift_left3A_2295, %add3A_178 : vector<16xi32>
      %broadcast_in_dim3A_2297 = arith.constant 7 : i32
      %broadcast_in_dim3A_2298 = vector.broadcast %broadcast_in_dim3A_2297 : i32 to vector<16xi32>
      %and3A_2299 = arith.andi %select_n3A_2256, %broadcast_in_dim3A_2298 : vector<16xi32>
      %shift_left3A_2300 = arith.constant 7 : i32
      %shift_left3A_2301 = vector.broadcast %shift_left3A_2300 : i32 to vector<16xi32>
      %shift_left3A_2302 = arith.shli %and3A_2299, %shift_left3A_2301 : vector<16xi32>
      %add3A_2303 = arith.addi %add3A_2296, %shift_left3A_2302 : vector<16xi32>
      tpu.vector_store_idx %arg5[%add3A_2303], %broadcast_in_dim3A_143 : memref<32768xf32, #tpu.memory_space<vmem>>[vector<16xi32>], vector<16xf32>,
      %broadcast_in_dim3A_2304 = arith.constant 0 : i32
      %broadcast_in_dim3A_2305 = vector.broadcast %broadcast_in_dim3A_2304 : i32 to vector<16xi32>
      %add3A_2306 = arith.addi %add3A_2296, %broadcast_in_dim3A_2305 : vector<16xi32>
      %gather3A_2307 = tpu.vector_load_idx %arg5[%add3A_2306] : memref<32768xf32, #tpu.memory_space<vmem>>[vector<16xi32>], vector<16xf32>,
      %broadcast_in_dim3A_2308 = arith.constant 128 : i32
      %broadcast_in_dim3A_2309 = vector.broadcast %broadcast_in_dim3A_2308 : i32 to vector<16xi32>
      %add3A_2310 = arith.addi %add3A_2296, %broadcast_in_dim3A_2309 : vector<16xi32>
      %gather3A_2311 = tpu.vector_load_idx %arg5[%add3A_2310] : memref<32768xf32, #tpu.memory_space<vmem>>[vector<16xi32>], vector<16xf32>,
      %broadcast_in_dim3A_2312 = arith.constant 256 : i32
      %broadcast_in_dim3A_2313 = vector.broadcast %broadcast_in_dim3A_2312 : i32 to vector<16xi32>
      %add3A_2314 = arith.addi %add3A_2296, %broadcast_in_dim3A_2313 : vector<16xi32>
      %gather3A_2315 = tpu.vector_load_idx %arg5[%add3A_2314] : memref<32768xf32, #tpu.memory_space<vmem>>[vector<16xi32>], vector<16xf32>,
      %broadcast_in_dim3A_2316 = arith.constant 384 : i32
      %broadcast_in_dim3A_2317 = vector.broadcast %broadcast_in_dim3A_2316 : i32 to vector<16xi32>
      %add3A_2318 = arith.addi %add3A_2296, %broadcast_in_dim3A_2317 : vector<16xi32>
      %gather3A_2319 = tpu.vector_load_idx %arg5[%add3A_2318] : memref<32768xf32, #tpu.memory_space<vmem>>[vector<16xi32>], vector<16xf32>,
      %broadcast_in_dim3A_2320 = arith.constant 512 : i32
      %broadcast_in_dim3A_2321 = vector.broadcast %broadcast_in_dim3A_2320 : i32 to vector<16xi32>
      %add3A_2322 = arith.addi %add3A_2296, %broadcast_in_dim3A_2321 : vector<16xi32>
      %gather3A_2323 = tpu.vector_load_idx %arg5[%add3A_2322] : memref<32768xf32, #tpu.memory_space<vmem>>[vector<16xi32>], vector<16xf32>,
      %broadcast_in_dim3A_2324 = arith.constant 640 : i32
      %broadcast_in_dim3A_2325 = vector.broadcast %broadcast_in_dim3A_2324 : i32 to vector<16xi32>
      %add3A_2326 = arith.addi %add3A_2296, %broadcast_in_dim3A_2325 : vector<16xi32>
      %gather3A_2327 = tpu.vector_load_idx %arg5[%add3A_2326] : memref<32768xf32, #tpu.memory_space<vmem>>[vector<16xi32>], vector<16xf32>,
      %broadcast_in_dim3A_2328 = arith.constant 768 : i32
      %broadcast_in_dim3A_2329 = vector.broadcast %broadcast_in_dim3A_2328 : i32 to vector<16xi32>
      %add3A_2330 = arith.addi %add3A_2296, %broadcast_in_dim3A_2329 : vector<16xi32>
      %gather3A_2331 = tpu.vector_load_idx %arg5[%add3A_2330] : memref<32768xf32, #tpu.memory_space<vmem>>[vector<16xi32>], vector<16xf32>,
      %broadcast_in_dim3A_2332 = arith.constant 896 : i32
      %broadcast_in_dim3A_2333 = vector.broadcast %broadcast_in_dim3A_2332 : i32 to vector<16xi32>
      %add3A_2334 = arith.addi %add3A_2296, %broadcast_in_dim3A_2333 : vector<16xi32>
      %gather3A_2335 = tpu.vector_load_idx %arg5[%add3A_2334] : memref<32768xf32, #tpu.memory_space<vmem>>[vector<16xi32>], vector<16xf32>,
      %broadcast_in_dim3A_2336 = arith.constant 0 : i32
      %broadcast_in_dim3A_2337 = vector.broadcast %broadcast_in_dim3A_2336 : i32 to vector<16xi32>
      %add3A_2338 = arith.addi %and3A_2292, %broadcast_in_dim3A_2337 : vector<16xi32>
      %broadcast_in_dim3A_2339 = arith.constant 1 : i32
      %broadcast_in_dim3A_2340 = vector.broadcast %broadcast_in_dim3A_2339 : i32 to vector<16xi32>
      %add3A_2341 = arith.addi %and3A_2292, %broadcast_in_dim3A_2340 : vector<16xi32>
      %broadcast_in_dim3A_2342 = arith.constant 2 : i32
      %broadcast_in_dim3A_2343 = vector.broadcast %broadcast_in_dim3A_2342 : i32 to vector<16xi32>
      %add3A_2344 = arith.addi %and3A_2292, %broadcast_in_dim3A_2343 : vector<16xi32>
      %broadcast_in_dim3A_2345 = arith.constant 3 : i32
      %broadcast_in_dim3A_2346 = vector.broadcast %broadcast_in_dim3A_2345 : i32 to vector<16xi32>
      %add3A_2347 = arith.addi %and3A_2292, %broadcast_in_dim3A_2346 : vector<16xi32>
      %broadcast_in_dim3A_2348 = arith.constant 4 : i32
      %broadcast_in_dim3A_2349 = vector.broadcast %broadcast_in_dim3A_2348 : i32 to vector<16xi32>
      %add3A_2350 = arith.addi %and3A_2292, %broadcast_in_dim3A_2349 : vector<16xi32>
      %broadcast_in_dim3A_2351 = arith.constant 5 : i32
      %broadcast_in_dim3A_2352 = vector.broadcast %broadcast_in_dim3A_2351 : i32 to vector<16xi32>
      %add3A_2353 = arith.addi %and3A_2292, %broadcast_in_dim3A_2352 : vector<16xi32>
      %broadcast_in_dim3A_2354 = arith.constant 6 : i32
      %broadcast_in_dim3A_2355 = vector.broadcast %broadcast_in_dim3A_2354 : i32 to vector<16xi32>
      %add3A_2356 = arith.addi %and3A_2292, %broadcast_in_dim3A_2355 : vector<16xi32>
      %broadcast_in_dim3A_2357 = arith.constant 7 : i32
      %broadcast_in_dim3A_2358 = vector.broadcast %broadcast_in_dim3A_2357 : i32 to vector<16xi32>
      %add3A_2359 = arith.addi %and3A_2292, %broadcast_in_dim3A_2358 : vector<16xi32>
      %gt3A_2360 = arith.cmpf ogt, %gather3A_2311, %gather3A_2307 : vector<16xf32>
      %max3A_2361 = arith.maximumf %gather3A_2307, %gather3A_2311 : vector<16xf32>
      %select_n3A_2362 = arith.select %gt3A_2360, %add3A_2341, %add3A_2338 : vector<16xi1>, vector<16xi32>
      %gt3A_2363 = arith.cmpf ogt, %gather3A_2319, %gather3A_2315 : vector<16xf32>
      %max3A_2364 = arith.maximumf %gather3A_2315, %gather3A_2319 : vector<16xf32>
      %select_n3A_2365 = arith.select %gt3A_2363, %add3A_2347, %add3A_2344 : vector<16xi1>, vector<16xi32>
      %gt3A_2366 = arith.cmpf ogt, %gather3A_2327, %gather3A_2323 : vector<16xf32>
      %max3A_2367 = arith.maximumf %gather3A_2323, %gather3A_2327 : vector<16xf32>
      %select_n3A_2368 = arith.select %gt3A_2366, %add3A_2353, %add3A_2350 : vector<16xi1>, vector<16xi32>
      %gt3A_2369 = arith.cmpf ogt, %gather3A_2335, %gather3A_2331 : vector<16xf32>
      %max3A_2370 = arith.maximumf %gather3A_2331, %gather3A_2335 : vector<16xf32>
      %select_n3A_2371 = arith.select %gt3A_2369, %add3A_2359, %add3A_2356 : vector<16xi1>, vector<16xi32>
      %gt3A_2372 = arith.cmpf ogt, %max3A_2364, %max3A_2361 : vector<16xf32>
      %max3A_2373 = arith.maximumf %max3A_2361, %max3A_2364 : vector<16xf32>
      %select_n3A_2374 = arith.select %gt3A_2372, %select_n3A_2365, %select_n3A_2362 : vector<16xi1>, vector<16xi32>
      %gt3A_2375 = arith.cmpf ogt, %max3A_2370, %max3A_2367 : vector<16xf32>
      %max3A_2376 = arith.maximumf %max3A_2367, %max3A_2370 : vector<16xf32>
      %select_n3A_2377 = arith.select %gt3A_2375, %select_n3A_2371, %select_n3A_2368 : vector<16xi1>, vector<16xi32>
      %gt3A_2378 = arith.cmpf ogt, %max3A_2376, %max3A_2373 : vector<16xf32>
      %max3A_2379 = arith.maximumf %max3A_2373, %max3A_2376 : vector<16xf32>
      %select_n3A_2380 = arith.select %gt3A_2378, %select_n3A_2377, %select_n3A_2374 : vector<16xi1>, vector<16xi32>
      %broadcast_in_dim3A_2381 = arith.constant 0 : i32
      %broadcast_in_dim3A_2382 = vector.broadcast %broadcast_in_dim3A_2381 : i32 to vector<16xi32>
      %eq3A_2383 = arith.cmpi eq, %and3A_2292, %broadcast_in_dim3A_2382 : vector<16xi32>
      %select_n3A_2384 = arith.select %eq3A_2383, %max3A_2379, %select_n3A_2068 : vector<16xi1>, vector<16xf32>
      %select_n3A_2385 = arith.select %eq3A_2383, %select_n3A_2380, %select_n3A_2069 : vector<16xi1>, vector<16xi32>
      %broadcast_in_dim3A_2386 = arith.constant 8 : i32
      %broadcast_in_dim3A_2387 = vector.broadcast %broadcast_in_dim3A_2386 : i32 to vector<16xi32>
      %eq3A_2388 = arith.cmpi eq, %and3A_2292, %broadcast_in_dim3A_2387 : vector<16xi32>
      %select_n3A_2389 = arith.select %eq3A_2388, %max3A_2379, %select_n3A_2073 : vector<16xi1>, vector<16xf32>
      %select_n3A_2390 = arith.select %eq3A_2388, %select_n3A_2380, %select_n3A_2074 : vector<16xi1>, vector<16xi32>
      %broadcast_in_dim3A_2391 = arith.constant 16 : i32
      %broadcast_in_dim3A_2392 = vector.broadcast %broadcast_in_dim3A_2391 : i32 to vector<16xi32>
      %eq3A_2393 = arith.cmpi eq, %and3A_2292, %broadcast_in_dim3A_2392 : vector<16xi32>
      %select_n3A_2394 = arith.select %eq3A_2393, %max3A_2379, %select_n3A_2078 : vector<16xi1>, vector<16xf32>
      %select_n3A_2395 = arith.select %eq3A_2393, %select_n3A_2380, %select_n3A_2079 : vector<16xi1>, vector<16xi32>
      %broadcast_in_dim3A_2396 = arith.constant 24 : i32
      %broadcast_in_dim3A_2397 = vector.broadcast %broadcast_in_dim3A_2396 : i32 to vector<16xi32>
      %eq3A_2398 = arith.cmpi eq, %and3A_2292, %broadcast_in_dim3A_2397 : vector<16xi32>
      %select_n3A_2399 = arith.select %eq3A_2398, %max3A_2379, %select_n3A_2083 : vector<16xi1>, vector<16xf32>
      %select_n3A_2400 = arith.select %eq3A_2398, %select_n3A_2380, %select_n3A_2084 : vector<16xi1>, vector<16xi32>
      %broadcast_in_dim3A_2401 = arith.constant 32 : i32
      %broadcast_in_dim3A_2402 = vector.broadcast %broadcast_in_dim3A_2401 : i32 to vector<16xi32>
      %eq3A_2403 = arith.cmpi eq, %and3A_2292, %broadcast_in_dim3A_2402 : vector<16xi32>
      %select_n3A_2404 = arith.select %eq3A_2403, %max3A_2379, %select_n3A_2088 : vector<16xi1>, vector<16xf32>
      %select_n3A_2405 = arith.select %eq3A_2403, %select_n3A_2380, %select_n3A_2089 : vector<16xi1>, vector<16xi32>
      %broadcast_in_dim3A_2406 = arith.constant 40 : i32
      %broadcast_in_dim3A_2407 = vector.broadcast %broadcast_in_dim3A_2406 : i32 to vector<16xi32>
      %eq3A_2408 = arith.cmpi eq, %and3A_2292, %broadcast_in_dim3A_2407 : vector<16xi32>
      %select_n3A_2409 = arith.select %eq3A_2408, %max3A_2379, %select_n3A_2093 : vector<16xi1>, vector<16xf32>
      %select_n3A_2410 = arith.select %eq3A_2408, %select_n3A_2380, %select_n3A_2094 : vector<16xi1>, vector<16xi32>
      %broadcast_in_dim3A_2411 = arith.constant 48 : i32
      %broadcast_in_dim3A_2412 = vector.broadcast %broadcast_in_dim3A_2411 : i32 to vector<16xi32>
      %eq3A_2413 = arith.cmpi eq, %and3A_2292, %broadcast_in_dim3A_2412 : vector<16xi32>
      %select_n3A_2414 = arith.select %eq3A_2413, %max3A_2379, %select_n3A_2098 : vector<16xi1>, vector<16xf32>
      %select_n3A_2415 = arith.select %eq3A_2413, %select_n3A_2380, %select_n3A_2099 : vector<16xi1>, vector<16xi32>
      %broadcast_in_dim3A_2416 = arith.constant 56 : i32
      %broadcast_in_dim3A_2417 = vector.broadcast %broadcast_in_dim3A_2416 : i32 to vector<16xi32>
      %eq3A_2418 = arith.cmpi eq, %and3A_2292, %broadcast_in_dim3A_2417 : vector<16xi32>
      %select_n3A_2419 = arith.select %eq3A_2418, %max3A_2379, %select_n3A_2103 : vector<16xi1>, vector<16xf32>
      %select_n3A_2420 = arith.select %eq3A_2418, %select_n3A_2380, %select_n3A_2104 : vector<16xi1>, vector<16xi32>
      %broadcast_in_dim3A_2421 = arith.constant -8 : i32
      %broadcast_in_dim3A_2422 = vector.broadcast %broadcast_in_dim3A_2421 : i32 to vector<16xi32>
      %and3A_2423 = arith.andi %select_n3A_2283, %broadcast_in_dim3A_2422 : vector<16xi32>
      %shift_left3A_2424 = arith.constant 9 : i32
      %shift_left3A_2425 = vector.broadcast %shift_left3A_2424 : i32 to vector<16xi32>
      %shift_left3A_2426 = arith.shli %and3A_2423, %shift_left3A_2425 : vector<16xi32>
      %add3A_2427 = arith.addi %shift_left3A_2426, %add3A_193 : vector<16xi32>
      %broadcast_in_dim3A_2428 = arith.constant 7 : i32
      %broadcast_in_dim3A_2429 = vector.broadcast %broadcast_in_dim3A_2428 : i32 to vector<16xi32>
      %and3A_2430 = arith.andi %select_n3A_2283, %broadcast_in_dim3A_2429 : vector<16xi32>
      %shift_left3A_2431 = arith.constant 7 : i32
      %shift_left3A_2432 = vector.broadcast %shift_left3A_2431 : i32 to vector<16xi32>
      %shift_left3A_2433 = arith.shli %and3A_2430, %shift_left3A_2432 : vector<16xi32>
      %add3A_2434 = arith.addi %add3A_2427, %shift_left3A_2433 : vector<16xi32>
      tpu.vector_store_idx %arg5[%add3A_2434], %broadcast_in_dim3A_143 : memref<32768xf32, #tpu.memory_space<vmem>>[vector<16xi32>], vector<16xf32>,
      %broadcast_in_dim3A_2435 = arith.constant 0 : i32
      %broadcast_in_dim3A_2436 = vector.broadcast %broadcast_in_dim3A_2435 : i32 to vector<16xi32>
      %add3A_2437 = arith.addi %add3A_2427, %broadcast_in_dim3A_2436 : vector<16xi32>
      %gather3A_2438 = tpu.vector_load_idx %arg5[%add3A_2437] : memref<32768xf32, #tpu.memory_space<vmem>>[vector<16xi32>], vector<16xf32>,
      %broadcast_in_dim3A_2439 = arith.constant 128 : i32
      %broadcast_in_dim3A_2440 = vector.broadcast %broadcast_in_dim3A_2439 : i32 to vector<16xi32>
      %add3A_2441 = arith.addi %add3A_2427, %broadcast_in_dim3A_2440 : vector<16xi32>
      %gather3A_2442 = tpu.vector_load_idx %arg5[%add3A_2441] : memref<32768xf32, #tpu.memory_space<vmem>>[vector<16xi32>], vector<16xf32>,
      %broadcast_in_dim3A_2443 = arith.constant 256 : i32
      %broadcast_in_dim3A_2444 = vector.broadcast %broadcast_in_dim3A_2443 : i32 to vector<16xi32>
      %add3A_2445 = arith.addi %add3A_2427, %broadcast_in_dim3A_2444 : vector<16xi32>
      %gather3A_2446 = tpu.vector_load_idx %arg5[%add3A_2445] : memref<32768xf32, #tpu.memory_space<vmem>>[vector<16xi32>], vector<16xf32>,
      %broadcast_in_dim3A_2447 = arith.constant 384 : i32
      %broadcast_in_dim3A_2448 = vector.broadcast %broadcast_in_dim3A_2447 : i32 to vector<16xi32>
      %add3A_2449 = arith.addi %add3A_2427, %broadcast_in_dim3A_2448 : vector<16xi32>
      %gather3A_2450 = tpu.vector_load_idx %arg5[%add3A_2449] : memref<32768xf32, #tpu.memory_space<vmem>>[vector<16xi32>], vector<16xf32>,
      %broadcast_in_dim3A_2451 = arith.constant 512 : i32
      %broadcast_in_dim3A_2452 = vector.broadcast %broadcast_in_dim3A_2451 : i32 to vector<16xi32>
      %add3A_2453 = arith.addi %add3A_2427, %broadcast_in_dim3A_2452 : vector<16xi32>
      %gather3A_2454 = tpu.vector_load_idx %arg5[%add3A_2453] : memref<32768xf32, #tpu.memory_space<vmem>>[vector<16xi32>], vector<16xf32>,
      %broadcast_in_dim3A_2455 = arith.constant 640 : i32
      %broadcast_in_dim3A_2456 = vector.broadcast %broadcast_in_dim3A_2455 : i32 to vector<16xi32>
      %add3A_2457 = arith.addi %add3A_2427, %broadcast_in_dim3A_2456 : vector<16xi32>
      %gather3A_2458 = tpu.vector_load_idx %arg5[%add3A_2457] : memref<32768xf32, #tpu.memory_space<vmem>>[vector<16xi32>], vector<16xf32>,
      %broadcast_in_dim3A_2459 = arith.constant 768 : i32
      %broadcast_in_dim3A_2460 = vector.broadcast %broadcast_in_dim3A_2459 : i32 to vector<16xi32>
      %add3A_2461 = arith.addi %add3A_2427, %broadcast_in_dim3A_2460 : vector<16xi32>
      %gather3A_2462 = tpu.vector_load_idx %arg5[%add3A_2461] : memref<32768xf32, #tpu.memory_space<vmem>>[vector<16xi32>], vector<16xf32>,
      %broadcast_in_dim3A_2463 = arith.constant 896 : i32
      %broadcast_in_dim3A_2464 = vector.broadcast %broadcast_in_dim3A_2463 : i32 to vector<16xi32>
      %add3A_2465 = arith.addi %add3A_2427, %broadcast_in_dim3A_2464 : vector<16xi32>
      %gather3A_2466 = tpu.vector_load_idx %arg5[%add3A_2465] : memref<32768xf32, #tpu.memory_space<vmem>>[vector<16xi32>], vector<16xf32>,
      %broadcast_in_dim3A_2467 = arith.constant 0 : i32
      %broadcast_in_dim3A_2468 = vector.broadcast %broadcast_in_dim3A_2467 : i32 to vector<16xi32>
      %add3A_2469 = arith.addi %and3A_2423, %broadcast_in_dim3A_2468 : vector<16xi32>
      %broadcast_in_dim3A_2470 = arith.constant 1 : i32
      %broadcast_in_dim3A_2471 = vector.broadcast %broadcast_in_dim3A_2470 : i32 to vector<16xi32>
      %add3A_2472 = arith.addi %and3A_2423, %broadcast_in_dim3A_2471 : vector<16xi32>
      %broadcast_in_dim3A_2473 = arith.constant 2 : i32
      %broadcast_in_dim3A_2474 = vector.broadcast %broadcast_in_dim3A_2473 : i32 to vector<16xi32>
      %add3A_2475 = arith.addi %and3A_2423, %broadcast_in_dim3A_2474 : vector<16xi32>
      %broadcast_in_dim3A_2476 = arith.constant 3 : i32
      %broadcast_in_dim3A_2477 = vector.broadcast %broadcast_in_dim3A_2476 : i32 to vector<16xi32>
      %add3A_2478 = arith.addi %and3A_2423, %broadcast_in_dim3A_2477 : vector<16xi32>
      %broadcast_in_dim3A_2479 = arith.constant 4 : i32
      %broadcast_in_dim3A_2480 = vector.broadcast %broadcast_in_dim3A_2479 : i32 to vector<16xi32>
      %add3A_2481 = arith.addi %and3A_2423, %broadcast_in_dim3A_2480 : vector<16xi32>
      %broadcast_in_dim3A_2482 = arith.constant 5 : i32
      %broadcast_in_dim3A_2483 = vector.broadcast %broadcast_in_dim3A_2482 : i32 to vector<16xi32>
      %add3A_2484 = arith.addi %and3A_2423, %broadcast_in_dim3A_2483 : vector<16xi32>
      %broadcast_in_dim3A_2485 = arith.constant 6 : i32
      %broadcast_in_dim3A_2486 = vector.broadcast %broadcast_in_dim3A_2485 : i32 to vector<16xi32>
      %add3A_2487 = arith.addi %and3A_2423, %broadcast_in_dim3A_2486 : vector<16xi32>
      %broadcast_in_dim3A_2488 = arith.constant 7 : i32
      %broadcast_in_dim3A_2489 = vector.broadcast %broadcast_in_dim3A_2488 : i32 to vector<16xi32>
      %add3A_2490 = arith.addi %and3A_2423, %broadcast_in_dim3A_2489 : vector<16xi32>
      %gt3A_2491 = arith.cmpf ogt, %gather3A_2442, %gather3A_2438 : vector<16xf32>
      %max3A_2492 = arith.maximumf %gather3A_2438, %gather3A_2442 : vector<16xf32>
      %select_n3A_2493 = arith.select %gt3A_2491, %add3A_2472, %add3A_2469 : vector<16xi1>, vector<16xi32>
      %gt3A_2494 = arith.cmpf ogt, %gather3A_2450, %gather3A_2446 : vector<16xf32>
      %max3A_2495 = arith.maximumf %gather3A_2446, %gather3A_2450 : vector<16xf32>
      %select_n3A_2496 = arith.select %gt3A_2494, %add3A_2478, %add3A_2475 : vector<16xi1>, vector<16xi32>
      %gt3A_2497 = arith.cmpf ogt, %gather3A_2458, %gather3A_2454 : vector<16xf32>
      %max3A_2498 = arith.maximumf %gather3A_2454, %gather3A_2458 : vector<16xf32>
      %select_n3A_2499 = arith.select %gt3A_2497, %add3A_2484, %add3A_2481 : vector<16xi1>, vector<16xi32>
      %gt3A_2500 = arith.cmpf ogt, %gather3A_2466, %gather3A_2462 : vector<16xf32>
      %max3A_2501 = arith.maximumf %gather3A_2462, %gather3A_2466 : vector<16xf32>
      %select_n3A_2502 = arith.select %gt3A_2500, %add3A_2490, %add3A_2487 : vector<16xi1>, vector<16xi32>
      %gt3A_2503 = arith.cmpf ogt, %max3A_2495, %max3A_2492 : vector<16xf32>
      %max3A_2504 = arith.maximumf %max3A_2492, %max3A_2495 : vector<16xf32>
      %select_n3A_2505 = arith.select %gt3A_2503, %select_n3A_2496, %select_n3A_2493 : vector<16xi1>, vector<16xi32>
      %gt3A_2506 = arith.cmpf ogt, %max3A_2501, %max3A_2498 : vector<16xf32>
      %max3A_2507 = arith.maximumf %max3A_2498, %max3A_2501 : vector<16xf32>
      %select_n3A_2508 = arith.select %gt3A_2506, %select_n3A_2502, %select_n3A_2499 : vector<16xi1>, vector<16xi32>
      %gt3A_2509 = arith.cmpf ogt, %max3A_2507, %max3A_2504 : vector<16xf32>
      %max3A_2510 = arith.maximumf %max3A_2504, %max3A_2507 : vector<16xf32>
      %select_n3A_2511 = arith.select %gt3A_2509, %select_n3A_2508, %select_n3A_2505 : vector<16xi1>, vector<16xi32>
      %broadcast_in_dim3A_2512 = arith.constant 0 : i32
      %broadcast_in_dim3A_2513 = vector.broadcast %broadcast_in_dim3A_2512 : i32 to vector<16xi32>
      %eq3A_2514 = arith.cmpi eq, %and3A_2423, %broadcast_in_dim3A_2513 : vector<16xi32>
      %select_n3A_2515 = arith.select %eq3A_2514, %max3A_2510, %select_n3A_2199 : vector<16xi1>, vector<16xf32>
      %select_n3A_2516 = arith.select %eq3A_2514, %select_n3A_2511, %select_n3A_2200 : vector<16xi1>, vector<16xi32>
      %broadcast_in_dim3A_2517 = arith.constant 8 : i32
      %broadcast_in_dim3A_2518 = vector.broadcast %broadcast_in_dim3A_2517 : i32 to vector<16xi32>
      %eq3A_2519 = arith.cmpi eq, %and3A_2423, %broadcast_in_dim3A_2518 : vector<16xi32>
      %select_n3A_2520 = arith.select %eq3A_2519, %max3A_2510, %select_n3A_2204 : vector<16xi1>, vector<16xf32>
      %select_n3A_2521 = arith.select %eq3A_2519, %select_n3A_2511, %select_n3A_2205 : vector<16xi1>, vector<16xi32>
      %broadcast_in_dim3A_2522 = arith.constant 16 : i32
      %broadcast_in_dim3A_2523 = vector.broadcast %broadcast_in_dim3A_2522 : i32 to vector<16xi32>
      %eq3A_2524 = arith.cmpi eq, %and3A_2423, %broadcast_in_dim3A_2523 : vector<16xi32>
      %select_n3A_2525 = arith.select %eq3A_2524, %max3A_2510, %select_n3A_2209 : vector<16xi1>, vector<16xf32>
      %select_n3A_2526 = arith.select %eq3A_2524, %select_n3A_2511, %select_n3A_2210 : vector<16xi1>, vector<16xi32>
      %broadcast_in_dim3A_2527 = arith.constant 24 : i32
      %broadcast_in_dim3A_2528 = vector.broadcast %broadcast_in_dim3A_2527 : i32 to vector<16xi32>
      %eq3A_2529 = arith.cmpi eq, %and3A_2423, %broadcast_in_dim3A_2528 : vector<16xi32>
      %select_n3A_2530 = arith.select %eq3A_2529, %max3A_2510, %select_n3A_2214 : vector<16xi1>, vector<16xf32>
      %select_n3A_2531 = arith.select %eq3A_2529, %select_n3A_2511, %select_n3A_2215 : vector<16xi1>, vector<16xi32>
      %broadcast_in_dim3A_2532 = arith.constant 32 : i32
      %broadcast_in_dim3A_2533 = vector.broadcast %broadcast_in_dim3A_2532 : i32 to vector<16xi32>
      %eq3A_2534 = arith.cmpi eq, %and3A_2423, %broadcast_in_dim3A_2533 : vector<16xi32>
      %select_n3A_2535 = arith.select %eq3A_2534, %max3A_2510, %select_n3A_2219 : vector<16xi1>, vector<16xf32>
      %select_n3A_2536 = arith.select %eq3A_2534, %select_n3A_2511, %select_n3A_2220 : vector<16xi1>, vector<16xi32>
      %broadcast_in_dim3A_2537 = arith.constant 40 : i32
      %broadcast_in_dim3A_2538 = vector.broadcast %broadcast_in_dim3A_2537 : i32 to vector<16xi32>
      %eq3A_2539 = arith.cmpi eq, %and3A_2423, %broadcast_in_dim3A_2538 : vector<16xi32>
      %select_n3A_2540 = arith.select %eq3A_2539, %max3A_2510, %select_n3A_2224 : vector<16xi1>, vector<16xf32>
      %select_n3A_2541 = arith.select %eq3A_2539, %select_n3A_2511, %select_n3A_2225 : vector<16xi1>, vector<16xi32>
      %broadcast_in_dim3A_2542 = arith.constant 48 : i32
      %broadcast_in_dim3A_2543 = vector.broadcast %broadcast_in_dim3A_2542 : i32 to vector<16xi32>
      %eq3A_2544 = arith.cmpi eq, %and3A_2423, %broadcast_in_dim3A_2543 : vector<16xi32>
      %select_n3A_2545 = arith.select %eq3A_2544, %max3A_2510, %select_n3A_2229 : vector<16xi1>, vector<16xf32>
      %select_n3A_2546 = arith.select %eq3A_2544, %select_n3A_2511, %select_n3A_2230 : vector<16xi1>, vector<16xi32>
      %broadcast_in_dim3A_2547 = arith.constant 56 : i32
      %broadcast_in_dim3A_2548 = vector.broadcast %broadcast_in_dim3A_2547 : i32 to vector<16xi32>
      %eq3A_2549 = arith.cmpi eq, %and3A_2423, %broadcast_in_dim3A_2548 : vector<16xi32>
      %select_n3A_2550 = arith.select %eq3A_2549, %max3A_2510, %select_n3A_2234 : vector<16xi1>, vector<16xf32>
      %select_n3A_2551 = arith.select %eq3A_2549, %select_n3A_2511, %select_n3A_2235 : vector<16xi1>, vector<16xi32>
      %gt3A_2552 = arith.cmpf ogt, %select_n3A_2389, %select_n3A_2384 : vector<16xf32>
      %max3A_2553 = arith.maximumf %select_n3A_2384, %select_n3A_2389 : vector<16xf32>
      %select_n3A_2554 = arith.select %gt3A_2552, %select_n3A_2390, %select_n3A_2385 : vector<16xi1>, vector<16xi32>
      %gt3A_2555 = arith.cmpf ogt, %select_n3A_2399, %select_n3A_2394 : vector<16xf32>
      %max3A_2556 = arith.maximumf %select_n3A_2394, %select_n3A_2399 : vector<16xf32>
      %select_n3A_2557 = arith.select %gt3A_2555, %select_n3A_2400, %select_n3A_2395 : vector<16xi1>, vector<16xi32>
      %gt3A_2558 = arith.cmpf ogt, %select_n3A_2409, %select_n3A_2404 : vector<16xf32>
      %max3A_2559 = arith.maximumf %select_n3A_2404, %select_n3A_2409 : vector<16xf32>
      %select_n3A_2560 = arith.select %gt3A_2558, %select_n3A_2410, %select_n3A_2405 : vector<16xi1>, vector<16xi32>
      %gt3A_2561 = arith.cmpf ogt, %select_n3A_2419, %select_n3A_2414 : vector<16xf32>
      %max3A_2562 = arith.maximumf %select_n3A_2414, %select_n3A_2419 : vector<16xf32>
      %select_n3A_2563 = arith.select %gt3A_2561, %select_n3A_2420, %select_n3A_2415 : vector<16xi1>, vector<16xi32>
      %gt3A_2564 = arith.cmpf ogt, %max3A_2556, %max3A_2553 : vector<16xf32>
      %max3A_2565 = arith.maximumf %max3A_2553, %max3A_2556 : vector<16xf32>
      %select_n3A_2566 = arith.select %gt3A_2564, %select_n3A_2557, %select_n3A_2554 : vector<16xi1>, vector<16xi32>
      %gt3A_2567 = arith.cmpf ogt, %max3A_2562, %max3A_2559 : vector<16xf32>
      %max3A_2568 = arith.maximumf %max3A_2559, %max3A_2562 : vector<16xf32>
      %select_n3A_2569 = arith.select %gt3A_2567, %select_n3A_2563, %select_n3A_2560 : vector<16xi1>, vector<16xi32>
      %gt3A_2570 = arith.cmpf ogt, %max3A_2568, %max3A_2565 : vector<16xf32>
      %max3A_2571 = arith.maximumf %max3A_2565, %max3A_2568 : vector<16xf32>
      %select_n3A_2572 = arith.select %gt3A_2570, %select_n3A_2569, %select_n3A_2566 : vector<16xi1>, vector<16xi32>
      %add3A_2573 = arith.constant 512 : i32
      %add3A_2574 = arith.addi %add3A_176, %add3A_2573 : i32
      %swap3A_2575 = arith.index_cast %add3A_2574 : i32 to index
      %swap3A_2576 = tpu.vector_load %arg6[%swap3A_2575] {strides = array<i32>} : memref<4096xi32, #tpu.memory_space<vmem>>, vector<16xi32>,
      tpu.vector_store %arg6[%swap3A_2575], %select_n3A_2572 {strides = array<i32>} : memref<4096xi32, #tpu.memory_space<vmem>>, vector<16xi32>,
      %sub3A_2577 = arith.subf %max3A_2571, %max3A_1313 : vector<16xf32>
      %exp3A_2578 = math.exp %sub3A_2577 : vector<16xf32>
      %gt3A_2579 = arith.cmpf ogt, %select_n3A_2520, %select_n3A_2515 : vector<16xf32>
      %max3A_2580 = arith.maximumf %select_n3A_2515, %select_n3A_2520 : vector<16xf32>
      %select_n3A_2581 = arith.select %gt3A_2579, %select_n3A_2521, %select_n3A_2516 : vector<16xi1>, vector<16xi32>
      %gt3A_2582 = arith.cmpf ogt, %select_n3A_2530, %select_n3A_2525 : vector<16xf32>
      %max3A_2583 = arith.maximumf %select_n3A_2525, %select_n3A_2530 : vector<16xf32>
      %select_n3A_2584 = arith.select %gt3A_2582, %select_n3A_2531, %select_n3A_2526 : vector<16xi1>, vector<16xi32>
      %gt3A_2585 = arith.cmpf ogt, %select_n3A_2540, %select_n3A_2535 : vector<16xf32>
      %max3A_2586 = arith.maximumf %select_n3A_2535, %select_n3A_2540 : vector<16xf32>
      %select_n3A_2587 = arith.select %gt3A_2585, %select_n3A_2541, %select_n3A_2536 : vector<16xi1>, vector<16xi32>
      %gt3A_2588 = arith.cmpf ogt, %select_n3A_2550, %select_n3A_2545 : vector<16xf32>
      %max3A_2589 = arith.maximumf %select_n3A_2545, %select_n3A_2550 : vector<16xf32>
      %select_n3A_2590 = arith.select %gt3A_2588, %select_n3A_2551, %select_n3A_2546 : vector<16xi1>, vector<16xi32>
      %gt3A_2591 = arith.cmpf ogt, %max3A_2583, %max3A_2580 : vector<16xf32>
      %max3A_2592 = arith.maximumf %max3A_2580, %max3A_2583 : vector<16xf32>
      %select_n3A_2593 = arith.select %gt3A_2591, %select_n3A_2584, %select_n3A_2581 : vector<16xi1>, vector<16xi32>
      %gt3A_2594 = arith.cmpf ogt, %max3A_2589, %max3A_2586 : vector<16xf32>
      %max3A_2595 = arith.maximumf %max3A_2586, %max3A_2589 : vector<16xf32>
      %select_n3A_2596 = arith.select %gt3A_2594, %select_n3A_2590, %select_n3A_2587 : vector<16xi1>, vector<16xi32>
      %gt3A_2597 = arith.cmpf ogt, %max3A_2595, %max3A_2592 : vector<16xf32>
      %max3A_2598 = arith.maximumf %max3A_2592, %max3A_2595 : vector<16xf32>
      %select_n3A_2599 = arith.select %gt3A_2597, %select_n3A_2596, %select_n3A_2593 : vector<16xi1>, vector<16xi32>
      %add3A_2600 = arith.constant 512 : i32
      %add3A_2601 = arith.addi %add3A_191, %add3A_2600 : i32
      %swap3A_2602 = arith.index_cast %add3A_2601 : i32 to index
      %swap3A_2603 = tpu.vector_load %arg6[%swap3A_2602] {strides = array<i32>} : memref<4096xi32, #tpu.memory_space<vmem>>, vector<16xi32>,
      tpu.vector_store %arg6[%swap3A_2602], %select_n3A_2599 {strides = array<i32>} : memref<4096xi32, #tpu.memory_space<vmem>>, vector<16xi32>,
      %sub3A_2604 = arith.subf %max3A_2598, %max3A_1339 : vector<16xf32>
      %exp3A_2605 = math.exp %sub3A_2604 : vector<16xf32>
      %broadcast_in_dim3A_2606 = arith.constant -8 : i32
      %broadcast_in_dim3A_2607 = vector.broadcast %broadcast_in_dim3A_2606 : i32 to vector<16xi32>
      %and3A_2608 = arith.andi %select_n3A_2572, %broadcast_in_dim3A_2607 : vector<16xi32>
      %shift_left3A_2609 = arith.constant 9 : i32
      %shift_left3A_2610 = vector.broadcast %shift_left3A_2609 : i32 to vector<16xi32>
      %shift_left3A_2611 = arith.shli %and3A_2608, %shift_left3A_2610 : vector<16xi32>
      %add3A_2612 = arith.addi %shift_left3A_2611, %add3A_178 : vector<16xi32>
      %broadcast_in_dim3A_2613 = arith.constant 7 : i32
      %broadcast_in_dim3A_2614 = vector.broadcast %broadcast_in_dim3A_2613 : i32 to vector<16xi32>
      %and3A_2615 = arith.andi %select_n3A_2572, %broadcast_in_dim3A_2614 : vector<16xi32>
      %shift_left3A_2616 = arith.constant 7 : i32
      %shift_left3A_2617 = vector.broadcast %shift_left3A_2616 : i32 to vector<16xi32>
      %shift_left3A_2618 = arith.shli %and3A_2615, %shift_left3A_2617 : vector<16xi32>
      %add3A_2619 = arith.addi %add3A_2612, %shift_left3A_2618 : vector<16xi32>
      tpu.vector_store_idx %arg5[%add3A_2619], %broadcast_in_dim3A_143 : memref<32768xf32, #tpu.memory_space<vmem>>[vector<16xi32>], vector<16xf32>,
      %broadcast_in_dim3A_2620 = arith.constant 0 : i32
      %broadcast_in_dim3A_2621 = vector.broadcast %broadcast_in_dim3A_2620 : i32 to vector<16xi32>
      %add3A_2622 = arith.addi %add3A_2612, %broadcast_in_dim3A_2621 : vector<16xi32>
      %gather3A_2623 = tpu.vector_load_idx %arg5[%add3A_2622] : memref<32768xf32, #tpu.memory_space<vmem>>[vector<16xi32>], vector<16xf32>,
      %broadcast_in_dim3A_2624 = arith.constant 128 : i32
      %broadcast_in_dim3A_2625 = vector.broadcast %broadcast_in_dim3A_2624 : i32 to vector<16xi32>
      %add3A_2626 = arith.addi %add3A_2612, %broadcast_in_dim3A_2625 : vector<16xi32>
      %gather3A_2627 = tpu.vector_load_idx %arg5[%add3A_2626] : memref<32768xf32, #tpu.memory_space<vmem>>[vector<16xi32>], vector<16xf32>,
      %broadcast_in_dim3A_2628 = arith.constant 256 : i32
      %broadcast_in_dim3A_2629 = vector.broadcast %broadcast_in_dim3A_2628 : i32 to vector<16xi32>
      %add3A_2630 = arith.addi %add3A_2612, %broadcast_in_dim3A_2629 : vector<16xi32>
      %gather3A_2631 = tpu.vector_load_idx %arg5[%add3A_2630] : memref<32768xf32, #tpu.memory_space<vmem>>[vector<16xi32>], vector<16xf32>,
      %broadcast_in_dim3A_2632 = arith.constant 384 : i32
      %broadcast_in_dim3A_2633 = vector.broadcast %broadcast_in_dim3A_2632 : i32 to vector<16xi32>
      %add3A_2634 = arith.addi %add3A_2612, %broadcast_in_dim3A_2633 : vector<16xi32>
      %gather3A_2635 = tpu.vector_load_idx %arg5[%add3A_2634] : memref<32768xf32, #tpu.memory_space<vmem>>[vector<16xi32>], vector<16xf32>,
      %broadcast_in_dim3A_2636 = arith.constant 512 : i32
      %broadcast_in_dim3A_2637 = vector.broadcast %broadcast_in_dim3A_2636 : i32 to vector<16xi32>
      %add3A_2638 = arith.addi %add3A_2612, %broadcast_in_dim3A_2637 : vector<16xi32>
      %gather3A_2639 = tpu.vector_load_idx %arg5[%add3A_2638] : memref<32768xf32, #tpu.memory_space<vmem>>[vector<16xi32>], vector<16xf32>,
      %broadcast_in_dim3A_2640 = arith.constant 640 : i32
      %broadcast_in_dim3A_2641 = vector.broadcast %broadcast_in_dim3A_2640 : i32 to vector<16xi32>
      %add3A_2642 = arith.addi %add3A_2612, %broadcast_in_dim3A_2641 : vector<16xi32>
      %gather3A_2643 = tpu.vector_load_idx %arg5[%add3A_2642] : memref<32768xf32, #tpu.memory_space<vmem>>[vector<16xi32>], vector<16xf32>,
      %broadcast_in_dim3A_2644 = arith.constant 768 : i32
      %broadcast_in_dim3A_2645 = vector.broadcast %broadcast_in_dim3A_2644 : i32 to vector<16xi32>
      %add3A_2646 = arith.addi %add3A_2612, %broadcast_in_dim3A_2645 : vector<16xi32>
      %gather3A_2647 = tpu.vector_load_idx %arg5[%add3A_2646] : memref<32768xf32, #tpu.memory_space<vmem>>[vector<16xi32>], vector<16xf32>,
      %broadcast_in_dim3A_2648 = arith.constant 896 : i32
      %broadcast_in_dim3A_2649 = vector.broadcast %broadcast_in_dim3A_2648 : i32 to vector<16xi32>
      %add3A_2650 = arith.addi %add3A_2612, %broadcast_in_dim3A_2649 : vector<16xi32>
      %gather3A_2651 = tpu.vector_load_idx %arg5[%add3A_2650] : memref<32768xf32, #tpu.memory_space<vmem>>[vector<16xi32>], vector<16xf32>,
      %broadcast_in_dim3A_2652 = arith.constant 0 : i32
      %broadcast_in_dim3A_2653 = vector.broadcast %broadcast_in_dim3A_2652 : i32 to vector<16xi32>
      %add3A_2654 = arith.addi %and3A_2608, %broadcast_in_dim3A_2653 : vector<16xi32>
      %broadcast_in_dim3A_2655 = arith.constant 1 : i32
      %broadcast_in_dim3A_2656 = vector.broadcast %broadcast_in_dim3A_2655 : i32 to vector<16xi32>
      %add3A_2657 = arith.addi %and3A_2608, %broadcast_in_dim3A_2656 : vector<16xi32>
      %broadcast_in_dim3A_2658 = arith.constant 2 : i32
      %broadcast_in_dim3A_2659 = vector.broadcast %broadcast_in_dim3A_2658 : i32 to vector<16xi32>
      %add3A_2660 = arith.addi %and3A_2608, %broadcast_in_dim3A_2659 : vector<16xi32>
      %broadcast_in_dim3A_2661 = arith.constant 3 : i32
      %broadcast_in_dim3A_2662 = vector.broadcast %broadcast_in_dim3A_2661 : i32 to vector<16xi32>
      %add3A_2663 = arith.addi %and3A_2608, %broadcast_in_dim3A_2662 : vector<16xi32>
      %broadcast_in_dim3A_2664 = arith.constant 4 : i32
      %broadcast_in_dim3A_2665 = vector.broadcast %broadcast_in_dim3A_2664 : i32 to vector<16xi32>
      %add3A_2666 = arith.addi %and3A_2608, %broadcast_in_dim3A_2665 : vector<16xi32>
      %broadcast_in_dim3A_2667 = arith.constant 5 : i32
      %broadcast_in_dim3A_2668 = vector.broadcast %broadcast_in_dim3A_2667 : i32 to vector<16xi32>
      %add3A_2669 = arith.addi %and3A_2608, %broadcast_in_dim3A_2668 : vector<16xi32>
      %broadcast_in_dim3A_2670 = arith.constant 6 : i32
      %broadcast_in_dim3A_2671 = vector.broadcast %broadcast_in_dim3A_2670 : i32 to vector<16xi32>
      %add3A_2672 = arith.addi %and3A_2608, %broadcast_in_dim3A_2671 : vector<16xi32>
      %broadcast_in_dim3A_2673 = arith.constant 7 : i32
      %broadcast_in_dim3A_2674 = vector.broadcast %broadcast_in_dim3A_2673 : i32 to vector<16xi32>
      %add3A_2675 = arith.addi %and3A_2608, %broadcast_in_dim3A_2674 : vector<16xi32>
      %gt3A_2676 = arith.cmpf ogt, %gather3A_2627, %gather3A_2623 : vector<16xf32>
      %max3A_2677 = arith.maximumf %gather3A_2623, %gather3A_2627 : vector<16xf32>
      %select_n3A_2678 = arith.select %gt3A_2676, %add3A_2657, %add3A_2654 : vector<16xi1>, vector<16xi32>
      %gt3A_2679 = arith.cmpf ogt, %gather3A_2635, %gather3A_2631 : vector<16xf32>
      %max3A_2680 = arith.maximumf %gather3A_2631, %gather3A_2635 : vector<16xf32>
      %select_n3A_2681 = arith.select %gt3A_2679, %add3A_2663, %add3A_2660 : vector<16xi1>, vector<16xi32>
      %gt3A_2682 = arith.cmpf ogt, %gather3A_2643, %gather3A_2639 : vector<16xf32>
      %max3A_2683 = arith.maximumf %gather3A_2639, %gather3A_2643 : vector<16xf32>
      %select_n3A_2684 = arith.select %gt3A_2682, %add3A_2669, %add3A_2666 : vector<16xi1>, vector<16xi32>
      %gt3A_2685 = arith.cmpf ogt, %gather3A_2651, %gather3A_2647 : vector<16xf32>
      %max3A_2686 = arith.maximumf %gather3A_2647, %gather3A_2651 : vector<16xf32>
      %select_n3A_2687 = arith.select %gt3A_2685, %add3A_2675, %add3A_2672 : vector<16xi1>, vector<16xi32>
      %gt3A_2688 = arith.cmpf ogt, %max3A_2680, %max3A_2677 : vector<16xf32>
      %max3A_2689 = arith.maximumf %max3A_2677, %max3A_2680 : vector<16xf32>
      %select_n3A_2690 = arith.select %gt3A_2688, %select_n3A_2681, %select_n3A_2678 : vector<16xi1>, vector<16xi32>
      %gt3A_2691 = arith.cmpf ogt, %max3A_2686, %max3A_2683 : vector<16xf32>
      %max3A_2692 = arith.maximumf %max3A_2683, %max3A_2686 : vector<16xf32>
      %select_n3A_2693 = arith.select %gt3A_2691, %select_n3A_2687, %select_n3A_2684 : vector<16xi1>, vector<16xi32>
      %gt3A_2694 = arith.cmpf ogt, %max3A_2692, %max3A_2689 : vector<16xf32>
      %max3A_2695 = arith.maximumf %max3A_2689, %max3A_2692 : vector<16xf32>
      %select_n3A_2696 = arith.select %gt3A_2694, %select_n3A_2693, %select_n3A_2690 : vector<16xi1>, vector<16xi32>
      %broadcast_in_dim3A_2697 = arith.constant 0 : i32
      %broadcast_in_dim3A_2698 = vector.broadcast %broadcast_in_dim3A_2697 : i32 to vector<16xi32>
      %eq3A_2699 = arith.cmpi eq, %and3A_2608, %broadcast_in_dim3A_2698 : vector<16xi32>
      %select_n3A_2700 = arith.select %eq3A_2699, %max3A_2695, %select_n3A_2384 : vector<16xi1>, vector<16xf32>
      %select_n3A_2701 = arith.select %eq3A_2699, %select_n3A_2696, %select_n3A_2385 : vector<16xi1>, vector<16xi32>
      %broadcast_in_dim3A_2702 = arith.constant 8 : i32
      %broadcast_in_dim3A_2703 = vector.broadcast %broadcast_in_dim3A_2702 : i32 to vector<16xi32>
      %eq3A_2704 = arith.cmpi eq, %and3A_2608, %broadcast_in_dim3A_2703 : vector<16xi32>
      %select_n3A_2705 = arith.select %eq3A_2704, %max3A_2695, %select_n3A_2389 : vector<16xi1>, vector<16xf32>
      %select_n3A_2706 = arith.select %eq3A_2704, %select_n3A_2696, %select_n3A_2390 : vector<16xi1>, vector<16xi32>
      %broadcast_in_dim3A_2707 = arith.constant 16 : i32
      %broadcast_in_dim3A_2708 = vector.broadcast %broadcast_in_dim3A_2707 : i32 to vector<16xi32>
      %eq3A_2709 = arith.cmpi eq, %and3A_2608, %broadcast_in_dim3A_2708 : vector<16xi32>
      %select_n3A_2710 = arith.select %eq3A_2709, %max3A_2695, %select_n3A_2394 : vector<16xi1>, vector<16xf32>
      %select_n3A_2711 = arith.select %eq3A_2709, %select_n3A_2696, %select_n3A_2395 : vector<16xi1>, vector<16xi32>
      %broadcast_in_dim3A_2712 = arith.constant 24 : i32
      %broadcast_in_dim3A_2713 = vector.broadcast %broadcast_in_dim3A_2712 : i32 to vector<16xi32>
      %eq3A_2714 = arith.cmpi eq, %and3A_2608, %broadcast_in_dim3A_2713 : vector<16xi32>
      %select_n3A_2715 = arith.select %eq3A_2714, %max3A_2695, %select_n3A_2399 : vector<16xi1>, vector<16xf32>
      %select_n3A_2716 = arith.select %eq3A_2714, %select_n3A_2696, %select_n3A_2400 : vector<16xi1>, vector<16xi32>
      %broadcast_in_dim3A_2717 = arith.constant 32 : i32
      %broadcast_in_dim3A_2718 = vector.broadcast %broadcast_in_dim3A_2717 : i32 to vector<16xi32>
      %eq3A_2719 = arith.cmpi eq, %and3A_2608, %broadcast_in_dim3A_2718 : vector<16xi32>
      %select_n3A_2720 = arith.select %eq3A_2719, %max3A_2695, %select_n3A_2404 : vector<16xi1>, vector<16xf32>
      %select_n3A_2721 = arith.select %eq3A_2719, %select_n3A_2696, %select_n3A_2405 : vector<16xi1>, vector<16xi32>
      %broadcast_in_dim3A_2722 = arith.constant 40 : i32
      %broadcast_in_dim3A_2723 = vector.broadcast %broadcast_in_dim3A_2722 : i32 to vector<16xi32>
      %eq3A_2724 = arith.cmpi eq, %and3A_2608, %broadcast_in_dim3A_2723 : vector<16xi32>
      %select_n3A_2725 = arith.select %eq3A_2724, %max3A_2695, %select_n3A_2409 : vector<16xi1>, vector<16xf32>
      %select_n3A_2726 = arith.select %eq3A_2724, %select_n3A_2696, %select_n3A_2410 : vector<16xi1>, vector<16xi32>
      %broadcast_in_dim3A_2727 = arith.constant 48 : i32
      %broadcast_in_dim3A_2728 = vector.broadcast %broadcast_in_dim3A_2727 : i32 to vector<16xi32>
      %eq3A_2729 = arith.cmpi eq, %and3A_2608, %broadcast_in_dim3A_2728 : vector<16xi32>
      %select_n3A_2730 = arith.select %eq3A_2729, %max3A_2695, %select_n3A_2414 : vector<16xi1>, vector<16xf32>
      %select_n3A_2731 = arith.select %eq3A_2729, %select_n3A_2696, %select_n3A_2415 : vector<16xi1>, vector<16xi32>
      %broadcast_in_dim3A_2732 = arith.constant 56 : i32
      %broadcast_in_dim3A_2733 = vector.broadcast %broadcast_in_dim3A_2732 : i32 to vector<16xi32>
      %eq3A_2734 = arith.cmpi eq, %and3A_2608, %broadcast_in_dim3A_2733 : vector<16xi32>
      %select_n3A_2735 = arith.select %eq3A_2734, %max3A_2695, %select_n3A_2419 : vector<16xi1>, vector<16xf32>
      %select_n3A_2736 = arith.select %eq3A_2734, %select_n3A_2696, %select_n3A_2420 : vector<16xi1>, vector<16xi32>
      %broadcast_in_dim3A_2737 = arith.constant -8 : i32
      %broadcast_in_dim3A_2738 = vector.broadcast %broadcast_in_dim3A_2737 : i32 to vector<16xi32>
      %and3A_2739 = arith.andi %select_n3A_2599, %broadcast_in_dim3A_2738 : vector<16xi32>
      %shift_left3A_2740 = arith.constant 9 : i32
      %shift_left3A_2741 = vector.broadcast %shift_left3A_2740 : i32 to vector<16xi32>
      %shift_left3A_2742 = arith.shli %and3A_2739, %shift_left3A_2741 : vector<16xi32>
      %add3A_2743 = arith.addi %shift_left3A_2742, %add3A_193 : vector<16xi32>
      %broadcast_in_dim3A_2744 = arith.constant 7 : i32
      %broadcast_in_dim3A_2745 = vector.broadcast %broadcast_in_dim3A_2744 : i32 to vector<16xi32>
      %and3A_2746 = arith.andi %select_n3A_2599, %broadcast_in_dim3A_2745 : vector<16xi32>
      %shift_left3A_2747 = arith.constant 7 : i32
      %shift_left3A_2748 = vector.broadcast %shift_left3A_2747 : i32 to vector<16xi32>
      %shift_left3A_2749 = arith.shli %and3A_2746, %shift_left3A_2748 : vector<16xi32>
      %add3A_2750 = arith.addi %add3A_2743, %shift_left3A_2749 : vector<16xi32>
      tpu.vector_store_idx %arg5[%add3A_2750], %broadcast_in_dim3A_143 : memref<32768xf32, #tpu.memory_space<vmem>>[vector<16xi32>], vector<16xf32>,
      %broadcast_in_dim3A_2751 = arith.constant 0 : i32
      %broadcast_in_dim3A_2752 = vector.broadcast %broadcast_in_dim3A_2751 : i32 to vector<16xi32>
      %add3A_2753 = arith.addi %add3A_2743, %broadcast_in_dim3A_2752 : vector<16xi32>
      %gather3A_2754 = tpu.vector_load_idx %arg5[%add3A_2753] : memref<32768xf32, #tpu.memory_space<vmem>>[vector<16xi32>], vector<16xf32>,
      %broadcast_in_dim3A_2755 = arith.constant 128 : i32
      %broadcast_in_dim3A_2756 = vector.broadcast %broadcast_in_dim3A_2755 : i32 to vector<16xi32>
      %add3A_2757 = arith.addi %add3A_2743, %broadcast_in_dim3A_2756 : vector<16xi32>
      %gather3A_2758 = tpu.vector_load_idx %arg5[%add3A_2757] : memref<32768xf32, #tpu.memory_space<vmem>>[vector<16xi32>], vector<16xf32>,
      %broadcast_in_dim3A_2759 = arith.constant 256 : i32
      %broadcast_in_dim3A_2760 = vector.broadcast %broadcast_in_dim3A_2759 : i32 to vector<16xi32>
      %add3A_2761 = arith.addi %add3A_2743, %broadcast_in_dim3A_2760 : vector<16xi32>
      %gather3A_2762 = tpu.vector_load_idx %arg5[%add3A_2761] : memref<32768xf32, #tpu.memory_space<vmem>>[vector<16xi32>], vector<16xf32>,
      %broadcast_in_dim3A_2763 = arith.constant 384 : i32
      %broadcast_in_dim3A_2764 = vector.broadcast %broadcast_in_dim3A_2763 : i32 to vector<16xi32>
      %add3A_2765 = arith.addi %add3A_2743, %broadcast_in_dim3A_2764 : vector<16xi32>
      %gather3A_2766 = tpu.vector_load_idx %arg5[%add3A_2765] : memref<32768xf32, #tpu.memory_space<vmem>>[vector<16xi32>], vector<16xf32>,
      %broadcast_in_dim3A_2767 = arith.constant 512 : i32
      %broadcast_in_dim3A_2768 = vector.broadcast %broadcast_in_dim3A_2767 : i32 to vector<16xi32>
      %add3A_2769 = arith.addi %add3A_2743, %broadcast_in_dim3A_2768 : vector<16xi32>
      %gather3A_2770 = tpu.vector_load_idx %arg5[%add3A_2769] : memref<32768xf32, #tpu.memory_space<vmem>>[vector<16xi32>], vector<16xf32>,
      %broadcast_in_dim3A_2771 = arith.constant 640 : i32
      %broadcast_in_dim3A_2772 = vector.broadcast %broadcast_in_dim3A_2771 : i32 to vector<16xi32>
      %add3A_2773 = arith.addi %add3A_2743, %broadcast_in_dim3A_2772 : vector<16xi32>
      %gather3A_2774 = tpu.vector_load_idx %arg5[%add3A_2773] : memref<32768xf32, #tpu.memory_space<vmem>>[vector<16xi32>], vector<16xf32>,
      %broadcast_in_dim3A_2775 = arith.constant 768 : i32
      %broadcast_in_dim3A_2776 = vector.broadcast %broadcast_in_dim3A_2775 : i32 to vector<16xi32>
      %add3A_2777 = arith.addi %add3A_2743, %broadcast_in_dim3A_2776 : vector<16xi32>
      %gather3A_2778 = tpu.vector_load_idx %arg5[%add3A_2777] : memref<32768xf32, #tpu.memory_space<vmem>>[vector<16xi32>], vector<16xf32>,
      %broadcast_in_dim3A_2779 = arith.constant 896 : i32
      %broadcast_in_dim3A_2780 = vector.broadcast %broadcast_in_dim3A_2779 : i32 to vector<16xi32>
      %add3A_2781 = arith.addi %add3A_2743, %broadcast_in_dim3A_2780 : vector<16xi32>
      %gather3A_2782 = tpu.vector_load_idx %arg5[%add3A_2781] : memref<32768xf32, #tpu.memory_space<vmem>>[vector<16xi32>], vector<16xf32>,
      %broadcast_in_dim3A_2783 = arith.constant 0 : i32
      %broadcast_in_dim3A_2784 = vector.broadcast %broadcast_in_dim3A_2783 : i32 to vector<16xi32>
      %add3A_2785 = arith.addi %and3A_2739, %broadcast_in_dim3A_2784 : vector<16xi32>
      %broadcast_in_dim3A_2786 = arith.constant 1 : i32
      %broadcast_in_dim3A_2787 = vector.broadcast %broadcast_in_dim3A_2786 : i32 to vector<16xi32>
      %add3A_2788 = arith.addi %and3A_2739, %broadcast_in_dim3A_2787 : vector<16xi32>
      %broadcast_in_dim3A_2789 = arith.constant 2 : i32
      %broadcast_in_dim3A_2790 = vector.broadcast %broadcast_in_dim3A_2789 : i32 to vector<16xi32>
      %add3A_2791 = arith.addi %and3A_2739, %broadcast_in_dim3A_2790 : vector<16xi32>
      %broadcast_in_dim3A_2792 = arith.constant 3 : i32
      %broadcast_in_dim3A_2793 = vector.broadcast %broadcast_in_dim3A_2792 : i32 to vector<16xi32>
      %add3A_2794 = arith.addi %and3A_2739, %broadcast_in_dim3A_2793 : vector<16xi32>
      %broadcast_in_dim3A_2795 = arith.constant 4 : i32
      %broadcast_in_dim3A_2796 = vector.broadcast %broadcast_in_dim3A_2795 : i32 to vector<16xi32>
      %add3A_2797 = arith.addi %and3A_2739, %broadcast_in_dim3A_2796 : vector<16xi32>
      %broadcast_in_dim3A_2798 = arith.constant 5 : i32
      %broadcast_in_dim3A_2799 = vector.broadcast %broadcast_in_dim3A_2798 : i32 to vector<16xi32>
      %add3A_2800 = arith.addi %and3A_2739, %broadcast_in_dim3A_2799 : vector<16xi32>
      %broadcast_in_dim3A_2801 = arith.constant 6 : i32
      %broadcast_in_dim3A_2802 = vector.broadcast %broadcast_in_dim3A_2801 : i32 to vector<16xi32>
      %add3A_2803 = arith.addi %and3A_2739, %broadcast_in_dim3A_2802 : vector<16xi32>
      %broadcast_in_dim3A_2804 = arith.constant 7 : i32
      %broadcast_in_dim3A_2805 = vector.broadcast %broadcast_in_dim3A_2804 : i32 to vector<16xi32>
      %add3A_2806 = arith.addi %and3A_2739, %broadcast_in_dim3A_2805 : vector<16xi32>
      %gt3A_2807 = arith.cmpf ogt, %gather3A_2758, %gather3A_2754 : vector<16xf32>
      %max3A_2808 = arith.maximumf %gather3A_2754, %gather3A_2758 : vector<16xf32>
      %select_n3A_2809 = arith.select %gt3A_2807, %add3A_2788, %add3A_2785 : vector<16xi1>, vector<16xi32>
      %gt3A_2810 = arith.cmpf ogt, %gather3A_2766, %gather3A_2762 : vector<16xf32>
      %max3A_2811 = arith.maximumf %gather3A_2762, %gather3A_2766 : vector<16xf32>
      %select_n3A_2812 = arith.select %gt3A_2810, %add3A_2794, %add3A_2791 : vector<16xi1>, vector<16xi32>
      %gt3A_2813 = arith.cmpf ogt, %gather3A_2774, %gather3A_2770 : vector<16xf32>
      %max3A_2814 = arith.maximumf %gather3A_2770, %gather3A_2774 : vector<16xf32>
      %select_n3A_2815 = arith.select %gt3A_2813, %add3A_2800, %add3A_2797 : vector<16xi1>, vector<16xi32>
      %gt3A_2816 = arith.cmpf ogt, %gather3A_2782, %gather3A_2778 : vector<16xf32>
      %max3A_2817 = arith.maximumf %gather3A_2778, %gather3A_2782 : vector<16xf32>
      %select_n3A_2818 = arith.select %gt3A_2816, %add3A_2806, %add3A_2803 : vector<16xi1>, vector<16xi32>
      %gt3A_2819 = arith.cmpf ogt, %max3A_2811, %max3A_2808 : vector<16xf32>
      %max3A_2820 = arith.maximumf %max3A_2808, %max3A_2811 : vector<16xf32>
      %select_n3A_2821 = arith.select %gt3A_2819, %select_n3A_2812, %select_n3A_2809 : vector<16xi1>, vector<16xi32>
      %gt3A_2822 = arith.cmpf ogt, %max3A_2817, %max3A_2814 : vector<16xf32>
      %max3A_2823 = arith.maximumf %max3A_2814, %max3A_2817 : vector<16xf32>
      %select_n3A_2824 = arith.select %gt3A_2822, %select_n3A_2818, %select_n3A_2815 : vector<16xi1>, vector<16xi32>
      %gt3A_2825 = arith.cmpf ogt, %max3A_2823, %max3A_2820 : vector<16xf32>
      %max3A_2826 = arith.maximumf %max3A_2820, %max3A_2823 : vector<16xf32>
      %select_n3A_2827 = arith.select %gt3A_2825, %select_n3A_2824, %select_n3A_2821 : vector<16xi1>, vector<16xi32>
      %broadcast_in_dim3A_2828 = arith.constant 0 : i32
      %broadcast_in_dim3A_2829 = vector.broadcast %broadcast_in_dim3A_2828 : i32 to vector<16xi32>
      %eq3A_2830 = arith.cmpi eq, %and3A_2739, %broadcast_in_dim3A_2829 : vector<16xi32>
      %select_n3A_2831 = arith.select %eq3A_2830, %max3A_2826, %select_n3A_2515 : vector<16xi1>, vector<16xf32>
      %select_n3A_2832 = arith.select %eq3A_2830, %select_n3A_2827, %select_n3A_2516 : vector<16xi1>, vector<16xi32>
      %broadcast_in_dim3A_2833 = arith.constant 8 : i32
      %broadcast_in_dim3A_2834 = vector.broadcast %broadcast_in_dim3A_2833 : i32 to vector<16xi32>
      %eq3A_2835 = arith.cmpi eq, %and3A_2739, %broadcast_in_dim3A_2834 : vector<16xi32>
      %select_n3A_2836 = arith.select %eq3A_2835, %max3A_2826, %select_n3A_2520 : vector<16xi1>, vector<16xf32>
      %select_n3A_2837 = arith.select %eq3A_2835, %select_n3A_2827, %select_n3A_2521 : vector<16xi1>, vector<16xi32>
      %broadcast_in_dim3A_2838 = arith.constant 16 : i32
      %broadcast_in_dim3A_2839 = vector.broadcast %broadcast_in_dim3A_2838 : i32 to vector<16xi32>
      %eq3A_2840 = arith.cmpi eq, %and3A_2739, %broadcast_in_dim3A_2839 : vector<16xi32>
      %select_n3A_2841 = arith.select %eq3A_2840, %max3A_2826, %select_n3A_2525 : vector<16xi1>, vector<16xf32>
      %select_n3A_2842 = arith.select %eq3A_2840, %select_n3A_2827, %select_n3A_2526 : vector<16xi1>, vector<16xi32>
      %broadcast_in_dim3A_2843 = arith.constant 24 : i32
      %broadcast_in_dim3A_2844 = vector.broadcast %broadcast_in_dim3A_2843 : i32 to vector<16xi32>
      %eq3A_2845 = arith.cmpi eq, %and3A_2739, %broadcast_in_dim3A_2844 : vector<16xi32>
      %select_n3A_2846 = arith.select %eq3A_2845, %max3A_2826, %select_n3A_2530 : vector<16xi1>, vector<16xf32>
      %select_n3A_2847 = arith.select %eq3A_2845, %select_n3A_2827, %select_n3A_2531 : vector<16xi1>, vector<16xi32>
      %broadcast_in_dim3A_2848 = arith.constant 32 : i32
      %broadcast_in_dim3A_2849 = vector.broadcast %broadcast_in_dim3A_2848 : i32 to vector<16xi32>
      %eq3A_2850 = arith.cmpi eq, %and3A_2739, %broadcast_in_dim3A_2849 : vector<16xi32>
      %select_n3A_2851 = arith.select %eq3A_2850, %max3A_2826, %select_n3A_2535 : vector<16xi1>, vector<16xf32>
      %select_n3A_2852 = arith.select %eq3A_2850, %select_n3A_2827, %select_n3A_2536 : vector<16xi1>, vector<16xi32>
      %broadcast_in_dim3A_2853 = arith.constant 40 : i32
      %broadcast_in_dim3A_2854 = vector.broadcast %broadcast_in_dim3A_2853 : i32 to vector<16xi32>
      %eq3A_2855 = arith.cmpi eq, %and3A_2739, %broadcast_in_dim3A_2854 : vector<16xi32>
      %select_n3A_2856 = arith.select %eq3A_2855, %max3A_2826, %select_n3A_2540 : vector<16xi1>, vector<16xf32>
      %select_n3A_2857 = arith.select %eq3A_2855, %select_n3A_2827, %select_n3A_2541 : vector<16xi1>, vector<16xi32>
      %broadcast_in_dim3A_2858 = arith.constant 48 : i32
      %broadcast_in_dim3A_2859 = vector.broadcast %broadcast_in_dim3A_2858 : i32 to vector<16xi32>
      %eq3A_2860 = arith.cmpi eq, %and3A_2739, %broadcast_in_dim3A_2859 : vector<16xi32>
      %select_n3A_2861 = arith.select %eq3A_2860, %max3A_2826, %select_n3A_2545 : vector<16xi1>, vector<16xf32>
      %select_n3A_2862 = arith.select %eq3A_2860, %select_n3A_2827, %select_n3A_2546 : vector<16xi1>, vector<16xi32>
      %broadcast_in_dim3A_2863 = arith.constant 56 : i32
      %broadcast_in_dim3A_2864 = vector.broadcast %broadcast_in_dim3A_2863 : i32 to vector<16xi32>
      %eq3A_2865 = arith.cmpi eq, %and3A_2739, %broadcast_in_dim3A_2864 : vector<16xi32>
      %select_n3A_2866 = arith.select %eq3A_2865, %max3A_2826, %select_n3A_2550 : vector<16xi1>, vector<16xf32>
      %select_n3A_2867 = arith.select %eq3A_2865, %select_n3A_2827, %select_n3A_2551 : vector<16xi1>, vector<16xi32>
      %gt3A_2868 = arith.cmpf ogt, %select_n3A_2705, %select_n3A_2700 : vector<16xf32>
      %max3A_2869 = arith.maximumf %select_n3A_2700, %select_n3A_2705 : vector<16xf32>
      %select_n3A_2870 = arith.select %gt3A_2868, %select_n3A_2706, %select_n3A_2701 : vector<16xi1>, vector<16xi32>
      %gt3A_2871 = arith.cmpf ogt, %select_n3A_2715, %select_n3A_2710 : vector<16xf32>
      %max3A_2872 = arith.maximumf %select_n3A_2710, %select_n3A_2715 : vector<16xf32>
      %select_n3A_2873 = arith.select %gt3A_2871, %select_n3A_2716, %select_n3A_2711 : vector<16xi1>, vector<16xi32>
      %gt3A_2874 = arith.cmpf ogt, %select_n3A_2725, %select_n3A_2720 : vector<16xf32>
      %max3A_2875 = arith.maximumf %select_n3A_2720, %select_n3A_2725 : vector<16xf32>
      %select_n3A_2876 = arith.select %gt3A_2874, %select_n3A_2726, %select_n3A_2721 : vector<16xi1>, vector<16xi32>
      %gt3A_2877 = arith.cmpf ogt, %select_n3A_2735, %select_n3A_2730 : vector<16xf32>
      %max3A_2878 = arith.maximumf %select_n3A_2730, %select_n3A_2735 : vector<16xf32>
      %select_n3A_2879 = arith.select %gt3A_2877, %select_n3A_2736, %select_n3A_2731 : vector<16xi1>, vector<16xi32>
      %gt3A_2880 = arith.cmpf ogt, %max3A_2872, %max3A_2869 : vector<16xf32>
      %max3A_2881 = arith.maximumf %max3A_2869, %max3A_2872 : vector<16xf32>
      %select_n3A_2882 = arith.select %gt3A_2880, %select_n3A_2873, %select_n3A_2870 : vector<16xi1>, vector<16xi32>
      %gt3A_2883 = arith.cmpf ogt, %max3A_2878, %max3A_2875 : vector<16xf32>
      %max3A_2884 = arith.maximumf %max3A_2875, %max3A_2878 : vector<16xf32>
      %select_n3A_2885 = arith.select %gt3A_2883, %select_n3A_2879, %select_n3A_2876 : vector<16xi1>, vector<16xi32>
      %gt3A_2886 = arith.cmpf ogt, %max3A_2884, %max3A_2881 : vector<16xf32>
      %max3A_2887 = arith.maximumf %max3A_2881, %max3A_2884 : vector<16xf32>
      %select_n3A_2888 = arith.select %gt3A_2886, %select_n3A_2885, %select_n3A_2882 : vector<16xi1>, vector<16xi32>
      %add3A_2889 = arith.constant 640 : i32
      %add3A_2890 = arith.addi %add3A_176, %add3A_2889 : i32
      %swap3A_2891 = arith.index_cast %add3A_2890 : i32 to index
      %swap3A_2892 = tpu.vector_load %arg6[%swap3A_2891] {strides = array<i32>} : memref<4096xi32, #tpu.memory_space<vmem>>, vector<16xi32>,
      tpu.vector_store %arg6[%swap3A_2891], %select_n3A_2888 {strides = array<i32>} : memref<4096xi32, #tpu.memory_space<vmem>>, vector<16xi32>,
      %sub3A_2893 = arith.subf %max3A_2887, %max3A_1313 : vector<16xf32>
      %exp3A_2894 = math.exp %sub3A_2893 : vector<16xf32>
      %gt3A_2895 = arith.cmpf ogt, %select_n3A_2836, %select_n3A_2831 : vector<16xf32>
      %max3A_2896 = arith.maximumf %select_n3A_2831, %select_n3A_2836 : vector<16xf32>
      %select_n3A_2897 = arith.select %gt3A_2895, %select_n3A_2837, %select_n3A_2832 : vector<16xi1>, vector<16xi32>
      %gt3A_2898 = arith.cmpf ogt, %select_n3A_2846, %select_n3A_2841 : vector<16xf32>
      %max3A_2899 = arith.maximumf %select_n3A_2841, %select_n3A_2846 : vector<16xf32>
      %select_n3A_2900 = arith.select %gt3A_2898, %select_n3A_2847, %select_n3A_2842 : vector<16xi1>, vector<16xi32>
      %gt3A_2901 = arith.cmpf ogt, %select_n3A_2856, %select_n3A_2851 : vector<16xf32>
      %max3A_2902 = arith.maximumf %select_n3A_2851, %select_n3A_2856 : vector<16xf32>
      %select_n3A_2903 = arith.select %gt3A_2901, %select_n3A_2857, %select_n3A_2852 : vector<16xi1>, vector<16xi32>
      %gt3A_2904 = arith.cmpf ogt, %select_n3A_2866, %select_n3A_2861 : vector<16xf32>
      %max3A_2905 = arith.maximumf %select_n3A_2861, %select_n3A_2866 : vector<16xf32>
      %select_n3A_2906 = arith.select %gt3A_2904, %select_n3A_2867, %select_n3A_2862 : vector<16xi1>, vector<16xi32>
      %gt3A_2907 = arith.cmpf ogt, %max3A_2899, %max3A_2896 : vector<16xf32>
      %max3A_2908 = arith.maximumf %max3A_2896, %max3A_2899 : vector<16xf32>
      %select_n3A_2909 = arith.select %gt3A_2907, %select_n3A_2900, %select_n3A_2897 : vector<16xi1>, vector<16xi32>
      %gt3A_2910 = arith.cmpf ogt, %max3A_2905, %max3A_2902 : vector<16xf32>
      %max3A_2911 = arith.maximumf %max3A_2902, %max3A_2905 : vector<16xf32>
      %select_n3A_2912 = arith.select %gt3A_2910, %select_n3A_2906, %select_n3A_2903 : vector<16xi1>, vector<16xi32>
      %gt3A_2913 = arith.cmpf ogt, %max3A_2911, %max3A_2908 : vector<16xf32>
      %max3A_2914 = arith.maximumf %max3A_2908, %max3A_2911 : vector<16xf32>
      %select_n3A_2915 = arith.select %gt3A_2913, %select_n3A_2912, %select_n3A_2909 : vector<16xi1>, vector<16xi32>
      %add3A_2916 = arith.constant 640 : i32
      %add3A_2917 = arith.addi %add3A_191, %add3A_2916 : i32
      %swap3A_2918 = arith.index_cast %add3A_2917 : i32 to index
      %swap3A_2919 = tpu.vector_load %arg6[%swap3A_2918] {strides = array<i32>} : memref<4096xi32, #tpu.memory_space<vmem>>, vector<16xi32>,
      tpu.vector_store %arg6[%swap3A_2918], %select_n3A_2915 {strides = array<i32>} : memref<4096xi32, #tpu.memory_space<vmem>>, vector<16xi32>,
      %sub3A_2920 = arith.subf %max3A_2914, %max3A_1339 : vector<16xf32>
      %exp3A_2921 = math.exp %sub3A_2920 : vector<16xf32>
      %broadcast_in_dim3A_2922 = arith.constant -8 : i32
      %broadcast_in_dim3A_2923 = vector.broadcast %broadcast_in_dim3A_2922 : i32 to vector<16xi32>
      %and3A_2924 = arith.andi %select_n3A_2888, %broadcast_in_dim3A_2923 : vector<16xi32>
      %shift_left3A_2925 = arith.constant 9 : i32
      %shift_left3A_2926 = vector.broadcast %shift_left3A_2925 : i32 to vector<16xi32>
      %shift_left3A_2927 = arith.shli %and3A_2924, %shift_left3A_2926 : vector<16xi32>
      %add3A_2928 = arith.addi %shift_left3A_2927, %add3A_178 : vector<16xi32>
      %broadcast_in_dim3A_2929 = arith.constant 7 : i32
      %broadcast_in_dim3A_2930 = vector.broadcast %broadcast_in_dim3A_2929 : i32 to vector<16xi32>
      %and3A_2931 = arith.andi %select_n3A_2888, %broadcast_in_dim3A_2930 : vector<16xi32>
      %shift_left3A_2932 = arith.constant 7 : i32
      %shift_left3A_2933 = vector.broadcast %shift_left3A_2932 : i32 to vector<16xi32>
      %shift_left3A_2934 = arith.shli %and3A_2931, %shift_left3A_2933 : vector<16xi32>
      %add3A_2935 = arith.addi %add3A_2928, %shift_left3A_2934 : vector<16xi32>
      tpu.vector_store_idx %arg5[%add3A_2935], %broadcast_in_dim3A_143 : memref<32768xf32, #tpu.memory_space<vmem>>[vector<16xi32>], vector<16xf32>,
      %broadcast_in_dim3A_2936 = arith.constant 0 : i32
      %broadcast_in_dim3A_2937 = vector.broadcast %broadcast_in_dim3A_2936 : i32 to vector<16xi32>
      %add3A_2938 = arith.addi %add3A_2928, %broadcast_in_dim3A_2937 : vector<16xi32>
      %gather3A_2939 = tpu.vector_load_idx %arg5[%add3A_2938] : memref<32768xf32, #tpu.memory_space<vmem>>[vector<16xi32>], vector<16xf32>,
      %broadcast_in_dim3A_2940 = arith.constant 128 : i32
      %broadcast_in_dim3A_2941 = vector.broadcast %broadcast_in_dim3A_2940 : i32 to vector<16xi32>
      %add3A_2942 = arith.addi %add3A_2928, %broadcast_in_dim3A_2941 : vector<16xi32>
      %gather3A_2943 = tpu.vector_load_idx %arg5[%add3A_2942] : memref<32768xf32, #tpu.memory_space<vmem>>[vector<16xi32>], vector<16xf32>,
      %broadcast_in_dim3A_2944 = arith.constant 256 : i32
      %broadcast_in_dim3A_2945 = vector.broadcast %broadcast_in_dim3A_2944 : i32 to vector<16xi32>
      %add3A_2946 = arith.addi %add3A_2928, %broadcast_in_dim3A_2945 : vector<16xi32>
      %gather3A_2947 = tpu.vector_load_idx %arg5[%add3A_2946] : memref<32768xf32, #tpu.memory_space<vmem>>[vector<16xi32>], vector<16xf32>,
      %broadcast_in_dim3A_2948 = arith.constant 384 : i32
      %broadcast_in_dim3A_2949 = vector.broadcast %broadcast_in_dim3A_2948 : i32 to vector<16xi32>
      %add3A_2950 = arith.addi %add3A_2928, %broadcast_in_dim3A_2949 : vector<16xi32>
      %gather3A_2951 = tpu.vector_load_idx %arg5[%add3A_2950] : memref<32768xf32, #tpu.memory_space<vmem>>[vector<16xi32>], vector<16xf32>,
      %broadcast_in_dim3A_2952 = arith.constant 512 : i32
      %broadcast_in_dim3A_2953 = vector.broadcast %broadcast_in_dim3A_2952 : i32 to vector<16xi32>
      %add3A_2954 = arith.addi %add3A_2928, %broadcast_in_dim3A_2953 : vector<16xi32>
      %gather3A_2955 = tpu.vector_load_idx %arg5[%add3A_2954] : memref<32768xf32, #tpu.memory_space<vmem>>[vector<16xi32>], vector<16xf32>,
      %broadcast_in_dim3A_2956 = arith.constant 640 : i32
      %broadcast_in_dim3A_2957 = vector.broadcast %broadcast_in_dim3A_2956 : i32 to vector<16xi32>
      %add3A_2958 = arith.addi %add3A_2928, %broadcast_in_dim3A_2957 : vector<16xi32>
      %gather3A_2959 = tpu.vector_load_idx %arg5[%add3A_2958] : memref<32768xf32, #tpu.memory_space<vmem>>[vector<16xi32>], vector<16xf32>,
      %broadcast_in_dim3A_2960 = arith.constant 768 : i32
      %broadcast_in_dim3A_2961 = vector.broadcast %broadcast_in_dim3A_2960 : i32 to vector<16xi32>
      %add3A_2962 = arith.addi %add3A_2928, %broadcast_in_dim3A_2961 : vector<16xi32>
      %gather3A_2963 = tpu.vector_load_idx %arg5[%add3A_2962] : memref<32768xf32, #tpu.memory_space<vmem>>[vector<16xi32>], vector<16xf32>,
      %broadcast_in_dim3A_2964 = arith.constant 896 : i32
      %broadcast_in_dim3A_2965 = vector.broadcast %broadcast_in_dim3A_2964 : i32 to vector<16xi32>
      %add3A_2966 = arith.addi %add3A_2928, %broadcast_in_dim3A_2965 : vector<16xi32>
      %gather3A_2967 = tpu.vector_load_idx %arg5[%add3A_2966] : memref<32768xf32, #tpu.memory_space<vmem>>[vector<16xi32>], vector<16xf32>,
      %broadcast_in_dim3A_2968 = arith.constant 0 : i32
      %broadcast_in_dim3A_2969 = vector.broadcast %broadcast_in_dim3A_2968 : i32 to vector<16xi32>
      %add3A_2970 = arith.addi %and3A_2924, %broadcast_in_dim3A_2969 : vector<16xi32>
      %broadcast_in_dim3A_2971 = arith.constant 1 : i32
      %broadcast_in_dim3A_2972 = vector.broadcast %broadcast_in_dim3A_2971 : i32 to vector<16xi32>
      %add3A_2973 = arith.addi %and3A_2924, %broadcast_in_dim3A_2972 : vector<16xi32>
      %broadcast_in_dim3A_2974 = arith.constant 2 : i32
      %broadcast_in_dim3A_2975 = vector.broadcast %broadcast_in_dim3A_2974 : i32 to vector<16xi32>
      %add3A_2976 = arith.addi %and3A_2924, %broadcast_in_dim3A_2975 : vector<16xi32>
      %broadcast_in_dim3A_2977 = arith.constant 3 : i32
      %broadcast_in_dim3A_2978 = vector.broadcast %broadcast_in_dim3A_2977 : i32 to vector<16xi32>
      %add3A_2979 = arith.addi %and3A_2924, %broadcast_in_dim3A_2978 : vector<16xi32>
      %broadcast_in_dim3A_2980 = arith.constant 4 : i32
      %broadcast_in_dim3A_2981 = vector.broadcast %broadcast_in_dim3A_2980 : i32 to vector<16xi32>
      %add3A_2982 = arith.addi %and3A_2924, %broadcast_in_dim3A_2981 : vector<16xi32>
      %broadcast_in_dim3A_2983 = arith.constant 5 : i32
      %broadcast_in_dim3A_2984 = vector.broadcast %broadcast_in_dim3A_2983 : i32 to vector<16xi32>
      %add3A_2985 = arith.addi %and3A_2924, %broadcast_in_dim3A_2984 : vector<16xi32>
      %broadcast_in_dim3A_2986 = arith.constant 6 : i32
      %broadcast_in_dim3A_2987 = vector.broadcast %broadcast_in_dim3A_2986 : i32 to vector<16xi32>
      %add3A_2988 = arith.addi %and3A_2924, %broadcast_in_dim3A_2987 : vector<16xi32>
      %broadcast_in_dim3A_2989 = arith.constant 7 : i32
      %broadcast_in_dim3A_2990 = vector.broadcast %broadcast_in_dim3A_2989 : i32 to vector<16xi32>
      %add3A_2991 = arith.addi %and3A_2924, %broadcast_in_dim3A_2990 : vector<16xi32>
      %gt3A_2992 = arith.cmpf ogt, %gather3A_2943, %gather3A_2939 : vector<16xf32>
      %max3A_2993 = arith.maximumf %gather3A_2939, %gather3A_2943 : vector<16xf32>
      %select_n3A_2994 = arith.select %gt3A_2992, %add3A_2973, %add3A_2970 : vector<16xi1>, vector<16xi32>
      %gt3A_2995 = arith.cmpf ogt, %gather3A_2951, %gather3A_2947 : vector<16xf32>
      %max3A_2996 = arith.maximumf %gather3A_2947, %gather3A_2951 : vector<16xf32>
      %select_n3A_2997 = arith.select %gt3A_2995, %add3A_2979, %add3A_2976 : vector<16xi1>, vector<16xi32>
      %gt3A_2998 = arith.cmpf ogt, %gather3A_2959, %gather3A_2955 : vector<16xf32>
      %max3A_2999 = arith.maximumf %gather3A_2955, %gather3A_2959 : vector<16xf32>
      %select_n3A_3000 = arith.select %gt3A_2998, %add3A_2985, %add3A_2982 : vector<16xi1>, vector<16xi32>
      %gt3A_3001 = arith.cmpf ogt, %gather3A_2967, %gather3A_2963 : vector<16xf32>
      %max3A_3002 = arith.maximumf %gather3A_2963, %gather3A_2967 : vector<16xf32>
      %select_n3A_3003 = arith.select %gt3A_3001, %add3A_2991, %add3A_2988 : vector<16xi1>, vector<16xi32>
      %gt3A_3004 = arith.cmpf ogt, %max3A_2996, %max3A_2993 : vector<16xf32>
      %max3A_3005 = arith.maximumf %max3A_2993, %max3A_2996 : vector<16xf32>
      %select_n3A_3006 = arith.select %gt3A_3004, %select_n3A_2997, %select_n3A_2994 : vector<16xi1>, vector<16xi32>
      %gt3A_3007 = arith.cmpf ogt, %max3A_3002, %max3A_2999 : vector<16xf32>
      %max3A_3008 = arith.maximumf %max3A_2999, %max3A_3002 : vector<16xf32>
      %select_n3A_3009 = arith.select %gt3A_3007, %select_n3A_3003, %select_n3A_3000 : vector<16xi1>, vector<16xi32>
      %gt3A_3010 = arith.cmpf ogt, %max3A_3008, %max3A_3005 : vector<16xf32>
      %max3A_3011 = arith.maximumf %max3A_3005, %max3A_3008 : vector<16xf32>
      %select_n3A_3012 = arith.select %gt3A_3010, %select_n3A_3009, %select_n3A_3006 : vector<16xi1>, vector<16xi32>
      %broadcast_in_dim3A_3013 = arith.constant 0 : i32
      %broadcast_in_dim3A_3014 = vector.broadcast %broadcast_in_dim3A_3013 : i32 to vector<16xi32>
      %eq3A_3015 = arith.cmpi eq, %and3A_2924, %broadcast_in_dim3A_3014 : vector<16xi32>
      %select_n3A_3016 = arith.select %eq3A_3015, %max3A_3011, %select_n3A_2700 : vector<16xi1>, vector<16xf32>
      %select_n3A_3017 = arith.select %eq3A_3015, %select_n3A_3012, %select_n3A_2701 : vector<16xi1>, vector<16xi32>
      %broadcast_in_dim3A_3018 = arith.constant 8 : i32
      %broadcast_in_dim3A_3019 = vector.broadcast %broadcast_in_dim3A_3018 : i32 to vector<16xi32>
      %eq3A_3020 = arith.cmpi eq, %and3A_2924, %broadcast_in_dim3A_3019 : vector<16xi32>
      %select_n3A_3021 = arith.select %eq3A_3020, %max3A_3011, %select_n3A_2705 : vector<16xi1>, vector<16xf32>
      %select_n3A_3022 = arith.select %eq3A_3020, %select_n3A_3012, %select_n3A_2706 : vector<16xi1>, vector<16xi32>
      %broadcast_in_dim3A_3023 = arith.constant 16 : i32
      %broadcast_in_dim3A_3024 = vector.broadcast %broadcast_in_dim3A_3023 : i32 to vector<16xi32>
      %eq3A_3025 = arith.cmpi eq, %and3A_2924, %broadcast_in_dim3A_3024 : vector<16xi32>
      %select_n3A_3026 = arith.select %eq3A_3025, %max3A_3011, %select_n3A_2710 : vector<16xi1>, vector<16xf32>
      %select_n3A_3027 = arith.select %eq3A_3025, %select_n3A_3012, %select_n3A_2711 : vector<16xi1>, vector<16xi32>
      %broadcast_in_dim3A_3028 = arith.constant 24 : i32
      %broadcast_in_dim3A_3029 = vector.broadcast %broadcast_in_dim3A_3028 : i32 to vector<16xi32>
      %eq3A_3030 = arith.cmpi eq, %and3A_2924, %broadcast_in_dim3A_3029 : vector<16xi32>
      %select_n3A_3031 = arith.select %eq3A_3030, %max3A_3011, %select_n3A_2715 : vector<16xi1>, vector<16xf32>
      %select_n3A_3032 = arith.select %eq3A_3030, %select_n3A_3012, %select_n3A_2716 : vector<16xi1>, vector<16xi32>
      %broadcast_in_dim3A_3033 = arith.constant 32 : i32
      %broadcast_in_dim3A_3034 = vector.broadcast %broadcast_in_dim3A_3033 : i32 to vector<16xi32>
      %eq3A_3035 = arith.cmpi eq, %and3A_2924, %broadcast_in_dim3A_3034 : vector<16xi32>
      %select_n3A_3036 = arith.select %eq3A_3035, %max3A_3011, %select_n3A_2720 : vector<16xi1>, vector<16xf32>
      %select_n3A_3037 = arith.select %eq3A_3035, %select_n3A_3012, %select_n3A_2721 : vector<16xi1>, vector<16xi32>
      %broadcast_in_dim3A_3038 = arith.constant 40 : i32
      %broadcast_in_dim3A_3039 = vector.broadcast %broadcast_in_dim3A_3038 : i32 to vector<16xi32>
      %eq3A_3040 = arith.cmpi eq, %and3A_2924, %broadcast_in_dim3A_3039 : vector<16xi32>
      %select_n3A_3041 = arith.select %eq3A_3040, %max3A_3011, %select_n3A_2725 : vector<16xi1>, vector<16xf32>
      %select_n3A_3042 = arith.select %eq3A_3040, %select_n3A_3012, %select_n3A_2726 : vector<16xi1>, vector<16xi32>
      %broadcast_in_dim3A_3043 = arith.constant 48 : i32
      %broadcast_in_dim3A_3044 = vector.broadcast %broadcast_in_dim3A_3043 : i32 to vector<16xi32>
      %eq3A_3045 = arith.cmpi eq, %and3A_2924, %broadcast_in_dim3A_3044 : vector<16xi32>
      %select_n3A_3046 = arith.select %eq3A_3045, %max3A_3011, %select_n3A_2730 : vector<16xi1>, vector<16xf32>
      %select_n3A_3047 = arith.select %eq3A_3045, %select_n3A_3012, %select_n3A_2731 : vector<16xi1>, vector<16xi32>
      %broadcast_in_dim3A_3048 = arith.constant 56 : i32
      %broadcast_in_dim3A_3049 = vector.broadcast %broadcast_in_dim3A_3048 : i32 to vector<16xi32>
      %eq3A_3050 = arith.cmpi eq, %and3A_2924, %broadcast_in_dim3A_3049 : vector<16xi32>
      %select_n3A_3051 = arith.select %eq3A_3050, %max3A_3011, %select_n3A_2735 : vector<16xi1>, vector<16xf32>
      %select_n3A_3052 = arith.select %eq3A_3050, %select_n3A_3012, %select_n3A_2736 : vector<16xi1>, vector<16xi32>
      %broadcast_in_dim3A_3053 = arith.constant -8 : i32
      %broadcast_in_dim3A_3054 = vector.broadcast %broadcast_in_dim3A_3053 : i32 to vector<16xi32>
      %and3A_3055 = arith.andi %select_n3A_2915, %broadcast_in_dim3A_3054 : vector<16xi32>
      %shift_left3A_3056 = arith.constant 9 : i32
      %shift_left3A_3057 = vector.broadcast %shift_left3A_3056 : i32 to vector<16xi32>
      %shift_left3A_3058 = arith.shli %and3A_3055, %shift_left3A_3057 : vector<16xi32>
      %add3A_3059 = arith.addi %shift_left3A_3058, %add3A_193 : vector<16xi32>
      %broadcast_in_dim3A_3060 = arith.constant 7 : i32
      %broadcast_in_dim3A_3061 = vector.broadcast %broadcast_in_dim3A_3060 : i32 to vector<16xi32>
      %and3A_3062 = arith.andi %select_n3A_2915, %broadcast_in_dim3A_3061 : vector<16xi32>
      %shift_left3A_3063 = arith.constant 7 : i32
      %shift_left3A_3064 = vector.broadcast %shift_left3A_3063 : i32 to vector<16xi32>
      %shift_left3A_3065 = arith.shli %and3A_3062, %shift_left3A_3064 : vector<16xi32>
      %add3A_3066 = arith.addi %add3A_3059, %shift_left3A_3065 : vector<16xi32>
      tpu.vector_store_idx %arg5[%add3A_3066], %broadcast_in_dim3A_143 : memref<32768xf32, #tpu.memory_space<vmem>>[vector<16xi32>], vector<16xf32>,
      %broadcast_in_dim3A_3067 = arith.constant 0 : i32
      %broadcast_in_dim3A_3068 = vector.broadcast %broadcast_in_dim3A_3067 : i32 to vector<16xi32>
      %add3A_3069 = arith.addi %add3A_3059, %broadcast_in_dim3A_3068 : vector<16xi32>
      %gather3A_3070 = tpu.vector_load_idx %arg5[%add3A_3069] : memref<32768xf32, #tpu.memory_space<vmem>>[vector<16xi32>], vector<16xf32>,
      %broadcast_in_dim3A_3071 = arith.constant 128 : i32
      %broadcast_in_dim3A_3072 = vector.broadcast %broadcast_in_dim3A_3071 : i32 to vector<16xi32>
      %add3A_3073 = arith.addi %add3A_3059, %broadcast_in_dim3A_3072 : vector<16xi32>
      %gather3A_3074 = tpu.vector_load_idx %arg5[%add3A_3073] : memref<32768xf32, #tpu.memory_space<vmem>>[vector<16xi32>], vector<16xf32>,
      %broadcast_in_dim3A_3075 = arith.constant 256 : i32
      %broadcast_in_dim3A_3076 = vector.broadcast %broadcast_in_dim3A_3075 : i32 to vector<16xi32>
      %add3A_3077 = arith.addi %add3A_3059, %broadcast_in_dim3A_3076 : vector<16xi32>
      %gather3A_3078 = tpu.vector_load_idx %arg5[%add3A_3077] : memref<32768xf32, #tpu.memory_space<vmem>>[vector<16xi32>], vector<16xf32>,
      %broadcast_in_dim3A_3079 = arith.constant 384 : i32
      %broadcast_in_dim3A_3080 = vector.broadcast %broadcast_in_dim3A_3079 : i32 to vector<16xi32>
      %add3A_3081 = arith.addi %add3A_3059, %broadcast_in_dim3A_3080 : vector<16xi32>
      %gather3A_3082 = tpu.vector_load_idx %arg5[%add3A_3081] : memref<32768xf32, #tpu.memory_space<vmem>>[vector<16xi32>], vector<16xf32>,
      %broadcast_in_dim3A_3083 = arith.constant 512 : i32
      %broadcast_in_dim3A_3084 = vector.broadcast %broadcast_in_dim3A_3083 : i32 to vector<16xi32>
      %add3A_3085 = arith.addi %add3A_3059, %broadcast_in_dim3A_3084 : vector<16xi32>
      %gather3A_3086 = tpu.vector_load_idx %arg5[%add3A_3085] : memref<32768xf32, #tpu.memory_space<vmem>>[vector<16xi32>], vector<16xf32>,
      %broadcast_in_dim3A_3087 = arith.constant 640 : i32
      %broadcast_in_dim3A_3088 = vector.broadcast %broadcast_in_dim3A_3087 : i32 to vector<16xi32>
      %add3A_3089 = arith.addi %add3A_3059, %broadcast_in_dim3A_3088 : vector<16xi32>
      %gather3A_3090 = tpu.vector_load_idx %arg5[%add3A_3089] : memref<32768xf32, #tpu.memory_space<vmem>>[vector<16xi32>], vector<16xf32>,
      %broadcast_in_dim3A_3091 = arith.constant 768 : i32
      %broadcast_in_dim3A_3092 = vector.broadcast %broadcast_in_dim3A_3091 : i32 to vector<16xi32>
      %add3A_3093 = arith.addi %add3A_3059, %broadcast_in_dim3A_3092 : vector<16xi32>
      %gather3A_3094 = tpu.vector_load_idx %arg5[%add3A_3093] : memref<32768xf32, #tpu.memory_space<vmem>>[vector<16xi32>], vector<16xf32>,
      %broadcast_in_dim3A_3095 = arith.constant 896 : i32
      %broadcast_in_dim3A_3096 = vector.broadcast %broadcast_in_dim3A_3095 : i32 to vector<16xi32>
      %add3A_3097 = arith.addi %add3A_3059, %broadcast_in_dim3A_3096 : vector<16xi32>
      %gather3A_3098 = tpu.vector_load_idx %arg5[%add3A_3097] : memref<32768xf32, #tpu.memory_space<vmem>>[vector<16xi32>], vector<16xf32>,
      %broadcast_in_dim3A_3099 = arith.constant 0 : i32
      %broadcast_in_dim3A_3100 = vector.broadcast %broadcast_in_dim3A_3099 : i32 to vector<16xi32>
      %add3A_3101 = arith.addi %and3A_3055, %broadcast_in_dim3A_3100 : vector<16xi32>
      %broadcast_in_dim3A_3102 = arith.constant 1 : i32
      %broadcast_in_dim3A_3103 = vector.broadcast %broadcast_in_dim3A_3102 : i32 to vector<16xi32>
      %add3A_3104 = arith.addi %and3A_3055, %broadcast_in_dim3A_3103 : vector<16xi32>
      %broadcast_in_dim3A_3105 = arith.constant 2 : i32
      %broadcast_in_dim3A_3106 = vector.broadcast %broadcast_in_dim3A_3105 : i32 to vector<16xi32>
      %add3A_3107 = arith.addi %and3A_3055, %broadcast_in_dim3A_3106 : vector<16xi32>
      %broadcast_in_dim3A_3108 = arith.constant 3 : i32
      %broadcast_in_dim3A_3109 = vector.broadcast %broadcast_in_dim3A_3108 : i32 to vector<16xi32>
      %add3A_3110 = arith.addi %and3A_3055, %broadcast_in_dim3A_3109 : vector<16xi32>
      %broadcast_in_dim3A_3111 = arith.constant 4 : i32
      %broadcast_in_dim3A_3112 = vector.broadcast %broadcast_in_dim3A_3111 : i32 to vector<16xi32>
      %add3A_3113 = arith.addi %and3A_3055, %broadcast_in_dim3A_3112 : vector<16xi32>
      %broadcast_in_dim3A_3114 = arith.constant 5 : i32
      %broadcast_in_dim3A_3115 = vector.broadcast %broadcast_in_dim3A_3114 : i32 to vector<16xi32>
      %add3A_3116 = arith.addi %and3A_3055, %broadcast_in_dim3A_3115 : vector<16xi32>
      %broadcast_in_dim3A_3117 = arith.constant 6 : i32
      %broadcast_in_dim3A_3118 = vector.broadcast %broadcast_in_dim3A_3117 : i32 to vector<16xi32>
      %add3A_3119 = arith.addi %and3A_3055, %broadcast_in_dim3A_3118 : vector<16xi32>
      %broadcast_in_dim3A_3120 = arith.constant 7 : i32
      %broadcast_in_dim3A_3121 = vector.broadcast %broadcast_in_dim3A_3120 : i32 to vector<16xi32>
      %add3A_3122 = arith.addi %and3A_3055, %broadcast_in_dim3A_3121 : vector<16xi32>
      %gt3A_3123 = arith.cmpf ogt, %gather3A_3074, %gather3A_3070 : vector<16xf32>
      %max3A_3124 = arith.maximumf %gather3A_3070, %gather3A_3074 : vector<16xf32>
      %select_n3A_3125 = arith.select %gt3A_3123, %add3A_3104, %add3A_3101 : vector<16xi1>, vector<16xi32>
      %gt3A_3126 = arith.cmpf ogt, %gather3A_3082, %gather3A_3078 : vector<16xf32>
      %max3A_3127 = arith.maximumf %gather3A_3078, %gather3A_3082 : vector<16xf32>
      %select_n3A_3128 = arith.select %gt3A_3126, %add3A_3110, %add3A_3107 : vector<16xi1>, vector<16xi32>
      %gt3A_3129 = arith.cmpf ogt, %gather3A_3090, %gather3A_3086 : vector<16xf32>
      %max3A_3130 = arith.maximumf %gather3A_3086, %gather3A_3090 : vector<16xf32>
      %select_n3A_3131 = arith.select %gt3A_3129, %add3A_3116, %add3A_3113 : vector<16xi1>, vector<16xi32>
      %gt3A_3132 = arith.cmpf ogt, %gather3A_3098, %gather3A_3094 : vector<16xf32>
      %max3A_3133 = arith.maximumf %gather3A_3094, %gather3A_3098 : vector<16xf32>
      %select_n3A_3134 = arith.select %gt3A_3132, %add3A_3122, %add3A_3119 : vector<16xi1>, vector<16xi32>
      %gt3A_3135 = arith.cmpf ogt, %max3A_3127, %max3A_3124 : vector<16xf32>
      %max3A_3136 = arith.maximumf %max3A_3124, %max3A_3127 : vector<16xf32>
      %select_n3A_3137 = arith.select %gt3A_3135, %select_n3A_3128, %select_n3A_3125 : vector<16xi1>, vector<16xi32>
      %gt3A_3138 = arith.cmpf ogt, %max3A_3133, %max3A_3130 : vector<16xf32>
      %max3A_3139 = arith.maximumf %max3A_3130, %max3A_3133 : vector<16xf32>
      %select_n3A_3140 = arith.select %gt3A_3138, %select_n3A_3134, %select_n3A_3131 : vector<16xi1>, vector<16xi32>
      %gt3A_3141 = arith.cmpf ogt, %max3A_3139, %max3A_3136 : vector<16xf32>
      %max3A_3142 = arith.maximumf %max3A_3136, %max3A_3139 : vector<16xf32>
      %select_n3A_3143 = arith.select %gt3A_3141, %select_n3A_3140, %select_n3A_3137 : vector<16xi1>, vector<16xi32>
      %broadcast_in_dim3A_3144 = arith.constant 0 : i32
      %broadcast_in_dim3A_3145 = vector.broadcast %broadcast_in_dim3A_3144 : i32 to vector<16xi32>
      %eq3A_3146 = arith.cmpi eq, %and3A_3055, %broadcast_in_dim3A_3145 : vector<16xi32>
      %select_n3A_3147 = arith.select %eq3A_3146, %max3A_3142, %select_n3A_2831 : vector<16xi1>, vector<16xf32>
      %select_n3A_3148 = arith.select %eq3A_3146, %select_n3A_3143, %select_n3A_2832 : vector<16xi1>, vector<16xi32>
      %broadcast_in_dim3A_3149 = arith.constant 8 : i32
      %broadcast_in_dim3A_3150 = vector.broadcast %broadcast_in_dim3A_3149 : i32 to vector<16xi32>
      %eq3A_3151 = arith.cmpi eq, %and3A_3055, %broadcast_in_dim3A_3150 : vector<16xi32>
      %select_n3A_3152 = arith.select %eq3A_3151, %max3A_3142, %select_n3A_2836 : vector<16xi1>, vector<16xf32>
      %select_n3A_3153 = arith.select %eq3A_3151, %select_n3A_3143, %select_n3A_2837 : vector<16xi1>, vector<16xi32>
      %broadcast_in_dim3A_3154 = arith.constant 16 : i32
      %broadcast_in_dim3A_3155 = vector.broadcast %broadcast_in_dim3A_3154 : i32 to vector<16xi32>
      %eq3A_3156 = arith.cmpi eq, %and3A_3055, %broadcast_in_dim3A_3155 : vector<16xi32>
      %select_n3A_3157 = arith.select %eq3A_3156, %max3A_3142, %select_n3A_2841 : vector<16xi1>, vector<16xf32>
      %select_n3A_3158 = arith.select %eq3A_3156, %select_n3A_3143, %select_n3A_2842 : vector<16xi1>, vector<16xi32>
      %broadcast_in_dim3A_3159 = arith.constant 24 : i32
      %broadcast_in_dim3A_3160 = vector.broadcast %broadcast_in_dim3A_3159 : i32 to vector<16xi32>
      %eq3A_3161 = arith.cmpi eq, %and3A_3055, %broadcast_in_dim3A_3160 : vector<16xi32>
      %select_n3A_3162 = arith.select %eq3A_3161, %max3A_3142, %select_n3A_2846 : vector<16xi1>, vector<16xf32>
      %select_n3A_3163 = arith.select %eq3A_3161, %select_n3A_3143, %select_n3A_2847 : vector<16xi1>, vector<16xi32>
      %broadcast_in_dim3A_3164 = arith.constant 32 : i32
      %broadcast_in_dim3A_3165 = vector.broadcast %broadcast_in_dim3A_3164 : i32 to vector<16xi32>
      %eq3A_3166 = arith.cmpi eq, %and3A_3055, %broadcast_in_dim3A_3165 : vector<16xi32>
      %select_n3A_3167 = arith.select %eq3A_3166, %max3A_3142, %select_n3A_2851 : vector<16xi1>, vector<16xf32>
      %select_n3A_3168 = arith.select %eq3A_3166, %select_n3A_3143, %select_n3A_2852 : vector<16xi1>, vector<16xi32>
      %broadcast_in_dim3A_3169 = arith.constant 40 : i32
      %broadcast_in_dim3A_3170 = vector.broadcast %broadcast_in_dim3A_3169 : i32 to vector<16xi32>
      %eq3A_3171 = arith.cmpi eq, %and3A_3055, %broadcast_in_dim3A_3170 : vector<16xi32>
      %select_n3A_3172 = arith.select %eq3A_3171, %max3A_3142, %select_n3A_2856 : vector<16xi1>, vector<16xf32>
      %select_n3A_3173 = arith.select %eq3A_3171, %select_n3A_3143, %select_n3A_2857 : vector<16xi1>, vector<16xi32>
      %broadcast_in_dim3A_3174 = arith.constant 48 : i32
      %broadcast_in_dim3A_3175 = vector.broadcast %broadcast_in_dim3A_3174 : i32 to vector<16xi32>
      %eq3A_3176 = arith.cmpi eq, %and3A_3055, %broadcast_in_dim3A_3175 : vector<16xi32>
      %select_n3A_3177 = arith.select %eq3A_3176, %max3A_3142, %select_n3A_2861 : vector<16xi1>, vector<16xf32>
      %select_n3A_3178 = arith.select %eq3A_3176, %select_n3A_3143, %select_n3A_2862 : vector<16xi1>, vector<16xi32>
      %broadcast_in_dim3A_3179 = arith.constant 56 : i32
      %broadcast_in_dim3A_3180 = vector.broadcast %broadcast_in_dim3A_3179 : i32 to vector<16xi32>
      %eq3A_3181 = arith.cmpi eq, %and3A_3055, %broadcast_in_dim3A_3180 : vector<16xi32>
      %select_n3A_3182 = arith.select %eq3A_3181, %max3A_3142, %select_n3A_2866 : vector<16xi1>, vector<16xf32>
      %select_n3A_3183 = arith.select %eq3A_3181, %select_n3A_3143, %select_n3A_2867 : vector<16xi1>, vector<16xi32>
      %gt3A_3184 = arith.cmpf ogt, %select_n3A_3021, %select_n3A_3016 : vector<16xf32>
      %max3A_3185 = arith.maximumf %select_n3A_3016, %select_n3A_3021 : vector<16xf32>
      %select_n3A_3186 = arith.select %gt3A_3184, %select_n3A_3022, %select_n3A_3017 : vector<16xi1>, vector<16xi32>
      %gt3A_3187 = arith.cmpf ogt, %select_n3A_3031, %select_n3A_3026 : vector<16xf32>
      %max3A_3188 = arith.maximumf %select_n3A_3026, %select_n3A_3031 : vector<16xf32>
      %select_n3A_3189 = arith.select %gt3A_3187, %select_n3A_3032, %select_n3A_3027 : vector<16xi1>, vector<16xi32>
      %gt3A_3190 = arith.cmpf ogt, %select_n3A_3041, %select_n3A_3036 : vector<16xf32>
      %max3A_3191 = arith.maximumf %select_n3A_3036, %select_n3A_3041 : vector<16xf32>
      %select_n3A_3192 = arith.select %gt3A_3190, %select_n3A_3042, %select_n3A_3037 : vector<16xi1>, vector<16xi32>
      %gt3A_3193 = arith.cmpf ogt, %select_n3A_3051, %select_n3A_3046 : vector<16xf32>
      %max3A_3194 = arith.maximumf %select_n3A_3046, %select_n3A_3051 : vector<16xf32>
      %select_n3A_3195 = arith.select %gt3A_3193, %select_n3A_3052, %select_n3A_3047 : vector<16xi1>, vector<16xi32>
      %gt3A_3196 = arith.cmpf ogt, %max3A_3188, %max3A_3185 : vector<16xf32>
      %max3A_3197 = arith.maximumf %max3A_3185, %max3A_3188 : vector<16xf32>
      %select_n3A_3198 = arith.select %gt3A_3196, %select_n3A_3189, %select_n3A_3186 : vector<16xi1>, vector<16xi32>
      %gt3A_3199 = arith.cmpf ogt, %max3A_3194, %max3A_3191 : vector<16xf32>
      %max3A_3200 = arith.maximumf %max3A_3191, %max3A_3194 : vector<16xf32>
      %select_n3A_3201 = arith.select %gt3A_3199, %select_n3A_3195, %select_n3A_3192 : vector<16xi1>, vector<16xi32>
      %gt3A_3202 = arith.cmpf ogt, %max3A_3200, %max3A_3197 : vector<16xf32>
      %max3A_3203 = arith.maximumf %max3A_3197, %max3A_3200 : vector<16xf32>
      %select_n3A_3204 = arith.select %gt3A_3202, %select_n3A_3201, %select_n3A_3198 : vector<16xi1>, vector<16xi32>
      %add3A_3205 = arith.constant 768 : i32
      %add3A_3206 = arith.addi %add3A_176, %add3A_3205 : i32
      %swap3A_3207 = arith.index_cast %add3A_3206 : i32 to index
      %swap3A_3208 = tpu.vector_load %arg6[%swap3A_3207] {strides = array<i32>} : memref<4096xi32, #tpu.memory_space<vmem>>, vector<16xi32>,
      tpu.vector_store %arg6[%swap3A_3207], %select_n3A_3204 {strides = array<i32>} : memref<4096xi32, #tpu.memory_space<vmem>>, vector<16xi32>,
      %sub3A_3209 = arith.subf %max3A_3203, %max3A_1313 : vector<16xf32>
      %exp3A_3210 = math.exp %sub3A_3209 : vector<16xf32>
      %gt3A_3211 = arith.cmpf ogt, %select_n3A_3152, %select_n3A_3147 : vector<16xf32>
      %max3A_3212 = arith.maximumf %select_n3A_3147, %select_n3A_3152 : vector<16xf32>
      %select_n3A_3213 = arith.select %gt3A_3211, %select_n3A_3153, %select_n3A_3148 : vector<16xi1>, vector<16xi32>
      %gt3A_3214 = arith.cmpf ogt, %select_n3A_3162, %select_n3A_3157 : vector<16xf32>
      %max3A_3215 = arith.maximumf %select_n3A_3157, %select_n3A_3162 : vector<16xf32>
      %select_n3A_3216 = arith.select %gt3A_3214, %select_n3A_3163, %select_n3A_3158 : vector<16xi1>, vector<16xi32>
      %gt3A_3217 = arith.cmpf ogt, %select_n3A_3172, %select_n3A_3167 : vector<16xf32>
      %max3A_3218 = arith.maximumf %select_n3A_3167, %select_n3A_3172 : vector<16xf32>
      %select_n3A_3219 = arith.select %gt3A_3217, %select_n3A_3173, %select_n3A_3168 : vector<16xi1>, vector<16xi32>
      %gt3A_3220 = arith.cmpf ogt, %select_n3A_3182, %select_n3A_3177 : vector<16xf32>
      %max3A_3221 = arith.maximumf %select_n3A_3177, %select_n3A_3182 : vector<16xf32>
      %select_n3A_3222 = arith.select %gt3A_3220, %select_n3A_3183, %select_n3A_3178 : vector<16xi1>, vector<16xi32>
      %gt3A_3223 = arith.cmpf ogt, %max3A_3215, %max3A_3212 : vector<16xf32>
      %max3A_3224 = arith.maximumf %max3A_3212, %max3A_3215 : vector<16xf32>
      %select_n3A_3225 = arith.select %gt3A_3223, %select_n3A_3216, %select_n3A_3213 : vector<16xi1>, vector<16xi32>
      %gt3A_3226 = arith.cmpf ogt, %max3A_3221, %max3A_3218 : vector<16xf32>
      %max3A_3227 = arith.maximumf %max3A_3218, %max3A_3221 : vector<16xf32>
      %select_n3A_3228 = arith.select %gt3A_3226, %select_n3A_3222, %select_n3A_3219 : vector<16xi1>, vector<16xi32>
      %gt3A_3229 = arith.cmpf ogt, %max3A_3227, %max3A_3224 : vector<16xf32>
      %max3A_3230 = arith.maximumf %max3A_3224, %max3A_3227 : vector<16xf32>
      %select_n3A_3231 = arith.select %gt3A_3229, %select_n3A_3228, %select_n3A_3225 : vector<16xi1>, vector<16xi32>
      %add3A_3232 = arith.constant 768 : i32
      %add3A_3233 = arith.addi %add3A_191, %add3A_3232 : i32
      %swap3A_3234 = arith.index_cast %add3A_3233 : i32 to index
      %swap3A_3235 = tpu.vector_load %arg6[%swap3A_3234] {strides = array<i32>} : memref<4096xi32, #tpu.memory_space<vmem>>, vector<16xi32>,
      tpu.vector_store %arg6[%swap3A_3234], %select_n3A_3231 {strides = array<i32>} : memref<4096xi32, #tpu.memory_space<vmem>>, vector<16xi32>,
      %sub3A_3236 = arith.subf %max3A_3230, %max3A_1339 : vector<16xf32>
      %exp3A_3237 = math.exp %sub3A_3236 : vector<16xf32>
      %broadcast_in_dim3A_3238 = arith.constant -8 : i32
      %broadcast_in_dim3A_3239 = vector.broadcast %broadcast_in_dim3A_3238 : i32 to vector<16xi32>
      %and3A_3240 = arith.andi %select_n3A_3204, %broadcast_in_dim3A_3239 : vector<16xi32>
      %shift_left3A_3241 = arith.constant 9 : i32
      %shift_left3A_3242 = vector.broadcast %shift_left3A_3241 : i32 to vector<16xi32>
      %shift_left3A_3243 = arith.shli %and3A_3240, %shift_left3A_3242 : vector<16xi32>
      %add3A_3244 = arith.addi %shift_left3A_3243, %add3A_178 : vector<16xi32>
      %broadcast_in_dim3A_3245 = arith.constant 7 : i32
      %broadcast_in_dim3A_3246 = vector.broadcast %broadcast_in_dim3A_3245 : i32 to vector<16xi32>
      %and3A_3247 = arith.andi %select_n3A_3204, %broadcast_in_dim3A_3246 : vector<16xi32>
      %shift_left3A_3248 = arith.constant 7 : i32
      %shift_left3A_3249 = vector.broadcast %shift_left3A_3248 : i32 to vector<16xi32>
      %shift_left3A_3250 = arith.shli %and3A_3247, %shift_left3A_3249 : vector<16xi32>
      %add3A_3251 = arith.addi %add3A_3244, %shift_left3A_3250 : vector<16xi32>
      tpu.vector_store_idx %arg5[%add3A_3251], %broadcast_in_dim3A_143 : memref<32768xf32, #tpu.memory_space<vmem>>[vector<16xi32>], vector<16xf32>,
      %broadcast_in_dim3A_3252 = arith.constant 0 : i32
      %broadcast_in_dim3A_3253 = vector.broadcast %broadcast_in_dim3A_3252 : i32 to vector<16xi32>
      %add3A_3254 = arith.addi %add3A_3244, %broadcast_in_dim3A_3253 : vector<16xi32>
      %gather3A_3255 = tpu.vector_load_idx %arg5[%add3A_3254] : memref<32768xf32, #tpu.memory_space<vmem>>[vector<16xi32>], vector<16xf32>,
      %broadcast_in_dim3A_3256 = arith.constant 128 : i32
      %broadcast_in_dim3A_3257 = vector.broadcast %broadcast_in_dim3A_3256 : i32 to vector<16xi32>
      %add3A_3258 = arith.addi %add3A_3244, %broadcast_in_dim3A_3257 : vector<16xi32>
      %gather3A_3259 = tpu.vector_load_idx %arg5[%add3A_3258] : memref<32768xf32, #tpu.memory_space<vmem>>[vector<16xi32>], vector<16xf32>,
      %broadcast_in_dim3A_3260 = arith.constant 256 : i32
      %broadcast_in_dim3A_3261 = vector.broadcast %broadcast_in_dim3A_3260 : i32 to vector<16xi32>
      %add3A_3262 = arith.addi %add3A_3244, %broadcast_in_dim3A_3261 : vector<16xi32>
      %gather3A_3263 = tpu.vector_load_idx %arg5[%add3A_3262] : memref<32768xf32, #tpu.memory_space<vmem>>[vector<16xi32>], vector<16xf32>,
      %broadcast_in_dim3A_3264 = arith.constant 384 : i32
      %broadcast_in_dim3A_3265 = vector.broadcast %broadcast_in_dim3A_3264 : i32 to vector<16xi32>
      %add3A_3266 = arith.addi %add3A_3244, %broadcast_in_dim3A_3265 : vector<16xi32>
      %gather3A_3267 = tpu.vector_load_idx %arg5[%add3A_3266] : memref<32768xf32, #tpu.memory_space<vmem>>[vector<16xi32>], vector<16xf32>,
      %broadcast_in_dim3A_3268 = arith.constant 512 : i32
      %broadcast_in_dim3A_3269 = vector.broadcast %broadcast_in_dim3A_3268 : i32 to vector<16xi32>
      %add3A_3270 = arith.addi %add3A_3244, %broadcast_in_dim3A_3269 : vector<16xi32>
      %gather3A_3271 = tpu.vector_load_idx %arg5[%add3A_3270] : memref<32768xf32, #tpu.memory_space<vmem>>[vector<16xi32>], vector<16xf32>,
      %broadcast_in_dim3A_3272 = arith.constant 640 : i32
      %broadcast_in_dim3A_3273 = vector.broadcast %broadcast_in_dim3A_3272 : i32 to vector<16xi32>
      %add3A_3274 = arith.addi %add3A_3244, %broadcast_in_dim3A_3273 : vector<16xi32>
      %gather3A_3275 = tpu.vector_load_idx %arg5[%add3A_3274] : memref<32768xf32, #tpu.memory_space<vmem>>[vector<16xi32>], vector<16xf32>,
      %broadcast_in_dim3A_3276 = arith.constant 768 : i32
      %broadcast_in_dim3A_3277 = vector.broadcast %broadcast_in_dim3A_3276 : i32 to vector<16xi32>
      %add3A_3278 = arith.addi %add3A_3244, %broadcast_in_dim3A_3277 : vector<16xi32>
      %gather3A_3279 = tpu.vector_load_idx %arg5[%add3A_3278] : memref<32768xf32, #tpu.memory_space<vmem>>[vector<16xi32>], vector<16xf32>,
      %broadcast_in_dim3A_3280 = arith.constant 896 : i32
      %broadcast_in_dim3A_3281 = vector.broadcast %broadcast_in_dim3A_3280 : i32 to vector<16xi32>
      %add3A_3282 = arith.addi %add3A_3244, %broadcast_in_dim3A_3281 : vector<16xi32>
      %gather3A_3283 = tpu.vector_load_idx %arg5[%add3A_3282] : memref<32768xf32, #tpu.memory_space<vmem>>[vector<16xi32>], vector<16xf32>,
      %broadcast_in_dim3A_3284 = arith.constant 0 : i32
      %broadcast_in_dim3A_3285 = vector.broadcast %broadcast_in_dim3A_3284 : i32 to vector<16xi32>
      %add3A_3286 = arith.addi %and3A_3240, %broadcast_in_dim3A_3285 : vector<16xi32>
      %broadcast_in_dim3A_3287 = arith.constant 1 : i32
      %broadcast_in_dim3A_3288 = vector.broadcast %broadcast_in_dim3A_3287 : i32 to vector<16xi32>
      %add3A_3289 = arith.addi %and3A_3240, %broadcast_in_dim3A_3288 : vector<16xi32>
      %broadcast_in_dim3A_3290 = arith.constant 2 : i32
      %broadcast_in_dim3A_3291 = vector.broadcast %broadcast_in_dim3A_3290 : i32 to vector<16xi32>
      %add3A_3292 = arith.addi %and3A_3240, %broadcast_in_dim3A_3291 : vector<16xi32>
      %broadcast_in_dim3A_3293 = arith.constant 3 : i32
      %broadcast_in_dim3A_3294 = vector.broadcast %broadcast_in_dim3A_3293 : i32 to vector<16xi32>
      %add3A_3295 = arith.addi %and3A_3240, %broadcast_in_dim3A_3294 : vector<16xi32>
      %broadcast_in_dim3A_3296 = arith.constant 4 : i32
      %broadcast_in_dim3A_3297 = vector.broadcast %broadcast_in_dim3A_3296 : i32 to vector<16xi32>
      %add3A_3298 = arith.addi %and3A_3240, %broadcast_in_dim3A_3297 : vector<16xi32>
      %broadcast_in_dim3A_3299 = arith.constant 5 : i32
      %broadcast_in_dim3A_3300 = vector.broadcast %broadcast_in_dim3A_3299 : i32 to vector<16xi32>
      %add3A_3301 = arith.addi %and3A_3240, %broadcast_in_dim3A_3300 : vector<16xi32>
      %broadcast_in_dim3A_3302 = arith.constant 6 : i32
      %broadcast_in_dim3A_3303 = vector.broadcast %broadcast_in_dim3A_3302 : i32 to vector<16xi32>
      %add3A_3304 = arith.addi %and3A_3240, %broadcast_in_dim3A_3303 : vector<16xi32>
      %broadcast_in_dim3A_3305 = arith.constant 7 : i32
      %broadcast_in_dim3A_3306 = vector.broadcast %broadcast_in_dim3A_3305 : i32 to vector<16xi32>
      %add3A_3307 = arith.addi %and3A_3240, %broadcast_in_dim3A_3306 : vector<16xi32>
      %gt3A_3308 = arith.cmpf ogt, %gather3A_3259, %gather3A_3255 : vector<16xf32>
      %max3A_3309 = arith.maximumf %gather3A_3255, %gather3A_3259 : vector<16xf32>
      %select_n3A_3310 = arith.select %gt3A_3308, %add3A_3289, %add3A_3286 : vector<16xi1>, vector<16xi32>
      %gt3A_3311 = arith.cmpf ogt, %gather3A_3267, %gather3A_3263 : vector<16xf32>
      %max3A_3312 = arith.maximumf %gather3A_3263, %gather3A_3267 : vector<16xf32>
      %select_n3A_3313 = arith.select %gt3A_3311, %add3A_3295, %add3A_3292 : vector<16xi1>, vector<16xi32>
      %gt3A_3314 = arith.cmpf ogt, %gather3A_3275, %gather3A_3271 : vector<16xf32>
      %max3A_3315 = arith.maximumf %gather3A_3271, %gather3A_3275 : vector<16xf32>
      %select_n3A_3316 = arith.select %gt3A_3314, %add3A_3301, %add3A_3298 : vector<16xi1>, vector<16xi32>
      %gt3A_3317 = arith.cmpf ogt, %gather3A_3283, %gather3A_3279 : vector<16xf32>
      %max3A_3318 = arith.maximumf %gather3A_3279, %gather3A_3283 : vector<16xf32>
      %select_n3A_3319 = arith.select %gt3A_3317, %add3A_3307, %add3A_3304 : vector<16xi1>, vector<16xi32>
      %gt3A_3320 = arith.cmpf ogt, %max3A_3312, %max3A_3309 : vector<16xf32>
      %max3A_3321 = arith.maximumf %max3A_3309, %max3A_3312 : vector<16xf32>
      %select_n3A_3322 = arith.select %gt3A_3320, %select_n3A_3313, %select_n3A_3310 : vector<16xi1>, vector<16xi32>
      %gt3A_3323 = arith.cmpf ogt, %max3A_3318, %max3A_3315 : vector<16xf32>
      %max3A_3324 = arith.maximumf %max3A_3315, %max3A_3318 : vector<16xf32>
      %select_n3A_3325 = arith.select %gt3A_3323, %select_n3A_3319, %select_n3A_3316 : vector<16xi1>, vector<16xi32>
      %gt3A_3326 = arith.cmpf ogt, %max3A_3324, %max3A_3321 : vector<16xf32>
      %max3A_3327 = arith.maximumf %max3A_3321, %max3A_3324 : vector<16xf32>
      %select_n3A_3328 = arith.select %gt3A_3326, %select_n3A_3325, %select_n3A_3322 : vector<16xi1>, vector<16xi32>
      %broadcast_in_dim3A_3329 = arith.constant 0 : i32
      %broadcast_in_dim3A_3330 = vector.broadcast %broadcast_in_dim3A_3329 : i32 to vector<16xi32>
      %eq3A_3331 = arith.cmpi eq, %and3A_3240, %broadcast_in_dim3A_3330 : vector<16xi32>
      %select_n3A_3332 = arith.select %eq3A_3331, %max3A_3327, %select_n3A_3016 : vector<16xi1>, vector<16xf32>
      %select_n3A_3333 = arith.select %eq3A_3331, %select_n3A_3328, %select_n3A_3017 : vector<16xi1>, vector<16xi32>
      %broadcast_in_dim3A_3334 = arith.constant 8 : i32
      %broadcast_in_dim3A_3335 = vector.broadcast %broadcast_in_dim3A_3334 : i32 to vector<16xi32>
      %eq3A_3336 = arith.cmpi eq, %and3A_3240, %broadcast_in_dim3A_3335 : vector<16xi32>
      %select_n3A_3337 = arith.select %eq3A_3336, %max3A_3327, %select_n3A_3021 : vector<16xi1>, vector<16xf32>
      %select_n3A_3338 = arith.select %eq3A_3336, %select_n3A_3328, %select_n3A_3022 : vector<16xi1>, vector<16xi32>
      %broadcast_in_dim3A_3339 = arith.constant 16 : i32
      %broadcast_in_dim3A_3340 = vector.broadcast %broadcast_in_dim3A_3339 : i32 to vector<16xi32>
      %eq3A_3341 = arith.cmpi eq, %and3A_3240, %broadcast_in_dim3A_3340 : vector<16xi32>
      %select_n3A_3342 = arith.select %eq3A_3341, %max3A_3327, %select_n3A_3026 : vector<16xi1>, vector<16xf32>
      %select_n3A_3343 = arith.select %eq3A_3341, %select_n3A_3328, %select_n3A_3027 : vector<16xi1>, vector<16xi32>
      %broadcast_in_dim3A_3344 = arith.constant 24 : i32
      %broadcast_in_dim3A_3345 = vector.broadcast %broadcast_in_dim3A_3344 : i32 to vector<16xi32>
      %eq3A_3346 = arith.cmpi eq, %and3A_3240, %broadcast_in_dim3A_3345 : vector<16xi32>
      %select_n3A_3347 = arith.select %eq3A_3346, %max3A_3327, %select_n3A_3031 : vector<16xi1>, vector<16xf32>
      %select_n3A_3348 = arith.select %eq3A_3346, %select_n3A_3328, %select_n3A_3032 : vector<16xi1>, vector<16xi32>
      %broadcast_in_dim3A_3349 = arith.constant 32 : i32
      %broadcast_in_dim3A_3350 = vector.broadcast %broadcast_in_dim3A_3349 : i32 to vector<16xi32>
      %eq3A_3351 = arith.cmpi eq, %and3A_3240, %broadcast_in_dim3A_3350 : vector<16xi32>
      %select_n3A_3352 = arith.select %eq3A_3351, %max3A_3327, %select_n3A_3036 : vector<16xi1>, vector<16xf32>
      %select_n3A_3353 = arith.select %eq3A_3351, %select_n3A_3328, %select_n3A_3037 : vector<16xi1>, vector<16xi32>
      %broadcast_in_dim3A_3354 = arith.constant 40 : i32
      %broadcast_in_dim3A_3355 = vector.broadcast %broadcast_in_dim3A_3354 : i32 to vector<16xi32>
      %eq3A_3356 = arith.cmpi eq, %and3A_3240, %broadcast_in_dim3A_3355 : vector<16xi32>
      %select_n3A_3357 = arith.select %eq3A_3356, %max3A_3327, %select_n3A_3041 : vector<16xi1>, vector<16xf32>
      %select_n3A_3358 = arith.select %eq3A_3356, %select_n3A_3328, %select_n3A_3042 : vector<16xi1>, vector<16xi32>
      %broadcast_in_dim3A_3359 = arith.constant 48 : i32
      %broadcast_in_dim3A_3360 = vector.broadcast %broadcast_in_dim3A_3359 : i32 to vector<16xi32>
      %eq3A_3361 = arith.cmpi eq, %and3A_3240, %broadcast_in_dim3A_3360 : vector<16xi32>
      %select_n3A_3362 = arith.select %eq3A_3361, %max3A_3327, %select_n3A_3046 : vector<16xi1>, vector<16xf32>
      %select_n3A_3363 = arith.select %eq3A_3361, %select_n3A_3328, %select_n3A_3047 : vector<16xi1>, vector<16xi32>
      %broadcast_in_dim3A_3364 = arith.constant 56 : i32
      %broadcast_in_dim3A_3365 = vector.broadcast %broadcast_in_dim3A_3364 : i32 to vector<16xi32>
      %eq3A_3366 = arith.cmpi eq, %and3A_3240, %broadcast_in_dim3A_3365 : vector<16xi32>
      %select_n3A_3367 = arith.select %eq3A_3366, %max3A_3327, %select_n3A_3051 : vector<16xi1>, vector<16xf32>
      %select_n3A_3368 = arith.select %eq3A_3366, %select_n3A_3328, %select_n3A_3052 : vector<16xi1>, vector<16xi32>
      %broadcast_in_dim3A_3369 = arith.constant -8 : i32
      %broadcast_in_dim3A_3370 = vector.broadcast %broadcast_in_dim3A_3369 : i32 to vector<16xi32>
      %and3A_3371 = arith.andi %select_n3A_3231, %broadcast_in_dim3A_3370 : vector<16xi32>
      %shift_left3A_3372 = arith.constant 9 : i32
      %shift_left3A_3373 = vector.broadcast %shift_left3A_3372 : i32 to vector<16xi32>
      %shift_left3A_3374 = arith.shli %and3A_3371, %shift_left3A_3373 : vector<16xi32>
      %add3A_3375 = arith.addi %shift_left3A_3374, %add3A_193 : vector<16xi32>
      %broadcast_in_dim3A_3376 = arith.constant 7 : i32
      %broadcast_in_dim3A_3377 = vector.broadcast %broadcast_in_dim3A_3376 : i32 to vector<16xi32>
      %and3A_3378 = arith.andi %select_n3A_3231, %broadcast_in_dim3A_3377 : vector<16xi32>
      %shift_left3A_3379 = arith.constant 7 : i32
      %shift_left3A_3380 = vector.broadcast %shift_left3A_3379 : i32 to vector<16xi32>
      %shift_left3A_3381 = arith.shli %and3A_3378, %shift_left3A_3380 : vector<16xi32>
      %add3A_3382 = arith.addi %add3A_3375, %shift_left3A_3381 : vector<16xi32>
      tpu.vector_store_idx %arg5[%add3A_3382], %broadcast_in_dim3A_143 : memref<32768xf32, #tpu.memory_space<vmem>>[vector<16xi32>], vector<16xf32>,
      %broadcast_in_dim3A_3383 = arith.constant 0 : i32
      %broadcast_in_dim3A_3384 = vector.broadcast %broadcast_in_dim3A_3383 : i32 to vector<16xi32>
      %add3A_3385 = arith.addi %add3A_3375, %broadcast_in_dim3A_3384 : vector<16xi32>
      %gather3A_3386 = tpu.vector_load_idx %arg5[%add3A_3385] : memref<32768xf32, #tpu.memory_space<vmem>>[vector<16xi32>], vector<16xf32>,
      %broadcast_in_dim3A_3387 = arith.constant 128 : i32
      %broadcast_in_dim3A_3388 = vector.broadcast %broadcast_in_dim3A_3387 : i32 to vector<16xi32>
      %add3A_3389 = arith.addi %add3A_3375, %broadcast_in_dim3A_3388 : vector<16xi32>
      %gather3A_3390 = tpu.vector_load_idx %arg5[%add3A_3389] : memref<32768xf32, #tpu.memory_space<vmem>>[vector<16xi32>], vector<16xf32>,
      %broadcast_in_dim3A_3391 = arith.constant 256 : i32
      %broadcast_in_dim3A_3392 = vector.broadcast %broadcast_in_dim3A_3391 : i32 to vector<16xi32>
      %add3A_3393 = arith.addi %add3A_3375, %broadcast_in_dim3A_3392 : vector<16xi32>
      %gather3A_3394 = tpu.vector_load_idx %arg5[%add3A_3393] : memref<32768xf32, #tpu.memory_space<vmem>>[vector<16xi32>], vector<16xf32>,
      %broadcast_in_dim3A_3395 = arith.constant 384 : i32
      %broadcast_in_dim3A_3396 = vector.broadcast %broadcast_in_dim3A_3395 : i32 to vector<16xi32>
      %add3A_3397 = arith.addi %add3A_3375, %broadcast_in_dim3A_3396 : vector<16xi32>
      %gather3A_3398 = tpu.vector_load_idx %arg5[%add3A_3397] : memref<32768xf32, #tpu.memory_space<vmem>>[vector<16xi32>], vector<16xf32>,
      %broadcast_in_dim3A_3399 = arith.constant 512 : i32
      %broadcast_in_dim3A_3400 = vector.broadcast %broadcast_in_dim3A_3399 : i32 to vector<16xi32>
      %add3A_3401 = arith.addi %add3A_3375, %broadcast_in_dim3A_3400 : vector<16xi32>
      %gather3A_3402 = tpu.vector_load_idx %arg5[%add3A_3401] : memref<32768xf32, #tpu.memory_space<vmem>>[vector<16xi32>], vector<16xf32>,
      %broadcast_in_dim3A_3403 = arith.constant 640 : i32
      %broadcast_in_dim3A_3404 = vector.broadcast %broadcast_in_dim3A_3403 : i32 to vector<16xi32>
      %add3A_3405 = arith.addi %add3A_3375, %broadcast_in_dim3A_3404 : vector<16xi32>
      %gather3A_3406 = tpu.vector_load_idx %arg5[%add3A_3405] : memref<32768xf32, #tpu.memory_space<vmem>>[vector<16xi32>], vector<16xf32>,
      %broadcast_in_dim3A_3407 = arith.constant 768 : i32
      %broadcast_in_dim3A_3408 = vector.broadcast %broadcast_in_dim3A_3407 : i32 to vector<16xi32>
      %add3A_3409 = arith.addi %add3A_3375, %broadcast_in_dim3A_3408 : vector<16xi32>
      %gather3A_3410 = tpu.vector_load_idx %arg5[%add3A_3409] : memref<32768xf32, #tpu.memory_space<vmem>>[vector<16xi32>], vector<16xf32>,
      %broadcast_in_dim3A_3411 = arith.constant 896 : i32
      %broadcast_in_dim3A_3412 = vector.broadcast %broadcast_in_dim3A_3411 : i32 to vector<16xi32>
      %add3A_3413 = arith.addi %add3A_3375, %broadcast_in_dim3A_3412 : vector<16xi32>
      %gather3A_3414 = tpu.vector_load_idx %arg5[%add3A_3413] : memref<32768xf32, #tpu.memory_space<vmem>>[vector<16xi32>], vector<16xf32>,
      %broadcast_in_dim3A_3415 = arith.constant 0 : i32
      %broadcast_in_dim3A_3416 = vector.broadcast %broadcast_in_dim3A_3415 : i32 to vector<16xi32>
      %add3A_3417 = arith.addi %and3A_3371, %broadcast_in_dim3A_3416 : vector<16xi32>
      %broadcast_in_dim3A_3418 = arith.constant 1 : i32
      %broadcast_in_dim3A_3419 = vector.broadcast %broadcast_in_dim3A_3418 : i32 to vector<16xi32>
      %add3A_3420 = arith.addi %and3A_3371, %broadcast_in_dim3A_3419 : vector<16xi32>
      %broadcast_in_dim3A_3421 = arith.constant 2 : i32
      %broadcast_in_dim3A_3422 = vector.broadcast %broadcast_in_dim3A_3421 : i32 to vector<16xi32>
      %add3A_3423 = arith.addi %and3A_3371, %broadcast_in_dim3A_3422 : vector<16xi32>
      %broadcast_in_dim3A_3424 = arith.constant 3 : i32
      %broadcast_in_dim3A_3425 = vector.broadcast %broadcast_in_dim3A_3424 : i32 to vector<16xi32>
      %add3A_3426 = arith.addi %and3A_3371, %broadcast_in_dim3A_3425 : vector<16xi32>
      %broadcast_in_dim3A_3427 = arith.constant 4 : i32
      %broadcast_in_dim3A_3428 = vector.broadcast %broadcast_in_dim3A_3427 : i32 to vector<16xi32>
      %add3A_3429 = arith.addi %and3A_3371, %broadcast_in_dim3A_3428 : vector<16xi32>
      %broadcast_in_dim3A_3430 = arith.constant 5 : i32
      %broadcast_in_dim3A_3431 = vector.broadcast %broadcast_in_dim3A_3430 : i32 to vector<16xi32>
      %add3A_3432 = arith.addi %and3A_3371, %broadcast_in_dim3A_3431 : vector<16xi32>
      %broadcast_in_dim3A_3433 = arith.constant 6 : i32
      %broadcast_in_dim3A_3434 = vector.broadcast %broadcast_in_dim3A_3433 : i32 to vector<16xi32>
      %add3A_3435 = arith.addi %and3A_3371, %broadcast_in_dim3A_3434 : vector<16xi32>
      %broadcast_in_dim3A_3436 = arith.constant 7 : i32
      %broadcast_in_dim3A_3437 = vector.broadcast %broadcast_in_dim3A_3436 : i32 to vector<16xi32>
      %add3A_3438 = arith.addi %and3A_3371, %broadcast_in_dim3A_3437 : vector<16xi32>
      %gt3A_3439 = arith.cmpf ogt, %gather3A_3390, %gather3A_3386 : vector<16xf32>
      %max3A_3440 = arith.maximumf %gather3A_3386, %gather3A_3390 : vector<16xf32>
      %select_n3A_3441 = arith.select %gt3A_3439, %add3A_3420, %add3A_3417 : vector<16xi1>, vector<16xi32>
      %gt3A_3442 = arith.cmpf ogt, %gather3A_3398, %gather3A_3394 : vector<16xf32>
      %max3A_3443 = arith.maximumf %gather3A_3394, %gather3A_3398 : vector<16xf32>
      %select_n3A_3444 = arith.select %gt3A_3442, %add3A_3426, %add3A_3423 : vector<16xi1>, vector<16xi32>
      %gt3A_3445 = arith.cmpf ogt, %gather3A_3406, %gather3A_3402 : vector<16xf32>
      %max3A_3446 = arith.maximumf %gather3A_3402, %gather3A_3406 : vector<16xf32>
      %select_n3A_3447 = arith.select %gt3A_3445, %add3A_3432, %add3A_3429 : vector<16xi1>, vector<16xi32>
      %gt3A_3448 = arith.cmpf ogt, %gather3A_3414, %gather3A_3410 : vector<16xf32>
      %max3A_3449 = arith.maximumf %gather3A_3410, %gather3A_3414 : vector<16xf32>
      %select_n3A_3450 = arith.select %gt3A_3448, %add3A_3438, %add3A_3435 : vector<16xi1>, vector<16xi32>
      %gt3A_3451 = arith.cmpf ogt, %max3A_3443, %max3A_3440 : vector<16xf32>
      %max3A_3452 = arith.maximumf %max3A_3440, %max3A_3443 : vector<16xf32>
      %select_n3A_3453 = arith.select %gt3A_3451, %select_n3A_3444, %select_n3A_3441 : vector<16xi1>, vector<16xi32>
      %gt3A_3454 = arith.cmpf ogt, %max3A_3449, %max3A_3446 : vector<16xf32>
      %max3A_3455 = arith.maximumf %max3A_3446, %max3A_3449 : vector<16xf32>
      %select_n3A_3456 = arith.select %gt3A_3454, %select_n3A_3450, %select_n3A_3447 : vector<16xi1>, vector<16xi32>
      %gt3A_3457 = arith.cmpf ogt, %max3A_3455, %max3A_3452 : vector<16xf32>
      %max3A_3458 = arith.maximumf %max3A_3452, %max3A_3455 : vector<16xf32>
      %select_n3A_3459 = arith.select %gt3A_3457, %select_n3A_3456, %select_n3A_3453 : vector<16xi1>, vector<16xi32>
      %broadcast_in_dim3A_3460 = arith.constant 0 : i32
      %broadcast_in_dim3A_3461 = vector.broadcast %broadcast_in_dim3A_3460 : i32 to vector<16xi32>
      %eq3A_3462 = arith.cmpi eq, %and3A_3371, %broadcast_in_dim3A_3461 : vector<16xi32>
      %select_n3A_3463 = arith.select %eq3A_3462, %max3A_3458, %select_n3A_3147 : vector<16xi1>, vector<16xf32>
      %select_n3A_3464 = arith.select %eq3A_3462, %select_n3A_3459, %select_n3A_3148 : vector<16xi1>, vector<16xi32>
      %broadcast_in_dim3A_3465 = arith.constant 8 : i32
      %broadcast_in_dim3A_3466 = vector.broadcast %broadcast_in_dim3A_3465 : i32 to vector<16xi32>
      %eq3A_3467 = arith.cmpi eq, %and3A_3371, %broadcast_in_dim3A_3466 : vector<16xi32>
      %select_n3A_3468 = arith.select %eq3A_3467, %max3A_3458, %select_n3A_3152 : vector<16xi1>, vector<16xf32>
      %select_n3A_3469 = arith.select %eq3A_3467, %select_n3A_3459, %select_n3A_3153 : vector<16xi1>, vector<16xi32>
      %broadcast_in_dim3A_3470 = arith.constant 16 : i32
      %broadcast_in_dim3A_3471 = vector.broadcast %broadcast_in_dim3A_3470 : i32 to vector<16xi32>
      %eq3A_3472 = arith.cmpi eq, %and3A_3371, %broadcast_in_dim3A_3471 : vector<16xi32>
      %select_n3A_3473 = arith.select %eq3A_3472, %max3A_3458, %select_n3A_3157 : vector<16xi1>, vector<16xf32>
      %select_n3A_3474 = arith.select %eq3A_3472, %select_n3A_3459, %select_n3A_3158 : vector<16xi1>, vector<16xi32>
      %broadcast_in_dim3A_3475 = arith.constant 24 : i32
      %broadcast_in_dim3A_3476 = vector.broadcast %broadcast_in_dim3A_3475 : i32 to vector<16xi32>
      %eq3A_3477 = arith.cmpi eq, %and3A_3371, %broadcast_in_dim3A_3476 : vector<16xi32>
      %select_n3A_3478 = arith.select %eq3A_3477, %max3A_3458, %select_n3A_3162 : vector<16xi1>, vector<16xf32>
      %select_n3A_3479 = arith.select %eq3A_3477, %select_n3A_3459, %select_n3A_3163 : vector<16xi1>, vector<16xi32>
      %broadcast_in_dim3A_3480 = arith.constant 32 : i32
      %broadcast_in_dim3A_3481 = vector.broadcast %broadcast_in_dim3A_3480 : i32 to vector<16xi32>
      %eq3A_3482 = arith.cmpi eq, %and3A_3371, %broadcast_in_dim3A_3481 : vector<16xi32>
      %select_n3A_3483 = arith.select %eq3A_3482, %max3A_3458, %select_n3A_3167 : vector<16xi1>, vector<16xf32>
      %select_n3A_3484 = arith.select %eq3A_3482, %select_n3A_3459, %select_n3A_3168 : vector<16xi1>, vector<16xi32>
      %broadcast_in_dim3A_3485 = arith.constant 40 : i32
      %broadcast_in_dim3A_3486 = vector.broadcast %broadcast_in_dim3A_3485 : i32 to vector<16xi32>
      %eq3A_3487 = arith.cmpi eq, %and3A_3371, %broadcast_in_dim3A_3486 : vector<16xi32>
      %select_n3A_3488 = arith.select %eq3A_3487, %max3A_3458, %select_n3A_3172 : vector<16xi1>, vector<16xf32>
      %select_n3A_3489 = arith.select %eq3A_3487, %select_n3A_3459, %select_n3A_3173 : vector<16xi1>, vector<16xi32>
      %broadcast_in_dim3A_3490 = arith.constant 48 : i32
      %broadcast_in_dim3A_3491 = vector.broadcast %broadcast_in_dim3A_3490 : i32 to vector<16xi32>
      %eq3A_3492 = arith.cmpi eq, %and3A_3371, %broadcast_in_dim3A_3491 : vector<16xi32>
      %select_n3A_3493 = arith.select %eq3A_3492, %max3A_3458, %select_n3A_3177 : vector<16xi1>, vector<16xf32>
      %select_n3A_3494 = arith.select %eq3A_3492, %select_n3A_3459, %select_n3A_3178 : vector<16xi1>, vector<16xi32>
      %broadcast_in_dim3A_3495 = arith.constant 56 : i32
      %broadcast_in_dim3A_3496 = vector.broadcast %broadcast_in_dim3A_3495 : i32 to vector<16xi32>
      %eq3A_3497 = arith.cmpi eq, %and3A_3371, %broadcast_in_dim3A_3496 : vector<16xi32>
      %select_n3A_3498 = arith.select %eq3A_3497, %max3A_3458, %select_n3A_3182 : vector<16xi1>, vector<16xf32>
      %select_n3A_3499 = arith.select %eq3A_3497, %select_n3A_3459, %select_n3A_3183 : vector<16xi1>, vector<16xi32>
      %gt3A_3500 = arith.cmpf ogt, %select_n3A_3337, %select_n3A_3332 : vector<16xf32>
      %max3A_3501 = arith.maximumf %select_n3A_3332, %select_n3A_3337 : vector<16xf32>
      %select_n3A_3502 = arith.select %gt3A_3500, %select_n3A_3338, %select_n3A_3333 : vector<16xi1>, vector<16xi32>
      %gt3A_3503 = arith.cmpf ogt, %select_n3A_3347, %select_n3A_3342 : vector<16xf32>
      %max3A_3504 = arith.maximumf %select_n3A_3342, %select_n3A_3347 : vector<16xf32>
      %select_n3A_3505 = arith.select %gt3A_3503, %select_n3A_3348, %select_n3A_3343 : vector<16xi1>, vector<16xi32>
      %gt3A_3506 = arith.cmpf ogt, %select_n3A_3357, %select_n3A_3352 : vector<16xf32>
      %max3A_3507 = arith.maximumf %select_n3A_3352, %select_n3A_3357 : vector<16xf32>
      %select_n3A_3508 = arith.select %gt3A_3506, %select_n3A_3358, %select_n3A_3353 : vector<16xi1>, vector<16xi32>
      %gt3A_3509 = arith.cmpf ogt, %select_n3A_3367, %select_n3A_3362 : vector<16xf32>
      %max3A_3510 = arith.maximumf %select_n3A_3362, %select_n3A_3367 : vector<16xf32>
      %select_n3A_3511 = arith.select %gt3A_3509, %select_n3A_3368, %select_n3A_3363 : vector<16xi1>, vector<16xi32>
      %gt3A_3512 = arith.cmpf ogt, %max3A_3504, %max3A_3501 : vector<16xf32>
      %max3A_3513 = arith.maximumf %max3A_3501, %max3A_3504 : vector<16xf32>
      %select_n3A_3514 = arith.select %gt3A_3512, %select_n3A_3505, %select_n3A_3502 : vector<16xi1>, vector<16xi32>
      %gt3A_3515 = arith.cmpf ogt, %max3A_3510, %max3A_3507 : vector<16xf32>
      %max3A_3516 = arith.maximumf %max3A_3507, %max3A_3510 : vector<16xf32>
      %select_n3A_3517 = arith.select %gt3A_3515, %select_n3A_3511, %select_n3A_3508 : vector<16xi1>, vector<16xi32>
      %gt3A_3518 = arith.cmpf ogt, %max3A_3516, %max3A_3513 : vector<16xf32>
      %max3A_3519 = arith.maximumf %max3A_3513, %max3A_3516 : vector<16xf32>
      %select_n3A_3520 = arith.select %gt3A_3518, %select_n3A_3517, %select_n3A_3514 : vector<16xi1>, vector<16xi32>
      %add3A_3521 = arith.constant 896 : i32
      %add3A_3522 = arith.addi %add3A_176, %add3A_3521 : i32
      %swap3A_3523 = arith.index_cast %add3A_3522 : i32 to index
      %swap3A_3524 = tpu.vector_load %arg6[%swap3A_3523] {strides = array<i32>} : memref<4096xi32, #tpu.memory_space<vmem>>, vector<16xi32>,
      tpu.vector_store %arg6[%swap3A_3523], %select_n3A_3520 {strides = array<i32>} : memref<4096xi32, #tpu.memory_space<vmem>>, vector<16xi32>,
      %sub3A_3525 = arith.subf %max3A_3519, %max3A_1313 : vector<16xf32>
      %exp3A_3526 = math.exp %sub3A_3525 : vector<16xf32>
      %gt3A_3527 = arith.cmpf ogt, %select_n3A_3468, %select_n3A_3463 : vector<16xf32>
      %max3A_3528 = arith.maximumf %select_n3A_3463, %select_n3A_3468 : vector<16xf32>
      %select_n3A_3529 = arith.select %gt3A_3527, %select_n3A_3469, %select_n3A_3464 : vector<16xi1>, vector<16xi32>
      %gt3A_3530 = arith.cmpf ogt, %select_n3A_3478, %select_n3A_3473 : vector<16xf32>
      %max3A_3531 = arith.maximumf %select_n3A_3473, %select_n3A_3478 : vector<16xf32>
      %select_n3A_3532 = arith.select %gt3A_3530, %select_n3A_3479, %select_n3A_3474 : vector<16xi1>, vector<16xi32>
      %gt3A_3533 = arith.cmpf ogt, %select_n3A_3488, %select_n3A_3483 : vector<16xf32>
      %max3A_3534 = arith.maximumf %select_n3A_3483, %select_n3A_3488 : vector<16xf32>
      %select_n3A_3535 = arith.select %gt3A_3533, %select_n3A_3489, %select_n3A_3484 : vector<16xi1>, vector<16xi32>
      %gt3A_3536 = arith.cmpf ogt, %select_n3A_3498, %select_n3A_3493 : vector<16xf32>
      %max3A_3537 = arith.maximumf %select_n3A_3493, %select_n3A_3498 : vector<16xf32>
      %select_n3A_3538 = arith.select %gt3A_3536, %select_n3A_3499, %select_n3A_3494 : vector<16xi1>, vector<16xi32>
      %gt3A_3539 = arith.cmpf ogt, %max3A_3531, %max3A_3528 : vector<16xf32>
      %max3A_3540 = arith.maximumf %max3A_3528, %max3A_3531 : vector<16xf32>
      %select_n3A_3541 = arith.select %gt3A_3539, %select_n3A_3532, %select_n3A_3529 : vector<16xi1>, vector<16xi32>
      %gt3A_3542 = arith.cmpf ogt, %max3A_3537, %max3A_3534 : vector<16xf32>
      %max3A_3543 = arith.maximumf %max3A_3534, %max3A_3537 : vector<16xf32>
      %select_n3A_3544 = arith.select %gt3A_3542, %select_n3A_3538, %select_n3A_3535 : vector<16xi1>, vector<16xi32>
      %gt3A_3545 = arith.cmpf ogt, %max3A_3543, %max3A_3540 : vector<16xf32>
      %max3A_3546 = arith.maximumf %max3A_3540, %max3A_3543 : vector<16xf32>
      %select_n3A_3547 = arith.select %gt3A_3545, %select_n3A_3544, %select_n3A_3541 : vector<16xi1>, vector<16xi32>
      %add3A_3548 = arith.constant 896 : i32
      %add3A_3549 = arith.addi %add3A_191, %add3A_3548 : i32
      %swap3A_3550 = arith.index_cast %add3A_3549 : i32 to index
      %swap3A_3551 = tpu.vector_load %arg6[%swap3A_3550] {strides = array<i32>} : memref<4096xi32, #tpu.memory_space<vmem>>, vector<16xi32>,
      tpu.vector_store %arg6[%swap3A_3550], %select_n3A_3547 {strides = array<i32>} : memref<4096xi32, #tpu.memory_space<vmem>>, vector<16xi32>,
      %sub3A_3552 = arith.subf %max3A_3546, %max3A_1339 : vector<16xf32>
      %exp3A_3553 = math.exp %sub3A_3552 : vector<16xf32>
      %add3A_3554 = arith.addf %broadcast_in_dim3A_1319, %exp3A : vector<16xf32>
      %add3A_3555 = arith.addf %add3A_3554, %exp3A_1946 : vector<16xf32>
      %add3A_3556 = arith.addf %add3A_3555, %exp3A_2262 : vector<16xf32>
      %add3A_3557 = arith.addf %add3A_3556, %exp3A_2578 : vector<16xf32>
      %add3A_3558 = arith.addf %add3A_3557, %exp3A_2894 : vector<16xf32>
      %add3A_3559 = arith.addf %add3A_3558, %exp3A_3210 : vector<16xf32>
      %add3A_3560 = arith.addf %add3A_3559, %exp3A_3526 : vector<16xf32>
      %div3A = arith.constant 1.000000e+00 : f32
      %div3A_3561 = vector.broadcast %div3A : f32 to vector<16xf32>
      %div3A_3562 = arith.divf %div3A_3561, %add3A_3560 : vector<16xf32>
      %mul3A_3563 = arith.mulf %broadcast_in_dim3A_1319, %div3A_3562 : vector<16xf32>
      %add3A_3564 = arith.constant 0 : i32
      %add3A_3565 = arith.addi %add3A_176, %add3A_3564 : i32
      %swap3A_3566 = arith.index_cast %add3A_3565 : i32 to index
      %swap3A_3567 = tpu.vector_load %arg7[%swap3A_3566] {strides = array<i32>} : memref<4096xf32, #tpu.memory_space<vmem>>, vector<16xf32>,
      tpu.vector_store %arg7[%swap3A_3566], %mul3A_3563 {strides = array<i32>} : memref<4096xf32, #tpu.memory_space<vmem>>, vector<16xf32>,
      %mul3A_3568 = arith.mulf %exp3A, %div3A_3562 : vector<16xf32>
      %add3A_3569 = arith.constant 128 : i32
      %add3A_3570 = arith.addi %add3A_176, %add3A_3569 : i32
      %swap3A_3571 = arith.index_cast %add3A_3570 : i32 to index
      %swap3A_3572 = tpu.vector_load %arg7[%swap3A_3571] {strides = array<i32>} : memref<4096xf32, #tpu.memory_space<vmem>>, vector<16xf32>,
      tpu.vector_store %arg7[%swap3A_3571], %mul3A_3568 {strides = array<i32>} : memref<4096xf32, #tpu.memory_space<vmem>>, vector<16xf32>,
      %mul3A_3573 = arith.mulf %exp3A_1946, %div3A_3562 : vector<16xf32>
      %add3A_3574 = arith.constant 256 : i32
      %add3A_3575 = arith.addi %add3A_176, %add3A_3574 : i32
      %swap3A_3576 = arith.index_cast %add3A_3575 : i32 to index
      %swap3A_3577 = tpu.vector_load %arg7[%swap3A_3576] {strides = array<i32>} : memref<4096xf32, #tpu.memory_space<vmem>>, vector<16xf32>,
      tpu.vector_store %arg7[%swap3A_3576], %mul3A_3573 {strides = array<i32>} : memref<4096xf32, #tpu.memory_space<vmem>>, vector<16xf32>,
      %mul3A_3578 = arith.mulf %exp3A_2262, %div3A_3562 : vector<16xf32>
      %add3A_3579 = arith.constant 384 : i32
      %add3A_3580 = arith.addi %add3A_176, %add3A_3579 : i32
      %swap3A_3581 = arith.index_cast %add3A_3580 : i32 to index
      %swap3A_3582 = tpu.vector_load %arg7[%swap3A_3581] {strides = array<i32>} : memref<4096xf32, #tpu.memory_space<vmem>>, vector<16xf32>,
      tpu.vector_store %arg7[%swap3A_3581], %mul3A_3578 {strides = array<i32>} : memref<4096xf32, #tpu.memory_space<vmem>>, vector<16xf32>,
      %mul3A_3583 = arith.mulf %exp3A_2578, %div3A_3562 : vector<16xf32>
      %add3A_3584 = arith.constant 512 : i32
      %add3A_3585 = arith.addi %add3A_176, %add3A_3584 : i32
      %swap3A_3586 = arith.index_cast %add3A_3585 : i32 to index
      %swap3A_3587 = tpu.vector_load %arg7[%swap3A_3586] {strides = array<i32>} : memref<4096xf32, #tpu.memory_space<vmem>>, vector<16xf32>,
      tpu.vector_store %arg7[%swap3A_3586], %mul3A_3583 {strides = array<i32>} : memref<4096xf32, #tpu.memory_space<vmem>>, vector<16xf32>,
      %mul3A_3588 = arith.mulf %exp3A_2894, %div3A_3562 : vector<16xf32>
      %add3A_3589 = arith.constant 640 : i32
      %add3A_3590 = arith.addi %add3A_176, %add3A_3589 : i32
      %swap3A_3591 = arith.index_cast %add3A_3590 : i32 to index
      %swap3A_3592 = tpu.vector_load %arg7[%swap3A_3591] {strides = array<i32>} : memref<4096xf32, #tpu.memory_space<vmem>>, vector<16xf32>,
      tpu.vector_store %arg7[%swap3A_3591], %mul3A_3588 {strides = array<i32>} : memref<4096xf32, #tpu.memory_space<vmem>>, vector<16xf32>,
      %mul3A_3593 = arith.mulf %exp3A_3210, %div3A_3562 : vector<16xf32>
      %add3A_3594 = arith.constant 768 : i32
      %add3A_3595 = arith.addi %add3A_176, %add3A_3594 : i32
      %swap3A_3596 = arith.index_cast %add3A_3595 : i32 to index
      %swap3A_3597 = tpu.vector_load %arg7[%swap3A_3596] {strides = array<i32>} : memref<4096xf32, #tpu.memory_space<vmem>>, vector<16xf32>,
      tpu.vector_store %arg7[%swap3A_3596], %mul3A_3593 {strides = array<i32>} : memref<4096xf32, #tpu.memory_space<vmem>>, vector<16xf32>,
      %mul3A_3598 = arith.mulf %exp3A_3526, %div3A_3562 : vector<16xf32>
      %add3A_3599 = arith.constant 896 : i32
      %add3A_3600 = arith.addi %add3A_176, %add3A_3599 : i32
      %swap3A_3601 = arith.index_cast %add3A_3600 : i32 to index
      %swap3A_3602 = tpu.vector_load %arg7[%swap3A_3601] {strides = array<i32>} : memref<4096xf32, #tpu.memory_space<vmem>>, vector<16xf32>,
      tpu.vector_store %arg7[%swap3A_3601], %mul3A_3598 {strides = array<i32>} : memref<4096xf32, #tpu.memory_space<vmem>>, vector<16xf32>,
      %add3A_3603 = arith.addf %broadcast_in_dim3A_1346, %exp3A_1657 : vector<16xf32>
      %add3A_3604 = arith.addf %add3A_3603, %exp3A_1973 : vector<16xf32>
      %add3A_3605 = arith.addf %add3A_3604, %exp3A_2289 : vector<16xf32>
      %add3A_3606 = arith.addf %add3A_3605, %exp3A_2605 : vector<16xf32>
      %add3A_3607 = arith.addf %add3A_3606, %exp3A_2921 : vector<16xf32>
      %add3A_3608 = arith.addf %add3A_3607, %exp3A_3237 : vector<16xf32>
      %add3A_3609 = arith.addf %add3A_3608, %exp3A_3553 : vector<16xf32>
      %div3A_3610 = arith.constant 1.000000e+00 : f32
      %div3A_3611 = vector.broadcast %div3A_3610 : f32 to vector<16xf32>
      %div3A_3612 = arith.divf %div3A_3611, %add3A_3609 : vector<16xf32>
      %mul3A_3613 = arith.mulf %broadcast_in_dim3A_1346, %div3A_3612 : vector<16xf32>
      %add3A_3614 = arith.constant 0 : i32
      %add3A_3615 = arith.addi %add3A_191, %add3A_3614 : i32
      %swap3A_3616 = arith.index_cast %add3A_3615 : i32 to index
      %swap3A_3617 = tpu.vector_load %arg7[%swap3A_3616] {strides = array<i32>} : memref<4096xf32, #tpu.memory_space<vmem>>, vector<16xf32>,
      tpu.vector_store %arg7[%swap3A_3616], %mul3A_3613 {strides = array<i32>} : memref<4096xf32, #tpu.memory_space<vmem>>, vector<16xf32>,
      %mul3A_3618 = arith.mulf %exp3A_1657, %div3A_3612 : vector<16xf32>
      %add3A_3619 = arith.constant 128 : i32
      %add3A_3620 = arith.addi %add3A_191, %add3A_3619 : i32
      %swap3A_3621 = arith.index_cast %add3A_3620 : i32 to index
      %swap3A_3622 = tpu.vector_load %arg7[%swap3A_3621] {strides = array<i32>} : memref<4096xf32, #tpu.memory_space<vmem>>, vector<16xf32>,
      tpu.vector_store %arg7[%swap3A_3621], %mul3A_3618 {strides = array<i32>} : memref<4096xf32, #tpu.memory_space<vmem>>, vector<16xf32>,
      %mul3A_3623 = arith.mulf %exp3A_1973, %div3A_3612 : vector<16xf32>
      %add3A_3624 = arith.constant 256 : i32
      %add3A_3625 = arith.addi %add3A_191, %add3A_3624 : i32
      %swap3A_3626 = arith.index_cast %add3A_3625 : i32 to index
      %swap3A_3627 = tpu.vector_load %arg7[%swap3A_3626] {strides = array<i32>} : memref<4096xf32, #tpu.memory_space<vmem>>, vector<16xf32>,
      tpu.vector_store %arg7[%swap3A_3626], %mul3A_3623 {strides = array<i32>} : memref<4096xf32, #tpu.memory_space<vmem>>, vector<16xf32>,
      %mul3A_3628 = arith.mulf %exp3A_2289, %div3A_3612 : vector<16xf32>
      %add3A_3629 = arith.constant 384 : i32
      %add3A_3630 = arith.addi %add3A_191, %add3A_3629 : i32
      %swap3A_3631 = arith.index_cast %add3A_3630 : i32 to index
      %swap3A_3632 = tpu.vector_load %arg7[%swap3A_3631] {strides = array<i32>} : memref<4096xf32, #tpu.memory_space<vmem>>, vector<16xf32>,
      tpu.vector_store %arg7[%swap3A_3631], %mul3A_3628 {strides = array<i32>} : memref<4096xf32, #tpu.memory_space<vmem>>, vector<16xf32>,
      %mul3A_3633 = arith.mulf %exp3A_2605, %div3A_3612 : vector<16xf32>
      %add3A_3634 = arith.constant 512 : i32
      %add3A_3635 = arith.addi %add3A_191, %add3A_3634 : i32
      %swap3A_3636 = arith.index_cast %add3A_3635 : i32 to index
      %swap3A_3637 = tpu.vector_load %arg7[%swap3A_3636] {strides = array<i32>} : memref<4096xf32, #tpu.memory_space<vmem>>, vector<16xf32>,
      tpu.vector_store %arg7[%swap3A_3636], %mul3A_3633 {strides = array<i32>} : memref<4096xf32, #tpu.memory_space<vmem>>, vector<16xf32>,
      %mul3A_3638 = arith.mulf %exp3A_2921, %div3A_3612 : vector<16xf32>
      %add3A_3639 = arith.constant 640 : i32
      %add3A_3640 = arith.addi %add3A_191, %add3A_3639 : i32
      %swap3A_3641 = arith.index_cast %add3A_3640 : i32 to index
      %swap3A_3642 = tpu.vector_load %arg7[%swap3A_3641] {strides = array<i32>} : memref<4096xf32, #tpu.memory_space<vmem>>, vector<16xf32>,
      tpu.vector_store %arg7[%swap3A_3641], %mul3A_3638 {strides = array<i32>} : memref<4096xf32, #tpu.memory_space<vmem>>, vector<16xf32>,
      %mul3A_3643 = arith.mulf %exp3A_3237, %div3A_3612 : vector<16xf32>
      %add3A_3644 = arith.constant 768 : i32
      %add3A_3645 = arith.addi %add3A_191, %add3A_3644 : i32
      %swap3A_3646 = arith.index_cast %add3A_3645 : i32 to index
      %swap3A_3647 = tpu.vector_load %arg7[%swap3A_3646] {strides = array<i32>} : memref<4096xf32, #tpu.memory_space<vmem>>, vector<16xf32>,
      tpu.vector_store %arg7[%swap3A_3646], %mul3A_3643 {strides = array<i32>} : memref<4096xf32, #tpu.memory_space<vmem>>, vector<16xf32>,
      %mul3A_3648 = arith.mulf %exp3A_3553, %div3A_3612 : vector<16xf32>
      %add3A_3649 = arith.constant 896 : i32
      %add3A_3650 = arith.addi %add3A_191, %add3A_3649 : i32
      %swap3A_3651 = arith.index_cast %add3A_3650 : i32 to index
      %swap3A_3652 = tpu.vector_load %arg7[%swap3A_3651] {strides = array<i32>} : memref<4096xf32, #tpu.memory_space<vmem>>, vector<16xf32>,
      tpu.vector_store %arg7[%swap3A_3651], %mul3A_3648 {strides = array<i32>} : memref<4096xf32, #tpu.memory_space<vmem>>, vector<16xf32>,
    }
    %scan3A_148 = arith.constant 16 : i32
    %mul3A_149 = arith.constant 4 : i32
    %mul3A_150 = arith.muli %add3A, %mul3A_149 : i32
    %mul3A_151 = arith.constant 1024 : i32
    %mul3A_152 = arith.muli %mul3A_150, %mul3A_151 : i32
    %dma_start3A_153 = tpu.memref_slice %arg3[%mul3A_152] : memref<131072xi32, #tpu.memory_space<hbm>> -> memref<4096xi32, #tpu.memory_space<hbm>>
    %dma_start3A_154 = tpu.memref_slice %arg3[%mul3A_152] : memref<131072xi32, #tpu.memory_space<hbm>> -> memref<4096xi32, #tpu.memory_space<hbm>>
    tpu.enqueue_dma source(%arg6 : memref<4096xi32, #tpu.memory_space<vmem>>) target(%dma_start3A_154 : memref<4096xi32, #tpu.memory_space<hbm>>) target_semaphore(%arg12 : memref<!tpu.dma_semaphore, #tpu.memory_space<semaphore_mem>>)
    %mul3A_155 = arith.constant 4 : i32
    %mul3A_156 = arith.muli %add3A, %mul3A_155 : i32
    %mul3A_157 = arith.constant 1024 : i32
    %mul3A_158 = arith.muli %mul3A_156, %mul3A_157 : i32
    %dma_start3A_159 = tpu.memref_slice %arg4[%mul3A_158] : memref<131072xf32, #tpu.memory_space<hbm>> -> memref<4096xf32, #tpu.memory_space<hbm>>
    %dma_start3A_160 = tpu.memref_slice %arg4[%mul3A_158] : memref<131072xf32, #tpu.memory_space<hbm>> -> memref<4096xf32, #tpu.memory_space<hbm>>
    tpu.enqueue_dma source(%arg7 : memref<4096xf32, #tpu.memory_space<vmem>>) target(%dma_start3A_160 : memref<4096xf32, #tpu.memory_space<hbm>>) target_semaphore(%arg12 : memref<!tpu.dma_semaphore, #tpu.memory_space<semaphore_mem>>)
    %dma_wait3A_161 = tpu.memref_slice %arg3[%mul3A_152] : memref<131072xi32, #tpu.memory_space<hbm>> -> memref<4096xi32, #tpu.memory_space<hbm>>
    %dma_wait3A_162 = tpu.memref_slice %arg3[%mul3A_152] : memref<131072xi32, #tpu.memory_space<hbm>> -> memref<4096xi32, #tpu.memory_space<hbm>>
    tpu.wait_dma2 semaphore(%arg12 : memref<!tpu.dma_semaphore, #tpu.memory_space<semaphore_mem>>) src(%arg6 : memref<4096xi32, #tpu.memory_space<vmem>>) dst(%dma_wait3A_162 : memref<4096xi32, #tpu.memory_space<hbm>>)
    %dma_wait3A_163 = tpu.memref_slice %arg4[%mul3A_158] : memref<131072xf32, #tpu.memory_space<hbm>> -> memref<4096xf32, #tpu.memory_space<hbm>>
    %dma_wait3A_164 = tpu.memref_slice %arg4[%mul3A_158] : memref<131072xf32, #tpu.memory_space<hbm>> -> memref<4096xf32, #tpu.memory_space<hbm>>
    tpu.wait_dma2 semaphore(%arg12 : memref<!tpu.dma_semaphore, #tpu.memory_space<semaphore_mem>>) src(%arg7 : memref<4096xf32, #tpu.memory_space<vmem>>) dst(%dma_wait3A_164 : memref<4096xf32, #tpu.memory_space<hbm>>)
    return
  }
}

</mosaic_0001>

<sc_bundles>
// kernel: kernel.3.cloned.1.call-start
scs
__scs_entry_jumppad:
0x0: {  	(pc) =	sbr.rel $0x88, $3  }
0x1: {  	(tag) =	ssettag $0x0;
	lr =	simm.s32 $0x1  }
0x2: {  	[smem:$0x3FA0] =	sst lr;
	_ =	strace $0xD0000000  }
0x3: {  	_ = 	snop  }
0x4: {  	_ = 	snop  }
0x5: {  	_ = 	snop  }
0x6: {  	_ = 	snop  }
0x7: {  	_ = 	snop  }
__scs_overlays_trampoline_lowered:
0x8: {  	[smem:$0x3FAF] =	sst s0  }
0x9: {  	[smem:$0x3FB0] =	sst s1  }
0xa: {  	[smem:$0x3FB1] =	sst s2  }
0xb: {  	[smem:$0x3FB2] =	sst s3  }
0xc: {  	[smem:$0x3FB3] =	sst s4  }
0xd: {  	[smem:$0x3FB4] =	sst s5  }
0xe: {  	[smem:$0x3FB5] =	sst s6  }
0xf: {  	[smem:$0x3FB6] =	sst s7  }
0x10: {  	[smem:$0x3FB7] =	sst s8  }
0x11: {  	[smem:$0x3FB8] =	sst s9;
	s0 =	simm.s32 @!p0 $0x0  }
0x12: {  	s1 =	sld [smem:$0x3F9E];
	s0 =	simm.s32 @p0 $0x1  }
0x13: {  	[smem:$0x3FB9] =	sst s0;
	s0 =	simm.s32 @!p1 $0x0  }
0x14: {  	s2 =	sld [smem:$0x3F9D];
	s0 =	simm.s32 @p1 $0x1  }
0x15: {  	[smem:$0x3FBA] =	sst s0;
	s0 =	simm.s32 @!p2 $0x0  }
0x16: {  	s3 =	sld [smem:$0x3FDB];
	s0 =	simm.s32 @p2 $0x1  }
0x17: {  	s4 =	simm.s32 $0x1BF5;
	[smem:$0x3FBC] =	sst s0  }
0x18: {  	s0 =	sld [smem:$0x3F9F];
	_ =	swait.ge [sflag:s4], $0x0  }
0x19: {  	s7 =	sld [smem:$0x3FA0]  }
0x1a: {  	s8 =	sadd.s32 $0xFFFFE003, lr  }
0x1b: {  	s9 =	sadd.s32 $0xFFFFFEF7, lr;
	s5 =	simm.s32 $0xFFFFFFFF;
	p2 =	slt.u32 s8, $0xFFFFF086  }
0x1c: {  	p1 =	slt.u32 s9, $0xF7A;
	s5 =	simm.s32 @!p2 $0x0  }
0x1d: {  	s5 =	simm.s32 @p1 $0x1;
	p0 =	seq.s32 s7, s2  }
0x1e: {  	s7 =	smul.u32 @!p0 $0xF7A, s2;
	p2 =	seq.s32 @!p0 s5, $0x0  }
0x1f: {  	s9 =	smul.u32 $0xF7A, s1;
	s8 =	simm.s32 @!p0 $0x1BF5;
	p2 =	por !p2, p0  }
0x20: {  	[sflag:s8] =	ssyncset.s32 @!p0 $0xFFFFF086;
	s6 =	sadd.s32 @!p0 s3, s7;
	s7 =	simm.s32 @!p0 $0x108  }
0x21: {  	s3 =	sadd.s32 s3, s9;
	s6 =	sadd.s32 @!p0 $0x88, s6;
	s7 =	simm.s32 @p2 $0x1082  }
0x22: {  	[simem:s7], [sflag:s8] =	dma.local @!p0 [hbm:s6], $0xF7A  }
0x23: {  	s9 =	sor.u32 $0xD0000000, s2;
	s6 =	simm.s32 $0x108;
	_ =	swait.ge @!p0 [sflag:s8], $0x0  }
0x24: {  	s3 =	sadd.s32 $0x88, s3;
	s6 =	simm.s32 @!p1 $0x1082;
	[sflag:s4] =	ssyncset.s32 $0xFFFFF086  }
0x25: {  	[simem:s6], [sflag:s4] =	dma.local [hbm:s3], $0xF7A  }
0x26: {  	[smem:$0x3FA0] =	sst s1;
	(tag) =	ssettag s2;
	_ =	strace s9  }
0x27: {  	s1 =	sld [smem:$0x3FB0]  }
0x28: {  	s2 =	sld [smem:$0x3FB1]  }
0x29: {  	s4 =	sld [smem:$0x3FB3]  }
0x2a: {  	p0 =	seq.s32 s5, $0x0;
	s5 =	sld [smem:$0x3FB4]  }
0x2b: {  	s6 =	sld [smem:$0x3FB5]  }
0x2c: {  	s7 =	sld [smem:$0x3FB6]  }
0x2d: {  	s3 =	simm.s32 $0x108;
	s8 =	sld [smem:$0x3FB7]  }
0x2e: {  	s3 =	simm.s32 @!p0 $0x1082;
	s9 =	sld [smem:$0x3FB8]  }
0x2f: {  	lr =	sadd.s32 s0, s3;
	s0 =	sld [smem:$0x3FAF]  }
0x30: {  	s3 =	sld [smem:$0x3FB2]  }
0x31: {  	[smem:$0x3FBB] =	sst s10  }
0x32: {  	s10 =	sld [smem:$0x3FB9];
	_ =	sdelay $0x3  }
0x33: {  	p0 =	seq.s32 s10, $0x1;
	s10 =	sld [smem:$0x3FBB];
	_ =	sdelay $0x3  }
0x34: {  	[smem:$0x3FBB] =	sst s10  }
0x35: {  	s10 =	sld [smem:$0x3FBA];
	_ =	sdelay $0x3  }
0x36: {  	p1 =	seq.s32 s10, $0x1;
	s10 =	sld [smem:$0x3FBB];
	_ =	sdelay $0x3  }
0x37: {  	[smem:$0x3FBB] =	sst s10  }
0x38: {  	s10 =	sld [smem:$0x3FBC]  }
0x39: {  	_ = 	snop;
	(pc) =	sbr.ind lr, $3  }
0x3a: {  	_ = 	snop  }
0x3b: {  	_ = 	snop  }
0x3c: {  	p2 =	seq.s32 s10, $0x1;
	s10 =	sld [smem:$0x3FBB]  }
0x3d: {  	_ =	shalt  }
0x3e: {  	_ =	shalt  }
0x3f: {  	_ =	shalt  }
0x40: {  	_ =	shalt  }
0x41: {  	_ =	shalt  }
0x42: {  	_ =	shalt  }
0x43: {  	_ =	shalt  }
0x44: {  	_ =	shalt  }
0x45: {  	_ =	shalt  }
0x46: {  	_ =	shalt  }
0x47: {  	_ =	shalt  }
0x48: {  	_ =	shalt  }
0x49: {  	_ =	shalt  }
0x4a: {  	_ =	shalt  }
0x4b: {  	_ =	shalt  }
0x4c: {  	_ =	shalt  }
0x4d: {  	_ =	shalt  }
0x4e: {  	_ =	shalt  }
0x4f: {  	_ =	shalt  }
0x50: {  	_ =	shalt  }
0x51: {  	_ =	shalt  }
0x52: {  	_ =	shalt  }
0x53: {  	_ =	shalt  }
0x54: {  	_ =	shalt  }
0x55: {  	_ =	shalt  }
0x56: {  	_ =	shalt  }
0x57: {  	_ =	shalt  }
0x58: {  	_ =	shalt  }
0x59: {  	_ =	shalt  }
0x5a: {  	_ =	shalt  }
0x5b: {  	_ =	shalt  }
0x5c: {  	_ =	shalt  }
0x5d: {  	_ =	shalt  }
0x5e: {  	_ =	shalt  }
0x5f: {  	_ =	shalt  }
0x60: {  	_ =	shalt  }
0x61: {  	_ =	shalt  }
0x62: {  	_ =	shalt  }
0x63: {  	_ =	shalt  }
0x64: {  	_ =	shalt  }
0x65: {  	_ =	shalt  }
0x66: {  	_ =	shalt  }
0x67: {  	_ =	shalt  }
0x68: {  	_ =	shalt  }
0x69: {  	_ =	shalt  }
0x6a: {  	_ =	shalt  }
0x6b: {  	_ =	shalt  }
0x6c: {  	_ =	shalt  }
0x6d: {  	_ =	shalt  }
0x6e: {  	_ =	shalt  }
0x6f: {  	_ =	shalt  }
0x70: {  	_ =	shalt  }
0x71: {  	_ =	shalt  }
0x72: {  	_ =	shalt  }
0x73: {  	_ =	shalt  }
0x74: {  	_ =	shalt  }
0x75: {  	_ =	shalt  }
0x76: {  	_ =	shalt  }
0x77: {  	_ =	shalt  }
0x78: {  	_ =	shalt  }
0x79: {  	_ =	shalt  }
0x7a: {  	_ =	shalt  }
0x7b: {  	_ =	shalt  }
0x7c: {  	_ =	shalt  }
0x7d: {  	_ =	shalt  }
0x7e: {  	_ =	shalt  }
0x7f: {  	_ =	shalt  }
0x80: {  	_ =	shalt  }
0x81: {  	_ =	shalt  }
0x82: {  	_ =	shalt  }
0x83: {  	_ =	shalt  }
0x84: {  	_ =	shalt  }
0x85: {  	_ =	shalt  }
0x86: {  	_ =	shalt  }
0x87: {  	_ =	shalt  }
.Lfunc_end0:
.L_simem_size_0:
called_computation_lowered:
.L_overlay_start_0:
0x88: {  	s2 =	sld [smem:$0x3FD9]  }
0x89: {  	s3 =	sld [smem:$0x3FFE];
	_ =	sdelay $0x1  }
0x8a: {  	s1 =	srdreg.scid  }
0x8b: {  	s0 =	sand.u32 $0x1, s1  }
0x8c: {  	s15 =	sshll.u32 s0, $0xA;
	s2 =	sadd.s32 s3, s2  }
0x8d: {  	s2 =	sadd.s32 s2, s15  }
0x8e: {  	[smem:$0x3FC7] =	sst s2  }
0x8f: {  	_ = 	snop  }
0x90: {  	s2 =	sld [smem:$0x3FD0];
	_ =	sdelay $0x2  }
0x91: {  	s4 =	simm.s32 $0xA;
	s5 =	simm.s32 $0x10;
	s16 =	sld [smem:$0x3FC9]  }
0x92: {  	[smem:s5], [sflag:s4] =	dma.local [hbm:s2], $0x1  }
0x93: {  	_ =	swait.eq [sflag:s4], $0x1  }
0x94: {  	[sflag:s4] =	ssyncset.done $0x0  }
0x95: {  	s17 =	sld [smem:$0x10];
	[sflag:s4] =	ssyncadd.s32 $0xFFFFFFFF  }
0x96: {  	s18 =	sld [smem:$0x11];
	(tm) =	ssettm $0x1  }
0x97: {  	s19 =	sld [smem:$0x3FFB];
	_ =	sdelay $0x3  }
0x98: {  	_ =	strace s19  }
0x99: {  	s5 =	sld [smem:$0x3FFC];
	_ =	sdelay $0x3  }
0x9a: {  	_ =	strace s5  }
0x9b: {  	s5 =	sld [smem:$0x3FFD];
	_ =	sdelay $0x3  }
0x9c: {  	_ =	strace s5  }
0x9d: {  	_ =	strace $0x8FFFFFFF  }
0x9e: {  	s20 =	sld [smem:$0x3FDB];
	_ =	sdelay $0x1  }
0x9f: {  	s6 =	simm.s32 $_scs_section_size  }
0xa0: {  	s7 =	simm.s32 $_size__tile_overlayer_lowered;
	s8 =	simm.s32 $_tile_overlayer_lowered  }
0xa1: {  	s23 =	simm.s32 $0x1BFF;
	s22 =	sshll.u32 s8, $0x1;
	s5 =	sadd.s32 s6, s20  }
0xa2: {  	s9 =	simm.s32 $0x0;
	s21 =	sshll.u32 s7, $0x1;
	s7 =	sadd.s32 s22, s5  }
0xa3: {  	[timem:s9], [sflag:s23] =	dma.local [hbm:s7], s21  }
0xa4: {  	_ =	swait.ge [sflag:s23], s21  }
0xa5: {  	s6 =	ssub.s32 $0x0, s21;
	[sflag:s23] =	ssyncset.done $0x0  }
0xa6: {  	[sflag:s23] =	ssyncadd.s32 s6;
	_ =	sdelay $0x1  }
0xa7: {  	s24 =	simm.s32 $0x1B8B  }
0xa8: {  	_ =	swait.ge [sflag:s24], $0x1  }
0xa9: {  	[sflag:s24] =	ssyncset.done $0x0  }
0xaa: {  	s25 =	simm.s32 $0x1B8E;
	[sflag:s24] =	ssyncadd.s32 $0xFFFFFFFF  }
0xab: {  	s26 =	simm.s32 $execute0_lowered;
	[smem:$0x3FD2] =	sst s25  }
0xac: {  	s6 =	sshll.u32 s26, $0x1;
	_ =	strace $0x80000046;
	[dreg:$0x1] =	wrdreg $0xFFFFFFFF  }
0xad: {  	s28 =	simm.s32 $_size_execute0_lowered;
	s5 =	sadd.s32 s5, s6;
	[dreg:$0x0] =	wrdreg $0x0  }
0xae: {  	s6 =	sshll.u32 s28, $0x1;
	[dreg:$0x2] =	wrdreg s5  }
0xaf: {  	[dreg:$0x3] =	wrdreg s6  }
0xb0: {  	[dreg:$0x4] =	wrdreg $0xC0  }
0xb1: {  	_ =	task [dreg:s9], $0x5FFFF  }
0xb2: {  	[dreg:$0x1] =	wrdreg $0xFFFFFFFF  }
0xb3: {  	[dreg:$0x0] =	wrdreg $0x60  }
0xb4: {  	[dreg:$0x2] =	wrdreg s16  }
0xb5: {  	[dreg:$0x3] =	wrdreg s17  }
0xb6: {  	[dreg:$0x4] =	wrdreg s18  }
0xb7: {  	[dreg:$0x5] =	wrdreg $0x9  }
0xb8: {  	_ =	task.clear_ibuf [dreg:s9], $0x6FFFF;
	_ =	strace $0x90000046  }
0xb9: {  	s29 =	simm.s32 $0x9;
	_ =	strace $0x80000048  }
0xba: {  	_ =	swait.ge [sflag:s29], $0x1  }
0xbb: {  	[sflag:s29] =	ssyncadd.s32 $0xFFFFFFFF  }
0xbc: {  	_ =	strace $0x90000048  }
0xbd: {  	_ =	sfence  }
0xbe: {  	s30 =	sld [smem:$0x0];
	_ =	sdelay $0x2  }
0xbf: {  	s31 =	sshll.u32 s1, $0xD;
	s1 =	sshrl.u32 s1, $0x2  }
0xc0: {  	s3 =	sand.u32 $0x4000, s31;
	s1 =	sadd.s32 s1, s30  }
0xc1: {  	s0 =	sor.u32 s3, s0;
	s1 =	sshll.u32 s1, $0x11  }
0xc2: {  	s0 =	sor.u32 s1, s0  }
0xc3: {  	s0 =	sadd.s32 $0x8F2B, s0  }
0xc4: {  	[sflag:s0] =	ssyncadd.remote.s32 $0x1  }
0xc5: {  	_ =	sfence.sel $0xFFFF  }
0xc6: {  	[dreg:$0x0] =	wrdreg $0xFFFFFFFF;
	(pc) =	sbr.abs _section_cstart, $3  }
0xc7: {  	[dreg:$0x1] =	wrdreg $0xFFFFFFFF  }
0xc8: {  	_ =	task.clear_ibuf [dreg:s9], $0x2FFFF;
	_ =	strace $0x9FFFFFFF  }
0xc9: {  	(tm) =	ssettm $0x7FFFFFFF  }
tec
execute0_lowered:
.L_overlay_start_1:
0x0: {  	(tag) =	ssettag $0x1  }
0x1: {  	s2 =	srdreg.scid  }
0x2: {  	s0 =	rddreg [dreg:$0x0];
	s4 =	stileid.u32;
	s2 =	sand.u32 $0x1, s2  }
0x3: {  	s1 =	rddreg [dreg:$0x1];
	s4 =	sshll.u32 s4, $0xA;
	s5 =	sshll.u32 s2, $0x9  }
0x4: {  	s3 =	rddreg [dreg:$0x2];
	s29 =	simm.s32 $0x0;
	s4 =	sor.u32 s5, s4  }
0x5: {  	[smem:$0x7FF] =	sst s29;
	s6 =	sadd.s32 s0, s4  }
0x6: {  	_ =	strace $0x80000047;
	s1 =	sadd.s32 s1, s4;
	[dreg:$0x4] =	wrdreg s6  }
0x7: {  	s31 =	sadd.s32 s3, s4;
	[dreg:$0xc] =	wrdreg s1  }
0x8: {  	s22 =	sadd.s32 $0x4000, s6;
	[dreg:$0xd] =	wrdreg s31  }
0x9: {  	v32 =	vlaneseq.u32;
	v53 =	vimm.s32 $0x0;
	v54 =	vimm.s32 $0x2;
	s23 =	sadd.s32 $0x8000, s6;
	[dreg:$0x5] =	wrdreg s22  }
0xa: {  	v55 =	vimm.s32 $0x4;
	v33 =	vimm.s32 $0x6;
	v34 =	vimm.s32 $0x8;
	s24 =	sadd.s32 $0xC000, s6;
	[dreg:$0x6] =	wrdreg s23  }
0xb: {  	v35 =	vimm.s32 $0xA;
	v36 =	vimm.s32 $0xC;
	v37 =	vimm.s32 $0xE;
	s25 =	sadd.s32 $0x10000, s6;
	[dreg:$0x7] =	wrdreg s24  }
0xc: {  	v39 =	vimm.s32 $0x10;
	v40 =	vimm.s32 $0x12;
	v41 =	vimm.s32 $0x14;
	s2 =	ssub.s32 $0x2, s2;
	s26 =	sadd.s32 $0x14000, s6;
	[dreg:$0x8] =	wrdreg s25  }
0xd: {  	v42 =	vimm.s32 $0x16;
	v43 =	vimm.s32 $0x18;
	v44 =	vimm.s32 $0x1A;
	s20 =	sshrl.u32 s2, $0x1;
	s28 =	sadd.s32 $0x18000, s6;
	[dreg:$0x9] =	wrdreg s26  }
0xe: {  	v45 =	vimm.s32 $0x1C;
	v46 =	vimm.s32 $0x1E;
	v51 =	vimm.s32 $0x20;
	s21 =	ssub.s32 s2, s20;
	s30 =	sadd.s32 $0x1C000, s6;
	[dreg:$0xa] =	wrdreg s28  }
0xf: {  	v52 =	vimm.s32 $0x22;
	v57 =	vimm.s32 $0x26;
	v58 =	vimm.s32 $0x28;
	s0 =	smax.u32 s21, $0x1;
	[dreg:$0xb] =	wrdreg s30  }
0x10: {  	v59 =	vimm.s32 $0x2A;
	v61 =	vimm.s32 $0x2E;
	v63 =	vimm.s32 $0x32;
	s2 =	simm.s32 $0x0;
	[dreg:$0xe] =	wrdreg s0  }
.LBB2_1:
0x11: {  	[dreg:$0xf] =	wrdreg s2  }
0x12: {  	s0 =	rddreg [dreg:$0x4]  }
0x13: {  	[tilespmem:s29], [sflag:$0x1] =	stream.linear.gather [hbm4b:s0+s29], $0x1000, $0x38;
	[tilespmem:$0xA000] =	vst v63  }
0x14: {  	s14 =	rddreg [dreg:$0x5];
	s1 =	simm.s32 $0x1000  }
0x15: {  	[tilespmem:s1], [sflag:$0x2] =	stream.linear.gather [hbm4b:s14+s29], $0x1000, $0x38;
	[tilespmem:$0xA000] =	vst v63  }
0x16: {  	s15 =	rddreg [dreg:$0x6];
	s16 =	simm.s32 $0x2000  }
0x17: {  	[tilespmem:s16], [sflag:$0x3] =	stream.linear.gather [hbm4b:s15+s29], $0x1000, $0x38;
	[tilespmem:$0xA000] =	vst v63  }
0x18: {  	s17 =	rddreg [dreg:$0x7];
	s18 =	simm.s32 $0x3000  }
0x19: {  	[tilespmem:s18], [sflag:$0x4] =	stream.linear.gather [hbm4b:s17+s29], $0x1000, $0x38;
	[tilespmem:$0xA000] =	vst v63  }
0x1a: {  	s19 =	rddreg [dreg:$0x8];
	s20 =	simm.s32 $0x4000  }
0x1b: {  	[tilespmem:s20], [sflag:$0x1] =	stream.linear.gather [hbm4b:s19+s29], $0x1000, $0x38;
	[tilespmem:$0xA000] =	vst v63  }
0x1c: {  	s21 =	rddreg [dreg:$0x9];
	s22 =	simm.s32 $0x5000  }
0x1d: {  	[tilespmem:s22], [sflag:$0x2] =	stream.linear.gather [hbm4b:s21+s29], $0x1000, $0x38;
	[tilespmem:$0xA000] =	vst v63  }
0x1e: {  	s23 =	rddreg [dreg:$0xa];
	s24 =	simm.s32 $0x6000  }
0x1f: {  	[tilespmem:s24], [sflag:$0x3] =	stream.linear.gather [hbm4b:s23+s29], $0x1000, $0x38;
	[tilespmem:$0xA000] =	vst v63  }
0x20: {  	s25 =	rddreg [dreg:$0xb];
	s26 =	simm.s32 $0x7000;
	s28 =	simm.s32 $0x1  }
0x21: {  	[tilespmem:s26], [sflag:$0x4] =	stream.linear.gather [hbm4b:s25+s29], $0x1000, $0x38;
	[tilespmem:$0xA000] =	vst v63  }
0x22: {  	_ =	swait.ge [sflag:s28], $0x1000  }
0x23: {  	[sflag:s28] =	ssyncset.done $0x0  }
0x24: {  	s30 =	simm.s32 $0x2;
	[sflag:s28] =	ssyncadd.s32 $0xFFFFF000  }
0x25: {  	_ =	swait.ge [sflag:s30], $0x1000  }
0x26: {  	[sflag:s30] =	ssyncset.done $0x0  }
0x27: {  	s31 =	simm.s32 $0x3;
	[sflag:s30] =	ssyncadd.s32 $0xFFFFF000  }
0x28: {  	_ =	swait.ge [sflag:s31], $0x1000  }
0x29: {  	[sflag:s31] =	ssyncset.done $0x0  }
0x2a: {  	s3 =	simm.s32 $0x4;
	[sflag:s31] =	ssyncadd.s32 $0xFFFFF000  }
0x2b: {  	_ =	swait.ge [sflag:s3], $0x1000  }
0x2c: {  	[sflag:s3] =	ssyncset.done $0x0  }
0x2d: {  	[sflag:s3] =	ssyncadd.s32 $0xFFFFF000  }
0x2e: {  	_ =	swait.ge [sflag:s28], $0x1000  }
0x2f: {  	[sflag:s28] =	ssyncset.done $0x0  }
0x30: {  	[sflag:s28] =	ssyncadd.s32 $0xFFFFF000  }
0x31: {  	_ =	swait.ge [sflag:s30], $0x1000  }
0x32: {  	[sflag:s30] =	ssyncset.done $0x0  }
0x33: {  	[sflag:s30] =	ssyncadd.s32 $0xFFFFF000  }
0x34: {  	_ =	swait.ge [sflag:s31], $0x1000  }
0x35: {  	[sflag:s31] =	ssyncset.done $0x0  }
0x36: {  	[sflag:s31] =	ssyncadd.s32 $0xFFFFF000  }
0x37: {  	_ =	swait.ge [sflag:s3], $0x1000  }
0x38: {  	s2 =	simm.s32 $0x0;
	[sflag:s3] =	ssyncset.done $0x0  }
0x39: {  	s0 =	simm.s32 $0x0;
	s1 =	simm.s32 $0x0;
	[sflag:s3] =	ssyncadd.s32 $0xFFFFF000  }
.LBB2_2:
0x3a: {  	s17 =	sand.u32 $0xC00, s0;
	s3 =	smov.u32 s2;
	s2 =	sand.u32 $0x60, s2  }
0x3b: {  	s10 =	sor.u32 s2, s17  }
0x3c: {  	v1 =	vld [tilespmem:s10+$0x0]  }
0x3d: {  	v2 =	vld [tilespmem:s10+$0x80]  }
0x3e: {  	v3 =	vld [tilespmem:s10+$0x100]  }
0x3f: {  	[dreg:$0x11] =	wrdreg s0;
	s0 =	sor.u32 s17, s3;
	v5 =	vld [tilespmem:s10+$0x200]  }
0x40: {  	s4 =	sor.u32 $0x1080, s17;
	s5 =	sor.u32 $0x180, s0;
	v6 =	vld [tilespmem:s10+$0x280]  }
0x41: {  	s30 =	sor.u32 $0x1380, s17;
	s11 =	sor.u32 s2, s4;
	v4 =	vld [tilespmem:s5+$0x0]  }
0x42: {  	[dreg:$0x10] =	wrdreg s1;
	s20 =	sor.u32 $0x2080, s17;
	s18 =	sor.u32 s2, s30;
	v10 =	vld [tilespmem:s11+$0x0]  }
0x43: {  	s1 =	rddreg [dreg:$0x10];
	s22 =	sor.u32 $0x2100, s17;
	s21 =	sor.u32 s2, s20;
	v16 =	vld [tilespmem:s18+$0x0]  }
0x44: {  	s7 =	rddreg [dreg:$0x11];
	s24 =	sor.u32 $0x2180, s17;
	s23 =	sor.u32 s2, s22;
	v18 =	vld [tilespmem:s21+$0x0]  }
0x45: {  	s26 =	sor.u32 $0x2200, s17;
	s1 =	sand.u32 $0x3, s1;
	s25 =	sor.u32 s2, s24;
	v19 =	vld [tilespmem:s23+$0x0]  }
0x46: {  	[smem:$0x7EB] =	sst s20;
	s28 =	sor.u32 s2, s26;
	s20 =	sor.u32 $0x3080, s17;
	v20 =	vld [tilespmem:s25+$0x0]  }
0x47: {  	[dreg:$0x14] =	wrdreg s5;
	s5 =	sor.u32 $0x1100, s17;
	v21 =	vld [tilespmem:s28+$0x0];
	s21 =	sor.u32 s2, s20  }
0x48: {  	s6 =	sshll.u32 s1, $0x5;
	s11 =	sor.u32 $0x2000, s17;
	s12 =	sor.u32 s2, s5;
	v25 =	vld [tilespmem:s21+$0x0]  }
0x49: {  	s0 =	sadd.s32 s6, s7;
	s19 =	sor.u32 s2, s11;
	v11 =	vld [tilespmem:s12+$0x0]  }
0x4a: {  	s6 =	sor.u32 $0x1180, s17;
	s1 =	sor.u32 $0x300, s0;
	v17 =	vld [tilespmem:s19+$0x0]  }
0x4b: {  	s8 =	rddreg [dreg:$0x11];
	s7 =	sor.u32 $0x1200, s17;
	s13 =	sor.u32 s2, s6;
	v7 =	vld [tilespmem:s1+$0x0]  }
0x4c: {  	[smem:$0x7E9] =	sst s0;
	s0 =	sor.u32 s8, s3;
	s14 =	sor.u32 s2, s7;
	v12 =	vld [tilespmem:s13+$0x0]  }
0x4d: {  	s8 =	sor.u32 $0x1280, s17;
	s0 =	sor.u32 $0x380, s0;
	v13 =	vld [tilespmem:s14+$0x0]  }
0x4e: {  	s31 =	sor.u32 $0x2280, s17;
	v0 =	vor.u32 s10, v32;
	s15 =	sor.u32 s2, s8;
	v8 =	vld [tilespmem:s0+$0x0];
	vm0 =	vgt.f32 v2, v1;
	v1 =	vmax.f32 v1, v2  }
0x4f: {  	s12 =	sor.u32 s2, s31;
	[dreg:$0x13] =	wrdreg s1;
	s1 =	sor.u32 $0x1000, s17;
	v14 =	vld [tilespmem:s15+$0x0];
	vm13 =	vgt.f32 v6, v5;
	v5 =	vmax.f32 v5, v6;
	v38 =	vsel vm0, $0x1, v53  }
0x50: {  	s18 =	sor.u32 $0x3000, s17;
	v22 =	vld [tilespmem:s12+$0x0];
	s9 =	sor.u32 s2, s1;
	vm12 =	vgt.f32 v4, v3;
	v3 =	vmax.f32 v3, v4;
	v48 =	vsel vm13, $0x5, v55  }
0x51: {  	[smem:$0x7EC] =	sst s22;
	s22 =	sor.u32 $0x3100, s17;
	s19 =	sor.u32 s2, s18;
	v9 =	vld [tilespmem:s9+$0x0];
	vm13 =	vgt.f32 v20, v19;
	v47 =	vsel vm12, $0x3, v54;
	vm15 =	vgt.f32 v3, v1  }
0x52: {  	[smem:$0x7ED] =	sst s24;
	s24 =	sor.u32 $0x3180, s17;
	[tilespmem:$0x1FF90] =	vst v0;
	s23 =	sor.u32 s2, s22;
	v0 =	vld [tilespmem:s19+$0x0];
	v1 =	vmax.f32 v1, v3;
	v4 =	vsel vm15, v47, v38;
	vm12 =	vgt.f32 v18, v17  }
0x53: {  	[smem:$0x7EE] =	sst s26;
	s26 =	sor.u32 $0x3200, s17;
	s25 =	sor.u32 s2, s24;
	v26 =	vld [tilespmem:s23+$0x0];
	vm6 =	vgt.f32 v12, v11;
	v55 =	vmax.f32 v11, v12;
	vm14 =	vgt.f32 v8, v7  }
0x54: {  	s28 =	sor.u32 s2, s26;
	v27 =	vld [tilespmem:s25+$0x0];
	s9 =	sor.u32 $0x1300, s17;
	v7 =	vmax.f32 v7, v8;
	v56 =	vsel vm6, $0xB, v35;
	vm7 =	vgt.f32 v14, v13  }
0x55: {  	[dreg:$0x19] =	wrdreg s24;
	s24 =	sor.u32 $0x4200, s17;
	v28 =	vld [tilespmem:s28+$0x0];
	s16 =	sor.u32 s2, s9;
	v60 =	vmax.f32 v13, v14;
	v49 =	vsel vm14, $0x7, v33;
	vm1 =	vgt.f32 v7, v5  }
0x56: {  	[smem:$0x7EF] =	sst s31;
	s25 =	sor.u32 s2, s24;
	s31 =	sor.u32 $0x3280, s17;
	v15 =	vld [tilespmem:s16+$0x0];
	v50 =	vmax.f32 v5, v7;
	vm5 =	vgt.f32 v10, v9;
	v53 =	vmax.f32 v9, v10  }
0x57: {  	[dreg:$0x15] =	wrdreg s10;
	v30 =	vld [tilespmem:s25+$0x0];
	s13 =	sor.u32 $0x2300, s17;
	s10 =	sor.u32 s2, s31;
	v62 =	vsel vm7, $0xD, v36;
	vm14 =	vgt.f32 v22, v21;
	vm7 =	vgt.f32 v25, v0  }
0x58: {  	s14 =	sor.u32 s2, s13;
	s15 =	sor.u32 $0x2380, s17;
	v29 =	vld [tilespmem:s10+$0x0];
	v0 =	vmax.f32 v0, v25;
	v25 =	vimm.s32 $0x24;
	v6 =	vsel vm1, v49, v48  }
0x59: {  	[dreg:$0x16] =	wrdreg s20;
	s20 =	sor.u32 $0x4100, s17;
	v23 =	vld [tilespmem:s14+$0x0];
	s16 =	sor.u32 s2, s15;
	vm4 =	vgt.f32 v50, v1;
	v2 =	vmax.f32 v1, v50;
	v54 =	vsel vm5, $0x9, v34  }
0x5a: {  	s21 =	sor.u32 s2, s20;
	[dreg:$0x1a] =	wrdreg s15;
	s15 =	sor.u32 $0x4000, s17;
	v24 =	vld [tilespmem:s16+$0x0];
	vm9 =	vgt.f32 v55, v53;
	v50 =	vmax.f32 v17, v18;
	v49 =	vsel vm4, v6, v4  }
0x5b: {  	[dreg:$0x17] =	wrdreg s18;
	s18 =	sor.u32 $0x4080, s17;
	s16 =	sor.u32 s2, s15;
	v11 =	vld [tilespmem:s21+$0x0];
	vm8 =	vgt.f32 v16, v15;
	v15 =	vmax.f32 v15, v16;
	v4 =	vmax.f32 v53, v55  }
0x5c: {  	[dreg:$0x18] =	wrdreg s22;
	s22 =	sor.u32 $0x4180, s17;
	s19 =	sor.u32 s2, s18;
	v3 =	vld [tilespmem:s16+$0x0];
	v6 =	vsel vm9, v56, v54;
	v53 =	vsel vm12, $0x11, v39;
	v54 =	vmax.f32 v19, v20  }
0x5d: {  	[dreg:$0x1b] =	wrdreg s26;
	s26 =	sor.u32 $0x4280, s17;
	s23 =	sor.u32 s2, s22;
	v8 =	vld [tilespmem:s19+$0x0];
	v55 =	vsel vm13, $0x13, v40;
	v56 =	vmax.f32 v21, v22;
	vm9 =	vgt.f32 v29, v28  }
0x5e: {  	[smem:$0x7EA] =	sst s11;
	s11 =	sor.u32 $0x3300, s17;
	s28 =	sor.u32 s2, s26;
	v14 =	vld [tilespmem:s23+$0x0];
	v1 =	vsel vm8, $0xF, v37;
	vm10 =	vgt.f32 v15, v60;
	v38 =	vmax.f32 v60, v15  }
0x5f: {  	s12 =	sor.u32 s2, s11;
	[dreg:$0x1d] =	wrdreg s13;
	s13 =	sor.u32 $0x3380, s17;
	v12 =	vld [tilespmem:s28+$0x0];
	v60 =	vsel vm14, $0x15, v41;
	vm15 =	vgt.f32 v24, v23;
	vm4 =	vgt.f32 v54, v50  }
0x60: {  	[dreg:$0x1c] =	wrdreg s31;
	s31 =	sor.u32 $0x4300, s17;
	s14 =	sor.u32 s2, s13;
	v5 =	vld [tilespmem:s12+$0x0];
	vm8 =	vgt.f32 v27, v26;
	v47 =	vsel vm10, v1, v62;
	vm11 =	vgt.f32 v38, v4  }
0x61: {  	s10 =	sor.u32 s2, s31;
	[dreg:$0x1f] =	wrdreg s13;
	s13 =	sor.u32 $0x5000, s17;
	v7 =	vld [tilespmem:s14+$0x0];
	v31 =	vmax.f32 v4, v38;
	v62 =	vmax.f32 v23, v24;
	v1 =	vsel vm15, $0x17, v42  }
0x62: {  	[smem:$0x7F0] =	sst s15;
	s15 =	sor.u32 $0x5080, s17;
	v13 =	vld [tilespmem:s10+$0x0];
	s14 =	sor.u32 s2, s13;
	v9 =	vsel vm4, v55, v53;
	v38 =	vsel vm7, $0x19, v43;
	v53 =	vmax.f32 v28, v29  }
0x63: {  	[smem:$0x7F3] =	sst s22;
	s22 =	sor.u32 $0x5200, s17;
	s16 =	sor.u32 s2, s15;
	v10 =	vld [tilespmem:s14+$0x0];
	vm14 =	vgt.f32 v8, v3;
	v3 =	vmax.f32 v3, v8;
	vm15 =	vgt.f32 v14, v11  }
0x64: {  	[smem:$0x7F1] =	sst s18;
	s18 =	sor.u32 $0x5100, s17;
	s23 =	sor.u32 s2, s22;
	v17 =	vld [tilespmem:s16+$0x0];
	vm4 =	vgt.f32 v12, v30;
	v12 =	vmax.f32 v30, v12;
	v48 =	vsel vm11, v47, v6  }
0x65: {  	[smem:$0x7F4] =	sst s24;
	s24 =	sor.u32 $0x5280, s17;
	s19 =	sor.u32 s2, s18;
	v18 =	vld [tilespmem:s23+$0x0];
	v6 =	vmax.f32 v50, v54;
	vm5 =	vgt.f32 v62, v56;
	v21 =	vmax.f32 v56, v62  }
0x66: {  	s25 =	sor.u32 s2, s24;
	s28 =	sor.u32 $0x5380, s17;
	v20 =	vld [tilespmem:s19+$0x0];
	v50 =	vsel vm8, $0x1B, v44;
	v54 =	vsel vm9, $0x1D, v45;
	vm10 =	vgt.f32 v7, v5  }
0x67: {  	[smem:$0x7F2] =	sst s20;
	s10 =	sor.u32 s2, s28;
	s23 =	sor.u32 $0x6180, s17;
	v19 =	vld [tilespmem:s25+$0x0];
	v5 =	vmax.f32 v5, v7;
	v56 =	vsel vm14, $0x21, v51;
	v62 =	vsel vm15, $0x23, v52  }
0x68: {  	[dreg:$0x1e] =	wrdreg s11;
	s11 =	sor.u32 $0x4380, s17;
	s14 =	sor.u32 s2, s23;
	v15 =	vld [tilespmem:s10+$0x0];
	v28 =	vsel vm4, $0x25, v25;
	v22 =	vsel vm5, v1, v60;
	vm6 =	vgt.f32 v21, v6  }
0x69: {  	[smem:$0x7F5] =	sst s26;
	s20 =	sor.u32 $0x5180, s17;
	s12 =	sor.u32 s2, s11;
	v16 =	vld [tilespmem:s14+$0x0];
	[tilespmem:$0x1FE50] =	vst v48;
	v47 =	vmax.f32 v6, v21;
	v48 =	vmax.f32 v26, v27;
	v55 =	vsel vm10, $0x1F, v46  }
0x6a: {  	[smem:$0x7F6] =	sst s31;
	s31 =	sor.u32 $0x5300, s17;
	s21 =	sor.u32 s2, s20;
	v4 =	vld [tilespmem:s12+$0x0];
	vm12 =	vgt.f32 v5, v53;
	v5 =	vmax.f32 v53, v5;
	v60 =	vmax.f32 v11, v14  }
0x6b: {  	[smem:$0x7FC] =	sst s22;
	s26 =	sor.u32 s2, s31;
	s25 =	sor.u32 $0x6080, s17;
	v23 =	vld [tilespmem:s21+$0x0];
	vm9 =	vgt.f32 v17, v10;
	v53 =	vmax.f32 v10, v17;
	v1 =	vimm.s32 $0x3E  }
0x6c: {  	[smem:$0x7FD] =	sst s24;
	s24 =	sor.u32 $0x6100, s17;
	s12 =	sor.u32 s2, s25;
	v6 =	vld [tilespmem:s26+$0x0];
	v24 =	vsel vm6, v22, v9;
	vm11 =	vgt.f32 v48, v0;
	v0 =	vmax.f32 v0, v48  }
0x6d: {  	[smem:$0x7F8] =	sst s13;
	s22 =	sor.u32 $0x6200, s17;
	s13 =	sor.u32 s2, s24;
	v26 =	vld [tilespmem:s12+$0x0];
	v7 =	vsel vm12, v55, v54;
	vm6 =	vgt.f32 v60, v3;
	v3 =	vmax.f32 v3, v60  }
0x6e: {  	[smem:$0x7F9] =	sst s15;
	s15 =	sor.u32 s2, s22;
	s19 =	sor.u32 $0x6380, s17;
	v27 =	vld [tilespmem:s13+$0x0];
	v54 =	vsel vm9, $0x29, v58;
	v58 =	vimm.s32 $0x2C;
	v48 =	vimm.s32 $0x34  }
0x6f: {  	s10 =	sor.u32 s2, s19;
	s26 =	sor.u32 $0x6000, s17;
	v21 =	vld [tilespmem:s15+$0x0];
	v9 =	vsel vm11, v50, v38;
	vm13 =	vgt.f32 v5, v0;
	v50 =	vmax.f32 v0, v5  }
0x70: {  	[smem:$0x7F7] =	sst s11;
	s21 =	sor.u32 $0x6280, s17;
	v11 =	vld [tilespmem:s10+$0x0];
	s11 =	sor.u32 s2, s26;
	v5 =	vsel vm6, v62, v56;
	vm11 =	vgt.f32 v19, v18;
	v38 =	vsel vm13, v7, v9  }
0x71: {  	s16 =	sor.u32 s2, s21;
	s15 =	sor.u32 $0x7100, s17;
	v22 =	vld [tilespmem:s11+$0x0];
	vm5 =	vgt.f32 v4, v13;
	v4 =	vmax.f32 v13, v4;
	vm10 =	vgt.f32 v23, v20  }
0x72: {  	[smem:$0x7FB] =	sst s20;
	s20 =	sor.u32 $0x6300, s17;
	s13 =	sor.u32 s2, s15;
	v0 =	vld [tilespmem:s16+$0x0];
	v55 =	vmax.f32 v20, v23;
	v23 =	vimm.s32 $0x30;
	v29 =	vsel vm5, $0x27, v57  }
0x73: {  	[smem:$0x7FA] =	sst s18;
	s18 =	sor.u32 s2, s20;
	s16 =	sor.u32 $0x7080, s17;
	v8 =	vld [tilespmem:s13+$0x0];
	vm7 =	vgt.f32 v4, v12;
	v4 =	vmax.f32 v12, v4;
	v56 =	vsel vm10, $0x2B, v59  }
0x74: {  	s14 =	sor.u32 $0x7180, s17;
	v7 =	vld [tilespmem:s18+$0x0];
	s12 =	sor.u32 s2, s16;
	v57 =	vmax.f32 v18, v19;
	v59 =	vsel vm11, $0x2D, v58;
	vm13 =	vgt.f32 v55, v53  }
0x75: {  	s10 =	sor.u32 s2, s14;
	s18 =	sor.u32 $0x7000, s17;
	v25 =	vld [tilespmem:s12+$0x0];
	v30 =	vsel vm7, v29, v28;
	vm8 =	vgt.f32 v4, v3;
	v51 =	vmax.f32 v3, v4  }
0x76: {  	s13 =	sor.u32 $0x7200, s17;
	s11 =	sor.u32 s2, s18;
	v12 =	vld [tilespmem:s10+$0x0];
	vm12 =	vgt.f32 v15, v6;
	v6 =	vmax.f32 v6, v15;
	v4 =	vmax.f32 v53, v55  }
0x77: {  	[tilespmem:$0x1FE60] =	vst v24;
	s12 =	sor.u32 $0x7280, s17;
	v24 =	vld [tilespmem:s11+$0x0];
	s11 =	sor.u32 s2, s13;
	vm5 =	vgt.f32 v16, v27;
	v16 =	vmax.f32 v27, v16;
	v29 =	vimm.s32 $0x36  }
0x78: {  	s10 =	sor.u32 s2, s12;
	v28 =	vimm.s32 $0x38;
	v52 =	vsel vm8, v30, v5;
	v3 =	vld [tilespmem:s11+$0x0];
	s11 =	sor.u32 $0x7300, s17;
	v60 =	vsel vm12, $0x2F, v61  }
0x79: {  	[dreg:$0x12] =	wrdreg s0;
	v9 =	vld [tilespmem:s10+$0x0];
	s10 =	sor.u32 $0x7380, s17;
	vm14 =	vgt.f32 v6, v57;
	v6 =	vmax.f32 v57, v6;
	v5 =	vsel vm13, v56, v54;
	s0 =	sor.u32 s2, s11  }
0x7a: {  	v55 =	vsel vm5, $0x33, v63;
	v61 =	vsel vm14, v60, v59;
	vm15 =	vgt.f32 v6, v4;
	v14 =	vld [tilespmem:s0+$0x0];
	s0 =	sor.u32 $0x10, s2;
	s2 =	sor.u32 s2, s10  }
0x7b: {  	v54 =	vmax.f32 v4, v6;
	vm4 =	vgt.f32 v26, v22;
	v62 =	vmax.f32 v22, v26;
	v19 =	vld [tilespmem:s2+$0x0];
	s1 =	sor.u32 s0, s1  }
0x7c: {  	vm6 =	vgt.f32 v0, v21;
	v0 =	vmax.f32 v21, v0;
	v53 =	vsel vm15, v61, v5;
	s4 =	sor.u32 s0, s4;
	v20 =	vld [tilespmem:s1+$0x0]  }
0x7d: {  	v26 =	vsel vm4, $0x31, v23;
	v56 =	vsel vm6, $0x35, v48;
	vm7 =	vgt.f32 v11, v7;
	s5 =	sor.u32 s0, s5;
	v10 =	vld [tilespmem:s4+$0x0]  }
0x7e: {  	v7 =	vmax.f32 v7, v11;
	vm8 =	vgt.f32 v16, v62;
	v5 =	vmax.f32 v62, v16;
	s6 =	sor.u32 s0, s6;
	v15 =	vld [tilespmem:s5+$0x0]  }
0x7f: {  	s7 =	sor.u32 s0, s7;
	v57 =	vsel vm7, $0x37, v29;
	vm9 =	vgt.f32 v7, v0;
	v0 =	vmax.f32 v0, v7;
	v4 =	vld [tilespmem:s6+$0x0]  }
0x80: {  	s17 =	sor.u32 s17, s0;
	v6 =	vsel vm8, v55, v26;
	vm12 =	vgt.f32 v12, v8;
	v8 =	vmax.f32 v8, v12;
	v13 =	vld [tilespmem:s7+$0x0]  }
0x81: {  	v26 =	vimm.s32 $0x3A;
	v7 =	vld [tilespmem:s17+$0x0];
	v11 =	vsel vm9, v57, v56;
	vm10 =	vgt.f32 v0, v5  }
0x82: {  	v16 =	vld [tilespmem:s17+$0x80];
	v55 =	vmax.f32 v5, v0;
	vm11 =	vgt.f32 v25, v24;
	v58 =	vmax.f32 v24, v25  }
0x83: {  	v63 =	vsel vm12, $0x3B, v26;
	v17 =	vld [tilespmem:s17+$0x200];
	v25 =	vimm.s32 $0x3C;
	v24 =	vimm.s32 $0x26  }
0x84: {  	s8 =	sor.u32 s0, s8;
	s4 =	sld [smem:$0x7E9];
	v30 =	vld [tilespmem:s17+$0x280];
	v56 =	vsel vm10, v11, v6;
	v59 =	vsel vm11, $0x39, v28;
	vm13 =	vgt.f32 v9, v3  }
0x85: {  	v18 =	vld [tilespmem:s8+$0x0];
	v3 =	vmax.f32 v3, v9;
	vm15 =	vgt.f32 v8, v58;
	v5 =	vmax.f32 v58, v8  }
0x86: {  	v0 =	vld [tilespmem:s17+$0x100];
	v27 =	vsel vm13, $0x3D, v25;
	v6 =	vsel vm15, v63, v59;
	vm14 =	vgt.f32 v19, v14  }
0x87: {  	s2 =	smov.u32 s3;
	s3 =	sor.u32 s0, s9;
	v11 =	vld [tilespmem:s17+$0x180];
	s1 =	sadd.s32 $0x10, s4;
	v14 =	vmax.f32 v14, v19;
	v19 =	vimm.s32 $0x2;
	v60 =	vsel vm14, $0x3F, v1  }
0x88: {  	v22 =	vld [tilespmem:s3+$0x0];
	s6 =	sld [smem:$0x7EA];
	s7 =	sor.u32 $0x300, s1;
	vm4 =	vgt.f32 v14, v3;
	v3 =	vmax.f32 v3, v14;
	vm6 =	vgt.f32 v16, v7  }
0x89: {  	s9 =	sld [smem:$0x7EB];
	s8 =	sor.u32 $0x380, s1;
	v61 =	vld [tilespmem:s7+$0x0];
	v63 =	vmax.f32 v7, v16;
	v16 =	vimm.s32 $0x0;
	vm8 =	vgt.f32 v30, v17  }
0x8a: {  	s5 =	sor.u32 s0, s30;
	s30 =	sld [smem:$0x7EC];
	v62 =	vld [tilespmem:s8+$0x0];
	vm13 =	vgt.f32 v10, v20;
	vm14 =	vgt.f32 v4, v15;
	v4 =	vmax.f32 v15, v4  }
0x8b: {  	s3 =	sld [smem:$0x7ED];
	s1 =	sor.u32 s0, s6;
	v14 =	vld [tilespmem:s5+$0x0];
	vm15 =	vgt.f32 v18, v13;
	v13 =	vmax.f32 v13, v18;
	v9 =	vsel vm4, v60, v27  }
0x8c: {  	s4 =	sld [smem:$0x7EE];
	v12 =	vld [tilespmem:s1+$0x0];
	s1 =	sor.u32 s0, s9;
	vm5 =	vgt.f32 v3, v5;
	v58 =	vmax.f32 v5, v3;
	vm7 =	vgt.f32 v11, v0  }
0x8d: {  	s5 =	sld [smem:$0x7EF];
	v3 =	vld [tilespmem:s1+$0x0];
	s1 =	sor.u32 s0, s30;
	v0 =	vmax.f32 v0, v11;
	v27 =	vmax.f32 v17, v30;
	v30 =	vimm.s32 $0x4  }
0x8e: {  	s6 =	rddreg [dreg:$0x1d];
	v57 =	vsel vm5, v9, v6;
	v6 =	vsel vm6, $0x1, v16;
	v7 =	vld [tilespmem:s1+$0x0];
	v9 =	vsel vm7, $0x3, v19;
	s1 =	sor.u32 s0, s3  }
0x8f: {  	s9 =	rddreg [dreg:$0x1a];
	v17 =	vsel vm8, $0x5, v30;
	vm10 =	vgt.f32 v0, v63;
	v0 =	vmax.f32 v63, v0;
	v11 =	vld [tilespmem:s1+$0x0];
	s1 =	sor.u32 s0, s4  }
0x90: {  	s30 =	rddreg [dreg:$0x17];
	v30 =	vimm.s32 $0x2C;
	v63 =	vsel vm13, $0x9, v34;
	v34 =	vsel vm15, $0xD, v36;
	v19 =	vld [tilespmem:s1+$0x0];
	s1 =	sor.u32 s0, s5  }
0x91: {  	s3 =	rddreg [dreg:$0x16];
	v6 =	vsel vm10, v9, v6;
	vm9 =	vgt.f32 v62, v61;
	v8 =	vmax.f32 v61, v62;
	v23 =	vld [tilespmem:s1+$0x0];
	s1 =	sor.u32 s0, s6  }
0x92: {  	s4 =	rddreg [dreg:$0x18];
	v62 =	vmax.f32 v20, v10;
	vm11 =	vgt.f32 v8, v27;
	v60 =	vmax.f32 v27, v8;
	v8 =	vld [tilespmem:s1+$0x0];
	s1 =	sor.u32 s0, s9  }
0x93: {  	s5 =	rddreg [dreg:$0x19];
	vm4 =	vgt.f32 v14, v22;
	v14 =	vmax.f32 v22, v14;
	v59 =	vsel vm9, $0x7, v33;
	v16 =	vld [tilespmem:s1+$0x0];
	s1 =	sor.u32 s0, s30  }
0x94: {  	s6 =	rddreg [dreg:$0x1b];
	v27 =	vimm.s32 $0x2A;
	v33 =	vsel vm14, $0xB, v35;
	v35 =	vsel vm4, $0xF, v37;
	v5 =	vld [tilespmem:s1+$0x0];
	s1 =	sor.u32 s0, s3  }
0x95: {  	vm5 =	vgt.f32 v4, v62;
	vm6 =	vgt.f32 v14, v13;
	v36 =	vmax.f32 v13, v14;
	s9 =	rddreg [dreg:$0x1c];
	v9 =	vld [tilespmem:s1+$0x0];
	s1 =	sor.u32 s0, s4  }
0x96: {  	vm8 =	vgt.f32 v3, v12;
	v61 =	vsel vm11, v59, v17;
	vm12 =	vgt.f32 v60, v0;
	s30 =	rddreg [dreg:$0x1e];
	v15 =	vld [tilespmem:s1+$0x0];
	s1 =	sor.u32 s0, s5  }
0x97: {  	v59 =	vmax.f32 v0, v60;
	v0 =	vmax.f32 v62, v4;
	v37 =	vsel vm6, v35, v34;
	s3 =	rddreg [dreg:$0x1f];
	v18 =	vld [tilespmem:s1+$0x0];
	s1 =	sor.u32 s0, s6  }
0x98: {  	v34 =	vimm.s32 $0x30;
	v60 =	vsel vm12, v61, v6;
	v6 =	vsel vm5, v33, v63;
	s4 =	sld [smem:$0x7F0];
	v21 =	vld [tilespmem:s1+$0x0];
	s1 =	sor.u32 s0, s9  }
0x99: {  	vm7 =	vgt.f32 v36, v0;
	v33 =	vimm.s32 $0x2E;
	v61 =	vmax.f32 v0, v36;
	s5 =	sld [smem:$0x7F1];
	v13 =	vld [tilespmem:s1+$0x0];
	s1 =	sor.u32 s0, s30  }
0x9a: {  	v0 =	vmax.f32 v12, v3;
	v63 =	vsel vm8, $0x11, v39;
	vm9 =	vgt.f32 v11, v7;
	s6 =	sld [smem:$0x7F2];
	v14 =	vld [tilespmem:s1+$0x0];
	s1 =	sor.u32 s0, s3  }
0x9b: {  	v7 =	vmax.f32 v7, v11;
	v62 =	vsel vm7, v37, v6;
	v35 =	vsel vm9, $0x13, v40;
	s9 =	sld [smem:$0x7F3];
	v4 =	vld [tilespmem:s1+$0x0];
	s1 =	sor.u32 s0, s4  }
0x9c: {  	vm12 =	vgt.f32 v7, v0;
	v0 =	vmax.f32 v0, v7;
	vm10 =	vgt.f32 v23, v19;
	s30 =	sld [smem:$0x7F4];
	v6 =	vld [tilespmem:s1+$0x0];
	s1 =	sor.u32 s0, s5  }
0x9d: {  	v36 =	vmax.f32 v19, v23;
	v3 =	vsel vm12, v35, v63;
	v35 =	vimm.s32 $0x32;
	s3 =	sld [smem:$0x7F5];
	v11 =	vld [tilespmem:s1+$0x0];
	s1 =	sor.u32 s0, s6  }
0x9e: {  	v37 =	vsel vm10, $0x15, v41;
	vm11 =	vgt.f32 v16, v8;
	v8 =	vmax.f32 v8, v16;
	s4 =	sld [smem:$0x7F6];
	v19 =	vld [tilespmem:s1+$0x0];
	s1 =	sor.u32 s0, s9  }
0x9f: {  	v39 =	vsel vm11, $0x17, v42;
	vm13 =	vgt.f32 v8, v36;
	v40 =	vmax.f32 v36, v8;
	s5 =	sld [smem:$0x7F7];
	v20 =	vld [tilespmem:s1+$0x0];
	s1 =	sor.u32 s0, s30  }
0xa0: {  	v41 =	vsel vm13, v39, v37;
	vm14 =	vgt.f32 v40, v0;
	v63 =	vmax.f32 v0, v40;
	s6 =	sld [smem:$0x7F8];
	v8 =	vld [tilespmem:s1+$0x0];
	s1 =	sor.u32 s0, s3  }
0xa1: {  	vm15 =	vgt.f32 v9, v5;
	v5 =	vmax.f32 v5, v9;
	v39 =	vimm.s32 $0x20;
	v12 =	vld [tilespmem:s1+$0x0];
	s1 =	sor.u32 s0, s4  }
0xa2: {  	v0 =	vsel vm14, v41, v3;
	v42 =	vsel vm15, $0x19, v43;
	vm4 =	vgt.f32 v18, v15;
	v3 =	vld [tilespmem:s1+$0x0];
	s1 =	sor.u32 s0, s5  }
0xa3: {  	v41 =	vimm.s32 $0x22;
	v43 =	vmax.f32 v15, v18;
	v44 =	vsel vm4, $0x1B, v44;
	s9 =	sld [smem:$0x7F9];
	v9 =	vld [tilespmem:s1+$0x0];
	s1 =	sor.u32 s0, s6  }
0xa4: {  	vm7 =	vgt.f32 v43, v5;
	v5 =	vmax.f32 v5, v43;
	vm5 =	vgt.f32 v13, v21;
	s6 =	sor.u32 s0, s31;
	v16 =	vld [tilespmem:s1+$0x0]  }
0xa5: {  	s26 =	sor.u32 s0, s26;
	v13 =	vmax.f32 v21, v13;
	vm10 =	vgt.f32 v11, v6;
	v6 =	vmax.f32 v6, v11;
	v11 =	vld [tilespmem:s6+$0x0]  }
0xa6: {  	v7 =	vsel vm7, v44, v42;
	s30 =	sld [smem:$0x7FA];
	s1 =	sor.u32 s0, s9;
	vm11 =	vgt.f32 v20, v19;
	v40 =	vmax.f32 v19, v20;
	v20 =	vld [tilespmem:s26+$0x0]  }
0xa7: {  	v45 =	vsel vm5, $0x1D, v45;
	vm6 =	vgt.f32 v4, v14;
	v4 =	vmax.f32 v14, v4;
	s9 =	sor.u32 s0, s28;
	v18 =	vld [tilespmem:s1+$0x0]  }
0xa8: {  	v36 =	vsel vm6, $0x1F, v46;
	vm8 =	vgt.f32 v4, v13;
	v4 =	vmax.f32 v13, v4;
	s28 =	sor.u32 s0, s25;
	v42 =	vld [tilespmem:s9+$0x0]  }
0xa9: {  	v43 =	vimm.s32 $0x24;
	s3 =	sld [smem:$0x7FB];
	v37 =	vsel vm8, v36, v45;
	vm9 =	vgt.f32 v4, v5;
	s1 =	sor.u32 s0, s30;
	v22 =	vld [tilespmem:s28+$0x0]  }
0xaa: {  	v4 =	vmax.f32 v5, v4;
	v36 =	vimm.s32 $0x28;
	v5 =	vsel vm9, v37, v7;
	s30 =	sor.u32 s0, s24;
	v21 =	vld [tilespmem:s1+$0x0]  }
0xab: {  	s4 =	sld [smem:$0x7FC];
	v7 =	vsel vm10, $0x21, v39;
	v17 =	vsel vm11, $0x23, v41;
	vm14 =	vgt.f32 v40, v6;
	s9 =	sor.u32 s0, s18;
	v15 =	vld [tilespmem:s30+$0x0]  }
0xac: {  	s5 =	sld [smem:$0x7FD];
	v6 =	vmax.f32 v6, v40;
	s1 =	sor.u32 s0, s3;
	vm12 =	vgt.f32 v12, v8;
	v8 =	vmax.f32 v8, v12;
	v23 =	vld [tilespmem:s9+$0x0]  }
0xad: {  	s18 =	sor.u32 s0, s16;
	v10 =	vld [tilespmem:s1+$0x0];
	v12 =	vsel vm12, $0x25, v43;
	vm13 =	vgt.f32 v9, v3;
	v3 =	vmax.f32 v3, v9  }
0xae: {  	s1 =	sor.u32 s0, s4;
	v43 =	vld [tilespmem:s18+$0x0];
	v44 =	vsel vm13, $0x27, v24;
	vm15 =	vgt.f32 v3, v8;
	v3 =	vmax.f32 v8, v3  }
0xaf: {  	v7 =	vsel vm14, v17, v7;
	v14 =	vld [tilespmem:s1+$0x0];
	s1 =	sor.u32 s0, s5;
	v45 =	vsel vm15, v44, v12;
	vm4 =	vgt.f32 v3, v6  }
0xb0: {  	s4 =	sor.u32 s0, s21;
	v13 =	vld [tilespmem:s1+$0x0];
	v6 =	vmax.f32 v6, v3;
	vm5 =	vgt.f32 v18, v16;
	v46 =	vmax.f32 v16, v18  }
0xb1: {  	s31 =	sor.u32 s0, s23;
	v37 =	vld [tilespmem:s4+$0x0];
	vm8 =	vgt.f32 v42, v11;
	v11 =	vmax.f32 v11, v42;
	vm12 =	vgt.f32 v22, v20  }
0xb2: {  	s3 =	sor.u32 s0, s22;
	v12 =	vld [tilespmem:s31+$0x0];
	v7 =	vsel vm4, v45, v7;
	v9 =	vsel vm5, $0x29, v36;
	v41 =	vsel vm8, $0x2F, v33  }
0xb3: {  	v3 =	vld [tilespmem:s3+$0x0];
	v33 =	vsel vm12, $0x31, v34;
	vm6 =	vgt.f32 v10, v21;
	v10 =	vmax.f32 v21, v10  }
0xb4: {  	s21 =	sor.u32 s0, s13;
	v24 =	vsel vm6, $0x2B, v27;
	vm9 =	vgt.f32 v10, v46;
	v8 =	vmax.f32 v46, v10  }
0xb5: {  	s22 =	sor.u32 s0, s12;
	v34 =	vld [tilespmem:s21+$0x0];
	vm7 =	vgt.f32 v13, v14;
	v13 =	vmax.f32 v14, v13;
	v9 =	vsel vm9, v24, v9  }
0xb6: {  	v36 =	vld [tilespmem:s22+$0x0];
	v39 =	vsel vm7, $0x2D, v30;
	vm10 =	vgt.f32 v11, v13;
	v42 =	vmax.f32 v13, v11  }
0xb7: {  	s6 =	sor.u32 s0, s19;
	v30 =	vmax.f32 v20, v22;
	vm13 =	vgt.f32 v12, v15;
	v12 =	vmax.f32 v15, v12  }
0xb8: {  	s19 =	sor.u32 s0, s15;
	v40 =	vld [tilespmem:s6+$0x0];
	vm14 =	vgt.f32 v37, v3;
	v3 =	vmax.f32 v3, v37;
	vm7 =	vgt.f32 v43, v23  }
0xb9: {  	s5 =	sor.u32 s0, s20;
	v45 =	vld [tilespmem:s19+$0x0];
	v43 =	vmax.f32 v23, v43;
	v44 =	vsel vm10, v41, v39;
	vm11 =	vgt.f32 v42, v8  }
0xba: {  	s20 =	sor.u32 s0, s14;
	v27 =	vld [tilespmem:s5+$0x0];
	v8 =	vmax.f32 v8, v42;
	v35 =	vsel vm13, $0x33, v35;
	v37 =	vsel vm14, $0x35, v48  }
0xbb: {  	v46 =	vld [tilespmem:s20+$0x0];
	vm4 =	vgt.f32 v12, v30;
	v10 =	vmax.f32 v30, v12;
	vm9 =	vgt.f32 v36, v34  }
0xbc: {  	v48 =	vmax.f32 v34, v36;
	vm14 =	vgt.f32 v31, v2;
	v30 =	vmax.f32 v63, v4  }
0xbd: {  	v9 =	vsel vm11, v44, v9;
	v11 =	vsel vm4, v35, v33;
	v44 =	vsel vm7, $0x39, v28  }
0xbe: {  	v21 =	vsel vm9, $0x3D, v25;
	vm4 =	vgt.f32 v54, v51;
	vm9 =	vgt.f32 v61, v59  }
0xbf: {  	s23 =	sor.u32 s0, s11;
	v35 =	vmax.f32 v6, v8;
	vm15 =	vgt.f32 v40, v27;
	v18 =	vmax.f32 v27, v40  }
0xc0: {  	s0 =	sor.u32 s0, s10;
	v39 =	vld [tilespmem:s23+$0x0];
	vm8 =	vgt.f32 v46, v45;
	v45 =	vmax.f32 v45, v46;
	v28 =	vsel vm9, v62, v60  }
0xc1: {  	v41 =	vld [tilespmem:s0+$0x0];
	v40 =	vsel vm15, $0x37, v29;
	vm5 =	vgt.f32 v18, v3;
	v3 =	vmax.f32 v3, v18  }
0xc2: {  	v46 =	vsel vm8, $0x3B, v26;
	vm11 =	vgt.f32 v45, v43;
	v26 =	vmax.f32 v2, v31  }
0xc3: {  	vm15 =	vgt.f32 v50, v47;
	v42 =	vsel vm5, v40, v37;
	vm6 =	vgt.f32 v3, v10  }
0xc4: {  	v10 =	vmax.f32 v10, v3;
	v3 =	vmax.f32 v43, v45;
	v12 =	vsel vm11, v46, v44  }
0xc5: {  	v33 =	vld [tilespmem:$0x1FE60];
	v37 =	vmax.f32 v47, v50;
	v40 =	vmax.f32 v51, v54;
	vm5 =	vgt.f32 v58, v55  }
0xc6: {  	vm11 =	vgt.f32 v8, v6;
	v11 =	vsel vm6, v42, v11;
	vm10 =	vgt.f32 v41, v39  }
0xc7: {  	v29 =	vld [tilespmem:$0x1FE50];
	v22 =	vmax.f32 v39, v41;
	v41 =	vsel vm4, v53, v52;
	v42 =	vmax.f32 v55, v58  }
0xc8: {  	v43 =	vsel vm5, v57, v56;
	vm6 =	vgt.f32 v37, v26;
	v44 =	vmax.f32 v26, v37  }
0xc9: {  	v23 =	vsel vm10, $0x3F, v1;
	vm12 =	vgt.f32 v22, v48;
	v24 =	vmax.f32 v48, v22  }
0xca: {  	v39 =	vsel vm15, v38, v33;
	vm7 =	vgt.f32 v42, v40;
	v45 =	vmax.f32 v40, v42  }
0xcb: {  	v1 =	vmax.f32 v59, v61;
	vm10 =	vgt.f32 v4, v63;
	v40 =	vsel vm11, v9, v7  }
0xcc: {  	v37 =	vld [tilespmem:$0x1FF90];
	v25 =	vsel vm12, v23, v21;
	vm13 =	vgt.f32 v24, v3;
	v36 =	vsel vm14, v29, v49  }
0xcd: {  	v48 =	vsel vm7, v43, v41;
	vm8 =	vgt.f32 v45, v44;
	v46 =	vsel vm6, v39, v36  }
0xce: {  	v13 =	vmax.f32 v3, v24;
	v34 =	vsel vm10, v5, v0;
	v3 =	vsel vm8, v48, v46  }
0xcf: {  	[tilespmem:$0x1FE70] =	vst v45;
	v45 =	vmax.f32 v1, v30;
	v14 =	vsel vm13, v25, v12;
	v23 =	vand.u32 $0xFFFFFFF8, v3  }
0xd0: {  	vm12 =	vgt.f32 v13, v10;
	v43 =	vshll.u32 v3, $0x7;
	v42 =	vshll.u32 v23, $0x9  }
0xd1: {  	v41 =	vmax.f32 v10, v13;
	v22 =	vand.u32 $0x380, v43;
	v21 =	vor.u32 v37, v42  }
0xd2: {  	[tilespmem:$0x1FE80] =	vst v44;
	vm13 =	vgt.f32 v30, v1;
	v44 =	vsel vm12, v14, v11;
	v46 =	vor.u32 v22, v21  }
0xd3: {  	v15 =	vsel vm13, v34, v28;
	vm14 =	vgt.f32 v41, v35;
	v48 =	vmax.f32 v35, v41  }
0xd4: {  	s26 =	rddreg [dreg:$0x15];
	v20 =	vsel vm14, v44, v40;
	vm15 =	vgt.f32 v48, v45;
	v22 =	vor.u32 $0x80, v21  }
0xd5: {  	[tilespmem:s26+$0x8000] =	vst v3;
	v27 =	vsel vm15, v20, v15;
	v28 =	vor.u32 $0x100, v21  }
0xd6: {  	v34 =	vimm.f32 $-Inf;
	[tilespmem:s17+$0x8000] =	vst v27;
	v30 =	vor.u32 $0x180, v21  }
0xd7: {  	v35 =	vor.u32 $0x200, v21;
	[tilespmem:v46+s29+$0x0] =	vst.idx.msk $0xffff, v34  }
0xd8: {  	v39 =	vor.u32 $0x280, v21;
	v36 =	vld.idx.msk [tilespmem:v21+s29+$0x0], $0xffff  }
0xd9: {  	v17 =	vld.idx.msk [tilespmem:v22+s29+$0x0], $0xffff  }
0xda: {  	v15 =	vld.idx.msk [tilespmem:v28+s29+$0x0], $0xffff  }
0xdb: {  	v40 =	vimm.f32 $-Inf;
	v44 =	vimm.s32 $0x2;
	v16 =	vld.idx.msk [tilespmem:v30+s29+$0x0], $0xffff  }
0xdc: {  	[tilespmem:$0x1FEA0] =	vst v45;
	v3 =	vor.u32 $0x7, v3;
	v45 =	vimm.s32 $0x4;
	v43 =	vimm.s32 $0x0;
	v12 =	vld.idx.msk [tilespmem:v35+s29+$0x0], $0xffff  }
0xdd: {  	vm11 =	veq.s32 v23, $0x0;
	vm12 =	veq.s32 v23, $0x8;
	v41 =	vor.u32 $0x300, v21;
	v19 =	vld.idx.msk [tilespmem:v39+s29+$0x0], $0xffff  }
0xde: {  	vm13 =	veq.s32 v23, $0x10;
	vm14 =	veq.s32 v23, $0x18;
	v21 =	vor.u32 $0x380, v21  }
0xdf: {  	vm15 =	veq.s32 v23, $0x20;
	v42 =	vor.u32 $0x6, v23;
	v46 =	vor.u32 s17, v32  }
0xe0: {  	v34 =	vand.u32 $0xFFFFFFF8, v27;
	v22 =	vshll.u32 v27, $0x7;
	v27 =	vor.u32 $0x7, v27  }
0xe1: {  	vm4 =	vgt.f32 v17, v36;
	v17 =	vmax.f32 v36, v17;
	vm5 =	vgt.f32 v16, v15  }
0xe2: {  	v20 =	vld.idx.msk [tilespmem:v41+s29+$0x0], $0xffff;
	vm6 =	vgt.f32 v19, v12;
	v15 =	vmax.f32 v15, v16;
	v12 =	vmax.f32 v12, v19  }
0xe3: {  	v21 =	vld.idx.msk [tilespmem:v21+s29+$0x0], $0xffff;
	v18 =	vsel vm4, $0x1, v43;
	v16 =	vsel vm5, $0x3, v44;
	v24 =	vsel vm6, $0x5, v45  }
0xe4: {  	vm8 =	vgt.f32 v15, v17;
	v15 =	vmax.f32 v17, v15;
	v17 =	vand.u32 $0x7F, v46  }
0xe5: {  	vm4 =	veq.s32 v23, $0x28;
	vm5 =	veq.s32 v23, $0x30;
	vm6 =	veq.s32 v23, $0x38  }
0xe6: {  	[tilespmem:$0x1FE90] =	vst v48;
	v48 =	vor.u32 v23, v24;
	v16 =	vsel vm8, v16, v18;
	v24 =	vand.u32 $0x380, v22  }
0xe7: {  	v44 =	vor.u32 $0x80, v17;
	v41 =	vor.u32 $0x200, v17;
	v43 =	vor.u32 $0x300, v17  }
0xe8: {  	v45 =	vor.u32 $0x380, v17;
	v16 =	vor.u32 v23, v16;
	vm7 =	vgt.f32 v21, v20  }
0xe9: {  	v20 =	vmax.f32 v20, v21;
	v21 =	vshll.u32 v34, $0x9;
	v3 =	vsel vm7, v3, v42  }
0xea: {  	vm9 =	vgt.f32 v20, v12;
	v12 =	vmax.f32 v12, v20;
	v42 =	vor.u32 $0x280, v17  }
0xeb: {  	vm10 =	vgt.f32 v12, v15;
	v25 =	vmax.f32 v15, v12;
	v15 =	vor.u32 v46, v21  }
0xec: {  	v3 =	vsel vm9, v3, v48;
	v48 =	vor.u32 $0x100, v17;
	v28 =	vor.u32 v24, v15  }
0xed: {  	v26 =	vsel vm10, v3, v16;
	v3 =	vsel vm12, v25, v31;
	v30 =	vand.u32 $0xFFFFFE80, v15  }
0xee: {  	v31 =	vand.u32 $0xFFFFFE00, v15;
	v32 =	vand.u32 $0xFFFFFD80, v15;
	v19 =	vor.u32 v30, v48  }
0xef: {  	v1 =	vsel vm12, v26, v29;
	v29 =	vand.u32 $0xFFFFFF00, v15;
	v21 =	vor.u32 v32, v41  }
0xf0: {  	v12 =	vsel vm11, v26, v49;
	v49 =	vor.u32 $0x180, v17;
	v18 =	vor.u32 v29, v44  }
0xf1: {  	v2 =	vsel vm11, v25, v2;
	v35 =	vand.u32 $0xFFFFFD00, v15;
	v20 =	vor.u32 v31, v49;
	[tilespmem:v28+s29+$0x0] =	vst.idx.msk $0xffff, v40  }
0xf2: {  	v36 =	vand.u32 $0xFFFFFC80, v15;
	v23 =	vsel vm5, v25, v55;
	v22 =	vor.u32 v35, v42;
	v28 =	vld.idx.msk [tilespmem:v15+s29+$0x0], $0xffff  }
0xf3: {  	v55 =	vor.u32 $0x6, v34;
	v39 =	vor.u32 v36, v43;
	v16 =	vsel vm13, v26, v33;
	v30 =	vld.idx.msk [tilespmem:v19+s29+$0x0], $0xffff  }
0xf4: {  	v17 =	vsel vm14, v25, v50;
	v24 =	vsel vm5, v26, v56;
	v56 =	vimm.s32 $0x0;
	v50 =	vld.idx.msk [tilespmem:v21+s29+$0x0], $0xffff  }
0xf5: {  	vm5 =	veq.s32 v34, $0x18;
	v15 =	vand.u32 $0xFFFFFC00, v15;
	v19 =	vsel vm15, v25, v51;
	v29 =	vld.idx.msk [tilespmem:v18+s29+$0x0], $0xffff  }
0xf6: {  	v21 =	vsel vm4, v25, v54;
	v31 =	vor.u32 v15, v45;
	v15 =	vsel vm13, v25, v47;
	v47 =	vld.idx.msk [tilespmem:v20+s29+$0x0], $0xffff  }
0xf7: {  	v18 =	vsel vm14, v26, v38;
	v20 =	vsel vm15, v26, v52;
	v52 =	vld.idx.msk [tilespmem:v22+s29+$0x0], $0xffff;
	v22 =	vsel vm4, v26, v53  }
0xf8: {  	v25 =	vsel vm6, v25, v58;
	v26 =	vsel vm6, v26, v57;
	v57 =	vimm.s32 $0x2  }
0xf9: {  	v58 =	vimm.s32 $0x4;
	vm14 =	veq.s32 v34, $0x0;
	vm15 =	veq.s32 v34, $0x8  }
0xfa: {  	vm4 =	veq.s32 v34, $0x10;
	vm6 =	veq.s32 v34, $0x20;
	v38 =	vmax.f32 v23, v25  }
0xfb: {  	v54 =	vld.idx.msk [tilespmem:v39+s29+$0x0], $0xffff;
	vm7 =	vgt.f32 v29, v28;
	v28 =	vmax.f32 v28, v29;
	vm8 =	vgt.f32 v47, v30  }
0xfc: {  	v31 =	vld.idx.msk [tilespmem:v31+s29+$0x0], $0xffff;
	v30 =	vmax.f32 v30, v47;
	vm9 =	vgt.f32 v52, v50;
	v33 =	vmax.f32 v50, v52  }
0xfd: {  	v29 =	vsel vm7, $0x1, v56;
	v32 =	vsel vm8, $0x3, v57;
	v35 =	vsel vm9, $0x5, v58  }
0xfe: {  	vm11 =	vgt.f32 v30, v28;
	v28 =	vmax.f32 v28, v30;
	vm7 =	veq.s32 v34, $0x28  }
0xff: {  	vm8 =	veq.s32 v34, $0x30;
	vm9 =	veq.s32 v34, $0x38;
	v29 =	vsel vm11, v32, v29  }
0x100: {  	v35 =	vor.u32 v34, v35;
	vm11 =	vgt.f32 v17, v15;
	v29 =	vor.u32 v34, v29  }
0x101: {  	v34 =	vsel vm11, v18, v16;
	vm10 =	vgt.f32 v31, v54;
	v31 =	vmax.f32 v54, v31  }
0x102: {  	v27 =	vsel vm10, v27, v55;
	vm12 =	vgt.f32 v31, v33;
	v39 =	vmax.f32 v33, v31  }
0x103: {  	vm10 =	vgt.f32 v3, v2;
	v27 =	vsel vm12, v27, v35;
	vm13 =	vgt.f32 v39, v28  }
0x104: {  	v35 =	vmax.f32 v28, v39;
	vm12 =	vgt.f32 v21, v19;
	v47 =	vsel vm13, v27, v29  }
0x105: {  	v27 =	vsel vm14, v35, v59;
	v29 =	vsel vm15, v35, v61;
	v31 =	vsel vm4, v35, v63  }
0x106: {  	v33 =	vsel vm5, v35, v4;
	v52 =	vsel vm6, v35, v6;
	v54 =	vsel vm7, v35, v8  }
0x107: {  	v56 =	vsel vm8, v35, v10;
	v13 =	vsel vm9, v35, v13;
	v61 =	vmax.f32 v2, v3  }
0x108: {  	v63 =	vmax.f32 v15, v17;
	v35 =	vmax.f32 v19, v21;
	v36 =	vsel vm12, v22, v20  }
0x109: {  	vm13 =	vgt.f32 v25, v23;
	v28 =	vsel vm14, v47, v60;
	v30 =	vsel vm15, v47, v62  }
0x10a: {  	v32 =	vsel vm4, v47, v0;
	v51 =	vsel vm5, v47, v5;
	v53 =	vsel vm6, v47, v7  }
0x10b: {  	v55 =	vsel vm7, v47, v9;
	v11 =	vsel vm8, v47, v11;
	v14 =	vsel vm9, v47, v14  }
0x10c: {  	v62 =	vsel vm10, v1, v12;
	v39 =	vsel vm13, v26, v24;
	vm14 =	vgt.f32 v63, v61  }
0x10d: {  	v5 =	vmax.f32 v61, v63;
	vm15 =	vgt.f32 v38, v35;
	v7 =	vmax.f32 v35, v38  }
0x10e: {  	vm5 =	vgt.f32 v29, v27;
	v57 =	vmax.f32 v27, v29;
	vm6 =	vgt.f32 v33, v31  }
0x10f: {  	v58 =	vmax.f32 v31, v33;
	vm7 =	vgt.f32 v54, v52;
	v59 =	vmax.f32 v52, v54  }
0x110: {  	v47 =	vsel vm14, v34, v62;
	v50 =	vsel vm15, v39, v36;
	vm4 =	vgt.f32 v7, v5  }
0x111: {  	vm8 =	vgt.f32 v13, v56;
	v61 =	vmax.f32 v56, v13;
	[tilespmem:$0x1FEC0] =	vst v5;
	v0 =	vsel vm4, v50, v47  }
0x112: {  	[tilespmem:$0x1FEB0] =	vst v7;
	v5 =	vsel vm5, v30, v28;
	v7 =	vsel vm6, v51, v32;
	v10 =	vand.u32 $0xFFFFFFF8, v0  }
0x113: {  	v60 =	vsel vm7, v55, v53;
	v63 =	vshll.u32 v0, $0x7;
	v62 =	vshll.u32 v10, $0x9  }
0x114: {  	vm9 =	vgt.f32 v58, v57;
	v36 =	vand.u32 $0x380, v63;
	v35 =	vor.u32 v37, v62  }
0x115: {  	v57 =	vmax.f32 v57, v58;
	vm10 =	vgt.f32 v61, v59;
	v58 =	vor.u32 v36, v35  }
0x116: {  	v59 =	vmax.f32 v59, v61;
	v50 =	vsel vm8, v14, v11;
	v5 =	vsel vm9, v7, v5  }
0x117: {  	vm11 =	vgt.f32 v59, v57;
	v60 =	vsel vm10, v50, v60;
	v61 =	vor.u32 $0x80, v35  }
0x118: {  	[tilespmem:s26+$0x8080] =	vst v0;
	v34 =	vsel vm11, v60, v5;
	v62 =	vor.u32 $0x100, v35  }
0x119: {  	[tilespmem:s17+$0x8080] =	vst v34;
	v63 =	vor.u32 $0x180, v35  }
0x11a: {  	[tilespmem:v58+s29+$0x0] =	vst.idx.msk $0xffff, v40  }
0x11b: {  	[tilespmem:$0x1FEE0] =	vst v57;
	v50 =	vor.u32 $0x200, v35;
	v57 =	vld.idx.msk [tilespmem:v35+s29+$0x0], $0xffff  }
0x11c: {  	[tilespmem:$0x1FED0] =	vst v59;
	v59 =	vor.u32 $0x300, v35;
	v7 =	vld.idx.msk [tilespmem:v61+s29+$0x0], $0xffff  }
0x11d: {  	v58 =	vor.u32 $0x280, v35;
	v5 =	vld.idx.msk [tilespmem:v62+s29+$0x0], $0xffff  }
0x11e: {  	v35 =	vor.u32 $0x380, v35;
	v6 =	vld.idx.msk [tilespmem:v63+s29+$0x0], $0xffff  }
0x11f: {  	v0 =	vor.u32 $0x7, v0;
	v60 =	vor.u32 $0x6, v10  }
0x120: {  	vm7 =	veq.s32 v10, $0x0;
	vm8 =	veq.s32 v10, $0x8;
	vm9 =	veq.s32 v10, $0x10;
	v4 =	vld.idx.msk [tilespmem:v50+s29+$0x0], $0xffff  }
0x121: {  	vm10 =	veq.s32 v10, $0x18;
	vm11 =	veq.s32 v10, $0x20;
	v38 =	vshll.u32 v34, $0x7;
	v36 =	vld.idx.msk [tilespmem:v59+s29+$0x0], $0xffff  }
0x122: {  	v61 =	vimm.s32 $0x0;
	v62 =	vimm.s32 $0x2;
	v63 =	vimm.s32 $0x4;
	v9 =	vld.idx.msk [tilespmem:v58+s29+$0x0], $0xffff  }
0x123: {  	v35 =	vld.idx.msk [tilespmem:v35+s29+$0x0], $0xffff;
	vm12 =	vgt.f32 v7, v57;
	v7 =	vmax.f32 v57, v7;
	vm13 =	vgt.f32 v6, v5  }
0x124: {  	v5 =	vmax.f32 v5, v6;
	v8 =	vsel vm12, $0x1, v61;
	v6 =	vsel vm13, $0x3, v62  }
0x125: {  	vm4 =	vgt.f32 v5, v7;
	v5 =	vmax.f32 v7, v5;
	vm12 =	veq.s32 v10, $0x28  }
0x126: {  	vm13 =	veq.s32 v10, $0x30;
	v6 =	vsel vm4, v6, v8;
	v8 =	vand.u32 $0x380, v38  }
0x127: {  	v6 =	vor.u32 v10, v6;
	vm14 =	vgt.f32 v9, v4;
	v4 =	vmax.f32 v4, v9  }
0x128: {  	vm15 =	vgt.f32 v35, v36;
	v35 =	vmax.f32 v36, v35;
	v36 =	vand.u32 $0xFFFFFFF8, v34  }
0x129: {  	v47 =	vmovc v37;
	v9 =	vsel vm14, $0x5, v63;
	vm14 =	veq.s32 v10, $0x38;
	v37 =	vshll.u32 v36, $0x9  }
0x12a: {  	v9 =	vor.u32 v10, v9;
	v0 =	vsel vm15, v0, v60;
	v7 =	vor.u32 v46, v37  }
0x12b: {  	vm5 =	vgt.f32 v35, v4;
	v4 =	vmax.f32 v4, v35;
	v8 =	vor.u32 v8, v7  }
0x12c: {  	v0 =	vsel vm5, v0, v9;
	vm6 =	vgt.f32 v4, v5;
	v39 =	vand.u32 $0xFFFFFF00, v7  }
0x12d: {  	v35 =	vmax.f32 v5, v4;
	v60 =	vand.u32 $0xFFFFFE80, v7;
	v50 =	vor.u32 v39, v44  }
0x12e: {  	v38 =	vsel vm6, v0, v6;
	v61 =	vand.u32 $0xFFFFFE00, v7;
	v5 =	vor.u32 v60, v48  }
0x12f: {  	v2 =	vsel vm7, v35, v2;
	v62 =	vand.u32 $0xFFFFFD80, v7;
	v6 =	vor.u32 v61, v49  }
0x130: {  	v63 =	vand.u32 $0xFFFFFD00, v7;
	v39 =	vsel vm7, v38, v12;
	v12 =	vor.u32 v62, v41;
	[tilespmem:v8+s29+$0x0] =	vst.idx.msk $0xffff, v40  }
0x131: {  	v3 =	vsel vm8, v35, v3;
	v0 =	vand.u32 $0xFFFFFC80, v7;
	v57 =	vor.u32 v63, v42;
	v58 =	vld.idx.msk [tilespmem:v7+s29+$0x0], $0xffff  }
0x132: {  	v9 =	vsel vm10, v35, v17;
	v17 =	vsel vm13, v35, v23;
	v37 =	vsel vm8, v38, v1;
	v59 =	vld.idx.msk [tilespmem:v50+s29+$0x0], $0xffff  }
0x133: {  	v4 =	vsel vm9, v38, v16;
	v16 =	vsel vm12, v35, v21;
	v10 =	vsel vm13, v38, v24;
	v61 =	vld.idx.msk [tilespmem:v5+s29+$0x0], $0xffff  }
0x134: {  	vm13 =	veq.s32 v36, $0x18;
	v8 =	vsel vm9, v35, v15;
	v15 =	vsel vm11, v35, v19;
	v63 =	vld.idx.msk [tilespmem:v6+s29+$0x0], $0xffff  }
0x135: {  	v50 =	vor.u32 v0, v43;
	v0 =	vand.u32 $0xFFFFFC00, v7;
	v5 =	vsel vm10, v38, v18;
	v12 =	vld.idx.msk [tilespmem:v12+s29+$0x0], $0xffff  }
0x136: {  	v6 =	vsel vm11, v38, v20;
	v19 =	vld.idx.msk [tilespmem:v57+s29+$0x0], $0xffff;
	v7 =	vsel vm12, v38, v22;
	v1 =	vor.u32 v0, v45  }
0x137: {  	v18 =	vsel vm14, v35, v25;
	v57 =	vsel vm14, v38, v26;
	v22 =	vor.u32 $0x6, v36  }
0x138: {  	v38 =	vor.u32 $0x7, v34;
	vm10 =	veq.s32 v36, $0x0;
	vm11 =	veq.s32 v36, $0x8  }
0x139: {  	vm12 =	veq.s32 v36, $0x10;
	vm14 =	veq.s32 v36, $0x20;
	vm15 =	vgt.f32 v59, v58  }
0x13a: {  	v20 =	vld.idx.msk [tilespmem:v50+s29+$0x0], $0xffff;
	v50 =	vmax.f32 v58, v59;
	v58 =	vimm.s32 $0x0;
	vm4 =	vgt.f32 v63, v61  }
0x13b: {  	v60 =	vmax.f32 v61, v63;
	vm5 =	vgt.f32 v19, v12;
	v61 =	vimm.s32 $0x2;
	v21 =	vld.idx.msk [tilespmem:v1+s29+$0x0], $0xffff  }
0x13c: {  	v12 =	vmax.f32 v12, v19;
	v63 =	vimm.s32 $0x4;
	v59 =	vsel vm15, $0x1, v58  }
0x13d: {  	v62 =	vsel vm4, $0x3, v61;
	v0 =	vsel vm5, $0x5, v63;
	vm7 =	vgt.f32 v60, v50  }
0x13e: {  	v26 =	vmax.f32 v50, v60;
	vm15 =	veq.s32 v36, $0x28;
	vm4 =	veq.s32 v36, $0x30  }
0x13f: {  	vm5 =	veq.s32 v36, $0x38;
	v19 =	vor.u32 v36, v0;
	v35 =	vsel vm7, v62, v59  }
0x140: {  	vm7 =	vgt.f32 v9, v8;
	vm6 =	vgt.f32 v21, v20;
	v20 =	vmax.f32 v20, v21  }
0x141: {  	v59 =	vmax.f32 v17, v18;
	v1 =	vsel vm6, v38, v22;
	vm8 =	vgt.f32 v20, v12  }
0x142: {  	v12 =	vmax.f32 v12, v20;
	v38 =	vor.u32 v36, v35;
	vm6 =	vgt.f32 v3, v2  }
0x143: {  	v19 =	vsel vm8, v1, v19;
	vm9 =	vgt.f32 v12, v26;
	v12 =	vmax.f32 v26, v12  }
0x144: {  	vm8 =	vgt.f32 v16, v15;
	v50 =	vsel vm9, v19, v38;
	v19 =	vsel vm10, v12, v27  }
0x145: {  	v27 =	vsel vm11, v12, v29;
	v21 =	vsel vm12, v12, v31;
	v29 =	vsel vm13, v12, v33  }
0x146: {  	v23 =	vsel vm14, v12, v52;
	v31 =	vsel vm15, v12, v54;
	v25 =	vsel vm4, v12, v56  }
0x147: {  	v33 =	vsel vm5, v12, v13;
	v52 =	vsel vm6, v37, v39;
	v54 =	vsel vm7, v5, v4  }
0x148: {  	v56 =	vmax.f32 v15, v16;
	v58 =	vsel vm8, v7, v6;
	vm9 =	vgt.f32 v18, v17  }
0x149: {  	v20 =	vsel vm10, v50, v28;
	v28 =	vsel vm11, v50, v30;
	v22 =	vsel vm12, v50, v32  }
0x14a: {  	v30 =	vsel vm13, v50, v51;
	v24 =	vsel vm14, v50, v53;
	v32 =	vsel vm15, v50, v55  }
0x14b: {  	v26 =	vsel vm4, v50, v11;
	v55 =	vsel vm5, v50, v14;
	v51 =	vmax.f32 v2, v3  }
0x14c: {  	v53 =	vmax.f32 v8, v9;
	v38 =	vsel vm9, v57, v10;
	vm11 =	vgt.f32 v59, v56  }
0x14d: {  	v61 =	vmax.f32 v56, v59;
	vm13 =	vgt.f32 v27, v19;
	v0 =	vmax.f32 v19, v27  }
0x14e: {  	vm14 =	vgt.f32 v29, v21;
	v1 =	vmax.f32 v21, v29;
	vm15 =	vgt.f32 v31, v23  }
0x14f: {  	v35 =	vmax.f32 v23, v31;
	vm10 =	vgt.f32 v53, v51;
	v60 =	vmax.f32 v51, v53  }
0x150: {  	v63 =	vsel vm11, v38, v58;
	v62 =	vsel vm10, v54, v52;
	vm12 =	vgt.f32 v61, v60  }
0x151: {  	vm4 =	vgt.f32 v33, v25;
	v13 =	vsel vm13, v28, v20;
	v11 =	vsel vm12, v63, v62  }
0x152: {  	v34 =	vsel vm14, v30, v22;
	v36 =	vsel vm15, v32, v24;
	v38 =	vand.u32 $0xFFFFFFF8, v11  }
0x153: {  	[tilespmem:$0x1FEF0] =	vst v61;
	vm5 =	vgt.f32 v1, v0;
	v62 =	vshll.u32 v11, $0x7;
	v61 =	vshll.u32 v38, $0x9  }
0x154: {  	v53 =	vmax.f32 v0, v1;
	v56 =	vand.u32 $0x380, v62;
	v59 =	vor.u32 v47, v61  }
0x155: {  	[tilespmem:$0x1FF00] =	vst v60;
	v60 =	vmax.f32 v25, v33;
	v13 =	vsel vm5, v34, v13;
	v56 =	vor.u32 v56, v59  }
0x156: {  	v63 =	vsel vm4, v55, v26;
	vm6 =	vgt.f32 v60, v35;
	v60 =	vmax.f32 v35, v60  }
0x157: {  	vm7 =	vgt.f32 v60, v53;
	v61 =	vsel vm6, v63, v36;
	v62 =	vor.u32 $0x80, v59  }
0x158: {  	[tilespmem:s26+$0x8100] =	vst v11;
	v35 =	vsel vm7, v61, v13;
	v63 =	vor.u32 $0x100, v59  }
0x159: {  	v0 =	vor.u32 $0x180, v59;
	[tilespmem:s17+$0x8100] =	vst v35  }
0x15a: {  	v1 =	vor.u32 $0x200, v59;
	[tilespmem:v56+s29+$0x0] =	vst.idx.msk $0xffff, v40  }
0x15b: {  	v51 =	vmov v47;
	v50 =	vor.u32 $0x280, v59;
	v47 =	vld.idx.msk [tilespmem:v59+s29+$0x0], $0xffff  }
0x15c: {  	v34 =	vld.idx.msk [tilespmem:v62+s29+$0x0], $0xffff  }
0x15d: {  	v13 =	vld.idx.msk [tilespmem:v63+s29+$0x0], $0xffff  }
0x15e: {  	v54 =	vimm.s32 $0x0;
	v52 =	vor.u32 $0x300, v59;
	v14 =	vld.idx.msk [tilespmem:v0+s29+$0x0], $0xffff  }
0x15f: {  	[tilespmem:$0x1FF20] =	vst v53;
	v11 =	vor.u32 $0x7, v11;
	v53 =	vor.u32 $0x6, v38;
	v59 =	vor.u32 $0x380, v59;
	v12 =	vld.idx.msk [tilespmem:v1+s29+$0x0], $0xffff  }
0x160: {  	vm15 =	veq.s32 v38, $0x0;
	vm2 =	veq.s32 v38, $0x10;
	vm3 =	veq.s32 v38, $0x18;
	v56 =	vld.idx.msk [tilespmem:v50+s29+$0x0], $0xffff  }
0x161: {  	vm4 =	veq.s32 v38, $0x20;
	vm5 =	veq.s32 v38, $0x28;
	vm6 =	veq.s32 v38, $0x30  }
0x162: {  	v61 =	vimm.s32 $0x4;
	vm7 =	veq.s32 v38, $0x38;
	v50 =	vshll.u32 v35, $0x7  }
0x163: {  	v58 =	vld.idx.msk [tilespmem:v52+s29+$0x0], $0xffff;
	v63 =	vimm.s32 $0x2;
	v52 =	vand.u32 $0x380, v50;
	vm8 =	vgt.f32 v34, v47  }
0x164: {  	v59 =	vld.idx.msk [tilespmem:v59+s29+$0x0], $0xffff;
	v34 =	vmax.f32 v47, v34;
	vm9 =	vgt.f32 v14, v13;
	v13 =	vmax.f32 v13, v14  }
0x165: {  	[tilespmem:$0x1FF10] =	vst v60;
	vm10 =	vgt.f32 v56, v12;
	v12 =	vmax.f32 v12, v56;
	v60 =	vsel vm8, $0x1, v54  }
0x166: {  	v62 =	vsel vm10, $0x5, v61;
	v1 =	vsel vm9, $0x3, v63;
	vm12 =	vgt.f32 v13, v34  }
0x167: {  	v13 =	vmax.f32 v34, v13;
	v34 =	vand.u32 $0xFFFFFFF8, v35;
	vm9 =	veq.s32 v38, $0x8  }
0x168: {  	v56 =	vor.u32 v38, v62;
	v14 =	vsel vm12, v1, v60;
	v47 =	vshll.u32 v34, $0x9  }
0x169: {  	vm8 =	veq.s32 v34, $0x18;
	vm11 =	vgt.f32 v59, v58;
	v58 =	vmax.f32 v58, v59  }
0x16a: {  	v36 =	vor.u32 v46, v47;
	v11 =	vsel vm11, v11, v53;
	vm13 =	vgt.f32 v58, v12  }
0x16b: {  	v53 =	vand.u32 $0xFFFFFF00, v36;
	v11 =	vsel vm13, v11, v56;
	v56 =	vor.u32 v52, v36  }
0x16c: {  	v14 =	vor.u32 v38, v14;
	v62 =	vand.u32 $0xFFFFFE80, v36;
	v61 =	vor.u32 v53, v44  }
0x16d: {  	v63 =	vand.u32 $0xFFFFFD80, v36;
	v0 =	vand.u32 $0xFFFFFD00, v36;
	v12 =	vmax.f32 v12, v58  }
0x16e: {  	vm14 =	vgt.f32 v12, v13;
	v59 =	vmax.f32 v13, v12;
	v12 =	vor.u32 v62, v48  }
0x16f: {  	v1 =	vand.u32 $0xFFFFFE00, v36;
	v50 =	vand.u32 $0xFFFFFC00, v36;
	v58 =	vor.u32 v63, v41  }
0x170: {  	v63 =	vimm.s32 $0x0;
	v60 =	vsel vm14, v11, v14;
	[tilespmem:v56+s29+$0x0] =	vst.idx.msk $0xffff, v40;
	v56 =	vor.u32 v0, v42  }
0x171: {  	v11 =	vsel vm15, v59, v2;
	v40 =	vand.u32 $0xFFFFFC80, v36;
	v62 =	vld.idx.msk [tilespmem:v61+s29+$0x0], $0xffff;
	v61 =	vor.u32 v1, v49  }
0x172: {  	v13 =	vsel vm2, v59, v8;
	v14 =	vsel vm3, v59, v9;
	v47 =	vor.u32 v40, v43;
	v0 =	vld.idx.msk [tilespmem:v36+s29+$0x0], $0xffff  }
0x173: {  	v15 =	vsel vm4, v59, v15;
	v16 =	vsel vm5, v59, v16;
	v38 =	vld.idx.msk [tilespmem:v12+s29+$0x0], $0xffff;
	v1 =	vor.u32 v50, v45  }
0x174: {  	v17 =	vsel vm6, v59, v17;
	v18 =	vsel vm7, v59, v18;
	v8 =	vsel vm2, v60, v4;
	v58 =	vld.idx.msk [tilespmem:v58+s29+$0x0], $0xffff  }
0x175: {  	v52 =	vmovc v43;
	v57 =	vsel vm7, v60, v57;
	v4 =	vimm.s32 $0x4;
	vm7 =	veq.s32 v34, $0x10;
	v56 =	vld.idx.msk [tilespmem:v56+s29+$0x0], $0xffff  }
0x176: {  	v12 =	vsel vm9, v59, v3;
	v40 =	vsel vm15, v60, v39;
	v43 =	vsel vm9, v60, v37;
	v39 =	vld.idx.msk [tilespmem:v61+s29+$0x0], $0xffff  }
0x177: {  	v37 =	vsel vm3, v60, v5;
	v50 =	vsel vm4, v60, v6;
	v6 =	vor.u32 $0x6, v34;
	v5 =	vld.idx.msk [tilespmem:v47+s29+$0x0], $0xffff  }
0x178: {  	vm9 =	veq.s32 v34, $0x20;
	v47 =	vsel vm5, v60, v7;
	v61 =	vsel vm6, v60, v10;
	v1 =	vld.idx.msk [tilespmem:v1+s29+$0x0], $0xffff  }
0x179: {  	v7 =	vor.u32 $0x7, v35;
	vm10 =	vgt.f32 v62, v0;
	v0 =	vmax.f32 v0, v62  }
0x17a: {  	v62 =	vimm.s32 $0x2;
	vm5 =	veq.s32 v34, $0x0;
	vm6 =	veq.s32 v34, $0x8  }
0x17b: {  	v10 =	vsel vm10, $0x1, v63;
	vm10 =	veq.s32 v34, $0x28;
	vm11 =	vgt.f32 v56, v58  }
0x17c: {  	v60 =	vmax.f32 v58, v56;
	v58 =	vmax.f32 v11, v12;
	vm12 =	vgt.f32 v39, v38  }
0x17d: {  	v35 =	vmax.f32 v38, v39;
	v9 =	vsel vm11, $0x5, v4;
	vm13 =	vgt.f32 v1, v5  }
0x17e: {  	v1 =	vmax.f32 v5, v1;
	vm11 =	veq.s32 v34, $0x30;
	v4 =	vmax.f32 v15, v16  }
0x17f: {  	v39 =	vmax.f32 v17, v18;
	v63 =	vsel vm12, $0x3, v62;
	v38 =	vor.u32 v34, v9  }
0x180: {  	vm14 =	vgt.f32 v35, v0;
	v9 =	vsel vm13, v7, v6;
	v0 =	vmax.f32 v0, v35  }
0x181: {  	vm15 =	vgt.f32 v1, v60;
	v1 =	vmax.f32 v60, v1;
	vm12 =	veq.s32 v34, $0x38  }
0x182: {  	vm13 =	vgt.f32 v12, v11;
	v62 =	vmax.f32 v13, v14;
	v10 =	vsel vm14, v63, v10  }
0x183: {  	v5 =	vsel vm15, v9, v38;
	vm4 =	vgt.f32 v1, v0;
	v0 =	vmax.f32 v0, v1  }
0x184: {  	v59 =	vsel vm13, v43, v40;
	vm14 =	vgt.f32 v14, v13;
	vm15 =	vgt.f32 v16, v15  }
0x185: {  	v6 =	vor.u32 v34, v10;
	v56 =	vsel vm5, v0, v19;
	v19 =	vsel vm6, v0, v27  }
0x186: {  	v27 =	vsel vm7, v0, v21;
	v21 =	vsel vm8, v0, v29;
	v29 =	vsel vm9, v0, v23  }
0x187: {  	v23 =	vsel vm10, v0, v31;
	v25 =	vsel vm11, v0, v25;
	v63 =	vsel vm14, v37, v8  }
0x188: {  	v35 =	vsel vm4, v5, v6;
	v6 =	vsel vm12, v0, v33;
	v5 =	vsel vm15, v47, v50  }
0x189: {  	vm4 =	vgt.f32 v18, v17;
	v3 =	vmax.f32 v56, v19;
	v60 =	vsel vm5, v35, v20  }
0x18a: {  	v20 =	vsel vm6, v35, v28;
	v9 =	vsel vm7, v35, v22;
	v22 =	vsel vm8, v35, v30  }
0x18b: {  	v30 =	vsel vm9, v35, v24;
	v24 =	vsel vm10, v35, v32;
	v36 =	vsel vm11, v35, v26  }
0x18c: {  	v38 =	vsel vm12, v35, v55;
	v55 =	vsel vm4, v57, v61;
	vm5 =	vgt.f32 v62, v58  }
0x18d: {  	v58 =	vmax.f32 v58, v62;
	vm6 =	vgt.f32 v39, v4;
	v62 =	vmax.f32 v4, v39  }
0x18e: {  	vm8 =	vgt.f32 v19, v56;
	vm9 =	vgt.f32 v21, v27;
	vm10 =	vgt.f32 v23, v29  }
0x18f: {  	vm12 =	vgt.f32 v6, v25;
	v59 =	vsel vm5, v63, v59;
	v63 =	vsel vm6, v55, v5  }
0x190: {  	[tilespmem:$0x1FF40] =	vst v58;
	vm7 =	vgt.f32 v62, v58;
	v39 =	vsel vm8, v20, v60;
	v55 =	vmax.f32 v27, v21  }
0x191: {  	[tilespmem:$0x1FF30] =	vst v62;
	v58 =	vsel vm9, v22, v9;
	v62 =	vsel vm10, v24, v30;
	v0 =	vsel vm7, v63, v59  }
0x192: {  	v59 =	vmax.f32 v29, v23;
	vm11 =	vgt.f32 v55, v3;
	v7 =	vand.u32 $0xFFFFFFF8, v0  }
0x193: {  	v63 =	vmax.f32 v3, v55;
	v5 =	vshll.u32 v0, $0x7;
	v4 =	vshll.u32 v7, $0x9  }
0x194: {  	v10 =	vsel vm11, v58, v39;
	v28 =	vand.u32 $0x380, v5;
	v26 =	vor.u32 v51, v4  }
0x195: {  	v39 =	vmax.f32 v25, v6;
	v58 =	vsel vm12, v38, v36;
	v28 =	vor.u32 v28, v26  }
0x196: {  	v55 =	vmovc v51;
	vm13 =	vgt.f32 v39, v59;
	v51 =	vmax.f32 v59, v39;
	v59 =	vor.u32 $0x80, v26  }
0x197: {  	s28 =	rddreg [dreg:$0x14];
	[tilespmem:$0x1FF60] =	vst v63;
	v31 =	vsel vm13, v58, v62;
	vm14 =	vgt.f32 v51, v63;
	v62 =	vor.u32 $0x100, v26  }
0x198: {  	[tilespmem:s28+$0x8000] =	vst v0;
	v10 =	vsel vm14, v31, v10  }
0x199: {  	v3 =	vimm.f32 $-Inf;
	v63 =	vor.u32 $0x180, v26;
	[tilespmem:s17+$0x8180] =	vst v10  }
0x19a: {  	v1 =	vor.u32 $0x200, v26;
	[tilespmem:v28+s29+$0x0] =	vst.idx.msk $0xffff, v3  }
0x19b: {  	v2 =	vor.u32 $0x280, v26;
	v33 =	vld.idx.msk [tilespmem:v59+s29+$0x0], $0xffff  }
0x19c: {  	v32 =	vld.idx.msk [tilespmem:v62+s29+$0x0], $0xffff  }
0x19d: {  	v5 =	vld.idx.msk [tilespmem:v26+s29+$0x0], $0xffff  }
0x19e: {  	v31 =	vld.idx.msk [tilespmem:v63+s29+$0x0], $0xffff  }
0x19f: {  	v0 =	vor.u32 $0x7, v0;
	vm4 =	veq.s32 v7, $0x0;
	v28 =	vld.idx.msk [tilespmem:v1+s29+$0x0], $0xffff  }
0x1a0: {  	vm5 =	veq.s32 v7, $0x8;
	vm12 =	veq.s32 v7, $0x18;
	v4 =	vor.u32 $0x300, v26;
	v34 =	vld.idx.msk [tilespmem:v2+s29+$0x0], $0xffff  }
0x1a1: {  	vm1 =	veq.s32 v7, $0x20;
	vm0 =	veq.s32 v7, $0x38;
	v26 =	vor.u32 $0x380, v26  }
0x1a2: {  	vm13 =	veq.s32 v7, $0x28;
	vm14 =	veq.s32 v7, $0x30;
	v39 =	vand.u32 $0xFFFFFFF8, v10  }
0x1a3: {  	[tilespmem:$0x1FF50] =	vst v51;
	v58 =	vshll.u32 v10, $0x7;
	v10 =	vor.u32 $0x7, v10;
	v51 =	vshll.u32 v39, $0x9  }
0x1a4: {  	v59 =	vor.u32 $0x6, v7;
	vm15 =	vgt.f32 v33, v5;
	v33 =	vmax.f32 v5, v33  }
0x1a5: {  	v35 =	vld.idx.msk [tilespmem:v4+s29+$0x0], $0xffff;
	vm6 =	vgt.f32 v31, v32;
	v31 =	vmax.f32 v32, v31;
	vm7 =	vgt.f32 v34, v28  }
0x1a6: {  	v26 =	vld.idx.msk [tilespmem:v26+s29+$0x0], $0xffff;
	v28 =	vmax.f32 v28, v34;
	v32 =	vor.u32 v46, v51;
	v34 =	vand.u32 $0x380, v58  }
0x1a7: {  	v54 =	vmovc v46;
	v46 =	vimm.s32 $0x0;
	v58 =	vimm.s32 $0x2;
	v34 =	vor.u32 v34, v32  }
0x1a8: {  	v1 =	vand.u32 $0xFFFFFF00, v32;
	vm9 =	vgt.f32 v31, v33;
	v2 =	vand.u32 $0xFFFFFE80, v32  }
0x1a9: {  	v5 =	vand.u32 $0xFFFFFE00, v32;
	v31 =	vmax.f32 v33, v31;
	v51 =	vsel vm15, $0x1, v46  }
0x1aa: {  	v33 =	vor.u32 v2, v48;
	v62 =	vor.u32 v5, v49;
	v5 =	vand.u32 $0xFFFFFD80, v32  }
0x1ab: {  	vm8 =	vgt.f32 v26, v35;
	v26 =	vmax.f32 v35, v26;
	v35 =	vor.u32 v1, v44  }
0x1ac: {  	v4 =	vsel vm8, v0, v59;
	v0 =	vsel vm6, $0x3, v58;
	[tilespmem:v34+s29+$0x0] =	vst.idx.msk $0xffff, v3;
	v3 =	vor.u32 v5, v41  }
0x1ad: {  	v46 =	vmovc v41;
	v41 =	vand.u32 $0xFFFFFD00, v32;
	vm10 =	vgt.f32 v26, v28;
	v26 =	vmax.f32 v28, v26  }
0x1ae: {  	vm6 =	veq.s32 v7, $0x10;
	v2 =	vsel vm9, v0, v51;
	v34 =	vor.u32 v41, v42;
	v5 =	vld.idx.msk [tilespmem:v32+s29+$0x0], $0xffff  }
0x1af: {  	v53 =	vmovc v42;
	v42 =	vand.u32 $0xFFFFFC80, v32;
	v32 =	vand.u32 $0xFFFFFC00, v32;
	v51 =	vimm.s32 $0x4;
	v28 =	vld.idx.msk [tilespmem:v33+s29+$0x0], $0xffff  }
0x1b0: {  	vm11 =	vgt.f32 v26, v31;
	v41 =	vld.idx.msk [tilespmem:v62+s29+$0x0], $0xffff;
	v26 =	vmax.f32 v31, v26;
	v63 =	vor.u32 v42, v52  }
0x1b1: {  	v0 =	vsel vm7, $0x5, v51;
	v33 =	vor.u32 v32, v45;
	v2 =	vor.u32 v7, v2  }
0x1b2: {  	v32 =	vsel vm4, v26, v11;
	v62 =	vsel vm6, v26, v13;
	v31 =	vsel vm13, v26, v16  }
0x1b3: {  	v17 =	vsel vm14, v26, v17;
	v16 =	vsel vm0, v26, v18;
	v0 =	vor.u32 v7, v0  }
0x1b4: {  	v18 =	vor.u32 $0x6, v39;
	vm7 =	veq.s32 v39, $0x28;
	v35 =	vld.idx.msk [tilespmem:v35+s29+$0x0], $0xffff;
	v0 =	vsel vm10, v4, v0  }
0x1b5: {  	v0 =	vsel vm11, v0, v2;
	v3 =	vld.idx.msk [tilespmem:v3+s29+$0x0], $0xffff;
	v2 =	vsel vm1, v26, v15;
	vm9 =	vgt.f32 v41, v28  }
0x1b6: {  	v34 =	vld.idx.msk [tilespmem:v34+s29+$0x0], $0xffff;
	v4 =	vmax.f32 v28, v41;
	v28 =	vimm.s32 $0x0;
	v11 =	vsel vm5, v0, v43  }
0x1b7: {  	[tilespmem:$0x1FF80] =	vst v45;
	v15 =	vsel vm6, v0, v8;
	v13 =	vsel vm12, v0, v37;
	v41 =	vimm.s32 $0x4;
	v42 =	vld.idx.msk [tilespmem:v63+s29+$0x0], $0xffff  }
0x1b8: {  	v51 =	vmovc v45;
	vm6 =	veq.s32 v39, $0x20;
	v45 =	vld.idx.msk [tilespmem:v33+s29+$0x0], $0xffff;
	v33 =	vsel vm5, v26, v12;
	v63 =	vsel vm12, v26, v14  }
0x1b9: {  	vm5 =	veq.s32 v39, $0x18;
	vm8 =	vgt.f32 v35, v5;
	v5 =	vmax.f32 v5, v35  }
0x1ba: {  	v43 =	vmax.f32 v32, v33;
	vm15 =	vgt.f32 v4, v5;
	v7 =	vsel vm8, $0x1, v28  }
0x1bb: {  	v5 =	vmax.f32 v5, v4;
	v28 =	vsel vm4, v0, v40;
	v4 =	vsel vm14, v0, v61  }
0x1bc: {  	vm14 =	veq.s32 v39, $0x0;
	vm4 =	veq.s32 v39, $0x10;
	vm8 =	veq.s32 v39, $0x30  }
0x1bd: {  	vm10 =	vgt.f32 v34, v3;
	v3 =	vmax.f32 v3, v34;
	vm11 =	vgt.f32 v45, v42  }
0x1be: {  	v34 =	vimm.s32 $0x2;
	v1 =	vmax.f32 v42, v45;
	v26 =	vsel vm11, v10, v18  }
0x1bf: {  	v10 =	vsel vm9, $0x3, v34;
	vm12 =	vgt.f32 v1, v3;
	v1 =	vmax.f32 v3, v1  }
0x1c0: {  	v3 =	vsel vm10, $0x5, v41;
	vm9 =	veq.s32 v39, $0x38;
	vm10 =	vgt.f32 v33, v32  }
0x1c1: {  	vm11 =	vgt.f32 v63, v62;
	v41 =	vmax.f32 v17, v16;
	v35 =	vsel vm15, v10, v7  }
0x1c2: {  	v7 =	vsel vm1, v0, v50;
	v10 =	vsel vm13, v0, v47;
	v3 =	vor.u32 v39, v3  }
0x1c3: {  	vm13 =	vgt.f32 v1, v5;
	v1 =	vmax.f32 v5, v1;
	v0 =	vsel vm0, v0, v57  }
0x1c4: {  	vm15 =	veq.s32 v39, $0x8;
	v45 =	vsel vm10, v11, v28;
	v47 =	vmax.f32 v62, v63  }
0x1c5: {  	v50 =	vsel vm11, v13, v15;
	v42 =	vor.u32 v39, v35;
	v3 =	vsel vm12, v26, v3  }
0x1c6: {  	v8 =	vsel vm14, v1, v56;
	v18 =	vsel vm15, v1, v19;
	v12 =	vsel vm4, v1, v27  }
0x1c7: {  	v14 =	vsel vm6, v1, v29;
	v23 =	vsel vm7, v1, v23;
	vm12 =	vgt.f32 v31, v2  }
0x1c8: {  	v56 =	vmax.f32 v2, v31;
	v57 =	vmax.f32 v43, v47;
	v3 =	vsel vm13, v3, v42  }
0x1c9: {  	vm13 =	vgt.f32 v47, v43;
	v40 =	vsel vm12, v10, v7;
	v34 =	vsel vm14, v3, v60  }
0x1ca: {  	v19 =	vsel vm15, v3, v20;
	v27 =	vsel vm4, v3, v9;
	v20 =	vsel vm5, v1, v21  }
0x1cb: {  	v21 =	vsel vm5, v3, v22;
	v35 =	vsel vm6, v3, v30;
	v61 =	vsel vm7, v3, v24  }
0x1cc: {  	v22 =	vsel vm8, v1, v25;
	vm14 =	vgt.f32 v16, v17;
	v9 =	vsel vm13, v50, v45  }
0x1cd: {  	vm15 =	vgt.f32 v41, v56;
	v60 =	vmax.f32 v56, v41;
	v36 =	vsel vm8, v3, v36  }
0x1ce: {  	v24 =	vsel vm9, v1, v6;
	v5 =	vsel vm9, v3, v38;
	vm5 =	vgt.f32 v18, v8  }
0x1cf: {  	v45 =	vmax.f32 v8, v18;
	v38 =	vmax.f32 v14, v23;
	vm9 =	vgt.f32 v23, v14  }
0x1d0: {  	v42 =	vsel vm14, v0, v4;
	vm4 =	vgt.f32 v60, v57;
	vm6 =	vgt.f32 v20, v12  }
0x1d1: {  	v47 =	vsel vm5, v19, v34;
	v50 =	vmax.f32 v12, v20;
	v43 =	vsel vm15, v42, v40  }
0x1d2: {  	v39 =	vmax.f32 v22, v24;
	vm10 =	vgt.f32 v24, v22;
	v1 =	vsel vm4, v43, v9  }
0x1d3: {  	v56 =	vsel vm6, v21, v27;
	vm7 =	vgt.f32 v50, v45;
	v25 =	vand.u32 $0xFFFFFFF8, v1  }
0x1d4: {  	[tilespmem:$0x1FF70] =	vst v57;
	v57 =	vmax.f32 v45, v50;
	v41 =	vshll.u32 v1, $0x7;
	v40 =	vshll.u32 v25, $0x9  }
0x1d5: {  	vm8 =	vgt.f32 v39, v38;
	v43 =	vand.u32 $0x380, v41;
	v3 =	vor.u32 v55, v40  }
0x1d6: {  	v42 =	vmax.f32 v38, v39;
	v45 =	vsel vm9, v61, v35;
	v9 =	vor.u32 v43, v3  }
0x1d7: {  	v50 =	vsel vm10, v5, v36;
	[tilespmem:$0x1FFB0] =	vst v57;
	v6 =	vsel vm7, v56, v47;
	v47 =	vmovc v55;
	v55 =	vor.u32 $0x80, v3  }
0x1d8: {  	[tilespmem:$0x1FFA0] =	vst v42;
	v26 =	vsel vm8, v50, v45;
	vm11 =	vgt.f32 v42, v57;
	v56 =	vor.u32 $0x100, v3  }
0x1d9: {  	v6 =	vsel vm11, v26, v6;
	[tilespmem:s26+$0x8200] =	vst v1  }
0x1da: {  	v42 =	vimm.f32 $-Inf;
	[tilespmem:s17+$0x8200] =	vst v6;
	v57 =	vor.u32 $0x180, v3  }
0x1db: {  	v45 =	vor.u32 $0x200, v3;
	[tilespmem:v9+s29+$0x0] =	vst.idx.msk $0xffff, v42  }
0x1dc: {  	v30 =	vld.idx.msk [tilespmem:v55+s29+$0x0], $0xffff  }
0x1dd: {  	v29 =	vld.idx.msk [tilespmem:v56+s29+$0x0], $0xffff  }
0x1de: {  	v56 =	vld.idx.msk [tilespmem:v3+s29+$0x0], $0xffff  }
0x1df: {  	v50 =	vor.u32 $0x280, v3;
	v26 =	vld.idx.msk [tilespmem:v57+s29+$0x0], $0xffff  }
0x1e0: {  	v9 =	vld.idx.msk [tilespmem:v45+s29+$0x0], $0xffff  }
0x1e1: {  	v57 =	vld [tilespmem:$0x1FE70]  }
0x1e2: {  	v45 =	vld [tilespmem:$0x1FE80];
	_ =	sdelay $0x1  }
0x1e3: {  	v1 =	vor.u32 $0x7, v1;
	v55 =	vor.u32 $0x300, v3;
	v37 =	vld.idx.msk [tilespmem:v50+s29+$0x0], $0xffff  }
0x1e4: {  	v38 =	vshll.u32 v6, $0x7;
	vm0 =	veq.s32 v25, $0x0;
	vm9 =	veq.s32 v25, $0x8  }
0x1e5: {  	vm10 =	veq.s32 v25, $0x10;
	vm11 =	veq.s32 v25, $0x18;
	v3 =	vor.u32 $0x380, v3  }
0x1e6: {  	v50 =	vor.u32 $0x6, v25;
	v45 =	vmax.f32 v45, v57;
	vm12 =	vgt.f32 v30, v56  }
0x1e7: {  	v30 =	vmax.f32 v56, v30;
	vm13 =	vgt.f32 v26, v29;
	v26 =	vmax.f32 v29, v26  }
0x1e8: {  	v39 =	vld.idx.msk [tilespmem:v55+s29+$0x0], $0xffff;
	vm14 =	vgt.f32 v37, v9;
	v9 =	vmax.f32 v9, v37;
	v55 =	vimm.s32 $0x0  }
0x1e9: {  	v37 =	vand.u32 $0xFFFFFFF8, v6;
	v56 =	vimm.s32 $0x2;
	v6 =	vor.u32 $0x7, v6  }
0x1ea: {  	v3 =	vld.idx.msk [tilespmem:v3+s29+$0x0], $0xffff;
	vm6 =	vgt.f32 v26, v30;
	v26 =	vmax.f32 v30, v26;
	v29 =	vsel vm12, $0x1, v55  }
0x1eb: {  	v30 =	vsel vm13, $0x3, v56;
	v57 =	vshll.u32 v37, $0x9;
	v55 =	vimm.s32 $0x4  }
0x1ec: {  	vm12 =	veq.s32 v25, $0x20;
	vm13 =	veq.s32 v25, $0x28;
	vm4 =	veq.s32 v37, $0x0  }
0x1ed: {  	vm5 =	veq.s32 v37, $0x8;
	v29 =	vsel vm6, v30, v29;
	v30 =	vor.u32 v54, v57  }
0x1ee: {  	v40 =	vsel vm14, $0x5, v55;
	vm14 =	veq.s32 v25, $0x30;
	vm6 =	veq.s32 v37, $0x10  }
0x1ef: {  	v56 =	vand.u32 $0xFFFFFF00, v30;
	v40 =	vor.u32 v25, v40;
	vm15 =	vgt.f32 v3, v39  }
0x1f0: {  	v57 =	vand.u32 $0xFFFFFE80, v30;
	v1 =	vsel vm15, v1, v50;
	v50 =	vand.u32 $0x380, v38  }
0x1f1: {  	v29 =	vor.u32 v25, v29;
	v3 =	vmax.f32 v39, v3;
	v39 =	vor.u32 v50, v30  }
0x1f2: {  	v59 =	vmovc v44;
	v41 =	vor.u32 v56, v44;
	v44 =	vand.u32 $0xFFFFFD80, v30;
	vm7 =	vgt.f32 v3, v9  }
0x1f3: {  	[tilespmem:$0x1FFC0] =	vst v48;
	v3 =	vmax.f32 v9, v3;
	v9 =	vor.u32 v57, v48;
	v38 =	vand.u32 $0xFFFFFE00, v30  }
0x1f4: {  	[tilespmem:$0x1FFD0] =	vst v49;
	v57 =	vmovc v48;
	v48 =	vand.u32 $0xFFFFFD00, v30;
	vm15 =	veq.s32 v25, $0x38;
	vm8 =	vgt.f32 v3, v26  }
0x1f5: {  	[tilespmem:$0x1FFF0] =	vst v52;
	v58 =	vmovc v52;
	v3 =	vmax.f32 v26, v3;
	v26 =	vor.u32 v38, v49;
	v50 =	vand.u32 $0xFFFFFC80, v30  }
0x1f6: {  	v1 =	vsel vm7, v1, v40;
	v38 =	vor.u32 v50, v52;
	v50 =	vand.u32 $0xFFFFFC00, v30;
	[tilespmem:v39+s29+$0x0] =	vst.idx.msk $0xffff, v42  }
0x1f7: {  	v55 =	vmovc v49;
	v49 =	vor.u32 v48, v53;
	vm7 =	veq.s32 v37, $0x18;
	v52 =	vor.u32 v50, v51;
	v41 =	vld.idx.msk [tilespmem:v41+s29+$0x0], $0xffff  }
0x1f8: {  	v39 =	vor.u32 v44, v46;
	v42 =	vsel vm8, v1, v29;
	v29 =	vsel vm11, v3, v63;
	v43 =	vld.idx.msk [tilespmem:v30+s29+$0x0], $0xffff  }
0x1f9: {  	v56 =	vmovc v46;
	v1 =	vsel vm12, v3, v2;
	v2 =	vsel vm13, v3, v31;
	vm8 =	veq.s32 v37, $0x20;
	v44 =	vld.idx.msk [tilespmem:v9+s29+$0x0], $0xffff  }
0x1fa: {  	v26 =	vld.idx.msk [tilespmem:v26+s29+$0x0], $0xffff;
	v9 =	vsel vm0, v3, v32;
	v32 =	vsel vm9, v3, v33;
	v33 =	vsel vm10, v3, v62  }
0x1fb: {  	v30 =	vsel vm14, v3, v17;
	v50 =	vld.idx.msk [tilespmem:v38+s29+$0x0], $0xffff;
	v3 =	vsel vm15, v3, v16;
	v31 =	vsel vm0, v42, v28  }
0x1fc: {  	v28 =	vsel vm10, v42, v15;
	v46 =	vsel vm11, v42, v13;
	v40 =	vsel vm12, v42, v7;
	v51 =	vld.idx.msk [tilespmem:v52+s29+$0x0], $0xffff  }
0x1fd: {  	v49 =	vld.idx.msk [tilespmem:v49+s29+$0x0], $0xffff;
	v63 =	vsel vm13, v42, v10;
	v38 =	vsel vm14, v42, v4;
	v62 =	vmax.f32 v33, v29  }
0x1fe: {  	v48 =	vld.idx.msk [tilespmem:v39+s29+$0x0], $0xffff;
	v39 =	vsel vm9, v42, v11;
	v42 =	vsel vm15, v42, v0;
	vm9 =	vgt.f32 v41, v43  }
0x1ff: {  	v52 =	vmax.f32 v43, v41;
	vm10 =	vgt.f32 v26, v44;
	v16 =	vmax.f32 v44, v26  }
0x200: {  	v26 =	vor.u32 $0x6, v37;
	v41 =	vimm.s32 $0x4;
	v44 =	vimm.s32 $0x0  }
0x201: {  	vm12 =	vgt.f32 v51, v50;
	v11 =	vmax.f32 v50, v51;
	vm13 =	vgt.f32 v16, v52  }
0x202: {  	v0 =	vmax.f32 v52, v16;
	v6 =	vsel vm12, v6, v26;
	vm12 =	vgt.f32 v32, v9  }
0x203: {  	v51 =	vmax.f32 v9, v32;
	v52 =	vsel vm12, v39, v31;
	vm11 =	vgt.f32 v49, v48  }
0x204: {  	v25 =	vmax.f32 v48, v49;
	v48 =	vimm.s32 $0x2;
	v13 =	vsel vm11, $0x5, v41  }
0x205: {  	vm14 =	vgt.f32 v11, v25;
	v15 =	vsel vm10, $0x3, v48;
	v10 =	vmax.f32 v25, v11  }
0x206: {  	vm10 =	veq.s32 v37, $0x30;
	vm11 =	veq.s32 v37, $0x38;
	v43 =	vor.u32 v37, v13  }
0x207: {  	v13 =	vsel vm9, $0x1, v44;
	vm15 =	vgt.f32 v10, v0;
	v0 =	vmax.f32 v0, v10  }
0x208: {  	vm9 =	veq.s32 v37, $0x28;
	v13 =	vsel vm13, v15, v13;
	v6 =	vsel vm14, v6, v43  }
0x209: {  	v16 =	vsel vm4, v0, v8;
	v10 =	vsel vm7, v0, v20;
	v20 =	vsel vm8, v0, v14  }
0x20a: {  	v22 =	vsel vm10, v0, v22;
	v14 =	vsel vm11, v0, v24;
	vm13 =	vgt.f32 v29, v33  }
0x20b: {  	vm14 =	vgt.f32 v62, v51;
	v49 =	vor.u32 v37, v13;
	v4 =	vsel vm13, v46, v28  }
0x20c: {  	vm12 =	vgt.f32 v14, v22;
	v50 =	vsel vm15, v6, v49;
	v6 =	vsel vm5, v0, v18  }
0x20d: {  	v18 =	vsel vm6, v0, v12;
	v12 =	vsel vm9, v0, v23;
	vm15 =	vgt.f32 v2, v1  }
0x20e: {  	v49 =	vmax.f32 v22, v14;
	v17 =	vsel vm4, v50, v34;
	v7 =	vsel vm5, v50, v19  }
0x20f: {  	v19 =	vsel vm6, v50, v27;
	v11 =	vsel vm7, v50, v21;
	v21 =	vsel vm8, v50, v35  }
0x210: {  	v13 =	vsel vm9, v50, v61;
	v23 =	vsel vm10, v50, v36;
	v15 =	vsel vm11, v50, v5  }
0x211: {  	v61 =	vmax.f32 v51, v62;
	v27 =	vmax.f32 v1, v2;
	v5 =	vsel vm14, v4, v52  }
0x212: {  	v34 =	vmax.f32 v30, v3;
	vm4 =	vgt.f32 v3, v30;
	v35 =	vsel vm15, v63, v40  }
0x213: {  	vm5 =	vgt.f32 v34, v27;
	v24 =	vmax.f32 v27, v34;
	v36 =	vsel vm4, v42, v38  }
0x214: {  	v48 =	vmax.f32 v20, v12;
	v0 =	vsel vm5, v36, v35;
	vm6 =	vgt.f32 v24, v61  }
0x215: {  	vm11 =	vgt.f32 v12, v20;
	vm10 =	vgt.f32 v49, v48;
	v0 =	vsel vm6, v0, v5  }
0x216: {  	v4 =	vld [tilespmem:$0x1FE90];
	v62 =	vsel vm11, v13, v21;
	v36 =	vsel vm12, v15, v23;
	v26 =	vand.u32 $0xFFFFFFF8, v0  }
0x217: {  	v35 =	vsel vm10, v36, v62;
	v62 =	vld [tilespmem:$0x1FF00];
	v51 =	vshll.u32 v0, $0x7;
	v50 =	vshll.u32 v26, $0x9  }
0x218: {  	v52 =	vand.u32 $0x380, v51;
	v25 =	vor.u32 v47, v50;
	v47 =	vld [tilespmem:$0x1FEA0]  }
0x219: {  	v34 =	vor.u32 v52, v25;
	v52 =	vld [tilespmem:$0x1FEF0]  }
0x21a: {  	vm7 =	vgt.f32 v6, v16;
	v8 =	vmax.f32 v48, v49;
	v48 =	vld [tilespmem:$0x1FEB0]  }
0x21b: {  	vm8 =	vgt.f32 v10, v18;
	v37 =	vmax.f32 v16, v6;
	v41 =	vmax.f32 v18, v10;
	v49 =	vld [tilespmem:$0x1FEC0]  }
0x21c: {  	vm9 =	vgt.f32 v41, v37;
	v43 =	vsel vm7, v7, v17;
	v44 =	vsel vm8, v11, v19;
	v51 =	vld [tilespmem:$0x1FEE0]  }
0x21d: {  	v5 =	vsel vm9, v44, v43;
	v43 =	vmax.f32 v47, v4;
	v4 =	vld [tilespmem:$0x1FF10]  }
0x21e: {  	v44 =	vmax.f32 v62, v52;
	v52 =	vld [tilespmem:$0x1FF20]  }
0x21f: {  	v50 =	vld [tilespmem:$0x1FED0]  }
0x220: {  	v27 =	vmax.f32 v37, v41;
	v37 =	vor.u32 $0x80, v25  }
0x221: {  	vm13 =	vgt.f32 v8, v27;
	v36 =	vor.u32 $0x100, v25  }
0x222: {  	v35 =	vsel vm13, v35, v5;
	[tilespmem:s26+$0x8280] =	vst v0;
	v47 =	vor.u32 $0x180, v25;
	v62 =	vld [tilespmem:$0x1FF30]  }
0x223: {  	[tilespmem:s17+$0x8280] =	vst v35;
	v41 =	vmax.f32 v49, v48;
	v48 =	vmax.f32 v52, v4;
	v4 =	vimm.f32 $-Inf;
	v52 =	vld [tilespmem:$0x1FF40]  }
0x224: {  	v24 =	vmax.f32 v61, v24;
	v5 =	vmax.f32 v51, v50;
	v50 =	vor.u32 $0x280, v25;
	[tilespmem:v34+s29+$0x0] =	vst.idx.msk $0xffff, v4  }
0x225: {  	v8 =	vmax.f32 v27, v8;
	v34 =	vsub.f32 v41, v45;
	v41 =	vor.u32 $0x200, v25;
	v37 =	vld.idx.msk [tilespmem:v37+s29+$0x0], $0xffff  }
0x226: {  	v0 =	vor.u32 $0x7, v0;
	vm0 =	veq.s32 v26, $0x0;
	v5 =	vsub.f32 v5, v43;
	v36 =	vld.idx.msk [tilespmem:v36+s29+$0x0], $0xffff  }
0x227: {  	vm9 =	veq.s32 v26, $0x8;
	v44 =	vsub.f32 v44, v45;
	v47 =	vld.idx.msk [tilespmem:v47+s29+$0x0], $0xffff;
	v34 =	vmul.f32 $1.442695020e+00, v34  }
0x228: {  	v51 =	vor.u32 $0x300, v25;
	v5 =	vmul.f32 $1.442695020e+00, v5;
	v49 =	vmax.f32 v52, v62;
	v52 =	vld.idx.msk [tilespmem:v25+s29+$0x0], $0xffff  }
0x229: {  	v25 =	vor.u32 $0x380, v25;
	(erf) = vpow2.f32 v34;
	v34 =	vmul.f32 $1.442695020e+00, v44;
	v44 =	vld.idx.msk [tilespmem:v50+s29+$0x0], $0xffff  }
0x22a: {  	v48 =	vsub.f32 v48, v43;
	v62 =	vsub.f32 v49, v45;
	(erf) = vpow2.f32 v5;
	v41 =	vld.idx.msk [tilespmem:v41+s29+$0x0], $0xffff  }
0x22b: {  	vm10 =	veq.s32 v26, $0x10;
	vm11 =	veq.s32 v26, $0x18;
	(erf) = vpow2.f32 v34;
	v34 =	vld [tilespmem:$0x1FF50]  }
0x22c: {  	vm12 =	veq.s32 v26, $0x20;
	v48 =	vmul.f32 $1.442695020e+00, v48;
	v49 =	vmul.f32 $1.442695020e+00, v62;
	v62 =	vld [tilespmem:$0x1FF60]  }
0x22d: {  	vm13 =	veq.s32 v26, $0x28;
	v5 =	vld.idx.msk [tilespmem:v51+s29+$0x0], $0xffff;
	v51 =	vimm.s32 $0x2;
	vm15 =	vgt.f32 v47, v36  }
0x22e: {  	v36 =	vmax.f32 v36, v47;
	(erf) = vpow2.f32 v48;
	v47 =	vsel vm15, $0x3, v51;
	v25 =	vld.idx.msk [tilespmem:v25+s29+$0x0], $0xffff  }
0x22f: {  	vm15 =	veq.s32 v26, $0x38;
	(erf) = vpow2.f32 v49;
	vm14 =	vgt.f32 v37, v52  }
0x230: {  	v37 =	vmax.f32 v52, v37;
	v52 =	vimm.s32 $0x4;
	vm4 =	vgt.f32 v44, v41  }
0x231: {  	v41 =	vmax.f32 v41, v44;
	vm6 =	vgt.f32 v36, v37;
	v34 =	vmax.f32 v62, v34;
	v62 =	vld [tilespmem:$0x1FF70]  }
0x232: {  	v36 =	vmax.f32 v37, v36;
	v37 =	vand.u32 $0xFFFFFFF8, v35;
	v44 =	vsel vm4, $0x5, v52  }
0x233: {  	v52 =	vshll.u32 v35, $0x7;
	vm5 =	vgt.f32 v25, v5;
	v5 =	vmax.f32 v5, v25  }
0x234: {  	v35 =	vor.u32 $0x7, v35;
	vm7 =	vgt.f32 v5, v41;
	v5 =	vmax.f32 v41, v5  }
0x235: {  	vm4 =	veq.s32 v37, $0x10;
	v44 =	vor.u32 v26, v44;
	vm8 =	vgt.f32 v5, v36  }
0x236: {  	v48 =	vmax.f32 v62, v60;
	v60 =	vor.u32 $0x6, v26;
	v62 =	vimm.s32 $0x0  }
0x237: {  	v50 =	vsel vm14, $0x1, v62;
	v0 =	vsel vm5, v0, v60;
	v62 =	vshll.u32 v37, $0x9  }
0x238: {  	v60 =	vsel vm6, v47, v50;
	v41 =	vor.u32 v54, v62;
	v50 =	vand.u32 $0x380, v52  }
0x239: {  	v5 =	vmax.f32 v36, v5;
	v0 =	vsel vm7, v0, v44;
	v44 =	vor.u32 v50, v41  }
0x23a: {  	vm14 =	veq.s32 v26, $0x30;
	vm5 =	veq.s32 v37, $0x18;
	vm6 =	veq.s32 v37, $0x20  }
0x23b: {  	v25 =	vor.u32 v26, v60;
	v51 =	vand.u32 $0xFFFFFF00, v41;
	v52 =	vand.u32 $0xFFFFFE80, v41  }
0x23c: {  	v25 =	vsel vm8, v0, v25;
	v36 =	vor.u32 v52, v57;
	v57 =	vand.u32 $0xFFFFFD00, v41  }
0x23d: {  	v0 =	vor.u32 v51, v59;
	v62 =	vmovc v59;
	v59 =	vand.u32 $0xFFFFFC80, v41;
	v60 =	vmovc v54;
	v49 =	vor.u32 v57, v53  }
0x23e: {  	v54 =	vand.u32 $0xFFFFFE00, v41;
	v51 =	vor.u32 v59, v58;
	v59 =	vsel vm9, v5, v32;
	[tilespmem:v44+s29+$0x0] =	vst.idx.msk $0xffff, v4  }
0x23f: {  	v58 =	vsel vm10, v5, v33;
	v57 =	vsel vm12, v5, v1;
	v47 =	vor.u32 v54, v55;
	v50 =	vld.idx.msk [tilespmem:v41+s29+$0x0], $0xffff  }
0x240: {  	[tilespmem:$0x1FFE0] =	vst v53;
	v53 =	vsel vm14, v5, v30;
	v55 =	vand.u32 $0xFFFFFD80, v41;
	v4 =	vand.u32 $0xFFFFFC00, v41;
	v41 =	vld [tilespmem:$0x1FF80]  }
0x241: {  	v30 =	vsel vm0, v25, v31;
	v28 =	vsel vm10, v25, v28;
	v44 =	vor.u32 v55, v56  }
0x242: {  	v46 =	vsel vm11, v25, v46;
	v31 =	vsub.f32 v48, v45;
	v54 =	vsel vm15, v5, v3;
	v52 =	vld.idx.msk [tilespmem:v0+s29+$0x0], $0xffff  }
0x243: {  	v55 =	vsel vm11, v5, v29;
	v29 =	vsel vm9, v25, v39;
	v39 =	vsub.f32 v34, v43;
	v26 =	vld.idx.msk [tilespmem:v36+s29+$0x0], $0xffff  }
0x244: {  	v0 =	vsel vm0, v5, v9;
	v9 =	vsel vm13, v5, v2;
	v5 =	vsel vm13, v25, v63;
	v32 =	vld.idx.msk [tilespmem:v47+s29+$0x0], $0xffff  }
0x245: {  	v2 =	vsel vm15, v25, v42;
	vm15 =	veq.s32 v37, $0x8;
	v33 =	vld.idx.msk [tilespmem:v51+s29+$0x0], $0xffff;
	v36 =	vor.u32 v4, v41  }
0x246: {  	v51 =	vor.u32 $0x6, v37;
	v42 =	vmax.f32 v0, v59;
	v1 =	vld.idx.msk [tilespmem:v44+s29+$0x0], $0xffff;
	v44 =	vsel vm12, v25, v40  }
0x247: {  	v3 =	vld.idx.msk [tilespmem:v49+s29+$0x0], $0xffff;
	v40 =	vimm.s32 $0x2;
	v4 =	vsel vm14, v25, v38;
	v25 =	vmul.f32 $1.442695020e+00, v39  }
0x248: {  	vm7 =	vgt.f32 v52, v50;
	v50 =	vmax.f32 v50, v52;
	v52 =	vimm.s32 $0x0  }
0x249: {  	v38 =	vimm.s32 $0x4;
	vm14 =	veq.s32 v37, $0x0;
	vm8 =	vgt.f32 v32, v26  }
0x24a: {  	v26 =	vmax.f32 v26, v32;
	v32 =	vsel vm7, $0x1, v52;
	vm7 =	veq.s32 v37, $0x28;
	v49 =	vld.idx.msk [tilespmem:v36+s29+$0x0], $0xffff  }
0x24b: {  	v34 =	vsel vm8, $0x3, v40;
	vm11 =	vgt.f32 v26, v50;
	v26 =	vmax.f32 v50, v26  }
0x24c: {  	vm8 =	veq.s32 v37, $0x30;
	vm9 =	vgt.f32 v3, v1;
	v1 =	vmax.f32 v1, v3  }
0x24d: {  	v32 =	vsel vm11, v34, v32;
	vm11 =	vgt.f32 v55, v58;
	v34 =	vmax.f32 v57, v9  }
0x24e: {  	v3 =	vsel vm9, $0x5, v38;
	v32 =	vor.u32 v37, v32;
	vm9 =	veq.s32 v37, $0x38  }
0x24f: {  	v36 =	vmax.f32 v53, v54;
	vm10 =	vgt.f32 v49, v33;
	v33 =	vmax.f32 v33, v49  }
0x250: {  	v3 =	vor.u32 v37, v3;
	v35 =	vsel vm10, v35, v51;
	vm12 =	vgt.f32 v33, v1  }
0x251: {  	v1 =	vmax.f32 v1, v33;
	vm10 =	vgt.f32 v59, v0;
	v33 =	vsel vm11, v46, v28  }
0x252: {  	v3 =	vsel vm12, v35, v3;
	vm13 =	vgt.f32 v1, v26;
	v26 =	vmax.f32 v26, v1  }
0x253: {  	vm12 =	vgt.f32 v9, v57;
	v32 =	vsel vm13, v3, v32;
	v16 =	vsel vm14, v26, v16  }
0x254: {  	v18 =	vsel vm4, v26, v18;
	v3 =	vsel vm5, v26, v10;
	v10 =	vsel vm6, v26, v20  }
0x255: {  	v1 =	vsel vm7, v26, v12;
	v12 =	vsel vm8, v26, v22;
	v35 =	vsel vm12, v5, v44  }
0x256: {  	vm13 =	vgt.f32 v54, v53;
	v47 =	vsel vm14, v32, v17;
	v17 =	vsel vm15, v26, v6  }
0x257: {  	v6 =	vsel vm15, v32, v7;
	v48 =	vsel vm4, v32, v19;
	v7 =	vsel vm5, v32, v11  }
0x258: {  	v49 =	vsel vm6, v32, v21;
	v50 =	vsel vm7, v32, v13;
	v51 =	vsel vm8, v32, v23  }
0x259: {  	v11 =	vsel vm9, v26, v14;
	v52 =	vsel vm9, v32, v15;
	v26 =	vsel vm10, v29, v30  }
0x25a: {  	v32 =	vmax.f32 v58, v55;
	v37 =	vsel vm13, v2, v4;
	vm15 =	vgt.f32 v36, v34  }
0x25b: {  	v15 =	vmax.f32 v34, v36;
	vm14 =	vgt.f32 v32, v42;
	v13 =	vmax.f32 v42, v32  }
0x25c: {  	v38 =	vsel vm15, v37, v35;
	v14 =	vsel vm14, v33, v26;
	vm4 =	vgt.f32 v15, v13  }
0x25d: {  	vm6 =	vgt.f32 v3, v18;
	v40 =	vmax.f32 v18, v3;
	v14 =	vsel vm4, v38, v14;
	v38 =	vld [tilespmem:$0x1FF90]  }
0x25e: {  	vm7 =	vgt.f32 v1, v10;
	v36 =	vmax.f32 v10, v1;
	vm5 =	vgt.f32 v17, v16  }
0x25f: {  	v39 =	vmax.f32 v16, v17;
	v42 =	vsel vm6, v7, v48;
	vm9 =	vgt.f32 v11, v12  }
0x260: {  	v20 =	vsel vm5, v6, v47;
	vm8 =	vgt.f32 v40, v39;
	v23 =	vand.u32 $0xFFFFFFF8, v14  }
0x261: {  	v19 =	vmax.f32 v39, v40;
	v39 =	vshll.u32 v14, $0x7;
	v37 =	vshll.u32 v23, $0x9  }
0x262: {  	v40 =	vsel vm7, v50, v49;
	v32 =	vand.u32 $0x380, v39;
	v21 =	vor.u32 v38, v37  }
0x263: {  	v20 =	vsel vm8, v42, v20;
	v42 =	vmax.f32 v12, v11;
	v32 =	vor.u32 v32, v21  }
0x264: {  	vm10 =	vgt.f32 v42, v36;
	v22 =	vmax.f32 v36, v42;
	v36 =	vsel vm9, v52, v51;
	v39 =	vld [tilespmem:$0x1FFB0]  }
0x265: {  	s30 =	rddreg [dreg:$0x13];
	v26 =	vsel vm10, v36, v40;
	vm11 =	vgt.f32 v22, v19;
	v38 =	vld [tilespmem:$0x1FFA0];
	v37 =	vor.u32 $0x80, v21  }
0x266: {  	v8 =	vsub.f32 v8, v43;
	[tilespmem:s30+$0x8000] =	vst v14;
	v20 =	vsel vm11, v26, v20;
	v26 =	vor.u32 $0x100, v21  }
0x267: {  	v24 =	vsub.f32 v24, v45;
	v35 =	vimm.f32 $-Inf;
	[tilespmem:s7+$0x8000] =	vst v20;
	v40 =	vor.u32 $0x180, v21  }
0x268: {  	v8 =	vmul.f32 $1.442695020e+00, v8;
	v31 =	vmul.f32 $1.442695020e+00, v31;
	v42 =	vor.u32 $0x200, v21;
	[tilespmem:v32+s29+$0x0] =	vst.idx.msk $0xffff, v35  }
0x269: {  	(erf) = vpow2.f32 v25;
	v13 =	vmax.f32 v13, v15;
	v36 =	vor.u32 $0x280, v21;
	v27 =	vld.idx.msk [tilespmem:v21+s29+$0x0], $0xffff  }
0x26a: {  	(erf) = vpow2.f32 v31;
	v13 =	vsub.f32 v13, v45;
	v25 =	vmax.f32 v39, v38;
	v37 =	vld.idx.msk [tilespmem:v37+s29+$0x0], $0xffff  }
0x26b: {  	v14 =	vor.u32 $0x7, v14;
	v19 =	vmax.f32 v19, v22;
	v25 =	vsub.f32 v25, v43;
	v26 =	vld.idx.msk [tilespmem:v26+s29+$0x0], $0xffff  }
0x26c: {  	v13 =	vmul.f32 $1.442695020e+00, v13;
	vm7 =	veq.s32 v23, $0x0;
	vm8 =	veq.s32 v23, $0x8;
	v40 =	vld.idx.msk [tilespmem:v40+s29+$0x0], $0xffff  }
0x26d: {  	vm9 =	veq.s32 v23, $0x10;
	vm2 =	veq.s32 v23, $0x20;
	v42 =	vld.idx.msk [tilespmem:v42+s29+$0x0], $0xffff;
	v25 =	vmul.f32 $1.442695020e+00, v25  }
0x26e: {  	vm3 =	veq.s32 v23, $0x28;
	v19 =	vsub.f32 v19, v43;
	v39 =	vmul.f32 $1.442695020e+00, v24;
	v31 =	vld.idx.msk [tilespmem:v36+s29+$0x0], $0xffff  }
0x26f: {  	vm1 =	veq.s32 v23, $0x30;
	vm0 =	veq.s32 v23, $0x38;
	(erf) = vpow2.f32 v25  }
0x270: {  	v38 =	vor.u32 $0x300, v21;
	v32 =	vmul.f32 $1.442695020e+00, v19;
	(erf) = vpow2.f32 v39  }
0x271: {  	v21 =	vor.u32 $0x380, v21;
	v36 =	vor.u32 $0x6, v23;
	(erf) = vpow2.f32 v8  }
0x272: {  	vm12 =	vgt.f32 v37, v27;
	v15 =	vmax.f32 v27, v37;
	vm13 =	vgt.f32 v40, v26  }
0x273: {  	v24 =	vmax.f32 v26, v40;
	v37 =	vimm.s32 $0x0;
	vm14 =	vgt.f32 v31, v42  }
0x274: {  	v22 =	vmax.f32 v42, v31;
	v8 =	vand.u32 $0xFFFFFFF8, v20;
	v40 =	vshll.u32 v20, $0x7  }
0x275: {  	v42 =	vimm.s32 $0x2;
	v20 =	vor.u32 $0x7, v20;
	(erf) = vpow2.f32 v13  }
0x276: {  	v33 =	vld.idx.msk [tilespmem:v38+s29+$0x0], $0xffff;
	v38 =	vsel vm12, $0x1, v37;
	v39 =	vshll.u32 v8, $0x9;
	v25 =	vsel vm13, $0x3, v42  }
0x277: {  	v34 =	vld.idx.msk [tilespmem:v21+s29+$0x0], $0xffff;
	vm4 =	vgt.f32 v24, v15;
	v21 =	vand.u32 $0x380, v40;
	v15 =	vmax.f32 v15, v24  }
0x278: {  	(erf) = vpow2.f32 v32;
	v19 =	vor.u32 v60, v39;
	v60 =	vsel vm4, v25, v38  }
0x279: {  	v32 =	vimm.s32 $0x4;
	vm4 =	veq.s32 v23, $0x18;
	v21 =	vor.u32 v21, v19  }
0x27a: {  	v37 =	vld [tilespmem:$0x1FFD0];
	v31 =	vand.u32 $0xFFFFFF00, v19;
	v25 =	vsel vm14, $0x5, v32;
	v24 =	vor.u32 v23, v60  }
0x27b: {  	v38 =	vand.u32 $0xFFFFFD80, v19;
	v40 =	vand.u32 $0xFFFFFD00, v19;
	v25 =	vor.u32 v23, v25  }
0x27c: {  	v60 =	vld [tilespmem:$0x1FFE0];
	v39 =	vor.u32 v38, v56;
	vm15 =	vgt.f32 v34, v33;
	v13 =	vmax.f32 v33, v34  }
0x27d: {  	v33 =	vand.u32 $0xFFFFFE80, v19;
	v14 =	vsel vm15, v14, v36;
	vm5 =	vgt.f32 v13, v22  }
0x27e: {  	v34 =	vld [tilespmem:$0x1FFC0];
	v13 =	vmax.f32 v22, v13;
	v22 =	vor.u32 v31, v62;
	v36 =	vand.u32 $0xFFFFFE00, v19  }
0x27f: {  	v62 =	vand.u32 $0xFFFFFC80, v19;
	v27 =	vor.u32 v36, v37;
	v14 =	vsel vm5, v14, v25  }
0x280: {  	vm6 =	vgt.f32 v13, v15;
	v15 =	vmax.f32 v15, v13;
	v36 =	vand.u32 $0xFFFFFC00, v19  }
0x281: {  	vm5 =	veq.s32 v8, $0x10;
	[tilespmem:v21+s29+$0x0] =	vst.idx.msk $0xffff, v35;
	v25 =	vor.u32 v40, v60;
	v35 =	vld [tilespmem:$0x1FFF0];
	v14 =	vsel vm6, v14, v24  }
0x282: {  	v38 =	vor.u32 v36, v41;
	v9 =	vsel vm3, v15, v9;
	v24 =	vsel vm1, v15, v53  }
0x283: {  	v53 =	vimm.s32 $0x0;
	v40 =	vor.u32 $0x6, v8;
	v42 =	vld.idx.msk [tilespmem:v19+s29+$0x0], $0xffff;
	v26 =	vor.u32 v33, v34  }
0x284: {  	vm6 =	veq.s32 v8, $0x0;
	v13 =	vsel vm8, v14, v29;
	v21 =	vld.idx.msk [tilespmem:v39+s29+$0x0], $0xffff;
	v29 =	vsel vm9, v15, v58  }
0x285: {  	v28 =	vsel vm9, v14, v28;
	vm9 =	veq.s32 v8, $0x30;
	v44 =	vsel vm2, v14, v44;
	v22 =	vld.idx.msk [tilespmem:v22+s29+$0x0], $0xffff  }
0x286: {  	v4 =	vsel vm1, v14, v4;
	v2 =	vsel vm0, v14, v2;
	v27 =	vld.idx.msk [tilespmem:v27+s29+$0x0], $0xffff;
	v32 =	vor.u32 v62, v35  }
0x287: {  	v33 =	vsel vm4, v15, v55;
	v55 =	vimm.s32 $0x4;
	v34 =	vsel vm2, v15, v57;
	v25 =	vld.idx.msk [tilespmem:v25+s29+$0x0], $0xffff  }
0x288: {  	v62 =	vmax.f32 v29, v33;
	v37 =	vld.idx.msk [tilespmem:v26+s29+$0x0], $0xffff;
	v26 =	vsel vm7, v15, v0;
	v0 =	vsel vm7, v14, v30  }
0x289: {  	v30 =	vsel vm8, v15, v59;
	v15 =	vsel vm0, v15, v54;
	v54 =	vimm.s32 $0x2  }
0x28a: {  	v39 =	vld.idx.msk [tilespmem:v38+s29+$0x0], $0xffff;
	vm7 =	veq.s32 v8, $0x8;
	vm8 =	veq.s32 v8, $0x18;
	vm10 =	vgt.f32 v22, v42  }
0x28b: {  	v22 =	vmax.f32 v42, v22;
	v60 =	vmax.f32 v26, v30;
	v41 =	vsel vm10, $0x1, v53;
	v32 =	vld.idx.msk [tilespmem:v32+s29+$0x0], $0xffff  }
0x28c: {  	v31 =	vmax.f32 v60, v62;
	vm12 =	vgt.f32 v25, v21;
	v21 =	vmax.f32 v21, v25  }
0x28d: {  	v56 =	vsel vm12, $0x5, v55;
	vm12 =	veq.s32 v8, $0x20;
	vm11 =	vgt.f32 v27, v37  }
0x28e: {  	v19 =	vmax.f32 v37, v27;
	v25 =	vor.u32 v8, v56;
	v27 =	vmax.f32 v24, v15  }
0x28f: {  	v42 =	vsel vm11, $0x3, v54;
	vm14 =	vgt.f32 v19, v22;
	v19 =	vmax.f32 v22, v19  }
0x290: {  	vm11 =	veq.s32 v8, $0x28;
	vm13 =	vgt.f32 v39, v32;
	v23 =	vmax.f32 v32, v39  }
0x291: {  	v36 =	vpop (erf);
	v22 =	vsel vm14, v42, v41;
	v20 =	vsel vm13, v20, v40;
	vm15 =	vgt.f32 v23, v21  }
0x292: {  	v42 =	vadd.f32 $1.000000000e+00, v36;
	v20 =	vsel vm15, v20, v25;
	v25 =	vmax.f32 v34, v9  }
0x293: {  	vm14 =	vgt.f32 v30, v26;
	v21 =	vmax.f32 v21, v23;
	v32 =	vmax.f32 v25, v27  }
0x294: {  	vm13 =	veq.s32 v8, $0x38;
	vm10 =	vgt.f32 v21, v19;
	v41 =	vmax.f32 v31, v32  }
0x295: {  	v19 =	vmax.f32 v19, v21;
	vm15 =	vgt.f32 v33, v29;
	v35 =	vsub.f32 v41, v45  }
0x296: {  	v16 =	vsel vm6, v19, v16;
	v17 =	vsel vm7, v19, v17;
	v18 =	vsel vm5, v19, v18  }
0x297: {  	v37 =	vpop (erf);
	v3 =	vsel vm8, v19, v3;
	v10 =	vsel vm12, v19, v10;
	v35 =	vmul.f32 $1.442695020e+00, v35  }
0x298: {  	v39 =	vpop (erf);
	v1 =	vsel vm11, v19, v1;
	v12 =	vsel vm9, v19, v12;
	v11 =	vsel vm13, v19, v11  }
0x299: {  	v26 =	vmax.f32 v16, v17;
	v19 =	vpop (erf);
	v45 =	vadd.f32 v39, v42;
	(erf) = vpow2.f32 v35  }
0x29a: {  	v33 =	vmax.f32 v18, v3;
	v38 =	vmax.f32 v12, v11;
	v30 =	vpop (erf);
	v35 =	vmax.f32 v10, v1  }
0x29b: {  	v41 =	vmax.f32 v26, v33;
	v40 =	vpop (erf);
	v29 =	vadd.f32 v30, v45;
	v42 =	vmax.f32 v35, v38  }
0x29c: {  	v45 =	vsel vm4, v14, v46;
	vm4 =	vgt.f32 v9, v34;
	v9 =	vpop (erf);
	v56 =	vmax.f32 v41, v42  }
0x29d: {  	vm2 =	vgt.f32 v15, v24;
	v29 =	vadd.f32 v9, v29;
	v34 =	vsub.f32 v56, v43;
	v43 =	vpop (erf)  }
0x29e: {  	v5 =	vsel vm3, v14, v5;
	vm3 =	vgt.f32 v62, v60;
	v2 =	vsel vm2, v2, v4;
	v15 =	vpop (erf)  }
0x29f: {  	v56 =	vadd.f32 $1.000000000e+00, v37;
	v21 =	vpop (erf);
	v60 =	vmul.f32 $1.442695020e+00, v34;
	v62 =	vadd.f32 v15, v29  }
0x2a0: {  	v0 =	vsel vm14, v13, v0;
	v8 =	vor.u32 v8, v22;
	vm1 =	vgt.f32 v27, v25;
	v22 =	vpop (erf)  }
0x2a1: {  	(erf) = vpow2.f32 v60;
	v23 =	vpop (erf);
	v24 =	vadd.f32 v22, v62;
	v60 =	vadd.f32 v19, v56  }
0x2a2: {  	v8 =	vsel vm10, v20, v8;
	vm0 =	vgt.f32 v32, v31;
	vm10 =	vgt.f32 v17, v16;
	v14 =	vpop (erf)  }
0x2a3: {  	v20 =	vsel vm6, v8, v47;
	v62 =	vadd.f32 v14, v24;
	v24 =	vadd.f32 v40, v60  }
0x2a4: {  	vm6 =	vgt.f32 v3, v18;
	v25 =	vsel vm7, v8, v6;
	vm7 =	vgt.f32 v1, v10  }
0x2a5: {  	v7 =	vsel vm8, v8, v7;
	(erf) = vrcp.f32 v62;
	v27 =	vadd.f32 v43, v24  }
0x2a6: {  	v31 =	vsel vm12, v8, v49;
	vm8 =	vgt.f32 v33, v26;
	v5 =	vsel vm4, v5, v44  }
0x2a7: {  	v3 =	vsel vm10, v25, v20;
	v2 =	vsel vm1, v2, v5;
	v1 =	vadd.f32 v21, v27  }
0x2a8: {  	vm12 =	vgt.f32 v38, v35;
	v38 =	vsel vm11, v8, v50;
	vm11 =	vgt.f32 v42, v41  }
0x2a9: {  	v29 =	vsel vm5, v8, v48;
	vm5 =	vgt.f32 v11, v12;
	v1 =	vadd.f32 v23, v1  }
0x2aa: {  	v11 =	vsel vm7, v38, v31;
	v56 =	vsel vm9, v8, v51;
	v8 =	vsel vm13, v8, v52;
	v16 =	vpop (erf)  }
0x2ab: {  	v12 =	vsel vm5, v8, v56;
	v60 =	vsel vm15, v45, v28;
	v1 =	vadd.f32 v16, v1  }
0x2ac: {  	v17 =	vsel vm12, v12, v11;
	v0 =	vsel vm3, v60, v0;
	v62 =	vsel vm6, v7, v29  }
0x2ad: {  	s31 =	rddreg [dreg:$0x12];
	v0 =	vsel vm0, v2, v0;
	v13 =	vsel vm8, v62, v3;
	(erf) = vrcp.f32 v1  }
0x2ae: {  	[tilespmem:s31+$0x8000] =	vst v0;
	v20 =	vsel vm11, v17, v13;
	v18 =	vpop (erf)  }
0x2af: {  	[tilespmem:s8+$0x8000] =	vst v20;
	v24 =	vmul.f32 v18, v36  }
0x2b0: {  	v25 =	vmul.f32 v18, v39;
	[tilespmem:s26+$0x9000] =	vst v18  }
0x2b1: {  	v26 =	vmul.f32 v18, v30;
	[tilespmem:s26+$0x9080] =	vst v24  }
0x2b2: {  	v27 =	vmul.f32 v18, v9;
	[tilespmem:s26+$0x9100] =	vst v25  }
0x2b3: {  	v28 =	vmul.f32 v18, v15;
	[tilespmem:s28+$0x9000] =	vst v26  }
0x2b4: {  	v29 =	vmul.f32 v18, v22;
	[tilespmem:s26+$0x9200] =	vst v27  }
0x2b5: {  	v30 =	vmul.f32 v18, v14;
	[tilespmem:s26+$0x9280] =	vst v28  }
0x2b6: {  	v61 =	vimm.s32 $0x2E;
	[tilespmem:s30+$0x9000] =	vst v29;
	v31 =	vpop (erf)  }
0x2b7: {  	v63 =	vimm.s32 $0x32;
	v58 =	vimm.s32 $0x28;
	[tilespmem:s31+$0x9000] =	vst v30;
	v47 =	vmul.f32 v31, v37  }
0x2b8: {  	v57 =	vimm.s32 $0x26;
	v59 =	vimm.s32 $0x2A;
	v48 =	vmul.f32 v31, v19;
	[tilespmem:s17+$0x9000] =	vst v31  }
0x2b9: {  	v32 =	vlaneseq.u32;
	v33 =	vimm.s32 $0x6;
	v49 =	vmul.f32 v31, v40;
	[tilespmem:s17+$0x9080] =	vst v47  }
0x2ba: {  	p0 =	sne.s32 s2, $0x1E0;
	v46 =	vimm.s32 $0x1E;
	v44 =	vimm.s32 $0x1A;
	v50 =	vmul.f32 v31, v43;
	[tilespmem:s17+$0x9100] =	vst v48  }
.Ltmp0:
0x2bb: {  	v35 =	vimm.s32 $0xA;
	v42 =	vimm.s32 $0x16;
	v56 =	vmul.f32 v31, v21;
	[tilespmem:s17+$0x9180] =	vst v49;
	(pc) =	sbr.rel @p0 .LBB2_2-.Ltmp0, $4  }
0x2bc: {  	v41 =	vimm.s32 $0x14;
	v34 =	vimm.s32 $0x8;
	v60 =	vmul.f32 v31, v23;
	[tilespmem:s17+$0x9200] =	vst v50  }
0x2bd: {  	s25 =	rddreg [dreg:$0x11];
	v51 =	vimm.s32 $0x20;
	v52 =	vimm.s32 $0x22;
	v62 =	vmul.f32 v31, v16;
	[tilespmem:s17+$0x9280] =	vst v56  }
0x2be: {  	s24 =	rddreg [dreg:$0x10];
	v45 =	vimm.s32 $0x1C;
	v36 =	vimm.s32 $0xC;
	v39 =	vimm.s32 $0x10;
	[tilespmem:s7+$0x9000] =	vst v60  }
0x2bf: {  	s2 =	sadd.s32 $0x20, s2;
	s1 =	sadd.s32 $0x1, s24;
	s0 =	sadd.s32 $0x100, s25;
	v37 =	vimm.s32 $0xE;
	v40 =	vimm.s32 $0x12;
	v43 =	vimm.s32 $0x18;
	[tilespmem:s8+$0x9000] =	vst v62  }
0x2c0: {  	s0 =	rddreg [dreg:$0xc];
	s1 =	simm.s32 $0x8000  }
0x2c1: {  	[hbm4b:s0+s29] =	stream.linear.scatter [tilespmem:s1], [sflag:$0x5], $0x1000, $0x38;
	[tilespmem:$0xA000] =	vst v63  }
0x2c2: {  	s26 =	rddreg [dreg:$0xd];
	s28 =	simm.s32 $0x9000;
	s30 =	simm.s32 $0x5  }
0x2c3: {  	[hbm4b:s26+s29] =	stream.linear.scatter [tilespmem:s28], [sflag:$0x5], $0x1000, $0x38;
	[tilespmem:$0xA000] =	vst v63  }
0x2c4: {  	_ =	swait.ge [sflag:s30], $0x1000  }
0x2c5: {  	[sflag:s30] =	ssyncset.done $0x0  }
0x2c6: {  	[sflag:s30] =	ssyncadd.s32 $0xFFFFF000  }
0x2c7: {  	_ =	swait.ge [sflag:s30], $0x1000  }
0x2c8: {  	s2 =	rddreg [dreg:$0xf]  }
0x2c9: {  	s31 =	rddreg [dreg:$0xe];
	s2 =	sadd.s32 $0x1, s2  }
0x2ca: {  	p0 =	sne.s32 s2, s31  }
.Ltmp1:
0x2cb: {  	_ = 	snop;
	(pc) =	sbr.rel @p0 .LBB2_1-.Ltmp1, $3  }
0x2cc: {  	_ =	sdelay $0x1  }
0x2cd: {  	[sflag:s30] =	ssyncset.done $0x0  }
0x2ce: {  	[sflag:s30] =	ssyncadd.s32 $0xFFFFF000  }
0x2cf: {  	_ =	sfence.sel $0x180000  }
0x2d0: {  	[bflag:$0x0] =	sbarrier.arrive $0xFFFF  }
0x2d1: {  	_ =	strace $0x90000047  }
0x2d2: {  	s0 =	stileid.u32;
	[bflag:$0x2] =	sbarrier.arrive $0xFFFF  }
0x2d3: {  	p0 =	sne.s32 s0, $0x0;
	s0 =	rddreg [dreg:$0x3]  }
0x2d4: {  	s0 =	sadd.s32 @!p0 $0x100000, s0  }
0x2d5: {  	[sflag:s0] =	ssyncadd.tile.s32 @!p0 $0x1;
	_ =	shalt  }
.Lfunc_end2:
_tile_overlayer_lowered:
.L_overlay_start_2:
0x2d6: {  	(tag) =	ssettag $0x2  }
0x2d7: {  	s0 =	rddreg [dreg:$0x0];
	s2 =	stileid.u32  }
0x2d8: {  	s1 =	rddreg [dreg:$0x1];
	p0 =	sne.s32 s2, $0x0  }
0x2d9: {  	s3 =	rddreg [dreg:$0x2];
	[bflag:$0x3] =	sbarrier.arrive $0xFFFF;
	s2 =	simm.s32 @!p0 $0x1C06  }
0x2da: {  	[timem:s3], [sflag:s2] =	dma.local @!p0 [hbm:s0], s1  }
0x2db: {  	s0 =	simm.s32 @!p0 $0x6  }
0x2dc: {  	_ =	swait.ge @!p0 [sflag:s0], s1  }
0x2dd: {  	s1 =	ssub.s32 @!p0 $0x0, s1;
	[sflag:s0] =	ssyncset.done @!p0 $0x0  }
0x2de: {  	[sflag:s0] =	ssyncadd.s32 @!p0 s1  }
0x2df: {  	[bflag:$0x3] =	sbarrier.arrive $0xFFFF  }
0x2e0: {  	_ =	shalt  }

</sc_bundles>
